<compile_context>
chip_gen: v7x
topology: tpu7x:2x2x1
jax: 0.10.2.dev20260603
libtpu: 0.0.44.dev20260713+nightly
codegen_flags: <defaults>
</compile_context>

<pallas_src>
import functools

import jax
import jax.numpy as jnp
from jax import lax
from jax.experimental import pallas as pl
from jax.experimental.pallas import tpu as pltpu
from jax.experimental.pallas import tpu_sc as plsc

B = 2
N_PIX = 147456
D = 128
N_MATCH = 5000
N_NONMATCH = 20000
MARGIN = 0.5
NONMATCH_W = 1.0

NC = 2
NS = 16
NW = NC * NS
L = 16

M_TOT = B * N_MATCH
NM_TOT = B * N_NONMATCH
M_PER_W = -(-M_TOT // NW)
NM_PER_W = NM_TOT // NW

F_M = 320
F_NM = 1264
ROW_MAX = B * N_PIX - 1

T = 128


def _tiles(total):
    out, s = [], 0
    while s < total:
        out.append((s, min(T, total - s)))
        s += T
    return out


M_TILES = _tiles(M_PER_W)
NM_TILES = _tiles(NM_PER_W)

_mesh = plsc.VectorSubcoreMesh(core_axis_name="c", subcore_axis_name="s")


@functools.partial(
    pl.kernel,
    out_type=jax.ShapeDtypeStruct((NW, 2 * L), jnp.float32),
    mesh=_mesh,
    scratch_types=[
        pltpu.VMEM((F_M + 2 * L,), jnp.int32),
        pltpu.VMEM((F_M + 2 * L,), jnp.int32),
        pltpu.VMEM((F_NM + L,), jnp.int32),
        pltpu.VMEM((F_NM + L,), jnp.int32),
        pltpu.VMEM((F_M,), jnp.int32),
        pltpu.VMEM((F_M,), jnp.int32),
        pltpu.VMEM((F_NM,), jnp.int32),
        pltpu.VMEM((F_NM,), jnp.int32),
        pltpu.VMEM((T, D), jnp.float32),
        pltpu.VMEM((T, D), jnp.float32),
        pltpu.VMEM((T, D), jnp.float32),
        pltpu.VMEM((T, D), jnp.float32),
        pltpu.VMEM((2 * L,), jnp.float32),
        pltpu.SemaphoreType.DMA,
        pltpu.SemaphoreType.DMA,
        pltpu.SemaphoreType.DMA,
    ],
)
def _sc_loss(tableA, tableB, mA, mB, nmA, nmB, out,
             winMA, winMB, winNA, winNB,
             iAm_v, iBm_v, iAnm_v, iBnm_v,
             bufA0, bufB0, bufA1, bufB1, stage, sem0, sem1, sem_i):
    wid = lax.axis_index("s") * NC + lax.axis_index("c")

    base_m = wid * M_PER_W
    astart_m = jnp.minimum((base_m // 8) * 8, M_TOT - F_M)
    off_m = base_m - astart_m
    base_nm = wid * NM_PER_W
    astart_nm = jnp.minimum((base_nm // 8) * 8, NM_TOT - F_NM)
    off_nm = base_nm - astart_nm

    cps = [pltpu.async_copy(mA.at[pl.ds(astart_m, F_M)],
                            winMA.at[pl.ds(0, F_M)], sem_i),
           pltpu.async_copy(mB.at[pl.ds(astart_m, F_M)],
                            winMB.at[pl.ds(0, F_M)], sem_i),
           pltpu.async_copy(nmA.at[pl.ds(astart_nm, F_NM)],
                            winNA.at[pl.ds(0, F_NM)], sem_i),
           pltpu.async_copy(nmB.at[pl.ds(astart_nm, F_NM)],
                            winNB.at[pl.ds(0, F_NM)], sem_i)]
    for cp in cps:
        cp.wait()

    lanes = lax.iota(jnp.int32, L)

    def transform(n_chunks, base, off, boundary, wa, wb, da, db):
        @plsc.parallel_loop(0, n_chunks, 1)
        def _(k):
            j0 = k * L
            p = base + j0 + lanes
            bias = jnp.where(p >= boundary, jnp.int32(N_PIX), jnp.int32(0))
            ra = wa[pl.ds(off + j0, L)]
            rb = wb[pl.ds(off + j0, L)]
            da[pl.ds(j0, L)] = jnp.clip(ra + bias, 0, ROW_MAX)
            db[pl.ds(j0, L)] = jnp.clip(rb + bias, 0, ROW_MAX)

    m_valid = jnp.minimum(M_PER_W, M_TOT - base_m)

    bufs = [(bufA0, bufB0, sem0), (bufA1, bufB1, sem1)]
    tiles = [(False, s, z) for (s, z) in NM_TILES] + \
            [(True, s, z) for (s, z) in M_TILES]

    def issue(i):
        is_m, start, size = tiles[i]
        bA, bB, sem = bufs[i % 2]
        ia = (iAm_v if is_m else iAnm_v).at[pl.ds(start, size)]
        ib = (iBm_v if is_m else iBnm_v).at[pl.ds(start, size)]
        cpA = pltpu.async_copy(tableA.at[ia], bA.at[pl.ds(0, size)], sem)
        cpB = pltpu.async_copy(tableB.at[ib], bB.at[pl.ds(0, size)], sem)
        return cpA, cpB

    transform(F_NM // L, base_nm, off_nm, N_NONMATCH, winNA, winNB,
              iAnm_v, iBnm_v)
    inflight = issue(0)
    transform(F_M // L, base_m, off_m, N_MATCH, winMA, winMB, iAm_v, iBm_v)

    zero = jnp.zeros((L,), jnp.float32)

    def run_tile(bA, bB, n, accs, is_m):
        def body(r, acc):
            acc = list(acc)
            for j in range(D // L):
                a = bA[r, pl.ds(j * L, L)]
                b = bB[r, pl.ds(j * L, L)]
                d = a - b
                if is_m:
                    acc[j % 4] = acc[j % 4] + d * d
                else:
                    acc[j % 4] = acc[j % 4] + jnp.maximum(MARGIN - d * d, zero)
            return tuple(acc)
        return plsc.parallel_loop(0, n, 1, unroll=2, carry=accs)(body)

    acc_m = (zero, zero, zero, zero)
    acc_nm = (zero, zero, zero, zero)
    for i, (is_m, start, size) in enumerate(tiles):
        cur = inflight
        if i + 1 < len(tiles):
            inflight = issue(i + 1)
        for cp in cur:
            cp.wait()
        bA, bB, _ = bufs[i % 2]
        if is_m:
            n = jnp.clip(m_valid - start, 0, size)
            acc_m = run_tile(bA, bB, n, acc_m, True)
        else:
            acc_nm = run_tile(bA, bB, size, acc_nm, False)

    stage[pl.ds(0, L)] = (acc_m[0] + acc_m[1]) + (acc_m[2] + acc_m[3])
    stage[pl.ds(L, L)] = (acc_nm[0] + acc_nm[1]) + (acc_nm[2] + acc_nm[3])
    pltpu.sync_copy(stage, out.at[wid])


def kernel(outA, outB, matchA, matchB, nonMatchA, nonMatchB, hardNegative):
    i32 = jnp.int32
    parts = _sc_loss(
        outA.reshape(B * N_PIX, D),
        outB.reshape(B * N_PIX, D),
        matchA.astype(i32).reshape(M_TOT),
        matchB.astype(i32).reshape(M_TOT),
        nonMatchA.astype(i32).reshape(NM_TOT),
        nonMatchB.astype(i32).reshape(NM_TOT),
    )
    matchLossSum = parts[:, :L].sum() / N_MATCH
    nonMatchLossSum = NONMATCH_W * parts[:, L:].sum() / N_NONMATCH
    contrastiveLossSum = matchLossSum + nonMatchLossSum
    return (contrastiveLossSum, matchLossSum, nonMatchLossSum)

# --- scband reference (transcript-rebuilt; emitter-appended) ---
"""Pipeline reference for scband-contrastive-loss-29755533427369 (READ-ONLY COPY).

The authoritative reference and input builder live on the scoring server;
editing this copy changes nothing except your own understanding.
"""

import jax, jax.numpy as jnp
import numpy as np

B = 2
N_PIX = 147456
D = 128
N_MATCH = 5000
N_NONMATCH = 20000
MARGIN = 0.5
NONMATCH_W = 1.0


def setup_inputs(seed: int = 0) -> dict:
    key = jax.random.key(seed)
    k1, k2, k3, k4, k5, k6 = jax.random.split(key, 6)
    outA = jax.random.normal(k1, (B, N_PIX, D), dtype=jnp.float32)
    outB = jax.random.normal(k2, (B, N_PIX, D), dtype=jnp.float32)
    matchA = jax.random.randint(k3, (B, N_MATCH), 0, N_PIX, dtype=jnp.int64 if jax.config.jax_enable_x64 else jnp.int32)
    matchB = jax.random.randint(k4, (B, N_MATCH), 0, N_PIX, dtype=jnp.int64 if jax.config.jax_enable_x64 else jnp.int32)
    nonMatchA = jax.random.randint(k5, (B, N_NONMATCH), 0, N_PIX, dtype=jnp.int64 if jax.config.jax_enable_x64 else jnp.int32)
    nonMatchB = jax.random.randint(k6, (B, N_NONMATCH), 0, N_PIX, dtype=jnp.int64 if jax.config.jax_enable_x64 else jnp.int32)
    hardNegative = 0  # False branch (avoids data-dependent normalization)
    return {"outA": outA, "outB": outB, "matchA": matchA, "matchB": matchB,
            "nonMatchA": nonMatchA, "nonMatchB": nonMatchB, "hardNegative": hardNegative}


def reference(outA, outB, matchA, matchB, nonMatchA, nonMatchB, hardNegative):
    contrastiveLossSum = 0.0
    matchLossSum = 0.0
    nonMatchLossSum = 0.0
    for b in range(outA.shape[0]):
        nbMatch = matchA.shape[1]
        nbNonMatch = nonMatchA.shape[1]
        matchADes = jnp.take(outA[b], matchA[b], axis=0)        # [nbMatch, D]
        matchBDes = jnp.take(outB[b], matchB[b], axis=0)
        nonMatchADes = jnp.take(outA[b], nonMatchA[b], axis=0)  # [nbNonMatch, D]
        nonMatchBDes = jnp.take(outB[b], nonMatchB[b], axis=0)
        matchLoss = (1.0 / nbMatch) * jnp.sum((matchADes - matchBDes) ** 2)
        pixelwiseNonMatchLoss = jnp.maximum(
            jnp.zeros_like(nonMatchADes), MARGIN - (nonMatchADes - nonMatchBDes) ** 2)
        hardNegativeNonMatch = jnp.count_nonzero(pixelwiseNonMatchLoss)
        nonMatchlossHard = NONMATCH_W * (1.0 / hardNegativeNonMatch) * jnp.sum(pixelwiseNonMatchLoss)
        nonMatchlossSoft = NONMATCH_W * (1.0 / nbNonMatch) * jnp.sum(pixelwiseNonMatchLoss)
        nonMatchloss = jnp.where(hardNegative != 0, nonMatchlossHard, nonMatchlossSoft)
        contrastiveLoss = matchLoss + nonMatchloss
        contrastiveLossSum = contrastiveLossSum + contrastiveLoss
        matchLossSum = matchLossSum + matchLoss
        nonMatchLossSum = nonMatchLossSum + nonMatchloss
    return (contrastiveLossSum, matchLossSum, nonMatchLossSum)

if __name__ == "__main__":
    import jax
    _d = setup_inputs()
    print(jax.jit(kernel)(*tuple(_d.values())))

</pallas_src>

<mosaic_0001>
#map = affine_map<(d0, d1) -> (0, 0)>
#map1 = affine_map<(d0, d1) -> (0)>
module attributes {stable_mosaic.version = 14 : i64} {
  func.func @_sc_loss(%arg0: i32, %arg1: i32, %arg2: memref<294912x128xf32, #tpu.memory_space<hbm>>, %arg3: memref<294912x128xf32, #tpu.memory_space<hbm>>, %arg4: memref<10000xi32, #tpu.memory_space<hbm>>, %arg5: memref<10000xi32, #tpu.memory_space<hbm>>, %arg6: memref<40000xi32, #tpu.memory_space<hbm>>, %arg7: memref<40000xi32, #tpu.memory_space<hbm>>, %arg8: memref<32x32xf32, #tpu.memory_space<hbm>>, %arg9: memref<352xi32, #tpu.memory_space<vmem>>, %arg10: memref<352xi32, #tpu.memory_space<vmem>>, %arg11: memref<1280xi32, #tpu.memory_space<vmem>>, %arg12: memref<1280xi32, #tpu.memory_space<vmem>>, %arg13: memref<320xi32, #tpu.memory_space<vmem>>, %arg14: memref<320xi32, #tpu.memory_space<vmem>>, %arg15: memref<1264xi32, #tpu.memory_space<vmem>>, %arg16: memref<1264xi32, #tpu.memory_space<vmem>>, %arg17: memref<128x128xf32, #tpu.memory_space<vmem>>, %arg18: memref<128x128xf32, #tpu.memory_space<vmem>>, %arg19: memref<128x128xf32, #tpu.memory_space<vmem>>, %arg20: memref<128x128xf32, #tpu.memory_space<vmem>>, %arg21: memref<32xf32, #tpu.memory_space<vmem>>, %arg22: memref<!tpu.dma_semaphore, #tpu.memory_space<semaphore_mem>>, %arg23: memref<!tpu.dma_semaphore, #tpu.memory_space<semaphore_mem>>, %arg24: memref<!tpu.dma_semaphore, #tpu.memory_space<semaphore_mem>>) attributes {dimension_semantics = [#tpu.dimension_semantics<core_parallel>, #tpu.dimension_semantics<subcore_parallel>], iteration_bounds = array<i64: 2, 16>, scalar_prefetch = 0 : i64, scratch_operands = 16 : i64, tpu.core_type = #tpu.core_type<sc_vector_subcore>, window_params = [{transform_indices = #map}, {transform_indices = #map}, {transform_indices = #map1}, {transform_indices = #map1}, {transform_indices = #map1}, {transform_indices = #map1}, {transform_indices = #map}]} {
    %mul3A = arith.constant 2 : i32
    %mul3A_0 = arith.muli %arg1, %mul3A : i32
    %add3A = arith.addi %mul3A_0, %arg0 : i32
    %mul3A_1 = arith.constant 313 : i32
    %mul3A_2 = arith.muli %add3A, %mul3A_1 : i32
    %jit3A = arith.constant 8 : i32
    %div3A = arith.divsi %mul3A_2, %jit3A : i32
    %sign3A = arith.constant 0 : i32
    %sign3A_3 = arith.cmpi sgt, %mul3A_2, %sign3A : i32
    %sign3A_4 = arith.extui %sign3A_3 : i1 to i32
    %sign3A_5 = arith.constant 0 : i32
    %sign3A_6 = arith.cmpi slt, %mul3A_2, %sign3A_5 : i32
    %sign3A_7 = arith.extui %sign3A_6 : i1 to i32
    %sign3A_8 = arith.subi %sign3A_4, %sign3A_7 : i32
    %sign3A_9 = arith.constant 0 : i32
    %sign3A_10 = arith.cmpi sgt, %jit3A, %sign3A_9 : i32
    %sign3A_11 = arith.extui %sign3A_10 : i1 to i32
    %sign3A_12 = arith.constant 0 : i32
    %sign3A_13 = arith.cmpi slt, %jit3A, %sign3A_12 : i32
    %sign3A_14 = arith.extui %sign3A_13 : i1 to i32
    %sign3A_15 = arith.subi %sign3A_11, %sign3A_14 : i32
    %ne3A = arith.cmpi ne, %sign3A_8, %sign3A_15 : i32
    %rem3A = arith.remsi %mul3A_2, %jit3A : i32
    %ne3A_16 = arith.constant 0 : i32
    %ne3A_17 = arith.cmpi ne, %rem3A, %ne3A_16 : i32
    %and3A = arith.andi %ne3A, %ne3A_17 : i1
    %sub3A = arith.constant 1 : i32
    %sub3A_18 = arith.subi %div3A, %sub3A : i32
    %select_n3A = arith.select %and3A, %sub3A_18, %div3A : i32
    %mul3A_19 = arith.constant 8 : i32
    %mul3A_20 = arith.muli %select_n3A, %mul3A_19 : i32
    %min3A = arith.constant 9680 : i32
    %min3A_21 = arith.minsi %mul3A_20, %min3A : i32
    %sub3A_22 = arith.subi %mul3A_2, %min3A_21 : i32
    %mul3A_23 = arith.constant 1250 : i32
    %mul3A_24 = arith.muli %add3A, %mul3A_23 : i32
    %jit3A_25 = arith.constant 8 : i32
    %div3A_26 = arith.divsi %mul3A_24, %jit3A_25 : i32
    %sign3A_27 = arith.constant 0 : i32
    %sign3A_28 = arith.cmpi sgt, %mul3A_24, %sign3A_27 : i32
    %sign3A_29 = arith.extui %sign3A_28 : i1 to i32
    %sign3A_30 = arith.constant 0 : i32
    %sign3A_31 = arith.cmpi slt, %mul3A_24, %sign3A_30 : i32
    %sign3A_32 = arith.extui %sign3A_31 : i1 to i32
    %sign3A_33 = arith.subi %sign3A_29, %sign3A_32 : i32
    %sign3A_34 = arith.constant 0 : i32
    %sign3A_35 = arith.cmpi sgt, %jit3A_25, %sign3A_34 : i32
    %sign3A_36 = arith.extui %sign3A_35 : i1 to i32
    %sign3A_37 = arith.constant 0 : i32
    %sign3A_38 = arith.cmpi slt, %jit3A_25, %sign3A_37 : i32
    %sign3A_39 = arith.extui %sign3A_38 : i1 to i32
    %sign3A_40 = arith.subi %sign3A_36, %sign3A_39 : i32
    %ne3A_41 = arith.cmpi ne, %sign3A_33, %sign3A_40 : i32
    %rem3A_42 = arith.remsi %mul3A_24, %jit3A_25 : i32
    %ne3A_43 = arith.constant 0 : i32
    %ne3A_44 = arith.cmpi ne, %rem3A_42, %ne3A_43 : i32
    %and3A_45 = arith.andi %ne3A_41, %ne3A_44 : i1
    %sub3A_46 = arith.constant 1 : i32
    %sub3A_47 = arith.subi %div3A_26, %sub3A_46 : i32
    %select_n3A_48 = arith.select %and3A_45, %sub3A_47, %div3A_26 : i32
    %mul3A_49 = arith.constant 8 : i32
    %mul3A_50 = arith.muli %select_n3A_48, %mul3A_49 : i32
    %min3A_51 = arith.constant 38736 : i32
    %min3A_52 = arith.minsi %mul3A_50, %min3A_51 : i32
    %sub3A_53 = arith.subi %mul3A_24, %min3A_52 : i32
    %dma_start3A = arith.constant 0 : i32
    %dma_start3A_54 = tpu.memref_slice %arg9[%dma_start3A] : memref<352xi32, #tpu.memory_space<vmem>> -> memref<320xi32, #tpu.memory_space<vmem>>
    %dma_start3A_55 = tpu.memref_slice %arg4[%min3A_21] : memref<10000xi32, #tpu.memory_space<hbm>> -> memref<320xi32, #tpu.memory_space<hbm>>
    %dma_start3A_56 = arith.constant 0 : i32
    %dma_start3A_57 = tpu.memref_slice %arg9[%dma_start3A_56] : memref<352xi32, #tpu.memory_space<vmem>> -> memref<320xi32, #tpu.memory_space<vmem>>
    %dma_start3A_58 = tpu.memref_slice %arg4[%min3A_21] : memref<10000xi32, #tpu.memory_space<hbm>> -> memref<320xi32, #tpu.memory_space<hbm>>
    tpu.enqueue_dma source(%dma_start3A_58 : memref<320xi32, #tpu.memory_space<hbm>>) target(%dma_start3A_57 : memref<320xi32, #tpu.memory_space<vmem>>) target_semaphore(%arg24 : memref<!tpu.dma_semaphore, #tpu.memory_space<semaphore_mem>>)
    %dma_start3A_59 = arith.constant 0 : i32
    %dma_start3A_60 = tpu.memref_slice %arg10[%dma_start3A_59] : memref<352xi32, #tpu.memory_space<vmem>> -> memref<320xi32, #tpu.memory_space<vmem>>
    %dma_start3A_61 = tpu.memref_slice %arg5[%min3A_21] : memref<10000xi32, #tpu.memory_space<hbm>> -> memref<320xi32, #tpu.memory_space<hbm>>
    %dma_start3A_62 = arith.constant 0 : i32
    %dma_start3A_63 = tpu.memref_slice %arg10[%dma_start3A_62] : memref<352xi32, #tpu.memory_space<vmem>> -> memref<320xi32, #tpu.memory_space<vmem>>
    %dma_start3A_64 = tpu.memref_slice %arg5[%min3A_21] : memref<10000xi32, #tpu.memory_space<hbm>> -> memref<320xi32, #tpu.memory_space<hbm>>
    tpu.enqueue_dma source(%dma_start3A_64 : memref<320xi32, #tpu.memory_space<hbm>>) target(%dma_start3A_63 : memref<320xi32, #tpu.memory_space<vmem>>) target_semaphore(%arg24 : memref<!tpu.dma_semaphore, #tpu.memory_space<semaphore_mem>>)
    %dma_start3A_65 = arith.constant 0 : i32
    %dma_start3A_66 = tpu.memref_slice %arg11[%dma_start3A_65] : memref<1280xi32, #tpu.memory_space<vmem>> -> memref<1264xi32, #tpu.memory_space<vmem>>
    %dma_start3A_67 = tpu.memref_slice %arg6[%min3A_52] : memref<40000xi32, #tpu.memory_space<hbm>> -> memref<1264xi32, #tpu.memory_space<hbm>>
    %dma_start3A_68 = arith.constant 0 : i32
    %dma_start3A_69 = tpu.memref_slice %arg11[%dma_start3A_68] : memref<1280xi32, #tpu.memory_space<vmem>> -> memref<1264xi32, #tpu.memory_space<vmem>>
    %dma_start3A_70 = tpu.memref_slice %arg6[%min3A_52] : memref<40000xi32, #tpu.memory_space<hbm>> -> memref<1264xi32, #tpu.memory_space<hbm>>
    tpu.enqueue_dma source(%dma_start3A_70 : memref<1264xi32, #tpu.memory_space<hbm>>) target(%dma_start3A_69 : memref<1264xi32, #tpu.memory_space<vmem>>) target_semaphore(%arg24 : memref<!tpu.dma_semaphore, #tpu.memory_space<semaphore_mem>>)
    %dma_start3A_71 = arith.constant 0 : i32
    %dma_start3A_72 = tpu.memref_slice %arg12[%dma_start3A_71] : memref<1280xi32, #tpu.memory_space<vmem>> -> memref<1264xi32, #tpu.memory_space<vmem>>
    %dma_start3A_73 = tpu.memref_slice %arg7[%min3A_52] : memref<40000xi32, #tpu.memory_space<hbm>> -> memref<1264xi32, #tpu.memory_space<hbm>>
    %dma_start3A_74 = arith.constant 0 : i32
    %dma_start3A_75 = tpu.memref_slice %arg12[%dma_start3A_74] : memref<1280xi32, #tpu.memory_space<vmem>> -> memref<1264xi32, #tpu.memory_space<vmem>>
    %dma_start3A_76 = tpu.memref_slice %arg7[%min3A_52] : memref<40000xi32, #tpu.memory_space<hbm>> -> memref<1264xi32, #tpu.memory_space<hbm>>
    tpu.enqueue_dma source(%dma_start3A_76 : memref<1264xi32, #tpu.memory_space<hbm>>) target(%dma_start3A_75 : memref<1264xi32, #tpu.memory_space<vmem>>) target_semaphore(%arg24 : memref<!tpu.dma_semaphore, #tpu.memory_space<semaphore_mem>>)
    %dma_wait3A = arith.constant 0 : i32
    %dma_wait3A_77 = tpu.memref_slice %arg9[%dma_wait3A] : memref<352xi32, #tpu.memory_space<vmem>> -> memref<320xi32, #tpu.memory_space<vmem>>
    %dma_wait3A_78 = tpu.memref_slice %arg4[%min3A_21] : memref<10000xi32, #tpu.memory_space<hbm>> -> memref<320xi32, #tpu.memory_space<hbm>>
    %dma_wait3A_79 = arith.constant 0 : i32
    %dma_wait3A_80 = tpu.memref_slice %arg9[%dma_wait3A_79] : memref<352xi32, #tpu.memory_space<vmem>> -> memref<320xi32, #tpu.memory_space<vmem>>
    %dma_wait3A_81 = tpu.memref_slice %arg4[%min3A_21] : memref<10000xi32, #tpu.memory_space<hbm>> -> memref<320xi32, #tpu.memory_space<hbm>>
    tpu.wait_dma2 semaphore(%arg24 : memref<!tpu.dma_semaphore, #tpu.memory_space<semaphore_mem>>) src(%dma_wait3A_81 : memref<320xi32, #tpu.memory_space<hbm>>) dst(%dma_wait3A_80 : memref<320xi32, #tpu.memory_space<vmem>>)
    %dma_wait3A_82 = arith.constant 0 : i32
    %dma_wait3A_83 = tpu.memref_slice %arg10[%dma_wait3A_82] : memref<352xi32, #tpu.memory_space<vmem>> -> memref<320xi32, #tpu.memory_space<vmem>>
    %dma_wait3A_84 = tpu.memref_slice %arg5[%min3A_21] : memref<10000xi32, #tpu.memory_space<hbm>> -> memref<320xi32, #tpu.memory_space<hbm>>
    %dma_wait3A_85 = arith.constant 0 : i32
    %dma_wait3A_86 = tpu.memref_slice %arg10[%dma_wait3A_85] : memref<352xi32, #tpu.memory_space<vmem>> -> memref<320xi32, #tpu.memory_space<vmem>>
    %dma_wait3A_87 = tpu.memref_slice %arg5[%min3A_21] : memref<10000xi32, #tpu.memory_space<hbm>> -> memref<320xi32, #tpu.memory_space<hbm>>
    tpu.wait_dma2 semaphore(%arg24 : memref<!tpu.dma_semaphore, #tpu.memory_space<semaphore_mem>>) src(%dma_wait3A_87 : memref<320xi32, #tpu.memory_space<hbm>>) dst(%dma_wait3A_86 : memref<320xi32, #tpu.memory_space<vmem>>)
    %dma_wait3A_88 = arith.constant 0 : i32
    %dma_wait3A_89 = tpu.memref_slice %arg11[%dma_wait3A_88] : memref<1280xi32, #tpu.memory_space<vmem>> -> memref<1264xi32, #tpu.memory_space<vmem>>
    %dma_wait3A_90 = tpu.memref_slice %arg6[%min3A_52] : memref<40000xi32, #tpu.memory_space<hbm>> -> memref<1264xi32, #tpu.memory_space<hbm>>
    %dma_wait3A_91 = arith.constant 0 : i32
    %dma_wait3A_92 = tpu.memref_slice %arg11[%dma_wait3A_91] : memref<1280xi32, #tpu.memory_space<vmem>> -> memref<1264xi32, #tpu.memory_space<vmem>>
    %dma_wait3A_93 = tpu.memref_slice %arg6[%min3A_52] : memref<40000xi32, #tpu.memory_space<hbm>> -> memref<1264xi32, #tpu.memory_space<hbm>>
    tpu.wait_dma2 semaphore(%arg24 : memref<!tpu.dma_semaphore, #tpu.memory_space<semaphore_mem>>) src(%dma_wait3A_93 : memref<1264xi32, #tpu.memory_space<hbm>>) dst(%dma_wait3A_92 : memref<1264xi32, #tpu.memory_space<vmem>>)
    %dma_wait3A_94 = arith.constant 0 : i32
    %dma_wait3A_95 = tpu.memref_slice %arg12[%dma_wait3A_94] : memref<1280xi32, #tpu.memory_space<vmem>> -> memref<1264xi32, #tpu.memory_space<vmem>>
    %dma_wait3A_96 = tpu.memref_slice %arg7[%min3A_52] : memref<40000xi32, #tpu.memory_space<hbm>> -> memref<1264xi32, #tpu.memory_space<hbm>>
    %dma_wait3A_97 = arith.constant 0 : i32
    %dma_wait3A_98 = tpu.memref_slice %arg12[%dma_wait3A_97] : memref<1280xi32, #tpu.memory_space<vmem>> -> memref<1264xi32, #tpu.memory_space<vmem>>
    %dma_wait3A_99 = tpu.memref_slice %arg7[%min3A_52] : memref<40000xi32, #tpu.memory_space<hbm>> -> memref<1264xi32, #tpu.memory_space<hbm>>
    tpu.wait_dma2 semaphore(%arg24 : memref<!tpu.dma_semaphore, #tpu.memory_space<semaphore_mem>>) src(%dma_wait3A_99 : memref<1264xi32, #tpu.memory_space<hbm>>) dst(%dma_wait3A_98 : memref<1264xi32, #tpu.memory_space<vmem>>)
    %iota3A = tpu.iota {dimensions = array<i32: 0>} : vector<16xi32>
    %sub3A_100 = arith.constant 10000 : i32
    %sub3A_101 = arith.subi %sub3A_100, %mul3A_2 : i32
    %min3A_102 = arith.constant 313 : i32
    %min3A_103 = arith.minsi %min3A_102, %sub3A_101 : i32
    %parallel_loop3A = arith.constant 0 : i32
    %parallel_loop3A_104 = arith.constant 79 : i32
    %parallel_loop3A_105 = arith.constant 1 : i32
    scf.for %parallel_loop3A_605 = %parallel_loop3A to %parallel_loop3A_104 step %parallel_loop3A_105  : i32 {
      %parallel_loop3A_606 = arith.constant 16 : i32
      %parallel_loop3A_607 = arith.muli %parallel_loop3A_605, %parallel_loop3A_606 : i32
      %parallel_loop3A_608 = arith.addi %mul3A_24, %parallel_loop3A_607 : i32
      %parallel_loop3A_609 = vector.broadcast %parallel_loop3A_608 : i32 to vector<16xi32>
      %parallel_loop3A_610 = arith.addi %parallel_loop3A_609, %iota3A : vector<16xi32>
      %parallel_loop3A_611 = arith.constant 20000 : i32
      %parallel_loop3A_612 = vector.broadcast %parallel_loop3A_611 : i32 to vector<16xi32>
      %parallel_loop3A_613 = arith.cmpi sge, %parallel_loop3A_610, %parallel_loop3A_612 : vector<16xi32>
      %parallel_loop3A_614 = arith.constant 147456 : i32
      %parallel_loop3A_615 = arith.constant 0 : i32
      %parallel_loop3A_616 = vector.broadcast %parallel_loop3A_614 : i32 to vector<16xi32>
      %parallel_loop3A_617 = vector.broadcast %parallel_loop3A_615 : i32 to vector<16xi32>
      %parallel_loop3A_618 = arith.select %parallel_loop3A_613, %parallel_loop3A_616, %parallel_loop3A_617 : vector<16xi1>, vector<16xi32>
      %parallel_loop3A_619 = arith.addi %sub3A_53, %parallel_loop3A_607 : i32
      %parallel_loop3A_620 = arith.index_cast %parallel_loop3A_619 : i32 to index
      %parallel_loop3A_621 = tpu.vector_load %arg11[%parallel_loop3A_620] {strides = array<i32>} : memref<1280xi32, #tpu.memory_space<vmem>>, vector<16xi32>,
      %parallel_loop3A_622 = vector.shape_cast %parallel_loop3A_621 : vector<16xi32> to vector<16xi32>
      %parallel_loop3A_623 = arith.addi %sub3A_53, %parallel_loop3A_607 : i32
      %parallel_loop3A_624 = arith.index_cast %parallel_loop3A_623 : i32 to index
      %parallel_loop3A_625 = tpu.vector_load %arg12[%parallel_loop3A_624] {strides = array<i32>} : memref<1280xi32, #tpu.memory_space<vmem>>, vector<16xi32>,
      %parallel_loop3A_626 = vector.shape_cast %parallel_loop3A_625 : vector<16xi32> to vector<16xi32>
      %parallel_loop3A_627 = arith.addi %parallel_loop3A_622, %parallel_loop3A_618 : vector<16xi32>
      %parallel_loop3A_628 = arith.constant 0 : i32
      %parallel_loop3A_629 = arith.constant 294911 : i32
      %parallel_loop3A_630 = vector.broadcast %parallel_loop3A_628 : i32 to vector<16xi32>
      %parallel_loop3A_631 = arith.maxsi %parallel_loop3A_630, %parallel_loop3A_627 : vector<16xi32>
      %parallel_loop3A_632 = vector.broadcast %parallel_loop3A_629 : i32 to vector<16xi32>
      %parallel_loop3A_633 = arith.minsi %parallel_loop3A_632, %parallel_loop3A_631 : vector<16xi32>
      %parallel_loop3A_634 = arith.index_cast %parallel_loop3A_607 : i32 to index
      %parallel_loop3A_635 = tpu.vector_load %arg15[%parallel_loop3A_634] {strides = array<i32>} : memref<1264xi32, #tpu.memory_space<vmem>>, vector<16xi32>,
      %parallel_loop3A_636 = vector.shape_cast %parallel_loop3A_635 : vector<16xi32> to vector<16xi32>
      %parallel_loop3A_637 = vector.shape_cast %parallel_loop3A_633 : vector<16xi32> to vector<16xi32>
      tpu.vector_store %arg15[%parallel_loop3A_634], %parallel_loop3A_637 {strides = array<i32>} : memref<1264xi32, #tpu.memory_space<vmem>>, vector<16xi32>,
      %parallel_loop3A_638 = arith.addi %parallel_loop3A_626, %parallel_loop3A_618 : vector<16xi32>
      %parallel_loop3A_639 = arith.constant 0 : i32
      %parallel_loop3A_640 = arith.constant 294911 : i32
      %parallel_loop3A_641 = vector.broadcast %parallel_loop3A_639 : i32 to vector<16xi32>
      %parallel_loop3A_642 = arith.maxsi %parallel_loop3A_641, %parallel_loop3A_638 : vector<16xi32>
      %parallel_loop3A_643 = vector.broadcast %parallel_loop3A_640 : i32 to vector<16xi32>
      %parallel_loop3A_644 = arith.minsi %parallel_loop3A_643, %parallel_loop3A_642 : vector<16xi32>
      %parallel_loop3A_645 = arith.index_cast %parallel_loop3A_607 : i32 to index
      %parallel_loop3A_646 = tpu.vector_load %arg16[%parallel_loop3A_645] {strides = array<i32>} : memref<1264xi32, #tpu.memory_space<vmem>>, vector<16xi32>,
      %parallel_loop3A_647 = vector.shape_cast %parallel_loop3A_646 : vector<16xi32> to vector<16xi32>
      %parallel_loop3A_648 = vector.shape_cast %parallel_loop3A_644 : vector<16xi32> to vector<16xi32>
      tpu.vector_store %arg16[%parallel_loop3A_645], %parallel_loop3A_648 {strides = array<i32>} : memref<1264xi32, #tpu.memory_space<vmem>>, vector<16xi32>,
    } {sc.loop_unroll_factor = 1 : i64, sc.parallel_access}
    %dma_start3A_106 = arith.constant 0 : i32
    %dma_start3A_107 = arith.constant 0 : i32
    %dma_start3A_108 = tpu.memref_slice %arg17[%dma_start3A_106, %dma_start3A_107] : memref<128x128xf32, #tpu.memory_space<vmem>> -> memref<128x128xf32, #tpu.memory_space<vmem>>
    %dma_start3A_109 = arith.constant 0 : i32
    %dma_start3A_110 = tpu.memref_slice %arg15[%dma_start3A_109] : memref<1264xi32, #tpu.memory_space<vmem>> -> memref<128xi32, #tpu.memory_space<vmem>>
    %dma_start3A_111 = arith.constant 0 : i32
    %dma_start3A_112 = arith.constant 0 : i32
    %dma_start3A_113 = tpu.memref_slice %arg2[%dma_start3A_111, %dma_start3A_112] : memref<294912x128xf32, #tpu.memory_space<hbm>> -> memref<294912x128xf32, #tpu.memory_space<hbm>>
    tpu.enqueue_indirect_dma source(%dma_start3A_113 : memref<294912x128xf32, #tpu.memory_space<hbm>>) target(%dma_start3A_108 : memref<128x128xf32, #tpu.memory_space<vmem>>) offsets(%dma_start3A_110 : memref<128xi32, #tpu.memory_space<vmem>>) semaphore(%arg22 : memref<!tpu.dma_semaphore, #tpu.memory_space<semaphore_mem>>)
    %dma_start3A_114 = arith.constant 0 : i32
    %dma_start3A_115 = arith.constant 0 : i32
    %dma_start3A_116 = tpu.memref_slice %arg18[%dma_start3A_114, %dma_start3A_115] : memref<128x128xf32, #tpu.memory_space<vmem>> -> memref<128x128xf32, #tpu.memory_space<vmem>>
    %dma_start3A_117 = arith.constant 0 : i32
    %dma_start3A_118 = tpu.memref_slice %arg16[%dma_start3A_117] : memref<1264xi32, #tpu.memory_space<vmem>> -> memref<128xi32, #tpu.memory_space<vmem>>
    %dma_start3A_119 = arith.constant 0 : i32
    %dma_start3A_120 = arith.constant 0 : i32
    %dma_start3A_121 = tpu.memref_slice %arg3[%dma_start3A_119, %dma_start3A_120] : memref<294912x128xf32, #tpu.memory_space<hbm>> -> memref<294912x128xf32, #tpu.memory_space<hbm>>
    tpu.enqueue_indirect_dma source(%dma_start3A_121 : memref<294912x128xf32, #tpu.memory_space<hbm>>) target(%dma_start3A_116 : memref<128x128xf32, #tpu.memory_space<vmem>>) offsets(%dma_start3A_118 : memref<128xi32, #tpu.memory_space<vmem>>) semaphore(%arg22 : memref<!tpu.dma_semaphore, #tpu.memory_space<semaphore_mem>>)
    %parallel_loop3A_122 = arith.constant 0 : i32
    %parallel_loop3A_123 = arith.constant 20 : i32
    %parallel_loop3A_124 = arith.constant 1 : i32
    scf.for %parallel_loop3A_605 = %parallel_loop3A_122 to %parallel_loop3A_123 step %parallel_loop3A_124  : i32 {
      %parallel_loop3A_606 = arith.constant 16 : i32
      %parallel_loop3A_607 = arith.muli %parallel_loop3A_605, %parallel_loop3A_606 : i32
      %parallel_loop3A_608 = arith.addi %mul3A_2, %parallel_loop3A_607 : i32
      %parallel_loop3A_609 = vector.broadcast %parallel_loop3A_608 : i32 to vector<16xi32>
      %parallel_loop3A_610 = arith.addi %parallel_loop3A_609, %iota3A : vector<16xi32>
      %parallel_loop3A_611 = arith.constant 5000 : i32
      %parallel_loop3A_612 = vector.broadcast %parallel_loop3A_611 : i32 to vector<16xi32>
      %parallel_loop3A_613 = arith.cmpi sge, %parallel_loop3A_610, %parallel_loop3A_612 : vector<16xi32>
      %parallel_loop3A_614 = arith.constant 147456 : i32
      %parallel_loop3A_615 = arith.constant 0 : i32
      %parallel_loop3A_616 = vector.broadcast %parallel_loop3A_614 : i32 to vector<16xi32>
      %parallel_loop3A_617 = vector.broadcast %parallel_loop3A_615 : i32 to vector<16xi32>
      %parallel_loop3A_618 = arith.select %parallel_loop3A_613, %parallel_loop3A_616, %parallel_loop3A_617 : vector<16xi1>, vector<16xi32>
      %parallel_loop3A_619 = arith.addi %sub3A_22, %parallel_loop3A_607 : i32
      %parallel_loop3A_620 = arith.index_cast %parallel_loop3A_619 : i32 to index
      %parallel_loop3A_621 = tpu.vector_load %arg9[%parallel_loop3A_620] {strides = array<i32>} : memref<352xi32, #tpu.memory_space<vmem>>, vector<16xi32>,
      %parallel_loop3A_622 = vector.shape_cast %parallel_loop3A_621 : vector<16xi32> to vector<16xi32>
      %parallel_loop3A_623 = arith.addi %sub3A_22, %parallel_loop3A_607 : i32
      %parallel_loop3A_624 = arith.index_cast %parallel_loop3A_623 : i32 to index
      %parallel_loop3A_625 = tpu.vector_load %arg10[%parallel_loop3A_624] {strides = array<i32>} : memref<352xi32, #tpu.memory_space<vmem>>, vector<16xi32>,
      %parallel_loop3A_626 = vector.shape_cast %parallel_loop3A_625 : vector<16xi32> to vector<16xi32>
      %parallel_loop3A_627 = arith.addi %parallel_loop3A_622, %parallel_loop3A_618 : vector<16xi32>
      %parallel_loop3A_628 = arith.constant 0 : i32
      %parallel_loop3A_629 = arith.constant 294911 : i32
      %parallel_loop3A_630 = vector.broadcast %parallel_loop3A_628 : i32 to vector<16xi32>
      %parallel_loop3A_631 = arith.maxsi %parallel_loop3A_630, %parallel_loop3A_627 : vector<16xi32>
      %parallel_loop3A_632 = vector.broadcast %parallel_loop3A_629 : i32 to vector<16xi32>
      %parallel_loop3A_633 = arith.minsi %parallel_loop3A_632, %parallel_loop3A_631 : vector<16xi32>
      %parallel_loop3A_634 = arith.index_cast %parallel_loop3A_607 : i32 to index
      %parallel_loop3A_635 = tpu.vector_load %arg13[%parallel_loop3A_634] {strides = array<i32>} : memref<320xi32, #tpu.memory_space<vmem>>, vector<16xi32>,
      %parallel_loop3A_636 = vector.shape_cast %parallel_loop3A_635 : vector<16xi32> to vector<16xi32>
      %parallel_loop3A_637 = vector.shape_cast %parallel_loop3A_633 : vector<16xi32> to vector<16xi32>
      tpu.vector_store %arg13[%parallel_loop3A_634], %parallel_loop3A_637 {strides = array<i32>} : memref<320xi32, #tpu.memory_space<vmem>>, vector<16xi32>,
      %parallel_loop3A_638 = arith.addi %parallel_loop3A_626, %parallel_loop3A_618 : vector<16xi32>
      %parallel_loop3A_639 = arith.constant 0 : i32
      %parallel_loop3A_640 = arith.constant 294911 : i32
      %parallel_loop3A_641 = vector.broadcast %parallel_loop3A_639 : i32 to vector<16xi32>
      %parallel_loop3A_642 = arith.maxsi %parallel_loop3A_641, %parallel_loop3A_638 : vector<16xi32>
      %parallel_loop3A_643 = vector.broadcast %parallel_loop3A_640 : i32 to vector<16xi32>
      %parallel_loop3A_644 = arith.minsi %parallel_loop3A_643, %parallel_loop3A_642 : vector<16xi32>
      %parallel_loop3A_645 = arith.index_cast %parallel_loop3A_607 : i32 to index
      %parallel_loop3A_646 = tpu.vector_load %arg14[%parallel_loop3A_645] {strides = array<i32>} : memref<320xi32, #tpu.memory_space<vmem>>, vector<16xi32>,
      %parallel_loop3A_647 = vector.shape_cast %parallel_loop3A_646 : vector<16xi32> to vector<16xi32>
      %parallel_loop3A_648 = vector.shape_cast %parallel_loop3A_644 : vector<16xi32> to vector<16xi32>
      tpu.vector_store %arg14[%parallel_loop3A_645], %parallel_loop3A_648 {strides = array<i32>} : memref<320xi32, #tpu.memory_space<vmem>>, vector<16xi32>,
    } {sc.loop_unroll_factor = 1 : i64, sc.parallel_access}
    %broadcast_in_dim3A = arith.constant 0.000000e+00 : f32
    %broadcast_in_dim3A_125 = vector.broadcast %broadcast_in_dim3A : f32 to vector<16xf32>
    %dma_start3A_126 = arith.constant 0 : i32
    %dma_start3A_127 = arith.constant 0 : i32
    %dma_start3A_128 = tpu.memref_slice %arg19[%dma_start3A_126, %dma_start3A_127] : memref<128x128xf32, #tpu.memory_space<vmem>> -> memref<128x128xf32, #tpu.memory_space<vmem>>
    %dma_start3A_129 = arith.constant 128 : i32
    %dma_start3A_130 = tpu.memref_slice %arg15[%dma_start3A_129] : memref<1264xi32, #tpu.memory_space<vmem>> -> memref<128xi32, #tpu.memory_space<vmem>>
    %dma_start3A_131 = arith.constant 0 : i32
    %dma_start3A_132 = arith.constant 0 : i32
    %dma_start3A_133 = tpu.memref_slice %arg2[%dma_start3A_131, %dma_start3A_132] : memref<294912x128xf32, #tpu.memory_space<hbm>> -> memref<294912x128xf32, #tpu.memory_space<hbm>>
    tpu.enqueue_indirect_dma source(%dma_start3A_133 : memref<294912x128xf32, #tpu.memory_space<hbm>>) target(%dma_start3A_128 : memref<128x128xf32, #tpu.memory_space<vmem>>) offsets(%dma_start3A_130 : memref<128xi32, #tpu.memory_space<vmem>>) semaphore(%arg23 : memref<!tpu.dma_semaphore, #tpu.memory_space<semaphore_mem>>)
    %dma_start3A_134 = arith.constant 0 : i32
    %dma_start3A_135 = arith.constant 0 : i32
    %dma_start3A_136 = tpu.memref_slice %arg20[%dma_start3A_134, %dma_start3A_135] : memref<128x128xf32, #tpu.memory_space<vmem>> -> memref<128x128xf32, #tpu.memory_space<vmem>>
    %dma_start3A_137 = arith.constant 128 : i32
    %dma_start3A_138 = tpu.memref_slice %arg16[%dma_start3A_137] : memref<1264xi32, #tpu.memory_space<vmem>> -> memref<128xi32, #tpu.memory_space<vmem>>
    %dma_start3A_139 = arith.constant 0 : i32
    %dma_start3A_140 = arith.constant 0 : i32
    %dma_start3A_141 = tpu.memref_slice %arg3[%dma_start3A_139, %dma_start3A_140] : memref<294912x128xf32, #tpu.memory_space<hbm>> -> memref<294912x128xf32, #tpu.memory_space<hbm>>
    tpu.enqueue_indirect_dma source(%dma_start3A_141 : memref<294912x128xf32, #tpu.memory_space<hbm>>) target(%dma_start3A_136 : memref<128x128xf32, #tpu.memory_space<vmem>>) offsets(%dma_start3A_138 : memref<128xi32, #tpu.memory_space<vmem>>) semaphore(%arg23 : memref<!tpu.dma_semaphore, #tpu.memory_space<semaphore_mem>>)
    %dma_wait3A_142 = arith.constant 0 : i32
    %dma_wait3A_143 = arith.constant 0 : i32
    %dma_wait3A_144 = tpu.memref_slice %arg17[%dma_wait3A_142, %dma_wait3A_143] : memref<128x128xf32, #tpu.memory_space<vmem>> -> memref<128x128xf32, #tpu.memory_space<vmem>>
    %dma_wait3A_145 = arith.constant 0 : i32
    %dma_wait3A_146 = tpu.memref_slice %arg15[%dma_wait3A_145] : memref<1264xi32, #tpu.memory_space<vmem>> -> memref<128xi32, #tpu.memory_space<vmem>>
    %dma_wait3A_147 = arith.constant 0 : i32
    %dma_wait3A_148 = arith.constant 0 : i32
    %dma_wait3A_149 = tpu.memref_slice %arg2[%dma_wait3A_147, %dma_wait3A_148] : memref<294912x128xf32, #tpu.memory_space<hbm>> -> memref<294912x128xf32, #tpu.memory_space<hbm>>
    tpu.wait_indirect_dma semaphore(%arg22 : memref<!tpu.dma_semaphore, #tpu.memory_space<semaphore_mem>>) src(%dma_wait3A_149 : memref<294912x128xf32, #tpu.memory_space<hbm>>) dst(%dma_wait3A_144 : memref<128x128xf32, #tpu.memory_space<vmem>>)
    %dma_wait3A_150 = arith.constant 0 : i32
    %dma_wait3A_151 = arith.constant 0 : i32
    %dma_wait3A_152 = tpu.memref_slice %arg18[%dma_wait3A_150, %dma_wait3A_151] : memref<128x128xf32, #tpu.memory_space<vmem>> -> memref<128x128xf32, #tpu.memory_space<vmem>>
    %dma_wait3A_153 = arith.constant 0 : i32
    %dma_wait3A_154 = tpu.memref_slice %arg16[%dma_wait3A_153] : memref<1264xi32, #tpu.memory_space<vmem>> -> memref<128xi32, #tpu.memory_space<vmem>>
    %dma_wait3A_155 = arith.constant 0 : i32
    %dma_wait3A_156 = arith.constant 0 : i32
    %dma_wait3A_157 = tpu.memref_slice %arg3[%dma_wait3A_155, %dma_wait3A_156] : memref<294912x128xf32, #tpu.memory_space<hbm>> -> memref<294912x128xf32, #tpu.memory_space<hbm>>
    tpu.wait_indirect_dma semaphore(%arg22 : memref<!tpu.dma_semaphore, #tpu.memory_space<semaphore_mem>>) src(%dma_wait3A_157 : memref<294912x128xf32, #tpu.memory_space<hbm>>) dst(%dma_wait3A_152 : memref<128x128xf32, #tpu.memory_space<vmem>>)
    %parallel_loop3A_158 = arith.constant 0 : i32
    %parallel_loop3A_159 = arith.constant 128 : i32
    %parallel_loop3A_160 = arith.constant 1 : i32
    %parallel_loop3A_161:4 = scf.for %parallel_loop3A_605 = %parallel_loop3A_158 to %parallel_loop3A_159 step %parallel_loop3A_160 iter_args(%parallel_loop3A_606 = %broadcast_in_dim3A_125, %parallel_loop3A_607 = %broadcast_in_dim3A_125, %parallel_loop3A_608 = %broadcast_in_dim3A_125, %parallel_loop3A_609 = %broadcast_in_dim3A_125) -> (vector<16xf32>, vector<16xf32>, vector<16xf32>, vector<16xf32>)  : i32 {
      %parallel_loop3A_610 = arith.index_cast %parallel_loop3A_605 : i32 to index
      %parallel_loop3A_611 = arith.constant 0 : index
      %parallel_loop3A_612 = tpu.vector_load %arg17[%parallel_loop3A_610, %parallel_loop3A_611] {strides = array<i32>} : memref<128x128xf32, #tpu.memory_space<vmem>>, vector<1x16xf32>,
      %parallel_loop3A_613 = vector.shape_cast %parallel_loop3A_612 : vector<1x16xf32> to vector<16xf32>
      %parallel_loop3A_614 = arith.index_cast %parallel_loop3A_605 : i32 to index
      %parallel_loop3A_615 = arith.constant 0 : index
      %parallel_loop3A_616 = tpu.vector_load %arg18[%parallel_loop3A_614, %parallel_loop3A_615] {strides = array<i32>} : memref<128x128xf32, #tpu.memory_space<vmem>>, vector<1x16xf32>,
      %parallel_loop3A_617 = vector.shape_cast %parallel_loop3A_616 : vector<1x16xf32> to vector<16xf32>
      %parallel_loop3A_618 = arith.subf %parallel_loop3A_613, %parallel_loop3A_617 : vector<16xf32>
      %parallel_loop3A_619 = arith.mulf %parallel_loop3A_618, %parallel_loop3A_618 : vector<16xf32>
      %parallel_loop3A_620 = arith.constant 5.000000e-01 : f32
      %parallel_loop3A_621 = vector.broadcast %parallel_loop3A_620 : f32 to vector<16xf32>
      %parallel_loop3A_622 = arith.subf %parallel_loop3A_621, %parallel_loop3A_619 : vector<16xf32>
      %parallel_loop3A_623 = arith.maximumf %parallel_loop3A_622, %broadcast_in_dim3A_125 : vector<16xf32>
      %parallel_loop3A_624 = arith.addf %parallel_loop3A_606, %parallel_loop3A_623 : vector<16xf32>
      %parallel_loop3A_625 = arith.index_cast %parallel_loop3A_605 : i32 to index
      %parallel_loop3A_626 = arith.constant 16 : index
      %parallel_loop3A_627 = tpu.vector_load %arg17[%parallel_loop3A_625, %parallel_loop3A_626] {strides = array<i32>} : memref<128x128xf32, #tpu.memory_space<vmem>>, vector<1x16xf32>,
      %parallel_loop3A_628 = vector.shape_cast %parallel_loop3A_627 : vector<1x16xf32> to vector<16xf32>
      %parallel_loop3A_629 = arith.index_cast %parallel_loop3A_605 : i32 to index
      %parallel_loop3A_630 = arith.constant 16 : index
      %parallel_loop3A_631 = tpu.vector_load %arg18[%parallel_loop3A_629, %parallel_loop3A_630] {strides = array<i32>} : memref<128x128xf32, #tpu.memory_space<vmem>>, vector<1x16xf32>,
      %parallel_loop3A_632 = vector.shape_cast %parallel_loop3A_631 : vector<1x16xf32> to vector<16xf32>
      %parallel_loop3A_633 = arith.subf %parallel_loop3A_628, %parallel_loop3A_632 : vector<16xf32>
      %parallel_loop3A_634 = arith.mulf %parallel_loop3A_633, %parallel_loop3A_633 : vector<16xf32>
      %parallel_loop3A_635 = arith.constant 5.000000e-01 : f32
      %parallel_loop3A_636 = vector.broadcast %parallel_loop3A_635 : f32 to vector<16xf32>
      %parallel_loop3A_637 = arith.subf %parallel_loop3A_636, %parallel_loop3A_634 : vector<16xf32>
      %parallel_loop3A_638 = arith.maximumf %parallel_loop3A_637, %broadcast_in_dim3A_125 : vector<16xf32>
      %parallel_loop3A_639 = arith.addf %parallel_loop3A_607, %parallel_loop3A_638 : vector<16xf32>
      %parallel_loop3A_640 = arith.index_cast %parallel_loop3A_605 : i32 to index
      %parallel_loop3A_641 = arith.constant 32 : index
      %parallel_loop3A_642 = tpu.vector_load %arg17[%parallel_loop3A_640, %parallel_loop3A_641] {strides = array<i32>} : memref<128x128xf32, #tpu.memory_space<vmem>>, vector<1x16xf32>,
      %parallel_loop3A_643 = vector.shape_cast %parallel_loop3A_642 : vector<1x16xf32> to vector<16xf32>
      %parallel_loop3A_644 = arith.index_cast %parallel_loop3A_605 : i32 to index
      %parallel_loop3A_645 = arith.constant 32 : index
      %parallel_loop3A_646 = tpu.vector_load %arg18[%parallel_loop3A_644, %parallel_loop3A_645] {strides = array<i32>} : memref<128x128xf32, #tpu.memory_space<vmem>>, vector<1x16xf32>,
      %parallel_loop3A_647 = vector.shape_cast %parallel_loop3A_646 : vector<1x16xf32> to vector<16xf32>
      %parallel_loop3A_648 = arith.subf %parallel_loop3A_643, %parallel_loop3A_647 : vector<16xf32>
      %parallel_loop3A_649 = arith.mulf %parallel_loop3A_648, %parallel_loop3A_648 : vector<16xf32>
      %parallel_loop3A_650 = arith.constant 5.000000e-01 : f32
      %parallel_loop3A_651 = vector.broadcast %parallel_loop3A_650 : f32 to vector<16xf32>
      %parallel_loop3A_652 = arith.subf %parallel_loop3A_651, %parallel_loop3A_649 : vector<16xf32>
      %parallel_loop3A_653 = arith.maximumf %parallel_loop3A_652, %broadcast_in_dim3A_125 : vector<16xf32>
      %parallel_loop3A_654 = arith.addf %parallel_loop3A_608, %parallel_loop3A_653 : vector<16xf32>
      %parallel_loop3A_655 = arith.index_cast %parallel_loop3A_605 : i32 to index
      %parallel_loop3A_656 = arith.constant 48 : index
      %parallel_loop3A_657 = tpu.vector_load %arg17[%parallel_loop3A_655, %parallel_loop3A_656] {strides = array<i32>} : memref<128x128xf32, #tpu.memory_space<vmem>>, vector<1x16xf32>,
      %parallel_loop3A_658 = vector.shape_cast %parallel_loop3A_657 : vector<1x16xf32> to vector<16xf32>
      %parallel_loop3A_659 = arith.index_cast %parallel_loop3A_605 : i32 to index
      %parallel_loop3A_660 = arith.constant 48 : index
      %parallel_loop3A_661 = tpu.vector_load %arg18[%parallel_loop3A_659, %parallel_loop3A_660] {strides = array<i32>} : memref<128x128xf32, #tpu.memory_space<vmem>>, vector<1x16xf32>,
      %parallel_loop3A_662 = vector.shape_cast %parallel_loop3A_661 : vector<1x16xf32> to vector<16xf32>
      %parallel_loop3A_663 = arith.subf %parallel_loop3A_658, %parallel_loop3A_662 : vector<16xf32>
      %parallel_loop3A_664 = arith.mulf %parallel_loop3A_663, %parallel_loop3A_663 : vector<16xf32>
      %parallel_loop3A_665 = arith.constant 5.000000e-01 : f32
      %parallel_loop3A_666 = vector.broadcast %parallel_loop3A_665 : f32 to vector<16xf32>
      %parallel_loop3A_667 = arith.subf %parallel_loop3A_666, %parallel_loop3A_664 : vector<16xf32>
      %parallel_loop3A_668 = arith.maximumf %parallel_loop3A_667, %broadcast_in_dim3A_125 : vector<16xf32>
      %parallel_loop3A_669 = arith.addf %parallel_loop3A_609, %parallel_loop3A_668 : vector<16xf32>
      %parallel_loop3A_670 = arith.index_cast %parallel_loop3A_605 : i32 to index
      %parallel_loop3A_671 = arith.constant 64 : index
      %parallel_loop3A_672 = tpu.vector_load %arg17[%parallel_loop3A_670, %parallel_loop3A_671] {strides = array<i32>} : memref<128x128xf32, #tpu.memory_space<vmem>>, vector<1x16xf32>,
      %parallel_loop3A_673 = vector.shape_cast %parallel_loop3A_672 : vector<1x16xf32> to vector<16xf32>
      %parallel_loop3A_674 = arith.index_cast %parallel_loop3A_605 : i32 to index
      %parallel_loop3A_675 = arith.constant 64 : index
      %parallel_loop3A_676 = tpu.vector_load %arg18[%parallel_loop3A_674, %parallel_loop3A_675] {strides = array<i32>} : memref<128x128xf32, #tpu.memory_space<vmem>>, vector<1x16xf32>,
      %parallel_loop3A_677 = vector.shape_cast %parallel_loop3A_676 : vector<1x16xf32> to vector<16xf32>
      %parallel_loop3A_678 = arith.subf %parallel_loop3A_673, %parallel_loop3A_677 : vector<16xf32>
      %parallel_loop3A_679 = arith.mulf %parallel_loop3A_678, %parallel_loop3A_678 : vector<16xf32>
      %parallel_loop3A_680 = arith.constant 5.000000e-01 : f32
      %parallel_loop3A_681 = vector.broadcast %parallel_loop3A_680 : f32 to vector<16xf32>
      %parallel_loop3A_682 = arith.subf %parallel_loop3A_681, %parallel_loop3A_679 : vector<16xf32>
      %parallel_loop3A_683 = arith.maximumf %parallel_loop3A_682, %broadcast_in_dim3A_125 : vector<16xf32>
      %parallel_loop3A_684 = arith.addf %parallel_loop3A_624, %parallel_loop3A_683 : vector<16xf32>
      %parallel_loop3A_685 = arith.index_cast %parallel_loop3A_605 : i32 to index
      %parallel_loop3A_686 = arith.constant 80 : index
      %parallel_loop3A_687 = tpu.vector_load %arg17[%parallel_loop3A_685, %parallel_loop3A_686] {strides = array<i32>} : memref<128x128xf32, #tpu.memory_space<vmem>>, vector<1x16xf32>,
      %parallel_loop3A_688 = vector.shape_cast %parallel_loop3A_687 : vector<1x16xf32> to vector<16xf32>
      %parallel_loop3A_689 = arith.index_cast %parallel_loop3A_605 : i32 to index
      %parallel_loop3A_690 = arith.constant 80 : index
      %parallel_loop3A_691 = tpu.vector_load %arg18[%parallel_loop3A_689, %parallel_loop3A_690] {strides = array<i32>} : memref<128x128xf32, #tpu.memory_space<vmem>>, vector<1x16xf32>,
      %parallel_loop3A_692 = vector.shape_cast %parallel_loop3A_691 : vector<1x16xf32> to vector<16xf32>
      %parallel_loop3A_693 = arith.subf %parallel_loop3A_688, %parallel_loop3A_692 : vector<16xf32>
      %parallel_loop3A_694 = arith.mulf %parallel_loop3A_693, %parallel_loop3A_693 : vector<16xf32>
      %parallel_loop3A_695 = arith.constant 5.000000e-01 : f32
      %parallel_loop3A_696 = vector.broadcast %parallel_loop3A_695 : f32 to vector<16xf32>
      %parallel_loop3A_697 = arith.subf %parallel_loop3A_696, %parallel_loop3A_694 : vector<16xf32>
      %parallel_loop3A_698 = arith.maximumf %parallel_loop3A_697, %broadcast_in_dim3A_125 : vector<16xf32>
      %parallel_loop3A_699 = arith.addf %parallel_loop3A_639, %parallel_loop3A_698 : vector<16xf32>
      %parallel_loop3A_700 = arith.index_cast %parallel_loop3A_605 : i32 to index
      %parallel_loop3A_701 = arith.constant 96 : index
      %parallel_loop3A_702 = tpu.vector_load %arg17[%parallel_loop3A_700, %parallel_loop3A_701] {strides = array<i32>} : memref<128x128xf32, #tpu.memory_space<vmem>>, vector<1x16xf32>,
      %parallel_loop3A_703 = vector.shape_cast %parallel_loop3A_702 : vector<1x16xf32> to vector<16xf32>
      %parallel_loop3A_704 = arith.index_cast %parallel_loop3A_605 : i32 to index
      %parallel_loop3A_705 = arith.constant 96 : index
      %parallel_loop3A_706 = tpu.vector_load %arg18[%parallel_loop3A_704, %parallel_loop3A_705] {strides = array<i32>} : memref<128x128xf32, #tpu.memory_space<vmem>>, vector<1x16xf32>,
      %parallel_loop3A_707 = vector.shape_cast %parallel_loop3A_706 : vector<1x16xf32> to vector<16xf32>
      %parallel_loop3A_708 = arith.subf %parallel_loop3A_703, %parallel_loop3A_707 : vector<16xf32>
      %parallel_loop3A_709 = arith.mulf %parallel_loop3A_708, %parallel_loop3A_708 : vector<16xf32>
      %parallel_loop3A_710 = arith.constant 5.000000e-01 : f32
      %parallel_loop3A_711 = vector.broadcast %parallel_loop3A_710 : f32 to vector<16xf32>
      %parallel_loop3A_712 = arith.subf %parallel_loop3A_711, %parallel_loop3A_709 : vector<16xf32>
      %parallel_loop3A_713 = arith.maximumf %parallel_loop3A_712, %broadcast_in_dim3A_125 : vector<16xf32>
      %parallel_loop3A_714 = arith.addf %parallel_loop3A_654, %parallel_loop3A_713 : vector<16xf32>
      %parallel_loop3A_715 = arith.index_cast %parallel_loop3A_605 : i32 to index
      %parallel_loop3A_716 = arith.constant 112 : index
      %parallel_loop3A_717 = tpu.vector_load %arg17[%parallel_loop3A_715, %parallel_loop3A_716] {strides = array<i32>} : memref<128x128xf32, #tpu.memory_space<vmem>>, vector<1x16xf32>,
      %parallel_loop3A_718 = vector.shape_cast %parallel_loop3A_717 : vector<1x16xf32> to vector<16xf32>
      %parallel_loop3A_719 = arith.index_cast %parallel_loop3A_605 : i32 to index
      %parallel_loop3A_720 = arith.constant 112 : index
      %parallel_loop3A_721 = tpu.vector_load %arg18[%parallel_loop3A_719, %parallel_loop3A_720] {strides = array<i32>} : memref<128x128xf32, #tpu.memory_space<vmem>>, vector<1x16xf32>,
      %parallel_loop3A_722 = vector.shape_cast %parallel_loop3A_721 : vector<1x16xf32> to vector<16xf32>
      %parallel_loop3A_723 = arith.subf %parallel_loop3A_718, %parallel_loop3A_722 : vector<16xf32>
      %parallel_loop3A_724 = arith.mulf %parallel_loop3A_723, %parallel_loop3A_723 : vector<16xf32>
      %parallel_loop3A_725 = arith.constant 5.000000e-01 : f32
      %parallel_loop3A_726 = vector.broadcast %parallel_loop3A_725 : f32 to vector<16xf32>
      %parallel_loop3A_727 = arith.subf %parallel_loop3A_726, %parallel_loop3A_724 : vector<16xf32>
      %parallel_loop3A_728 = arith.maximumf %parallel_loop3A_727, %broadcast_in_dim3A_125 : vector<16xf32>
      %parallel_loop3A_729 = arith.addf %parallel_loop3A_669, %parallel_loop3A_728 : vector<16xf32>
      scf.yield %parallel_loop3A_684, %parallel_loop3A_699, %parallel_loop3A_714, %parallel_loop3A_729 : vector<16xf32>, vector<16xf32>, vector<16xf32>, vector<16xf32>
    } {sc.loop_unroll_factor = 2 : i64, sc.parallel_access}
    %dma_start3A_162 = arith.constant 0 : i32
    %dma_start3A_163 = arith.constant 0 : i32
    %dma_start3A_164 = tpu.memref_slice %arg17[%dma_start3A_162, %dma_start3A_163] : memref<128x128xf32, #tpu.memory_space<vmem>> -> memref<128x128xf32, #tpu.memory_space<vmem>>
    %dma_start3A_165 = arith.constant 256 : i32
    %dma_start3A_166 = tpu.memref_slice %arg15[%dma_start3A_165] : memref<1264xi32, #tpu.memory_space<vmem>> -> memref<128xi32, #tpu.memory_space<vmem>>
    %dma_start3A_167 = arith.constant 0 : i32
    %dma_start3A_168 = arith.constant 0 : i32
    %dma_start3A_169 = tpu.memref_slice %arg2[%dma_start3A_167, %dma_start3A_168] : memref<294912x128xf32, #tpu.memory_space<hbm>> -> memref<294912x128xf32, #tpu.memory_space<hbm>>
    tpu.enqueue_indirect_dma source(%dma_start3A_169 : memref<294912x128xf32, #tpu.memory_space<hbm>>) target(%dma_start3A_164 : memref<128x128xf32, #tpu.memory_space<vmem>>) offsets(%dma_start3A_166 : memref<128xi32, #tpu.memory_space<vmem>>) semaphore(%arg22 : memref<!tpu.dma_semaphore, #tpu.memory_space<semaphore_mem>>)
    %dma_start3A_170 = arith.constant 0 : i32
    %dma_start3A_171 = arith.constant 0 : i32
    %dma_start3A_172 = tpu.memref_slice %arg18[%dma_start3A_170, %dma_start3A_171] : memref<128x128xf32, #tpu.memory_space<vmem>> -> memref<128x128xf32, #tpu.memory_space<vmem>>
    %dma_start3A_173 = arith.constant 256 : i32
    %dma_start3A_174 = tpu.memref_slice %arg16[%dma_start3A_173] : memref<1264xi32, #tpu.memory_space<vmem>> -> memref<128xi32, #tpu.memory_space<vmem>>
    %dma_start3A_175 = arith.constant 0 : i32
    %dma_start3A_176 = arith.constant 0 : i32
    %dma_start3A_177 = tpu.memref_slice %arg3[%dma_start3A_175, %dma_start3A_176] : memref<294912x128xf32, #tpu.memory_space<hbm>> -> memref<294912x128xf32, #tpu.memory_space<hbm>>
    tpu.enqueue_indirect_dma source(%dma_start3A_177 : memref<294912x128xf32, #tpu.memory_space<hbm>>) target(%dma_start3A_172 : memref<128x128xf32, #tpu.memory_space<vmem>>) offsets(%dma_start3A_174 : memref<128xi32, #tpu.memory_space<vmem>>) semaphore(%arg22 : memref<!tpu.dma_semaphore, #tpu.memory_space<semaphore_mem>>)
    %dma_wait3A_178 = arith.constant 0 : i32
    %dma_wait3A_179 = arith.constant 0 : i32
    %dma_wait3A_180 = tpu.memref_slice %arg19[%dma_wait3A_178, %dma_wait3A_179] : memref<128x128xf32, #tpu.memory_space<vmem>> -> memref<128x128xf32, #tpu.memory_space<vmem>>
    %dma_wait3A_181 = arith.constant 128 : i32
    %dma_wait3A_182 = tpu.memref_slice %arg15[%dma_wait3A_181] : memref<1264xi32, #tpu.memory_space<vmem>> -> memref<128xi32, #tpu.memory_space<vmem>>
    %dma_wait3A_183 = arith.constant 0 : i32
    %dma_wait3A_184 = arith.constant 0 : i32
    %dma_wait3A_185 = tpu.memref_slice %arg2[%dma_wait3A_183, %dma_wait3A_184] : memref<294912x128xf32, #tpu.memory_space<hbm>> -> memref<294912x128xf32, #tpu.memory_space<hbm>>
    tpu.wait_indirect_dma semaphore(%arg23 : memref<!tpu.dma_semaphore, #tpu.memory_space<semaphore_mem>>) src(%dma_wait3A_185 : memref<294912x128xf32, #tpu.memory_space<hbm>>) dst(%dma_wait3A_180 : memref<128x128xf32, #tpu.memory_space<vmem>>)
    %dma_wait3A_186 = arith.constant 0 : i32
    %dma_wait3A_187 = arith.constant 0 : i32
    %dma_wait3A_188 = tpu.memref_slice %arg20[%dma_wait3A_186, %dma_wait3A_187] : memref<128x128xf32, #tpu.memory_space<vmem>> -> memref<128x128xf32, #tpu.memory_space<vmem>>
    %dma_wait3A_189 = arith.constant 128 : i32
    %dma_wait3A_190 = tpu.memref_slice %arg16[%dma_wait3A_189] : memref<1264xi32, #tpu.memory_space<vmem>> -> memref<128xi32, #tpu.memory_space<vmem>>
    %dma_wait3A_191 = arith.constant 0 : i32
    %dma_wait3A_192 = arith.constant 0 : i32
    %dma_wait3A_193 = tpu.memref_slice %arg3[%dma_wait3A_191, %dma_wait3A_192] : memref<294912x128xf32, #tpu.memory_space<hbm>> -> memref<294912x128xf32, #tpu.memory_space<hbm>>
    tpu.wait_indirect_dma semaphore(%arg23 : memref<!tpu.dma_semaphore, #tpu.memory_space<semaphore_mem>>) src(%dma_wait3A_193 : memref<294912x128xf32, #tpu.memory_space<hbm>>) dst(%dma_wait3A_188 : memref<128x128xf32, #tpu.memory_space<vmem>>)
    %parallel_loop3A_194 = arith.constant 0 : i32
    %parallel_loop3A_195 = arith.constant 128 : i32
    %parallel_loop3A_196 = arith.constant 1 : i32
    %parallel_loop3A_197:4 = scf.for %parallel_loop3A_605 = %parallel_loop3A_194 to %parallel_loop3A_195 step %parallel_loop3A_196 iter_args(%parallel_loop3A_606 = %parallel_loop3A_161#0, %parallel_loop3A_607 = %parallel_loop3A_161#1, %parallel_loop3A_608 = %parallel_loop3A_161#2, %parallel_loop3A_609 = %parallel_loop3A_161#3) -> (vector<16xf32>, vector<16xf32>, vector<16xf32>, vector<16xf32>)  : i32 {
      %parallel_loop3A_610 = arith.index_cast %parallel_loop3A_605 : i32 to index
      %parallel_loop3A_611 = arith.constant 0 : index
      %parallel_loop3A_612 = tpu.vector_load %arg19[%parallel_loop3A_610, %parallel_loop3A_611] {strides = array<i32>} : memref<128x128xf32, #tpu.memory_space<vmem>>, vector<1x16xf32>,
      %parallel_loop3A_613 = vector.shape_cast %parallel_loop3A_612 : vector<1x16xf32> to vector<16xf32>
      %parallel_loop3A_614 = arith.index_cast %parallel_loop3A_605 : i32 to index
      %parallel_loop3A_615 = arith.constant 0 : index
      %parallel_loop3A_616 = tpu.vector_load %arg20[%parallel_loop3A_614, %parallel_loop3A_615] {strides = array<i32>} : memref<128x128xf32, #tpu.memory_space<vmem>>, vector<1x16xf32>,
      %parallel_loop3A_617 = vector.shape_cast %parallel_loop3A_616 : vector<1x16xf32> to vector<16xf32>
      %parallel_loop3A_618 = arith.subf %parallel_loop3A_613, %parallel_loop3A_617 : vector<16xf32>
      %parallel_loop3A_619 = arith.mulf %parallel_loop3A_618, %parallel_loop3A_618 : vector<16xf32>
      %parallel_loop3A_620 = arith.constant 5.000000e-01 : f32
      %parallel_loop3A_621 = vector.broadcast %parallel_loop3A_620 : f32 to vector<16xf32>
      %parallel_loop3A_622 = arith.subf %parallel_loop3A_621, %parallel_loop3A_619 : vector<16xf32>
      %parallel_loop3A_623 = arith.maximumf %parallel_loop3A_622, %broadcast_in_dim3A_125 : vector<16xf32>
      %parallel_loop3A_624 = arith.addf %parallel_loop3A_606, %parallel_loop3A_623 : vector<16xf32>
      %parallel_loop3A_625 = arith.index_cast %parallel_loop3A_605 : i32 to index
      %parallel_loop3A_626 = arith.constant 16 : index
      %parallel_loop3A_627 = tpu.vector_load %arg19[%parallel_loop3A_625, %parallel_loop3A_626] {strides = array<i32>} : memref<128x128xf32, #tpu.memory_space<vmem>>, vector<1x16xf32>,
      %parallel_loop3A_628 = vector.shape_cast %parallel_loop3A_627 : vector<1x16xf32> to vector<16xf32>
      %parallel_loop3A_629 = arith.index_cast %parallel_loop3A_605 : i32 to index
      %parallel_loop3A_630 = arith.constant 16 : index
      %parallel_loop3A_631 = tpu.vector_load %arg20[%parallel_loop3A_629, %parallel_loop3A_630] {strides = array<i32>} : memref<128x128xf32, #tpu.memory_space<vmem>>, vector<1x16xf32>,
      %parallel_loop3A_632 = vector.shape_cast %parallel_loop3A_631 : vector<1x16xf32> to vector<16xf32>
      %parallel_loop3A_633 = arith.subf %parallel_loop3A_628, %parallel_loop3A_632 : vector<16xf32>
      %parallel_loop3A_634 = arith.mulf %parallel_loop3A_633, %parallel_loop3A_633 : vector<16xf32>
      %parallel_loop3A_635 = arith.constant 5.000000e-01 : f32
      %parallel_loop3A_636 = vector.broadcast %parallel_loop3A_635 : f32 to vector<16xf32>
      %parallel_loop3A_637 = arith.subf %parallel_loop3A_636, %parallel_loop3A_634 : vector<16xf32>
      %parallel_loop3A_638 = arith.maximumf %parallel_loop3A_637, %broadcast_in_dim3A_125 : vector<16xf32>
      %parallel_loop3A_639 = arith.addf %parallel_loop3A_607, %parallel_loop3A_638 : vector<16xf32>
      %parallel_loop3A_640 = arith.index_cast %parallel_loop3A_605 : i32 to index
      %parallel_loop3A_641 = arith.constant 32 : index
      %parallel_loop3A_642 = tpu.vector_load %arg19[%parallel_loop3A_640, %parallel_loop3A_641] {strides = array<i32>} : memref<128x128xf32, #tpu.memory_space<vmem>>, vector<1x16xf32>,
      %parallel_loop3A_643 = vector.shape_cast %parallel_loop3A_642 : vector<1x16xf32> to vector<16xf32>
      %parallel_loop3A_644 = arith.index_cast %parallel_loop3A_605 : i32 to index
      %parallel_loop3A_645 = arith.constant 32 : index
      %parallel_loop3A_646 = tpu.vector_load %arg20[%parallel_loop3A_644, %parallel_loop3A_645] {strides = array<i32>} : memref<128x128xf32, #tpu.memory_space<vmem>>, vector<1x16xf32>,
      %parallel_loop3A_647 = vector.shape_cast %parallel_loop3A_646 : vector<1x16xf32> to vector<16xf32>
      %parallel_loop3A_648 = arith.subf %parallel_loop3A_643, %parallel_loop3A_647 : vector<16xf32>
      %parallel_loop3A_649 = arith.mulf %parallel_loop3A_648, %parallel_loop3A_648 : vector<16xf32>
      %parallel_loop3A_650 = arith.constant 5.000000e-01 : f32
      %parallel_loop3A_651 = vector.broadcast %parallel_loop3A_650 : f32 to vector<16xf32>
      %parallel_loop3A_652 = arith.subf %parallel_loop3A_651, %parallel_loop3A_649 : vector<16xf32>
      %parallel_loop3A_653 = arith.maximumf %parallel_loop3A_652, %broadcast_in_dim3A_125 : vector<16xf32>
      %parallel_loop3A_654 = arith.addf %parallel_loop3A_608, %parallel_loop3A_653 : vector<16xf32>
      %parallel_loop3A_655 = arith.index_cast %parallel_loop3A_605 : i32 to index
      %parallel_loop3A_656 = arith.constant 48 : index
      %parallel_loop3A_657 = tpu.vector_load %arg19[%parallel_loop3A_655, %parallel_loop3A_656] {strides = array<i32>} : memref<128x128xf32, #tpu.memory_space<vmem>>, vector<1x16xf32>,
      %parallel_loop3A_658 = vector.shape_cast %parallel_loop3A_657 : vector<1x16xf32> to vector<16xf32>
      %parallel_loop3A_659 = arith.index_cast %parallel_loop3A_605 : i32 to index
      %parallel_loop3A_660 = arith.constant 48 : index
      %parallel_loop3A_661 = tpu.vector_load %arg20[%parallel_loop3A_659, %parallel_loop3A_660] {strides = array<i32>} : memref<128x128xf32, #tpu.memory_space<vmem>>, vector<1x16xf32>,
      %parallel_loop3A_662 = vector.shape_cast %parallel_loop3A_661 : vector<1x16xf32> to vector<16xf32>
      %parallel_loop3A_663 = arith.subf %parallel_loop3A_658, %parallel_loop3A_662 : vector<16xf32>
      %parallel_loop3A_664 = arith.mulf %parallel_loop3A_663, %parallel_loop3A_663 : vector<16xf32>
      %parallel_loop3A_665 = arith.constant 5.000000e-01 : f32
      %parallel_loop3A_666 = vector.broadcast %parallel_loop3A_665 : f32 to vector<16xf32>
      %parallel_loop3A_667 = arith.subf %parallel_loop3A_666, %parallel_loop3A_664 : vector<16xf32>
      %parallel_loop3A_668 = arith.maximumf %parallel_loop3A_667, %broadcast_in_dim3A_125 : vector<16xf32>
      %parallel_loop3A_669 = arith.addf %parallel_loop3A_609, %parallel_loop3A_668 : vector<16xf32>
      %parallel_loop3A_670 = arith.index_cast %parallel_loop3A_605 : i32 to index
      %parallel_loop3A_671 = arith.constant 64 : index
      %parallel_loop3A_672 = tpu.vector_load %arg19[%parallel_loop3A_670, %parallel_loop3A_671] {strides = array<i32>} : memref<128x128xf32, #tpu.memory_space<vmem>>, vector<1x16xf32>,
      %parallel_loop3A_673 = vector.shape_cast %parallel_loop3A_672 : vector<1x16xf32> to vector<16xf32>
      %parallel_loop3A_674 = arith.index_cast %parallel_loop3A_605 : i32 to index
      %parallel_loop3A_675 = arith.constant 64 : index
      %parallel_loop3A_676 = tpu.vector_load %arg20[%parallel_loop3A_674, %parallel_loop3A_675] {strides = array<i32>} : memref<128x128xf32, #tpu.memory_space<vmem>>, vector<1x16xf32>,
      %parallel_loop3A_677 = vector.shape_cast %parallel_loop3A_676 : vector<1x16xf32> to vector<16xf32>
      %parallel_loop3A_678 = arith.subf %parallel_loop3A_673, %parallel_loop3A_677 : vector<16xf32>
      %parallel_loop3A_679 = arith.mulf %parallel_loop3A_678, %parallel_loop3A_678 : vector<16xf32>
      %parallel_loop3A_680 = arith.constant 5.000000e-01 : f32
      %parallel_loop3A_681 = vector.broadcast %parallel_loop3A_680 : f32 to vector<16xf32>
      %parallel_loop3A_682 = arith.subf %parallel_loop3A_681, %parallel_loop3A_679 : vector<16xf32>
      %parallel_loop3A_683 = arith.maximumf %parallel_loop3A_682, %broadcast_in_dim3A_125 : vector<16xf32>
      %parallel_loop3A_684 = arith.addf %parallel_loop3A_624, %parallel_loop3A_683 : vector<16xf32>
      %parallel_loop3A_685 = arith.index_cast %parallel_loop3A_605 : i32 to index
      %parallel_loop3A_686 = arith.constant 80 : index
      %parallel_loop3A_687 = tpu.vector_load %arg19[%parallel_loop3A_685, %parallel_loop3A_686] {strides = array<i32>} : memref<128x128xf32, #tpu.memory_space<vmem>>, vector<1x16xf32>,
      %parallel_loop3A_688 = vector.shape_cast %parallel_loop3A_687 : vector<1x16xf32> to vector<16xf32>
      %parallel_loop3A_689 = arith.index_cast %parallel_loop3A_605 : i32 to index
      %parallel_loop3A_690 = arith.constant 80 : index
      %parallel_loop3A_691 = tpu.vector_load %arg20[%parallel_loop3A_689, %parallel_loop3A_690] {strides = array<i32>} : memref<128x128xf32, #tpu.memory_space<vmem>>, vector<1x16xf32>,
      %parallel_loop3A_692 = vector.shape_cast %parallel_loop3A_691 : vector<1x16xf32> to vector<16xf32>
      %parallel_loop3A_693 = arith.subf %parallel_loop3A_688, %parallel_loop3A_692 : vector<16xf32>
      %parallel_loop3A_694 = arith.mulf %parallel_loop3A_693, %parallel_loop3A_693 : vector<16xf32>
      %parallel_loop3A_695 = arith.constant 5.000000e-01 : f32
      %parallel_loop3A_696 = vector.broadcast %parallel_loop3A_695 : f32 to vector<16xf32>
      %parallel_loop3A_697 = arith.subf %parallel_loop3A_696, %parallel_loop3A_694 : vector<16xf32>
      %parallel_loop3A_698 = arith.maximumf %parallel_loop3A_697, %broadcast_in_dim3A_125 : vector<16xf32>
      %parallel_loop3A_699 = arith.addf %parallel_loop3A_639, %parallel_loop3A_698 : vector<16xf32>
      %parallel_loop3A_700 = arith.index_cast %parallel_loop3A_605 : i32 to index
      %parallel_loop3A_701 = arith.constant 96 : index
      %parallel_loop3A_702 = tpu.vector_load %arg19[%parallel_loop3A_700, %parallel_loop3A_701] {strides = array<i32>} : memref<128x128xf32, #tpu.memory_space<vmem>>, vector<1x16xf32>,
      %parallel_loop3A_703 = vector.shape_cast %parallel_loop3A_702 : vector<1x16xf32> to vector<16xf32>
      %parallel_loop3A_704 = arith.index_cast %parallel_loop3A_605 : i32 to index
      %parallel_loop3A_705 = arith.constant 96 : index
      %parallel_loop3A_706 = tpu.vector_load %arg20[%parallel_loop3A_704, %parallel_loop3A_705] {strides = array<i32>} : memref<128x128xf32, #tpu.memory_space<vmem>>, vector<1x16xf32>,
      %parallel_loop3A_707 = vector.shape_cast %parallel_loop3A_706 : vector<1x16xf32> to vector<16xf32>
      %parallel_loop3A_708 = arith.subf %parallel_loop3A_703, %parallel_loop3A_707 : vector<16xf32>
      %parallel_loop3A_709 = arith.mulf %parallel_loop3A_708, %parallel_loop3A_708 : vector<16xf32>
      %parallel_loop3A_710 = arith.constant 5.000000e-01 : f32
      %parallel_loop3A_711 = vector.broadcast %parallel_loop3A_710 : f32 to vector<16xf32>
      %parallel_loop3A_712 = arith.subf %parallel_loop3A_711, %parallel_loop3A_709 : vector<16xf32>
      %parallel_loop3A_713 = arith.maximumf %parallel_loop3A_712, %broadcast_in_dim3A_125 : vector<16xf32>
      %parallel_loop3A_714 = arith.addf %parallel_loop3A_654, %parallel_loop3A_713 : vector<16xf32>
      %parallel_loop3A_715 = arith.index_cast %parallel_loop3A_605 : i32 to index
      %parallel_loop3A_716 = arith.constant 112 : index
      %parallel_loop3A_717 = tpu.vector_load %arg19[%parallel_loop3A_715, %parallel_loop3A_716] {strides = array<i32>} : memref<128x128xf32, #tpu.memory_space<vmem>>, vector<1x16xf32>,
      %parallel_loop3A_718 = vector.shape_cast %parallel_loop3A_717 : vector<1x16xf32> to vector<16xf32>
      %parallel_loop3A_719 = arith.index_cast %parallel_loop3A_605 : i32 to index
      %parallel_loop3A_720 = arith.constant 112 : index
      %parallel_loop3A_721 = tpu.vector_load %arg20[%parallel_loop3A_719, %parallel_loop3A_720] {strides = array<i32>} : memref<128x128xf32, #tpu.memory_space<vmem>>, vector<1x16xf32>,
      %parallel_loop3A_722 = vector.shape_cast %parallel_loop3A_721 : vector<1x16xf32> to vector<16xf32>
      %parallel_loop3A_723 = arith.subf %parallel_loop3A_718, %parallel_loop3A_722 : vector<16xf32>
      %parallel_loop3A_724 = arith.mulf %parallel_loop3A_723, %parallel_loop3A_723 : vector<16xf32>
      %parallel_loop3A_725 = arith.constant 5.000000e-01 : f32
      %parallel_loop3A_726 = vector.broadcast %parallel_loop3A_725 : f32 to vector<16xf32>
      %parallel_loop3A_727 = arith.subf %parallel_loop3A_726, %parallel_loop3A_724 : vector<16xf32>
      %parallel_loop3A_728 = arith.maximumf %parallel_loop3A_727, %broadcast_in_dim3A_125 : vector<16xf32>
      %parallel_loop3A_729 = arith.addf %parallel_loop3A_669, %parallel_loop3A_728 : vector<16xf32>
      scf.yield %parallel_loop3A_684, %parallel_loop3A_699, %parallel_loop3A_714, %parallel_loop3A_729 : vector<16xf32>, vector<16xf32>, vector<16xf32>, vector<16xf32>
    } {sc.loop_unroll_factor = 2 : i64, sc.parallel_access}
    %dma_start3A_198 = arith.constant 0 : i32
    %dma_start3A_199 = arith.constant 0 : i32
    %dma_start3A_200 = tpu.memref_slice %arg19[%dma_start3A_198, %dma_start3A_199] : memref<128x128xf32, #tpu.memory_space<vmem>> -> memref<128x128xf32, #tpu.memory_space<vmem>>
    %dma_start3A_201 = arith.constant 384 : i32
    %dma_start3A_202 = tpu.memref_slice %arg15[%dma_start3A_201] : memref<1264xi32, #tpu.memory_space<vmem>> -> memref<128xi32, #tpu.memory_space<vmem>>
    %dma_start3A_203 = arith.constant 0 : i32
    %dma_start3A_204 = arith.constant 0 : i32
    %dma_start3A_205 = tpu.memref_slice %arg2[%dma_start3A_203, %dma_start3A_204] : memref<294912x128xf32, #tpu.memory_space<hbm>> -> memref<294912x128xf32, #tpu.memory_space<hbm>>
    tpu.enqueue_indirect_dma source(%dma_start3A_205 : memref<294912x128xf32, #tpu.memory_space<hbm>>) target(%dma_start3A_200 : memref<128x128xf32, #tpu.memory_space<vmem>>) offsets(%dma_start3A_202 : memref<128xi32, #tpu.memory_space<vmem>>) semaphore(%arg23 : memref<!tpu.dma_semaphore, #tpu.memory_space<semaphore_mem>>)
    %dma_start3A_206 = arith.constant 0 : i32
    %dma_start3A_207 = arith.constant 0 : i32
    %dma_start3A_208 = tpu.memref_slice %arg20[%dma_start3A_206, %dma_start3A_207] : memref<128x128xf32, #tpu.memory_space<vmem>> -> memref<128x128xf32, #tpu.memory_space<vmem>>
    %dma_start3A_209 = arith.constant 384 : i32
    %dma_start3A_210 = tpu.memref_slice %arg16[%dma_start3A_209] : memref<1264xi32, #tpu.memory_space<vmem>> -> memref<128xi32, #tpu.memory_space<vmem>>
    %dma_start3A_211 = arith.constant 0 : i32
    %dma_start3A_212 = arith.constant 0 : i32
    %dma_start3A_213 = tpu.memref_slice %arg3[%dma_start3A_211, %dma_start3A_212] : memref<294912x128xf32, #tpu.memory_space<hbm>> -> memref<294912x128xf32, #tpu.memory_space<hbm>>
    tpu.enqueue_indirect_dma source(%dma_start3A_213 : memref<294912x128xf32, #tpu.memory_space<hbm>>) target(%dma_start3A_208 : memref<128x128xf32, #tpu.memory_space<vmem>>) offsets(%dma_start3A_210 : memref<128xi32, #tpu.memory_space<vmem>>) semaphore(%arg23 : memref<!tpu.dma_semaphore, #tpu.memory_space<semaphore_mem>>)
    %dma_wait3A_214 = arith.constant 0 : i32
    %dma_wait3A_215 = arith.constant 0 : i32
    %dma_wait3A_216 = tpu.memref_slice %arg17[%dma_wait3A_214, %dma_wait3A_215] : memref<128x128xf32, #tpu.memory_space<vmem>> -> memref<128x128xf32, #tpu.memory_space<vmem>>
    %dma_wait3A_217 = arith.constant 256 : i32
    %dma_wait3A_218 = tpu.memref_slice %arg15[%dma_wait3A_217] : memref<1264xi32, #tpu.memory_space<vmem>> -> memref<128xi32, #tpu.memory_space<vmem>>
    %dma_wait3A_219 = arith.constant 0 : i32
    %dma_wait3A_220 = arith.constant 0 : i32
    %dma_wait3A_221 = tpu.memref_slice %arg2[%dma_wait3A_219, %dma_wait3A_220] : memref<294912x128xf32, #tpu.memory_space<hbm>> -> memref<294912x128xf32, #tpu.memory_space<hbm>>
    tpu.wait_indirect_dma semaphore(%arg22 : memref<!tpu.dma_semaphore, #tpu.memory_space<semaphore_mem>>) src(%dma_wait3A_221 : memref<294912x128xf32, #tpu.memory_space<hbm>>) dst(%dma_wait3A_216 : memref<128x128xf32, #tpu.memory_space<vmem>>)
    %dma_wait3A_222 = arith.constant 0 : i32
    %dma_wait3A_223 = arith.constant 0 : i32
    %dma_wait3A_224 = tpu.memref_slice %arg18[%dma_wait3A_222, %dma_wait3A_223] : memref<128x128xf32, #tpu.memory_space<vmem>> -> memref<128x128xf32, #tpu.memory_space<vmem>>
    %dma_wait3A_225 = arith.constant 256 : i32
    %dma_wait3A_226 = tpu.memref_slice %arg16[%dma_wait3A_225] : memref<1264xi32, #tpu.memory_space<vmem>> -> memref<128xi32, #tpu.memory_space<vmem>>
    %dma_wait3A_227 = arith.constant 0 : i32
    %dma_wait3A_228 = arith.constant 0 : i32
    %dma_wait3A_229 = tpu.memref_slice %arg3[%dma_wait3A_227, %dma_wait3A_228] : memref<294912x128xf32, #tpu.memory_space<hbm>> -> memref<294912x128xf32, #tpu.memory_space<hbm>>
    tpu.wait_indirect_dma semaphore(%arg22 : memref<!tpu.dma_semaphore, #tpu.memory_space<semaphore_mem>>) src(%dma_wait3A_229 : memref<294912x128xf32, #tpu.memory_space<hbm>>) dst(%dma_wait3A_224 : memref<128x128xf32, #tpu.memory_space<vmem>>)
    %parallel_loop3A_230 = arith.constant 0 : i32
    %parallel_loop3A_231 = arith.constant 128 : i32
    %parallel_loop3A_232 = arith.constant 1 : i32
    %parallel_loop3A_233:4 = scf.for %parallel_loop3A_605 = %parallel_loop3A_230 to %parallel_loop3A_231 step %parallel_loop3A_232 iter_args(%parallel_loop3A_606 = %parallel_loop3A_197#0, %parallel_loop3A_607 = %parallel_loop3A_197#1, %parallel_loop3A_608 = %parallel_loop3A_197#2, %parallel_loop3A_609 = %parallel_loop3A_197#3) -> (vector<16xf32>, vector<16xf32>, vector<16xf32>, vector<16xf32>)  : i32 {
      %parallel_loop3A_610 = arith.index_cast %parallel_loop3A_605 : i32 to index
      %parallel_loop3A_611 = arith.constant 0 : index
      %parallel_loop3A_612 = tpu.vector_load %arg17[%parallel_loop3A_610, %parallel_loop3A_611] {strides = array<i32>} : memref<128x128xf32, #tpu.memory_space<vmem>>, vector<1x16xf32>,
      %parallel_loop3A_613 = vector.shape_cast %parallel_loop3A_612 : vector<1x16xf32> to vector<16xf32>
      %parallel_loop3A_614 = arith.index_cast %parallel_loop3A_605 : i32 to index
      %parallel_loop3A_615 = arith.constant 0 : index
      %parallel_loop3A_616 = tpu.vector_load %arg18[%parallel_loop3A_614, %parallel_loop3A_615] {strides = array<i32>} : memref<128x128xf32, #tpu.memory_space<vmem>>, vector<1x16xf32>,
      %parallel_loop3A_617 = vector.shape_cast %parallel_loop3A_616 : vector<1x16xf32> to vector<16xf32>
      %parallel_loop3A_618 = arith.subf %parallel_loop3A_613, %parallel_loop3A_617 : vector<16xf32>
      %parallel_loop3A_619 = arith.mulf %parallel_loop3A_618, %parallel_loop3A_618 : vector<16xf32>
      %parallel_loop3A_620 = arith.constant 5.000000e-01 : f32
      %parallel_loop3A_621 = vector.broadcast %parallel_loop3A_620 : f32 to vector<16xf32>
      %parallel_loop3A_622 = arith.subf %parallel_loop3A_621, %parallel_loop3A_619 : vector<16xf32>
      %parallel_loop3A_623 = arith.maximumf %parallel_loop3A_622, %broadcast_in_dim3A_125 : vector<16xf32>
      %parallel_loop3A_624 = arith.addf %parallel_loop3A_606, %parallel_loop3A_623 : vector<16xf32>
      %parallel_loop3A_625 = arith.index_cast %parallel_loop3A_605 : i32 to index
      %parallel_loop3A_626 = arith.constant 16 : index
      %parallel_loop3A_627 = tpu.vector_load %arg17[%parallel_loop3A_625, %parallel_loop3A_626] {strides = array<i32>} : memref<128x128xf32, #tpu.memory_space<vmem>>, vector<1x16xf32>,
      %parallel_loop3A_628 = vector.shape_cast %parallel_loop3A_627 : vector<1x16xf32> to vector<16xf32>
      %parallel_loop3A_629 = arith.index_cast %parallel_loop3A_605 : i32 to index
      %parallel_loop3A_630 = arith.constant 16 : index
      %parallel_loop3A_631 = tpu.vector_load %arg18[%parallel_loop3A_629, %parallel_loop3A_630] {strides = array<i32>} : memref<128x128xf32, #tpu.memory_space<vmem>>, vector<1x16xf32>,
      %parallel_loop3A_632 = vector.shape_cast %parallel_loop3A_631 : vector<1x16xf32> to vector<16xf32>
      %parallel_loop3A_633 = arith.subf %parallel_loop3A_628, %parallel_loop3A_632 : vector<16xf32>
      %parallel_loop3A_634 = arith.mulf %parallel_loop3A_633, %parallel_loop3A_633 : vector<16xf32>
      %parallel_loop3A_635 = arith.constant 5.000000e-01 : f32
      %parallel_loop3A_636 = vector.broadcast %parallel_loop3A_635 : f32 to vector<16xf32>
      %parallel_loop3A_637 = arith.subf %parallel_loop3A_636, %parallel_loop3A_634 : vector<16xf32>
      %parallel_loop3A_638 = arith.maximumf %parallel_loop3A_637, %broadcast_in_dim3A_125 : vector<16xf32>
      %parallel_loop3A_639 = arith.addf %parallel_loop3A_607, %parallel_loop3A_638 : vector<16xf32>
      %parallel_loop3A_640 = arith.index_cast %parallel_loop3A_605 : i32 to index
      %parallel_loop3A_641 = arith.constant 32 : index
      %parallel_loop3A_642 = tpu.vector_load %arg17[%parallel_loop3A_640, %parallel_loop3A_641] {strides = array<i32>} : memref<128x128xf32, #tpu.memory_space<vmem>>, vector<1x16xf32>,
      %parallel_loop3A_643 = vector.shape_cast %parallel_loop3A_642 : vector<1x16xf32> to vector<16xf32>
      %parallel_loop3A_644 = arith.index_cast %parallel_loop3A_605 : i32 to index
      %parallel_loop3A_645 = arith.constant 32 : index
      %parallel_loop3A_646 = tpu.vector_load %arg18[%parallel_loop3A_644, %parallel_loop3A_645] {strides = array<i32>} : memref<128x128xf32, #tpu.memory_space<vmem>>, vector<1x16xf32>,
      %parallel_loop3A_647 = vector.shape_cast %parallel_loop3A_646 : vector<1x16xf32> to vector<16xf32>
      %parallel_loop3A_648 = arith.subf %parallel_loop3A_643, %parallel_loop3A_647 : vector<16xf32>
      %parallel_loop3A_649 = arith.mulf %parallel_loop3A_648, %parallel_loop3A_648 : vector<16xf32>
      %parallel_loop3A_650 = arith.constant 5.000000e-01 : f32
      %parallel_loop3A_651 = vector.broadcast %parallel_loop3A_650 : f32 to vector<16xf32>
      %parallel_loop3A_652 = arith.subf %parallel_loop3A_651, %parallel_loop3A_649 : vector<16xf32>
      %parallel_loop3A_653 = arith.maximumf %parallel_loop3A_652, %broadcast_in_dim3A_125 : vector<16xf32>
      %parallel_loop3A_654 = arith.addf %parallel_loop3A_608, %parallel_loop3A_653 : vector<16xf32>
      %parallel_loop3A_655 = arith.index_cast %parallel_loop3A_605 : i32 to index
      %parallel_loop3A_656 = arith.constant 48 : index
      %parallel_loop3A_657 = tpu.vector_load %arg17[%parallel_loop3A_655, %parallel_loop3A_656] {strides = array<i32>} : memref<128x128xf32, #tpu.memory_space<vmem>>, vector<1x16xf32>,
      %parallel_loop3A_658 = vector.shape_cast %parallel_loop3A_657 : vector<1x16xf32> to vector<16xf32>
      %parallel_loop3A_659 = arith.index_cast %parallel_loop3A_605 : i32 to index
      %parallel_loop3A_660 = arith.constant 48 : index
      %parallel_loop3A_661 = tpu.vector_load %arg18[%parallel_loop3A_659, %parallel_loop3A_660] {strides = array<i32>} : memref<128x128xf32, #tpu.memory_space<vmem>>, vector<1x16xf32>,
      %parallel_loop3A_662 = vector.shape_cast %parallel_loop3A_661 : vector<1x16xf32> to vector<16xf32>
      %parallel_loop3A_663 = arith.subf %parallel_loop3A_658, %parallel_loop3A_662 : vector<16xf32>
      %parallel_loop3A_664 = arith.mulf %parallel_loop3A_663, %parallel_loop3A_663 : vector<16xf32>
      %parallel_loop3A_665 = arith.constant 5.000000e-01 : f32
      %parallel_loop3A_666 = vector.broadcast %parallel_loop3A_665 : f32 to vector<16xf32>
      %parallel_loop3A_667 = arith.subf %parallel_loop3A_666, %parallel_loop3A_664 : vector<16xf32>
      %parallel_loop3A_668 = arith.maximumf %parallel_loop3A_667, %broadcast_in_dim3A_125 : vector<16xf32>
      %parallel_loop3A_669 = arith.addf %parallel_loop3A_609, %parallel_loop3A_668 : vector<16xf32>
      %parallel_loop3A_670 = arith.index_cast %parallel_loop3A_605 : i32 to index
      %parallel_loop3A_671 = arith.constant 64 : index
      %parallel_loop3A_672 = tpu.vector_load %arg17[%parallel_loop3A_670, %parallel_loop3A_671] {strides = array<i32>} : memref<128x128xf32, #tpu.memory_space<vmem>>, vector<1x16xf32>,
      %parallel_loop3A_673 = vector.shape_cast %parallel_loop3A_672 : vector<1x16xf32> to vector<16xf32>
      %parallel_loop3A_674 = arith.index_cast %parallel_loop3A_605 : i32 to index
      %parallel_loop3A_675 = arith.constant 64 : index
      %parallel_loop3A_676 = tpu.vector_load %arg18[%parallel_loop3A_674, %parallel_loop3A_675] {strides = array<i32>} : memref<128x128xf32, #tpu.memory_space<vmem>>, vector<1x16xf32>,
      %parallel_loop3A_677 = vector.shape_cast %parallel_loop3A_676 : vector<1x16xf32> to vector<16xf32>
      %parallel_loop3A_678 = arith.subf %parallel_loop3A_673, %parallel_loop3A_677 : vector<16xf32>
      %parallel_loop3A_679 = arith.mulf %parallel_loop3A_678, %parallel_loop3A_678 : vector<16xf32>
      %parallel_loop3A_680 = arith.constant 5.000000e-01 : f32
      %parallel_loop3A_681 = vector.broadcast %parallel_loop3A_680 : f32 to vector<16xf32>
      %parallel_loop3A_682 = arith.subf %parallel_loop3A_681, %parallel_loop3A_679 : vector<16xf32>
      %parallel_loop3A_683 = arith.maximumf %parallel_loop3A_682, %broadcast_in_dim3A_125 : vector<16xf32>
      %parallel_loop3A_684 = arith.addf %parallel_loop3A_624, %parallel_loop3A_683 : vector<16xf32>
      %parallel_loop3A_685 = arith.index_cast %parallel_loop3A_605 : i32 to index
      %parallel_loop3A_686 = arith.constant 80 : index
      %parallel_loop3A_687 = tpu.vector_load %arg17[%parallel_loop3A_685, %parallel_loop3A_686] {strides = array<i32>} : memref<128x128xf32, #tpu.memory_space<vmem>>, vector<1x16xf32>,
      %parallel_loop3A_688 = vector.shape_cast %parallel_loop3A_687 : vector<1x16xf32> to vector<16xf32>
      %parallel_loop3A_689 = arith.index_cast %parallel_loop3A_605 : i32 to index
      %parallel_loop3A_690 = arith.constant 80 : index
      %parallel_loop3A_691 = tpu.vector_load %arg18[%parallel_loop3A_689, %parallel_loop3A_690] {strides = array<i32>} : memref<128x128xf32, #tpu.memory_space<vmem>>, vector<1x16xf32>,
      %parallel_loop3A_692 = vector.shape_cast %parallel_loop3A_691 : vector<1x16xf32> to vector<16xf32>
      %parallel_loop3A_693 = arith.subf %parallel_loop3A_688, %parallel_loop3A_692 : vector<16xf32>
      %parallel_loop3A_694 = arith.mulf %parallel_loop3A_693, %parallel_loop3A_693 : vector<16xf32>
      %parallel_loop3A_695 = arith.constant 5.000000e-01 : f32
      %parallel_loop3A_696 = vector.broadcast %parallel_loop3A_695 : f32 to vector<16xf32>
      %parallel_loop3A_697 = arith.subf %parallel_loop3A_696, %parallel_loop3A_694 : vector<16xf32>
      %parallel_loop3A_698 = arith.maximumf %parallel_loop3A_697, %broadcast_in_dim3A_125 : vector<16xf32>
      %parallel_loop3A_699 = arith.addf %parallel_loop3A_639, %parallel_loop3A_698 : vector<16xf32>
      %parallel_loop3A_700 = arith.index_cast %parallel_loop3A_605 : i32 to index
      %parallel_loop3A_701 = arith.constant 96 : index
      %parallel_loop3A_702 = tpu.vector_load %arg17[%parallel_loop3A_700, %parallel_loop3A_701] {strides = array<i32>} : memref<128x128xf32, #tpu.memory_space<vmem>>, vector<1x16xf32>,
      %parallel_loop3A_703 = vector.shape_cast %parallel_loop3A_702 : vector<1x16xf32> to vector<16xf32>
      %parallel_loop3A_704 = arith.index_cast %parallel_loop3A_605 : i32 to index
      %parallel_loop3A_705 = arith.constant 96 : index
      %parallel_loop3A_706 = tpu.vector_load %arg18[%parallel_loop3A_704, %parallel_loop3A_705] {strides = array<i32>} : memref<128x128xf32, #tpu.memory_space<vmem>>, vector<1x16xf32>,
      %parallel_loop3A_707 = vector.shape_cast %parallel_loop3A_706 : vector<1x16xf32> to vector<16xf32>
      %parallel_loop3A_708 = arith.subf %parallel_loop3A_703, %parallel_loop3A_707 : vector<16xf32>
      %parallel_loop3A_709 = arith.mulf %parallel_loop3A_708, %parallel_loop3A_708 : vector<16xf32>
      %parallel_loop3A_710 = arith.constant 5.000000e-01 : f32
      %parallel_loop3A_711 = vector.broadcast %parallel_loop3A_710 : f32 to vector<16xf32>
      %parallel_loop3A_712 = arith.subf %parallel_loop3A_711, %parallel_loop3A_709 : vector<16xf32>
      %parallel_loop3A_713 = arith.maximumf %parallel_loop3A_712, %broadcast_in_dim3A_125 : vector<16xf32>
      %parallel_loop3A_714 = arith.addf %parallel_loop3A_654, %parallel_loop3A_713 : vector<16xf32>
      %parallel_loop3A_715 = arith.index_cast %parallel_loop3A_605 : i32 to index
      %parallel_loop3A_716 = arith.constant 112 : index
      %parallel_loop3A_717 = tpu.vector_load %arg17[%parallel_loop3A_715, %parallel_loop3A_716] {strides = array<i32>} : memref<128x128xf32, #tpu.memory_space<vmem>>, vector<1x16xf32>,
      %parallel_loop3A_718 = vector.shape_cast %parallel_loop3A_717 : vector<1x16xf32> to vector<16xf32>
      %parallel_loop3A_719 = arith.index_cast %parallel_loop3A_605 : i32 to index
      %parallel_loop3A_720 = arith.constant 112 : index
      %parallel_loop3A_721 = tpu.vector_load %arg18[%parallel_loop3A_719, %parallel_loop3A_720] {strides = array<i32>} : memref<128x128xf32, #tpu.memory_space<vmem>>, vector<1x16xf32>,
      %parallel_loop3A_722 = vector.shape_cast %parallel_loop3A_721 : vector<1x16xf32> to vector<16xf32>
      %parallel_loop3A_723 = arith.subf %parallel_loop3A_718, %parallel_loop3A_722 : vector<16xf32>
      %parallel_loop3A_724 = arith.mulf %parallel_loop3A_723, %parallel_loop3A_723 : vector<16xf32>
      %parallel_loop3A_725 = arith.constant 5.000000e-01 : f32
      %parallel_loop3A_726 = vector.broadcast %parallel_loop3A_725 : f32 to vector<16xf32>
      %parallel_loop3A_727 = arith.subf %parallel_loop3A_726, %parallel_loop3A_724 : vector<16xf32>
      %parallel_loop3A_728 = arith.maximumf %parallel_loop3A_727, %broadcast_in_dim3A_125 : vector<16xf32>
      %parallel_loop3A_729 = arith.addf %parallel_loop3A_669, %parallel_loop3A_728 : vector<16xf32>
      scf.yield %parallel_loop3A_684, %parallel_loop3A_699, %parallel_loop3A_714, %parallel_loop3A_729 : vector<16xf32>, vector<16xf32>, vector<16xf32>, vector<16xf32>
    } {sc.loop_unroll_factor = 2 : i64, sc.parallel_access}
    %dma_start3A_234 = arith.constant 0 : i32
    %dma_start3A_235 = arith.constant 0 : i32
    %dma_start3A_236 = tpu.memref_slice %arg17[%dma_start3A_234, %dma_start3A_235] : memref<128x128xf32, #tpu.memory_space<vmem>> -> memref<128x128xf32, #tpu.memory_space<vmem>>
    %dma_start3A_237 = arith.constant 512 : i32
    %dma_start3A_238 = tpu.memref_slice %arg15[%dma_start3A_237] : memref<1264xi32, #tpu.memory_space<vmem>> -> memref<128xi32, #tpu.memory_space<vmem>>
    %dma_start3A_239 = arith.constant 0 : i32
    %dma_start3A_240 = arith.constant 0 : i32
    %dma_start3A_241 = tpu.memref_slice %arg2[%dma_start3A_239, %dma_start3A_240] : memref<294912x128xf32, #tpu.memory_space<hbm>> -> memref<294912x128xf32, #tpu.memory_space<hbm>>
    tpu.enqueue_indirect_dma source(%dma_start3A_241 : memref<294912x128xf32, #tpu.memory_space<hbm>>) target(%dma_start3A_236 : memref<128x128xf32, #tpu.memory_space<vmem>>) offsets(%dma_start3A_238 : memref<128xi32, #tpu.memory_space<vmem>>) semaphore(%arg22 : memref<!tpu.dma_semaphore, #tpu.memory_space<semaphore_mem>>)
    %dma_start3A_242 = arith.constant 0 : i32
    %dma_start3A_243 = arith.constant 0 : i32
    %dma_start3A_244 = tpu.memref_slice %arg18[%dma_start3A_242, %dma_start3A_243] : memref<128x128xf32, #tpu.memory_space<vmem>> -> memref<128x128xf32, #tpu.memory_space<vmem>>
    %dma_start3A_245 = arith.constant 512 : i32
    %dma_start3A_246 = tpu.memref_slice %arg16[%dma_start3A_245] : memref<1264xi32, #tpu.memory_space<vmem>> -> memref<128xi32, #tpu.memory_space<vmem>>
    %dma_start3A_247 = arith.constant 0 : i32
    %dma_start3A_248 = arith.constant 0 : i32
    %dma_start3A_249 = tpu.memref_slice %arg3[%dma_start3A_247, %dma_start3A_248] : memref<294912x128xf32, #tpu.memory_space<hbm>> -> memref<294912x128xf32, #tpu.memory_space<hbm>>
    tpu.enqueue_indirect_dma source(%dma_start3A_249 : memref<294912x128xf32, #tpu.memory_space<hbm>>) target(%dma_start3A_244 : memref<128x128xf32, #tpu.memory_space<vmem>>) offsets(%dma_start3A_246 : memref<128xi32, #tpu.memory_space<vmem>>) semaphore(%arg22 : memref<!tpu.dma_semaphore, #tpu.memory_space<semaphore_mem>>)
    %dma_wait3A_250 = arith.constant 0 : i32
    %dma_wait3A_251 = arith.constant 0 : i32
    %dma_wait3A_252 = tpu.memref_slice %arg19[%dma_wait3A_250, %dma_wait3A_251] : memref<128x128xf32, #tpu.memory_space<vmem>> -> memref<128x128xf32, #tpu.memory_space<vmem>>
    %dma_wait3A_253 = arith.constant 384 : i32
    %dma_wait3A_254 = tpu.memref_slice %arg15[%dma_wait3A_253] : memref<1264xi32, #tpu.memory_space<vmem>> -> memref<128xi32, #tpu.memory_space<vmem>>
    %dma_wait3A_255 = arith.constant 0 : i32
    %dma_wait3A_256 = arith.constant 0 : i32
    %dma_wait3A_257 = tpu.memref_slice %arg2[%dma_wait3A_255, %dma_wait3A_256] : memref<294912x128xf32, #tpu.memory_space<hbm>> -> memref<294912x128xf32, #tpu.memory_space<hbm>>
    tpu.wait_indirect_dma semaphore(%arg23 : memref<!tpu.dma_semaphore, #tpu.memory_space<semaphore_mem>>) src(%dma_wait3A_257 : memref<294912x128xf32, #tpu.memory_space<hbm>>) dst(%dma_wait3A_252 : memref<128x128xf32, #tpu.memory_space<vmem>>)
    %dma_wait3A_258 = arith.constant 0 : i32
    %dma_wait3A_259 = arith.constant 0 : i32
    %dma_wait3A_260 = tpu.memref_slice %arg20[%dma_wait3A_258, %dma_wait3A_259] : memref<128x128xf32, #tpu.memory_space<vmem>> -> memref<128x128xf32, #tpu.memory_space<vmem>>
    %dma_wait3A_261 = arith.constant 384 : i32
    %dma_wait3A_262 = tpu.memref_slice %arg16[%dma_wait3A_261] : memref<1264xi32, #tpu.memory_space<vmem>> -> memref<128xi32, #tpu.memory_space<vmem>>
    %dma_wait3A_263 = arith.constant 0 : i32
    %dma_wait3A_264 = arith.constant 0 : i32
    %dma_wait3A_265 = tpu.memref_slice %arg3[%dma_wait3A_263, %dma_wait3A_264] : memref<294912x128xf32, #tpu.memory_space<hbm>> -> memref<294912x128xf32, #tpu.memory_space<hbm>>
    tpu.wait_indirect_dma semaphore(%arg23 : memref<!tpu.dma_semaphore, #tpu.memory_space<semaphore_mem>>) src(%dma_wait3A_265 : memref<294912x128xf32, #tpu.memory_space<hbm>>) dst(%dma_wait3A_260 : memref<128x128xf32, #tpu.memory_space<vmem>>)
    %parallel_loop3A_266 = arith.constant 0 : i32
    %parallel_loop3A_267 = arith.constant 128 : i32
    %parallel_loop3A_268 = arith.constant 1 : i32
    %parallel_loop3A_269:4 = scf.for %parallel_loop3A_605 = %parallel_loop3A_266 to %parallel_loop3A_267 step %parallel_loop3A_268 iter_args(%parallel_loop3A_606 = %parallel_loop3A_233#0, %parallel_loop3A_607 = %parallel_loop3A_233#1, %parallel_loop3A_608 = %parallel_loop3A_233#2, %parallel_loop3A_609 = %parallel_loop3A_233#3) -> (vector<16xf32>, vector<16xf32>, vector<16xf32>, vector<16xf32>)  : i32 {
      %parallel_loop3A_610 = arith.index_cast %parallel_loop3A_605 : i32 to index
      %parallel_loop3A_611 = arith.constant 0 : index
      %parallel_loop3A_612 = tpu.vector_load %arg19[%parallel_loop3A_610, %parallel_loop3A_611] {strides = array<i32>} : memref<128x128xf32, #tpu.memory_space<vmem>>, vector<1x16xf32>,
      %parallel_loop3A_613 = vector.shape_cast %parallel_loop3A_612 : vector<1x16xf32> to vector<16xf32>
      %parallel_loop3A_614 = arith.index_cast %parallel_loop3A_605 : i32 to index
      %parallel_loop3A_615 = arith.constant 0 : index
      %parallel_loop3A_616 = tpu.vector_load %arg20[%parallel_loop3A_614, %parallel_loop3A_615] {strides = array<i32>} : memref<128x128xf32, #tpu.memory_space<vmem>>, vector<1x16xf32>,
      %parallel_loop3A_617 = vector.shape_cast %parallel_loop3A_616 : vector<1x16xf32> to vector<16xf32>
      %parallel_loop3A_618 = arith.subf %parallel_loop3A_613, %parallel_loop3A_617 : vector<16xf32>
      %parallel_loop3A_619 = arith.mulf %parallel_loop3A_618, %parallel_loop3A_618 : vector<16xf32>
      %parallel_loop3A_620 = arith.constant 5.000000e-01 : f32
      %parallel_loop3A_621 = vector.broadcast %parallel_loop3A_620 : f32 to vector<16xf32>
      %parallel_loop3A_622 = arith.subf %parallel_loop3A_621, %parallel_loop3A_619 : vector<16xf32>
      %parallel_loop3A_623 = arith.maximumf %parallel_loop3A_622, %broadcast_in_dim3A_125 : vector<16xf32>
      %parallel_loop3A_624 = arith.addf %parallel_loop3A_606, %parallel_loop3A_623 : vector<16xf32>
      %parallel_loop3A_625 = arith.index_cast %parallel_loop3A_605 : i32 to index
      %parallel_loop3A_626 = arith.constant 16 : index
      %parallel_loop3A_627 = tpu.vector_load %arg19[%parallel_loop3A_625, %parallel_loop3A_626] {strides = array<i32>} : memref<128x128xf32, #tpu.memory_space<vmem>>, vector<1x16xf32>,
      %parallel_loop3A_628 = vector.shape_cast %parallel_loop3A_627 : vector<1x16xf32> to vector<16xf32>
      %parallel_loop3A_629 = arith.index_cast %parallel_loop3A_605 : i32 to index
      %parallel_loop3A_630 = arith.constant 16 : index
      %parallel_loop3A_631 = tpu.vector_load %arg20[%parallel_loop3A_629, %parallel_loop3A_630] {strides = array<i32>} : memref<128x128xf32, #tpu.memory_space<vmem>>, vector<1x16xf32>,
      %parallel_loop3A_632 = vector.shape_cast %parallel_loop3A_631 : vector<1x16xf32> to vector<16xf32>
      %parallel_loop3A_633 = arith.subf %parallel_loop3A_628, %parallel_loop3A_632 : vector<16xf32>
      %parallel_loop3A_634 = arith.mulf %parallel_loop3A_633, %parallel_loop3A_633 : vector<16xf32>
      %parallel_loop3A_635 = arith.constant 5.000000e-01 : f32
      %parallel_loop3A_636 = vector.broadcast %parallel_loop3A_635 : f32 to vector<16xf32>
      %parallel_loop3A_637 = arith.subf %parallel_loop3A_636, %parallel_loop3A_634 : vector<16xf32>
      %parallel_loop3A_638 = arith.maximumf %parallel_loop3A_637, %broadcast_in_dim3A_125 : vector<16xf32>
      %parallel_loop3A_639 = arith.addf %parallel_loop3A_607, %parallel_loop3A_638 : vector<16xf32>
      %parallel_loop3A_640 = arith.index_cast %parallel_loop3A_605 : i32 to index
      %parallel_loop3A_641 = arith.constant 32 : index
      %parallel_loop3A_642 = tpu.vector_load %arg19[%parallel_loop3A_640, %parallel_loop3A_641] {strides = array<i32>} : memref<128x128xf32, #tpu.memory_space<vmem>>, vector<1x16xf32>,
      %parallel_loop3A_643 = vector.shape_cast %parallel_loop3A_642 : vector<1x16xf32> to vector<16xf32>
      %parallel_loop3A_644 = arith.index_cast %parallel_loop3A_605 : i32 to index
      %parallel_loop3A_645 = arith.constant 32 : index
      %parallel_loop3A_646 = tpu.vector_load %arg20[%parallel_loop3A_644, %parallel_loop3A_645] {strides = array<i32>} : memref<128x128xf32, #tpu.memory_space<vmem>>, vector<1x16xf32>,
      %parallel_loop3A_647 = vector.shape_cast %parallel_loop3A_646 : vector<1x16xf32> to vector<16xf32>
      %parallel_loop3A_648 = arith.subf %parallel_loop3A_643, %parallel_loop3A_647 : vector<16xf32>
      %parallel_loop3A_649 = arith.mulf %parallel_loop3A_648, %parallel_loop3A_648 : vector<16xf32>
      %parallel_loop3A_650 = arith.constant 5.000000e-01 : f32
      %parallel_loop3A_651 = vector.broadcast %parallel_loop3A_650 : f32 to vector<16xf32>
      %parallel_loop3A_652 = arith.subf %parallel_loop3A_651, %parallel_loop3A_649 : vector<16xf32>
      %parallel_loop3A_653 = arith.maximumf %parallel_loop3A_652, %broadcast_in_dim3A_125 : vector<16xf32>
      %parallel_loop3A_654 = arith.addf %parallel_loop3A_608, %parallel_loop3A_653 : vector<16xf32>
      %parallel_loop3A_655 = arith.index_cast %parallel_loop3A_605 : i32 to index
      %parallel_loop3A_656 = arith.constant 48 : index
      %parallel_loop3A_657 = tpu.vector_load %arg19[%parallel_loop3A_655, %parallel_loop3A_656] {strides = array<i32>} : memref<128x128xf32, #tpu.memory_space<vmem>>, vector<1x16xf32>,
      %parallel_loop3A_658 = vector.shape_cast %parallel_loop3A_657 : vector<1x16xf32> to vector<16xf32>
      %parallel_loop3A_659 = arith.index_cast %parallel_loop3A_605 : i32 to index
      %parallel_loop3A_660 = arith.constant 48 : index
      %parallel_loop3A_661 = tpu.vector_load %arg20[%parallel_loop3A_659, %parallel_loop3A_660] {strides = array<i32>} : memref<128x128xf32, #tpu.memory_space<vmem>>, vector<1x16xf32>,
      %parallel_loop3A_662 = vector.shape_cast %parallel_loop3A_661 : vector<1x16xf32> to vector<16xf32>
      %parallel_loop3A_663 = arith.subf %parallel_loop3A_658, %parallel_loop3A_662 : vector<16xf32>
      %parallel_loop3A_664 = arith.mulf %parallel_loop3A_663, %parallel_loop3A_663 : vector<16xf32>
      %parallel_loop3A_665 = arith.constant 5.000000e-01 : f32
      %parallel_loop3A_666 = vector.broadcast %parallel_loop3A_665 : f32 to vector<16xf32>
      %parallel_loop3A_667 = arith.subf %parallel_loop3A_666, %parallel_loop3A_664 : vector<16xf32>
      %parallel_loop3A_668 = arith.maximumf %parallel_loop3A_667, %broadcast_in_dim3A_125 : vector<16xf32>
      %parallel_loop3A_669 = arith.addf %parallel_loop3A_609, %parallel_loop3A_668 : vector<16xf32>
      %parallel_loop3A_670 = arith.index_cast %parallel_loop3A_605 : i32 to index
      %parallel_loop3A_671 = arith.constant 64 : index
      %parallel_loop3A_672 = tpu.vector_load %arg19[%parallel_loop3A_670, %parallel_loop3A_671] {strides = array<i32>} : memref<128x128xf32, #tpu.memory_space<vmem>>, vector<1x16xf32>,
      %parallel_loop3A_673 = vector.shape_cast %parallel_loop3A_672 : vector<1x16xf32> to vector<16xf32>
      %parallel_loop3A_674 = arith.index_cast %parallel_loop3A_605 : i32 to index
      %parallel_loop3A_675 = arith.constant 64 : index
      %parallel_loop3A_676 = tpu.vector_load %arg20[%parallel_loop3A_674, %parallel_loop3A_675] {strides = array<i32>} : memref<128x128xf32, #tpu.memory_space<vmem>>, vector<1x16xf32>,
      %parallel_loop3A_677 = vector.shape_cast %parallel_loop3A_676 : vector<1x16xf32> to vector<16xf32>
      %parallel_loop3A_678 = arith.subf %parallel_loop3A_673, %parallel_loop3A_677 : vector<16xf32>
      %parallel_loop3A_679 = arith.mulf %parallel_loop3A_678, %parallel_loop3A_678 : vector<16xf32>
      %parallel_loop3A_680 = arith.constant 5.000000e-01 : f32
      %parallel_loop3A_681 = vector.broadcast %parallel_loop3A_680 : f32 to vector<16xf32>
      %parallel_loop3A_682 = arith.subf %parallel_loop3A_681, %parallel_loop3A_679 : vector<16xf32>
      %parallel_loop3A_683 = arith.maximumf %parallel_loop3A_682, %broadcast_in_dim3A_125 : vector<16xf32>
      %parallel_loop3A_684 = arith.addf %parallel_loop3A_624, %parallel_loop3A_683 : vector<16xf32>
      %parallel_loop3A_685 = arith.index_cast %parallel_loop3A_605 : i32 to index
      %parallel_loop3A_686 = arith.constant 80 : index
      %parallel_loop3A_687 = tpu.vector_load %arg19[%parallel_loop3A_685, %parallel_loop3A_686] {strides = array<i32>} : memref<128x128xf32, #tpu.memory_space<vmem>>, vector<1x16xf32>,
      %parallel_loop3A_688 = vector.shape_cast %parallel_loop3A_687 : vector<1x16xf32> to vector<16xf32>
      %parallel_loop3A_689 = arith.index_cast %parallel_loop3A_605 : i32 to index
      %parallel_loop3A_690 = arith.constant 80 : index
      %parallel_loop3A_691 = tpu.vector_load %arg20[%parallel_loop3A_689, %parallel_loop3A_690] {strides = array<i32>} : memref<128x128xf32, #tpu.memory_space<vmem>>, vector<1x16xf32>,
      %parallel_loop3A_692 = vector.shape_cast %parallel_loop3A_691 : vector<1x16xf32> to vector<16xf32>
      %parallel_loop3A_693 = arith.subf %parallel_loop3A_688, %parallel_loop3A_692 : vector<16xf32>
      %parallel_loop3A_694 = arith.mulf %parallel_loop3A_693, %parallel_loop3A_693 : vector<16xf32>
      %parallel_loop3A_695 = arith.constant 5.000000e-01 : f32
      %parallel_loop3A_696 = vector.broadcast %parallel_loop3A_695 : f32 to vector<16xf32>
      %parallel_loop3A_697 = arith.subf %parallel_loop3A_696, %parallel_loop3A_694 : vector<16xf32>
      %parallel_loop3A_698 = arith.maximumf %parallel_loop3A_697, %broadcast_in_dim3A_125 : vector<16xf32>
      %parallel_loop3A_699 = arith.addf %parallel_loop3A_639, %parallel_loop3A_698 : vector<16xf32>
      %parallel_loop3A_700 = arith.index_cast %parallel_loop3A_605 : i32 to index
      %parallel_loop3A_701 = arith.constant 96 : index
      %parallel_loop3A_702 = tpu.vector_load %arg19[%parallel_loop3A_700, %parallel_loop3A_701] {strides = array<i32>} : memref<128x128xf32, #tpu.memory_space<vmem>>, vector<1x16xf32>,
      %parallel_loop3A_703 = vector.shape_cast %parallel_loop3A_702 : vector<1x16xf32> to vector<16xf32>
      %parallel_loop3A_704 = arith.index_cast %parallel_loop3A_605 : i32 to index
      %parallel_loop3A_705 = arith.constant 96 : index
      %parallel_loop3A_706 = tpu.vector_load %arg20[%parallel_loop3A_704, %parallel_loop3A_705] {strides = array<i32>} : memref<128x128xf32, #tpu.memory_space<vmem>>, vector<1x16xf32>,
      %parallel_loop3A_707 = vector.shape_cast %parallel_loop3A_706 : vector<1x16xf32> to vector<16xf32>
      %parallel_loop3A_708 = arith.subf %parallel_loop3A_703, %parallel_loop3A_707 : vector<16xf32>
      %parallel_loop3A_709 = arith.mulf %parallel_loop3A_708, %parallel_loop3A_708 : vector<16xf32>
      %parallel_loop3A_710 = arith.constant 5.000000e-01 : f32
      %parallel_loop3A_711 = vector.broadcast %parallel_loop3A_710 : f32 to vector<16xf32>
      %parallel_loop3A_712 = arith.subf %parallel_loop3A_711, %parallel_loop3A_709 : vector<16xf32>
      %parallel_loop3A_713 = arith.maximumf %parallel_loop3A_712, %broadcast_in_dim3A_125 : vector<16xf32>
      %parallel_loop3A_714 = arith.addf %parallel_loop3A_654, %parallel_loop3A_713 : vector<16xf32>
      %parallel_loop3A_715 = arith.index_cast %parallel_loop3A_605 : i32 to index
      %parallel_loop3A_716 = arith.constant 112 : index
      %parallel_loop3A_717 = tpu.vector_load %arg19[%parallel_loop3A_715, %parallel_loop3A_716] {strides = array<i32>} : memref<128x128xf32, #tpu.memory_space<vmem>>, vector<1x16xf32>,
      %parallel_loop3A_718 = vector.shape_cast %parallel_loop3A_717 : vector<1x16xf32> to vector<16xf32>
      %parallel_loop3A_719 = arith.index_cast %parallel_loop3A_605 : i32 to index
      %parallel_loop3A_720 = arith.constant 112 : index
      %parallel_loop3A_721 = tpu.vector_load %arg20[%parallel_loop3A_719, %parallel_loop3A_720] {strides = array<i32>} : memref<128x128xf32, #tpu.memory_space<vmem>>, vector<1x16xf32>,
      %parallel_loop3A_722 = vector.shape_cast %parallel_loop3A_721 : vector<1x16xf32> to vector<16xf32>
      %parallel_loop3A_723 = arith.subf %parallel_loop3A_718, %parallel_loop3A_722 : vector<16xf32>
      %parallel_loop3A_724 = arith.mulf %parallel_loop3A_723, %parallel_loop3A_723 : vector<16xf32>
      %parallel_loop3A_725 = arith.constant 5.000000e-01 : f32
      %parallel_loop3A_726 = vector.broadcast %parallel_loop3A_725 : f32 to vector<16xf32>
      %parallel_loop3A_727 = arith.subf %parallel_loop3A_726, %parallel_loop3A_724 : vector<16xf32>
      %parallel_loop3A_728 = arith.maximumf %parallel_loop3A_727, %broadcast_in_dim3A_125 : vector<16xf32>
      %parallel_loop3A_729 = arith.addf %parallel_loop3A_669, %parallel_loop3A_728 : vector<16xf32>
      scf.yield %parallel_loop3A_684, %parallel_loop3A_699, %parallel_loop3A_714, %parallel_loop3A_729 : vector<16xf32>, vector<16xf32>, vector<16xf32>, vector<16xf32>
    } {sc.loop_unroll_factor = 2 : i64, sc.parallel_access}
    %dma_start3A_270 = arith.constant 0 : i32
    %dma_start3A_271 = arith.constant 0 : i32
    %dma_start3A_272 = tpu.memref_slice %arg19[%dma_start3A_270, %dma_start3A_271] : memref<128x128xf32, #tpu.memory_space<vmem>> -> memref<128x128xf32, #tpu.memory_space<vmem>>
    %dma_start3A_273 = arith.constant 640 : i32
    %dma_start3A_274 = tpu.memref_slice %arg15[%dma_start3A_273] : memref<1264xi32, #tpu.memory_space<vmem>> -> memref<128xi32, #tpu.memory_space<vmem>>
    %dma_start3A_275 = arith.constant 0 : i32
    %dma_start3A_276 = arith.constant 0 : i32
    %dma_start3A_277 = tpu.memref_slice %arg2[%dma_start3A_275, %dma_start3A_276] : memref<294912x128xf32, #tpu.memory_space<hbm>> -> memref<294912x128xf32, #tpu.memory_space<hbm>>
    tpu.enqueue_indirect_dma source(%dma_start3A_277 : memref<294912x128xf32, #tpu.memory_space<hbm>>) target(%dma_start3A_272 : memref<128x128xf32, #tpu.memory_space<vmem>>) offsets(%dma_start3A_274 : memref<128xi32, #tpu.memory_space<vmem>>) semaphore(%arg23 : memref<!tpu.dma_semaphore, #tpu.memory_space<semaphore_mem>>)
    %dma_start3A_278 = arith.constant 0 : i32
    %dma_start3A_279 = arith.constant 0 : i32
    %dma_start3A_280 = tpu.memref_slice %arg20[%dma_start3A_278, %dma_start3A_279] : memref<128x128xf32, #tpu.memory_space<vmem>> -> memref<128x128xf32, #tpu.memory_space<vmem>>
    %dma_start3A_281 = arith.constant 640 : i32
    %dma_start3A_282 = tpu.memref_slice %arg16[%dma_start3A_281] : memref<1264xi32, #tpu.memory_space<vmem>> -> memref<128xi32, #tpu.memory_space<vmem>>
    %dma_start3A_283 = arith.constant 0 : i32
    %dma_start3A_284 = arith.constant 0 : i32
    %dma_start3A_285 = tpu.memref_slice %arg3[%dma_start3A_283, %dma_start3A_284] : memref<294912x128xf32, #tpu.memory_space<hbm>> -> memref<294912x128xf32, #tpu.memory_space<hbm>>
    tpu.enqueue_indirect_dma source(%dma_start3A_285 : memref<294912x128xf32, #tpu.memory_space<hbm>>) target(%dma_start3A_280 : memref<128x128xf32, #tpu.memory_space<vmem>>) offsets(%dma_start3A_282 : memref<128xi32, #tpu.memory_space<vmem>>) semaphore(%arg23 : memref<!tpu.dma_semaphore, #tpu.memory_space<semaphore_mem>>)
    %dma_wait3A_286 = arith.constant 0 : i32
    %dma_wait3A_287 = arith.constant 0 : i32
    %dma_wait3A_288 = tpu.memref_slice %arg17[%dma_wait3A_286, %dma_wait3A_287] : memref<128x128xf32, #tpu.memory_space<vmem>> -> memref<128x128xf32, #tpu.memory_space<vmem>>
    %dma_wait3A_289 = arith.constant 512 : i32
    %dma_wait3A_290 = tpu.memref_slice %arg15[%dma_wait3A_289] : memref<1264xi32, #tpu.memory_space<vmem>> -> memref<128xi32, #tpu.memory_space<vmem>>
    %dma_wait3A_291 = arith.constant 0 : i32
    %dma_wait3A_292 = arith.constant 0 : i32
    %dma_wait3A_293 = tpu.memref_slice %arg2[%dma_wait3A_291, %dma_wait3A_292] : memref<294912x128xf32, #tpu.memory_space<hbm>> -> memref<294912x128xf32, #tpu.memory_space<hbm>>
    tpu.wait_indirect_dma semaphore(%arg22 : memref<!tpu.dma_semaphore, #tpu.memory_space<semaphore_mem>>) src(%dma_wait3A_293 : memref<294912x128xf32, #tpu.memory_space<hbm>>) dst(%dma_wait3A_288 : memref<128x128xf32, #tpu.memory_space<vmem>>)
    %dma_wait3A_294 = arith.constant 0 : i32
    %dma_wait3A_295 = arith.constant 0 : i32
    %dma_wait3A_296 = tpu.memref_slice %arg18[%dma_wait3A_294, %dma_wait3A_295] : memref<128x128xf32, #tpu.memory_space<vmem>> -> memref<128x128xf32, #tpu.memory_space<vmem>>
    %dma_wait3A_297 = arith.constant 512 : i32
    %dma_wait3A_298 = tpu.memref_slice %arg16[%dma_wait3A_297] : memref<1264xi32, #tpu.memory_space<vmem>> -> memref<128xi32, #tpu.memory_space<vmem>>
    %dma_wait3A_299 = arith.constant 0 : i32
    %dma_wait3A_300 = arith.constant 0 : i32
    %dma_wait3A_301 = tpu.memref_slice %arg3[%dma_wait3A_299, %dma_wait3A_300] : memref<294912x128xf32, #tpu.memory_space<hbm>> -> memref<294912x128xf32, #tpu.memory_space<hbm>>
    tpu.wait_indirect_dma semaphore(%arg22 : memref<!tpu.dma_semaphore, #tpu.memory_space<semaphore_mem>>) src(%dma_wait3A_301 : memref<294912x128xf32, #tpu.memory_space<hbm>>) dst(%dma_wait3A_296 : memref<128x128xf32, #tpu.memory_space<vmem>>)
    %parallel_loop3A_302 = arith.constant 0 : i32
    %parallel_loop3A_303 = arith.constant 128 : i32
    %parallel_loop3A_304 = arith.constant 1 : i32
    %parallel_loop3A_305:4 = scf.for %parallel_loop3A_605 = %parallel_loop3A_302 to %parallel_loop3A_303 step %parallel_loop3A_304 iter_args(%parallel_loop3A_606 = %parallel_loop3A_269#0, %parallel_loop3A_607 = %parallel_loop3A_269#1, %parallel_loop3A_608 = %parallel_loop3A_269#2, %parallel_loop3A_609 = %parallel_loop3A_269#3) -> (vector<16xf32>, vector<16xf32>, vector<16xf32>, vector<16xf32>)  : i32 {
      %parallel_loop3A_610 = arith.index_cast %parallel_loop3A_605 : i32 to index
      %parallel_loop3A_611 = arith.constant 0 : index
      %parallel_loop3A_612 = tpu.vector_load %arg17[%parallel_loop3A_610, %parallel_loop3A_611] {strides = array<i32>} : memref<128x128xf32, #tpu.memory_space<vmem>>, vector<1x16xf32>,
      %parallel_loop3A_613 = vector.shape_cast %parallel_loop3A_612 : vector<1x16xf32> to vector<16xf32>
      %parallel_loop3A_614 = arith.index_cast %parallel_loop3A_605 : i32 to index
      %parallel_loop3A_615 = arith.constant 0 : index
      %parallel_loop3A_616 = tpu.vector_load %arg18[%parallel_loop3A_614, %parallel_loop3A_615] {strides = array<i32>} : memref<128x128xf32, #tpu.memory_space<vmem>>, vector<1x16xf32>,
      %parallel_loop3A_617 = vector.shape_cast %parallel_loop3A_616 : vector<1x16xf32> to vector<16xf32>
      %parallel_loop3A_618 = arith.subf %parallel_loop3A_613, %parallel_loop3A_617 : vector<16xf32>
      %parallel_loop3A_619 = arith.mulf %parallel_loop3A_618, %parallel_loop3A_618 : vector<16xf32>
      %parallel_loop3A_620 = arith.constant 5.000000e-01 : f32
      %parallel_loop3A_621 = vector.broadcast %parallel_loop3A_620 : f32 to vector<16xf32>
      %parallel_loop3A_622 = arith.subf %parallel_loop3A_621, %parallel_loop3A_619 : vector<16xf32>
      %parallel_loop3A_623 = arith.maximumf %parallel_loop3A_622, %broadcast_in_dim3A_125 : vector<16xf32>
      %parallel_loop3A_624 = arith.addf %parallel_loop3A_606, %parallel_loop3A_623 : vector<16xf32>
      %parallel_loop3A_625 = arith.index_cast %parallel_loop3A_605 : i32 to index
      %parallel_loop3A_626 = arith.constant 16 : index
      %parallel_loop3A_627 = tpu.vector_load %arg17[%parallel_loop3A_625, %parallel_loop3A_626] {strides = array<i32>} : memref<128x128xf32, #tpu.memory_space<vmem>>, vector<1x16xf32>,
      %parallel_loop3A_628 = vector.shape_cast %parallel_loop3A_627 : vector<1x16xf32> to vector<16xf32>
      %parallel_loop3A_629 = arith.index_cast %parallel_loop3A_605 : i32 to index
      %parallel_loop3A_630 = arith.constant 16 : index
      %parallel_loop3A_631 = tpu.vector_load %arg18[%parallel_loop3A_629, %parallel_loop3A_630] {strides = array<i32>} : memref<128x128xf32, #tpu.memory_space<vmem>>, vector<1x16xf32>,
      %parallel_loop3A_632 = vector.shape_cast %parallel_loop3A_631 : vector<1x16xf32> to vector<16xf32>
      %parallel_loop3A_633 = arith.subf %parallel_loop3A_628, %parallel_loop3A_632 : vector<16xf32>
      %parallel_loop3A_634 = arith.mulf %parallel_loop3A_633, %parallel_loop3A_633 : vector<16xf32>
      %parallel_loop3A_635 = arith.constant 5.000000e-01 : f32
      %parallel_loop3A_636 = vector.broadcast %parallel_loop3A_635 : f32 to vector<16xf32>
      %parallel_loop3A_637 = arith.subf %parallel_loop3A_636, %parallel_loop3A_634 : vector<16xf32>
      %parallel_loop3A_638 = arith.maximumf %parallel_loop3A_637, %broadcast_in_dim3A_125 : vector<16xf32>
      %parallel_loop3A_639 = arith.addf %parallel_loop3A_607, %parallel_loop3A_638 : vector<16xf32>
      %parallel_loop3A_640 = arith.index_cast %parallel_loop3A_605 : i32 to index
      %parallel_loop3A_641 = arith.constant 32 : index
      %parallel_loop3A_642 = tpu.vector_load %arg17[%parallel_loop3A_640, %parallel_loop3A_641] {strides = array<i32>} : memref<128x128xf32, #tpu.memory_space<vmem>>, vector<1x16xf32>,
      %parallel_loop3A_643 = vector.shape_cast %parallel_loop3A_642 : vector<1x16xf32> to vector<16xf32>
      %parallel_loop3A_644 = arith.index_cast %parallel_loop3A_605 : i32 to index
      %parallel_loop3A_645 = arith.constant 32 : index
      %parallel_loop3A_646 = tpu.vector_load %arg18[%parallel_loop3A_644, %parallel_loop3A_645] {strides = array<i32>} : memref<128x128xf32, #tpu.memory_space<vmem>>, vector<1x16xf32>,
      %parallel_loop3A_647 = vector.shape_cast %parallel_loop3A_646 : vector<1x16xf32> to vector<16xf32>
      %parallel_loop3A_648 = arith.subf %parallel_loop3A_643, %parallel_loop3A_647 : vector<16xf32>
      %parallel_loop3A_649 = arith.mulf %parallel_loop3A_648, %parallel_loop3A_648 : vector<16xf32>
      %parallel_loop3A_650 = arith.constant 5.000000e-01 : f32
      %parallel_loop3A_651 = vector.broadcast %parallel_loop3A_650 : f32 to vector<16xf32>
      %parallel_loop3A_652 = arith.subf %parallel_loop3A_651, %parallel_loop3A_649 : vector<16xf32>
      %parallel_loop3A_653 = arith.maximumf %parallel_loop3A_652, %broadcast_in_dim3A_125 : vector<16xf32>
      %parallel_loop3A_654 = arith.addf %parallel_loop3A_608, %parallel_loop3A_653 : vector<16xf32>
      %parallel_loop3A_655 = arith.index_cast %parallel_loop3A_605 : i32 to index
      %parallel_loop3A_656 = arith.constant 48 : index
      %parallel_loop3A_657 = tpu.vector_load %arg17[%parallel_loop3A_655, %parallel_loop3A_656] {strides = array<i32>} : memref<128x128xf32, #tpu.memory_space<vmem>>, vector<1x16xf32>,
      %parallel_loop3A_658 = vector.shape_cast %parallel_loop3A_657 : vector<1x16xf32> to vector<16xf32>
      %parallel_loop3A_659 = arith.index_cast %parallel_loop3A_605 : i32 to index
      %parallel_loop3A_660 = arith.constant 48 : index
      %parallel_loop3A_661 = tpu.vector_load %arg18[%parallel_loop3A_659, %parallel_loop3A_660] {strides = array<i32>} : memref<128x128xf32, #tpu.memory_space<vmem>>, vector<1x16xf32>,
      %parallel_loop3A_662 = vector.shape_cast %parallel_loop3A_661 : vector<1x16xf32> to vector<16xf32>
      %parallel_loop3A_663 = arith.subf %parallel_loop3A_658, %parallel_loop3A_662 : vector<16xf32>
      %parallel_loop3A_664 = arith.mulf %parallel_loop3A_663, %parallel_loop3A_663 : vector<16xf32>
      %parallel_loop3A_665 = arith.constant 5.000000e-01 : f32
      %parallel_loop3A_666 = vector.broadcast %parallel_loop3A_665 : f32 to vector<16xf32>
      %parallel_loop3A_667 = arith.subf %parallel_loop3A_666, %parallel_loop3A_664 : vector<16xf32>
      %parallel_loop3A_668 = arith.maximumf %parallel_loop3A_667, %broadcast_in_dim3A_125 : vector<16xf32>
      %parallel_loop3A_669 = arith.addf %parallel_loop3A_609, %parallel_loop3A_668 : vector<16xf32>
      %parallel_loop3A_670 = arith.index_cast %parallel_loop3A_605 : i32 to index
      %parallel_loop3A_671 = arith.constant 64 : index
      %parallel_loop3A_672 = tpu.vector_load %arg17[%parallel_loop3A_670, %parallel_loop3A_671] {strides = array<i32>} : memref<128x128xf32, #tpu.memory_space<vmem>>, vector<1x16xf32>,
      %parallel_loop3A_673 = vector.shape_cast %parallel_loop3A_672 : vector<1x16xf32> to vector<16xf32>
      %parallel_loop3A_674 = arith.index_cast %parallel_loop3A_605 : i32 to index
      %parallel_loop3A_675 = arith.constant 64 : index
      %parallel_loop3A_676 = tpu.vector_load %arg18[%parallel_loop3A_674, %parallel_loop3A_675] {strides = array<i32>} : memref<128x128xf32, #tpu.memory_space<vmem>>, vector<1x16xf32>,
      %parallel_loop3A_677 = vector.shape_cast %parallel_loop3A_676 : vector<1x16xf32> to vector<16xf32>
      %parallel_loop3A_678 = arith.subf %parallel_loop3A_673, %parallel_loop3A_677 : vector<16xf32>
      %parallel_loop3A_679 = arith.mulf %parallel_loop3A_678, %parallel_loop3A_678 : vector<16xf32>
      %parallel_loop3A_680 = arith.constant 5.000000e-01 : f32
      %parallel_loop3A_681 = vector.broadcast %parallel_loop3A_680 : f32 to vector<16xf32>
      %parallel_loop3A_682 = arith.subf %parallel_loop3A_681, %parallel_loop3A_679 : vector<16xf32>
      %parallel_loop3A_683 = arith.maximumf %parallel_loop3A_682, %broadcast_in_dim3A_125 : vector<16xf32>
      %parallel_loop3A_684 = arith.addf %parallel_loop3A_624, %parallel_loop3A_683 : vector<16xf32>
      %parallel_loop3A_685 = arith.index_cast %parallel_loop3A_605 : i32 to index
      %parallel_loop3A_686 = arith.constant 80 : index
      %parallel_loop3A_687 = tpu.vector_load %arg17[%parallel_loop3A_685, %parallel_loop3A_686] {strides = array<i32>} : memref<128x128xf32, #tpu.memory_space<vmem>>, vector<1x16xf32>,
      %parallel_loop3A_688 = vector.shape_cast %parallel_loop3A_687 : vector<1x16xf32> to vector<16xf32>
      %parallel_loop3A_689 = arith.index_cast %parallel_loop3A_605 : i32 to index
      %parallel_loop3A_690 = arith.constant 80 : index
      %parallel_loop3A_691 = tpu.vector_load %arg18[%parallel_loop3A_689, %parallel_loop3A_690] {strides = array<i32>} : memref<128x128xf32, #tpu.memory_space<vmem>>, vector<1x16xf32>,
      %parallel_loop3A_692 = vector.shape_cast %parallel_loop3A_691 : vector<1x16xf32> to vector<16xf32>
      %parallel_loop3A_693 = arith.subf %parallel_loop3A_688, %parallel_loop3A_692 : vector<16xf32>
      %parallel_loop3A_694 = arith.mulf %parallel_loop3A_693, %parallel_loop3A_693 : vector<16xf32>
      %parallel_loop3A_695 = arith.constant 5.000000e-01 : f32
      %parallel_loop3A_696 = vector.broadcast %parallel_loop3A_695 : f32 to vector<16xf32>
      %parallel_loop3A_697 = arith.subf %parallel_loop3A_696, %parallel_loop3A_694 : vector<16xf32>
      %parallel_loop3A_698 = arith.maximumf %parallel_loop3A_697, %broadcast_in_dim3A_125 : vector<16xf32>
      %parallel_loop3A_699 = arith.addf %parallel_loop3A_639, %parallel_loop3A_698 : vector<16xf32>
      %parallel_loop3A_700 = arith.index_cast %parallel_loop3A_605 : i32 to index
      %parallel_loop3A_701 = arith.constant 96 : index
      %parallel_loop3A_702 = tpu.vector_load %arg17[%parallel_loop3A_700, %parallel_loop3A_701] {strides = array<i32>} : memref<128x128xf32, #tpu.memory_space<vmem>>, vector<1x16xf32>,
      %parallel_loop3A_703 = vector.shape_cast %parallel_loop3A_702 : vector<1x16xf32> to vector<16xf32>
      %parallel_loop3A_704 = arith.index_cast %parallel_loop3A_605 : i32 to index
      %parallel_loop3A_705 = arith.constant 96 : index
      %parallel_loop3A_706 = tpu.vector_load %arg18[%parallel_loop3A_704, %parallel_loop3A_705] {strides = array<i32>} : memref<128x128xf32, #tpu.memory_space<vmem>>, vector<1x16xf32>,
      %parallel_loop3A_707 = vector.shape_cast %parallel_loop3A_706 : vector<1x16xf32> to vector<16xf32>
      %parallel_loop3A_708 = arith.subf %parallel_loop3A_703, %parallel_loop3A_707 : vector<16xf32>
      %parallel_loop3A_709 = arith.mulf %parallel_loop3A_708, %parallel_loop3A_708 : vector<16xf32>
      %parallel_loop3A_710 = arith.constant 5.000000e-01 : f32
      %parallel_loop3A_711 = vector.broadcast %parallel_loop3A_710 : f32 to vector<16xf32>
      %parallel_loop3A_712 = arith.subf %parallel_loop3A_711, %parallel_loop3A_709 : vector<16xf32>
      %parallel_loop3A_713 = arith.maximumf %parallel_loop3A_712, %broadcast_in_dim3A_125 : vector<16xf32>
      %parallel_loop3A_714 = arith.addf %parallel_loop3A_654, %parallel_loop3A_713 : vector<16xf32>
      %parallel_loop3A_715 = arith.index_cast %parallel_loop3A_605 : i32 to index
      %parallel_loop3A_716 = arith.constant 112 : index
      %parallel_loop3A_717 = tpu.vector_load %arg17[%parallel_loop3A_715, %parallel_loop3A_716] {strides = array<i32>} : memref<128x128xf32, #tpu.memory_space<vmem>>, vector<1x16xf32>,
      %parallel_loop3A_718 = vector.shape_cast %parallel_loop3A_717 : vector<1x16xf32> to vector<16xf32>
      %parallel_loop3A_719 = arith.index_cast %parallel_loop3A_605 : i32 to index
      %parallel_loop3A_720 = arith.constant 112 : index
      %parallel_loop3A_721 = tpu.vector_load %arg18[%parallel_loop3A_719, %parallel_loop3A_720] {strides = array<i32>} : memref<128x128xf32, #tpu.memory_space<vmem>>, vector<1x16xf32>,
      %parallel_loop3A_722 = vector.shape_cast %parallel_loop3A_721 : vector<1x16xf32> to vector<16xf32>
      %parallel_loop3A_723 = arith.subf %parallel_loop3A_718, %parallel_loop3A_722 : vector<16xf32>
      %parallel_loop3A_724 = arith.mulf %parallel_loop3A_723, %parallel_loop3A_723 : vector<16xf32>
      %parallel_loop3A_725 = arith.constant 5.000000e-01 : f32
      %parallel_loop3A_726 = vector.broadcast %parallel_loop3A_725 : f32 to vector<16xf32>
      %parallel_loop3A_727 = arith.subf %parallel_loop3A_726, %parallel_loop3A_724 : vector<16xf32>
      %parallel_loop3A_728 = arith.maximumf %parallel_loop3A_727, %broadcast_in_dim3A_125 : vector<16xf32>
      %parallel_loop3A_729 = arith.addf %parallel_loop3A_669, %parallel_loop3A_728 : vector<16xf32>
      scf.yield %parallel_loop3A_684, %parallel_loop3A_699, %parallel_loop3A_714, %parallel_loop3A_729 : vector<16xf32>, vector<16xf32>, vector<16xf32>, vector<16xf32>
    } {sc.loop_unroll_factor = 2 : i64, sc.parallel_access}
    %dma_start3A_306 = arith.constant 0 : i32
    %dma_start3A_307 = arith.constant 0 : i32
    %dma_start3A_308 = tpu.memref_slice %arg17[%dma_start3A_306, %dma_start3A_307] : memref<128x128xf32, #tpu.memory_space<vmem>> -> memref<128x128xf32, #tpu.memory_space<vmem>>
    %dma_start3A_309 = arith.constant 768 : i32
    %dma_start3A_310 = tpu.memref_slice %arg15[%dma_start3A_309] : memref<1264xi32, #tpu.memory_space<vmem>> -> memref<128xi32, #tpu.memory_space<vmem>>
    %dma_start3A_311 = arith.constant 0 : i32
    %dma_start3A_312 = arith.constant 0 : i32
    %dma_start3A_313 = tpu.memref_slice %arg2[%dma_start3A_311, %dma_start3A_312] : memref<294912x128xf32, #tpu.memory_space<hbm>> -> memref<294912x128xf32, #tpu.memory_space<hbm>>
    tpu.enqueue_indirect_dma source(%dma_start3A_313 : memref<294912x128xf32, #tpu.memory_space<hbm>>) target(%dma_start3A_308 : memref<128x128xf32, #tpu.memory_space<vmem>>) offsets(%dma_start3A_310 : memref<128xi32, #tpu.memory_space<vmem>>) semaphore(%arg22 : memref<!tpu.dma_semaphore, #tpu.memory_space<semaphore_mem>>)
    %dma_start3A_314 = arith.constant 0 : i32
    %dma_start3A_315 = arith.constant 0 : i32
    %dma_start3A_316 = tpu.memref_slice %arg18[%dma_start3A_314, %dma_start3A_315] : memref<128x128xf32, #tpu.memory_space<vmem>> -> memref<128x128xf32, #tpu.memory_space<vmem>>
    %dma_start3A_317 = arith.constant 768 : i32
    %dma_start3A_318 = tpu.memref_slice %arg16[%dma_start3A_317] : memref<1264xi32, #tpu.memory_space<vmem>> -> memref<128xi32, #tpu.memory_space<vmem>>
    %dma_start3A_319 = arith.constant 0 : i32
    %dma_start3A_320 = arith.constant 0 : i32
    %dma_start3A_321 = tpu.memref_slice %arg3[%dma_start3A_319, %dma_start3A_320] : memref<294912x128xf32, #tpu.memory_space<hbm>> -> memref<294912x128xf32, #tpu.memory_space<hbm>>
    tpu.enqueue_indirect_dma source(%dma_start3A_321 : memref<294912x128xf32, #tpu.memory_space<hbm>>) target(%dma_start3A_316 : memref<128x128xf32, #tpu.memory_space<vmem>>) offsets(%dma_start3A_318 : memref<128xi32, #tpu.memory_space<vmem>>) semaphore(%arg22 : memref<!tpu.dma_semaphore, #tpu.memory_space<semaphore_mem>>)
    %dma_wait3A_322 = arith.constant 0 : i32
    %dma_wait3A_323 = arith.constant 0 : i32
    %dma_wait3A_324 = tpu.memref_slice %arg19[%dma_wait3A_322, %dma_wait3A_323] : memref<128x128xf32, #tpu.memory_space<vmem>> -> memref<128x128xf32, #tpu.memory_space<vmem>>
    %dma_wait3A_325 = arith.constant 640 : i32
    %dma_wait3A_326 = tpu.memref_slice %arg15[%dma_wait3A_325] : memref<1264xi32, #tpu.memory_space<vmem>> -> memref<128xi32, #tpu.memory_space<vmem>>
    %dma_wait3A_327 = arith.constant 0 : i32
    %dma_wait3A_328 = arith.constant 0 : i32
    %dma_wait3A_329 = tpu.memref_slice %arg2[%dma_wait3A_327, %dma_wait3A_328] : memref<294912x128xf32, #tpu.memory_space<hbm>> -> memref<294912x128xf32, #tpu.memory_space<hbm>>
    tpu.wait_indirect_dma semaphore(%arg23 : memref<!tpu.dma_semaphore, #tpu.memory_space<semaphore_mem>>) src(%dma_wait3A_329 : memref<294912x128xf32, #tpu.memory_space<hbm>>) dst(%dma_wait3A_324 : memref<128x128xf32, #tpu.memory_space<vmem>>)
    %dma_wait3A_330 = arith.constant 0 : i32
    %dma_wait3A_331 = arith.constant 0 : i32
    %dma_wait3A_332 = tpu.memref_slice %arg20[%dma_wait3A_330, %dma_wait3A_331] : memref<128x128xf32, #tpu.memory_space<vmem>> -> memref<128x128xf32, #tpu.memory_space<vmem>>
    %dma_wait3A_333 = arith.constant 640 : i32
    %dma_wait3A_334 = tpu.memref_slice %arg16[%dma_wait3A_333] : memref<1264xi32, #tpu.memory_space<vmem>> -> memref<128xi32, #tpu.memory_space<vmem>>
    %dma_wait3A_335 = arith.constant 0 : i32
    %dma_wait3A_336 = arith.constant 0 : i32
    %dma_wait3A_337 = tpu.memref_slice %arg3[%dma_wait3A_335, %dma_wait3A_336] : memref<294912x128xf32, #tpu.memory_space<hbm>> -> memref<294912x128xf32, #tpu.memory_space<hbm>>
    tpu.wait_indirect_dma semaphore(%arg23 : memref<!tpu.dma_semaphore, #tpu.memory_space<semaphore_mem>>) src(%dma_wait3A_337 : memref<294912x128xf32, #tpu.memory_space<hbm>>) dst(%dma_wait3A_332 : memref<128x128xf32, #tpu.memory_space<vmem>>)
    %parallel_loop3A_338 = arith.constant 0 : i32
    %parallel_loop3A_339 = arith.constant 128 : i32
    %parallel_loop3A_340 = arith.constant 1 : i32
    %parallel_loop3A_341:4 = scf.for %parallel_loop3A_605 = %parallel_loop3A_338 to %parallel_loop3A_339 step %parallel_loop3A_340 iter_args(%parallel_loop3A_606 = %parallel_loop3A_305#0, %parallel_loop3A_607 = %parallel_loop3A_305#1, %parallel_loop3A_608 = %parallel_loop3A_305#2, %parallel_loop3A_609 = %parallel_loop3A_305#3) -> (vector<16xf32>, vector<16xf32>, vector<16xf32>, vector<16xf32>)  : i32 {
      %parallel_loop3A_610 = arith.index_cast %parallel_loop3A_605 : i32 to index
      %parallel_loop3A_611 = arith.constant 0 : index
      %parallel_loop3A_612 = tpu.vector_load %arg19[%parallel_loop3A_610, %parallel_loop3A_611] {strides = array<i32>} : memref<128x128xf32, #tpu.memory_space<vmem>>, vector<1x16xf32>,
      %parallel_loop3A_613 = vector.shape_cast %parallel_loop3A_612 : vector<1x16xf32> to vector<16xf32>
      %parallel_loop3A_614 = arith.index_cast %parallel_loop3A_605 : i32 to index
      %parallel_loop3A_615 = arith.constant 0 : index
      %parallel_loop3A_616 = tpu.vector_load %arg20[%parallel_loop3A_614, %parallel_loop3A_615] {strides = array<i32>} : memref<128x128xf32, #tpu.memory_space<vmem>>, vector<1x16xf32>,
      %parallel_loop3A_617 = vector.shape_cast %parallel_loop3A_616 : vector<1x16xf32> to vector<16xf32>
      %parallel_loop3A_618 = arith.subf %parallel_loop3A_613, %parallel_loop3A_617 : vector<16xf32>
      %parallel_loop3A_619 = arith.mulf %parallel_loop3A_618, %parallel_loop3A_618 : vector<16xf32>
      %parallel_loop3A_620 = arith.constant 5.000000e-01 : f32
      %parallel_loop3A_621 = vector.broadcast %parallel_loop3A_620 : f32 to vector<16xf32>
      %parallel_loop3A_622 = arith.subf %parallel_loop3A_621, %parallel_loop3A_619 : vector<16xf32>
      %parallel_loop3A_623 = arith.maximumf %parallel_loop3A_622, %broadcast_in_dim3A_125 : vector<16xf32>
      %parallel_loop3A_624 = arith.addf %parallel_loop3A_606, %parallel_loop3A_623 : vector<16xf32>
      %parallel_loop3A_625 = arith.index_cast %parallel_loop3A_605 : i32 to index
      %parallel_loop3A_626 = arith.constant 16 : index
      %parallel_loop3A_627 = tpu.vector_load %arg19[%parallel_loop3A_625, %parallel_loop3A_626] {strides = array<i32>} : memref<128x128xf32, #tpu.memory_space<vmem>>, vector<1x16xf32>,
      %parallel_loop3A_628 = vector.shape_cast %parallel_loop3A_627 : vector<1x16xf32> to vector<16xf32>
      %parallel_loop3A_629 = arith.index_cast %parallel_loop3A_605 : i32 to index
      %parallel_loop3A_630 = arith.constant 16 : index
      %parallel_loop3A_631 = tpu.vector_load %arg20[%parallel_loop3A_629, %parallel_loop3A_630] {strides = array<i32>} : memref<128x128xf32, #tpu.memory_space<vmem>>, vector<1x16xf32>,
      %parallel_loop3A_632 = vector.shape_cast %parallel_loop3A_631 : vector<1x16xf32> to vector<16xf32>
      %parallel_loop3A_633 = arith.subf %parallel_loop3A_628, %parallel_loop3A_632 : vector<16xf32>
      %parallel_loop3A_634 = arith.mulf %parallel_loop3A_633, %parallel_loop3A_633 : vector<16xf32>
      %parallel_loop3A_635 = arith.constant 5.000000e-01 : f32
      %parallel_loop3A_636 = vector.broadcast %parallel_loop3A_635 : f32 to vector<16xf32>
      %parallel_loop3A_637 = arith.subf %parallel_loop3A_636, %parallel_loop3A_634 : vector<16xf32>
      %parallel_loop3A_638 = arith.maximumf %parallel_loop3A_637, %broadcast_in_dim3A_125 : vector<16xf32>
      %parallel_loop3A_639 = arith.addf %parallel_loop3A_607, %parallel_loop3A_638 : vector<16xf32>
      %parallel_loop3A_640 = arith.index_cast %parallel_loop3A_605 : i32 to index
      %parallel_loop3A_641 = arith.constant 32 : index
      %parallel_loop3A_642 = tpu.vector_load %arg19[%parallel_loop3A_640, %parallel_loop3A_641] {strides = array<i32>} : memref<128x128xf32, #tpu.memory_space<vmem>>, vector<1x16xf32>,
      %parallel_loop3A_643 = vector.shape_cast %parallel_loop3A_642 : vector<1x16xf32> to vector<16xf32>
      %parallel_loop3A_644 = arith.index_cast %parallel_loop3A_605 : i32 to index
      %parallel_loop3A_645 = arith.constant 32 : index
      %parallel_loop3A_646 = tpu.vector_load %arg20[%parallel_loop3A_644, %parallel_loop3A_645] {strides = array<i32>} : memref<128x128xf32, #tpu.memory_space<vmem>>, vector<1x16xf32>,
      %parallel_loop3A_647 = vector.shape_cast %parallel_loop3A_646 : vector<1x16xf32> to vector<16xf32>
      %parallel_loop3A_648 = arith.subf %parallel_loop3A_643, %parallel_loop3A_647 : vector<16xf32>
      %parallel_loop3A_649 = arith.mulf %parallel_loop3A_648, %parallel_loop3A_648 : vector<16xf32>
      %parallel_loop3A_650 = arith.constant 5.000000e-01 : f32
      %parallel_loop3A_651 = vector.broadcast %parallel_loop3A_650 : f32 to vector<16xf32>
      %parallel_loop3A_652 = arith.subf %parallel_loop3A_651, %parallel_loop3A_649 : vector<16xf32>
      %parallel_loop3A_653 = arith.maximumf %parallel_loop3A_652, %broadcast_in_dim3A_125 : vector<16xf32>
      %parallel_loop3A_654 = arith.addf %parallel_loop3A_608, %parallel_loop3A_653 : vector<16xf32>
      %parallel_loop3A_655 = arith.index_cast %parallel_loop3A_605 : i32 to index
      %parallel_loop3A_656 = arith.constant 48 : index
      %parallel_loop3A_657 = tpu.vector_load %arg19[%parallel_loop3A_655, %parallel_loop3A_656] {strides = array<i32>} : memref<128x128xf32, #tpu.memory_space<vmem>>, vector<1x16xf32>,
      %parallel_loop3A_658 = vector.shape_cast %parallel_loop3A_657 : vector<1x16xf32> to vector<16xf32>
      %parallel_loop3A_659 = arith.index_cast %parallel_loop3A_605 : i32 to index
      %parallel_loop3A_660 = arith.constant 48 : index
      %parallel_loop3A_661 = tpu.vector_load %arg20[%parallel_loop3A_659, %parallel_loop3A_660] {strides = array<i32>} : memref<128x128xf32, #tpu.memory_space<vmem>>, vector<1x16xf32>,
      %parallel_loop3A_662 = vector.shape_cast %parallel_loop3A_661 : vector<1x16xf32> to vector<16xf32>
      %parallel_loop3A_663 = arith.subf %parallel_loop3A_658, %parallel_loop3A_662 : vector<16xf32>
      %parallel_loop3A_664 = arith.mulf %parallel_loop3A_663, %parallel_loop3A_663 : vector<16xf32>
      %parallel_loop3A_665 = arith.constant 5.000000e-01 : f32
      %parallel_loop3A_666 = vector.broadcast %parallel_loop3A_665 : f32 to vector<16xf32>
      %parallel_loop3A_667 = arith.subf %parallel_loop3A_666, %parallel_loop3A_664 : vector<16xf32>
      %parallel_loop3A_668 = arith.maximumf %parallel_loop3A_667, %broadcast_in_dim3A_125 : vector<16xf32>
      %parallel_loop3A_669 = arith.addf %parallel_loop3A_609, %parallel_loop3A_668 : vector<16xf32>
      %parallel_loop3A_670 = arith.index_cast %parallel_loop3A_605 : i32 to index
      %parallel_loop3A_671 = arith.constant 64 : index
      %parallel_loop3A_672 = tpu.vector_load %arg19[%parallel_loop3A_670, %parallel_loop3A_671] {strides = array<i32>} : memref<128x128xf32, #tpu.memory_space<vmem>>, vector<1x16xf32>,
      %parallel_loop3A_673 = vector.shape_cast %parallel_loop3A_672 : vector<1x16xf32> to vector<16xf32>
      %parallel_loop3A_674 = arith.index_cast %parallel_loop3A_605 : i32 to index
      %parallel_loop3A_675 = arith.constant 64 : index
      %parallel_loop3A_676 = tpu.vector_load %arg20[%parallel_loop3A_674, %parallel_loop3A_675] {strides = array<i32>} : memref<128x128xf32, #tpu.memory_space<vmem>>, vector<1x16xf32>,
      %parallel_loop3A_677 = vector.shape_cast %parallel_loop3A_676 : vector<1x16xf32> to vector<16xf32>
      %parallel_loop3A_678 = arith.subf %parallel_loop3A_673, %parallel_loop3A_677 : vector<16xf32>
      %parallel_loop3A_679 = arith.mulf %parallel_loop3A_678, %parallel_loop3A_678 : vector<16xf32>
      %parallel_loop3A_680 = arith.constant 5.000000e-01 : f32
      %parallel_loop3A_681 = vector.broadcast %parallel_loop3A_680 : f32 to vector<16xf32>
      %parallel_loop3A_682 = arith.subf %parallel_loop3A_681, %parallel_loop3A_679 : vector<16xf32>
      %parallel_loop3A_683 = arith.maximumf %parallel_loop3A_682, %broadcast_in_dim3A_125 : vector<16xf32>
      %parallel_loop3A_684 = arith.addf %parallel_loop3A_624, %parallel_loop3A_683 : vector<16xf32>
      %parallel_loop3A_685 = arith.index_cast %parallel_loop3A_605 : i32 to index
      %parallel_loop3A_686 = arith.constant 80 : index
      %parallel_loop3A_687 = tpu.vector_load %arg19[%parallel_loop3A_685, %parallel_loop3A_686] {strides = array<i32>} : memref<128x128xf32, #tpu.memory_space<vmem>>, vector<1x16xf32>,
      %parallel_loop3A_688 = vector.shape_cast %parallel_loop3A_687 : vector<1x16xf32> to vector<16xf32>
      %parallel_loop3A_689 = arith.index_cast %parallel_loop3A_605 : i32 to index
      %parallel_loop3A_690 = arith.constant 80 : index
      %parallel_loop3A_691 = tpu.vector_load %arg20[%parallel_loop3A_689, %parallel_loop3A_690] {strides = array<i32>} : memref<128x128xf32, #tpu.memory_space<vmem>>, vector<1x16xf32>,
      %parallel_loop3A_692 = vector.shape_cast %parallel_loop3A_691 : vector<1x16xf32> to vector<16xf32>
      %parallel_loop3A_693 = arith.subf %parallel_loop3A_688, %parallel_loop3A_692 : vector<16xf32>
      %parallel_loop3A_694 = arith.mulf %parallel_loop3A_693, %parallel_loop3A_693 : vector<16xf32>
      %parallel_loop3A_695 = arith.constant 5.000000e-01 : f32
      %parallel_loop3A_696 = vector.broadcast %parallel_loop3A_695 : f32 to vector<16xf32>
      %parallel_loop3A_697 = arith.subf %parallel_loop3A_696, %parallel_loop3A_694 : vector<16xf32>
      %parallel_loop3A_698 = arith.maximumf %parallel_loop3A_697, %broadcast_in_dim3A_125 : vector<16xf32>
      %parallel_loop3A_699 = arith.addf %parallel_loop3A_639, %parallel_loop3A_698 : vector<16xf32>
      %parallel_loop3A_700 = arith.index_cast %parallel_loop3A_605 : i32 to index
      %parallel_loop3A_701 = arith.constant 96 : index
      %parallel_loop3A_702 = tpu.vector_load %arg19[%parallel_loop3A_700, %parallel_loop3A_701] {strides = array<i32>} : memref<128x128xf32, #tpu.memory_space<vmem>>, vector<1x16xf32>,
      %parallel_loop3A_703 = vector.shape_cast %parallel_loop3A_702 : vector<1x16xf32> to vector<16xf32>
      %parallel_loop3A_704 = arith.index_cast %parallel_loop3A_605 : i32 to index
      %parallel_loop3A_705 = arith.constant 96 : index
      %parallel_loop3A_706 = tpu.vector_load %arg20[%parallel_loop3A_704, %parallel_loop3A_705] {strides = array<i32>} : memref<128x128xf32, #tpu.memory_space<vmem>>, vector<1x16xf32>,
      %parallel_loop3A_707 = vector.shape_cast %parallel_loop3A_706 : vector<1x16xf32> to vector<16xf32>
      %parallel_loop3A_708 = arith.subf %parallel_loop3A_703, %parallel_loop3A_707 : vector<16xf32>
      %parallel_loop3A_709 = arith.mulf %parallel_loop3A_708, %parallel_loop3A_708 : vector<16xf32>
      %parallel_loop3A_710 = arith.constant 5.000000e-01 : f32
      %parallel_loop3A_711 = vector.broadcast %parallel_loop3A_710 : f32 to vector<16xf32>
      %parallel_loop3A_712 = arith.subf %parallel_loop3A_711, %parallel_loop3A_709 : vector<16xf32>
      %parallel_loop3A_713 = arith.maximumf %parallel_loop3A_712, %broadcast_in_dim3A_125 : vector<16xf32>
      %parallel_loop3A_714 = arith.addf %parallel_loop3A_654, %parallel_loop3A_713 : vector<16xf32>
      %parallel_loop3A_715 = arith.index_cast %parallel_loop3A_605 : i32 to index
      %parallel_loop3A_716 = arith.constant 112 : index
      %parallel_loop3A_717 = tpu.vector_load %arg19[%parallel_loop3A_715, %parallel_loop3A_716] {strides = array<i32>} : memref<128x128xf32, #tpu.memory_space<vmem>>, vector<1x16xf32>,
      %parallel_loop3A_718 = vector.shape_cast %parallel_loop3A_717 : vector<1x16xf32> to vector<16xf32>
      %parallel_loop3A_719 = arith.index_cast %parallel_loop3A_605 : i32 to index
      %parallel_loop3A_720 = arith.constant 112 : index
      %parallel_loop3A_721 = tpu.vector_load %arg20[%parallel_loop3A_719, %parallel_loop3A_720] {strides = array<i32>} : memref<128x128xf32, #tpu.memory_space<vmem>>, vector<1x16xf32>,
      %parallel_loop3A_722 = vector.shape_cast %parallel_loop3A_721 : vector<1x16xf32> to vector<16xf32>
      %parallel_loop3A_723 = arith.subf %parallel_loop3A_718, %parallel_loop3A_722 : vector<16xf32>
      %parallel_loop3A_724 = arith.mulf %parallel_loop3A_723, %parallel_loop3A_723 : vector<16xf32>
      %parallel_loop3A_725 = arith.constant 5.000000e-01 : f32
      %parallel_loop3A_726 = vector.broadcast %parallel_loop3A_725 : f32 to vector<16xf32>
      %parallel_loop3A_727 = arith.subf %parallel_loop3A_726, %parallel_loop3A_724 : vector<16xf32>
      %parallel_loop3A_728 = arith.maximumf %parallel_loop3A_727, %broadcast_in_dim3A_125 : vector<16xf32>
      %parallel_loop3A_729 = arith.addf %parallel_loop3A_669, %parallel_loop3A_728 : vector<16xf32>
      scf.yield %parallel_loop3A_684, %parallel_loop3A_699, %parallel_loop3A_714, %parallel_loop3A_729 : vector<16xf32>, vector<16xf32>, vector<16xf32>, vector<16xf32>
    } {sc.loop_unroll_factor = 2 : i64, sc.parallel_access}
    %dma_start3A_342 = arith.constant 0 : i32
    %dma_start3A_343 = arith.constant 0 : i32
    %dma_start3A_344 = tpu.memref_slice %arg19[%dma_start3A_342, %dma_start3A_343] : memref<128x128xf32, #tpu.memory_space<vmem>> -> memref<128x128xf32, #tpu.memory_space<vmem>>
    %dma_start3A_345 = arith.constant 896 : i32
    %dma_start3A_346 = tpu.memref_slice %arg15[%dma_start3A_345] : memref<1264xi32, #tpu.memory_space<vmem>> -> memref<128xi32, #tpu.memory_space<vmem>>
    %dma_start3A_347 = arith.constant 0 : i32
    %dma_start3A_348 = arith.constant 0 : i32
    %dma_start3A_349 = tpu.memref_slice %arg2[%dma_start3A_347, %dma_start3A_348] : memref<294912x128xf32, #tpu.memory_space<hbm>> -> memref<294912x128xf32, #tpu.memory_space<hbm>>
    tpu.enqueue_indirect_dma source(%dma_start3A_349 : memref<294912x128xf32, #tpu.memory_space<hbm>>) target(%dma_start3A_344 : memref<128x128xf32, #tpu.memory_space<vmem>>) offsets(%dma_start3A_346 : memref<128xi32, #tpu.memory_space<vmem>>) semaphore(%arg23 : memref<!tpu.dma_semaphore, #tpu.memory_space<semaphore_mem>>)
    %dma_start3A_350 = arith.constant 0 : i32
    %dma_start3A_351 = arith.constant 0 : i32
    %dma_start3A_352 = tpu.memref_slice %arg20[%dma_start3A_350, %dma_start3A_351] : memref<128x128xf32, #tpu.memory_space<vmem>> -> memref<128x128xf32, #tpu.memory_space<vmem>>
    %dma_start3A_353 = arith.constant 896 : i32
    %dma_start3A_354 = tpu.memref_slice %arg16[%dma_start3A_353] : memref<1264xi32, #tpu.memory_space<vmem>> -> memref<128xi32, #tpu.memory_space<vmem>>
    %dma_start3A_355 = arith.constant 0 : i32
    %dma_start3A_356 = arith.constant 0 : i32
    %dma_start3A_357 = tpu.memref_slice %arg3[%dma_start3A_355, %dma_start3A_356] : memref<294912x128xf32, #tpu.memory_space<hbm>> -> memref<294912x128xf32, #tpu.memory_space<hbm>>
    tpu.enqueue_indirect_dma source(%dma_start3A_357 : memref<294912x128xf32, #tpu.memory_space<hbm>>) target(%dma_start3A_352 : memref<128x128xf32, #tpu.memory_space<vmem>>) offsets(%dma_start3A_354 : memref<128xi32, #tpu.memory_space<vmem>>) semaphore(%arg23 : memref<!tpu.dma_semaphore, #tpu.memory_space<semaphore_mem>>)
    %dma_wait3A_358 = arith.constant 0 : i32
    %dma_wait3A_359 = arith.constant 0 : i32
    %dma_wait3A_360 = tpu.memref_slice %arg17[%dma_wait3A_358, %dma_wait3A_359] : memref<128x128xf32, #tpu.memory_space<vmem>> -> memref<128x128xf32, #tpu.memory_space<vmem>>
    %dma_wait3A_361 = arith.constant 768 : i32
    %dma_wait3A_362 = tpu.memref_slice %arg15[%dma_wait3A_361] : memref<1264xi32, #tpu.memory_space<vmem>> -> memref<128xi32, #tpu.memory_space<vmem>>
    %dma_wait3A_363 = arith.constant 0 : i32
    %dma_wait3A_364 = arith.constant 0 : i32
    %dma_wait3A_365 = tpu.memref_slice %arg2[%dma_wait3A_363, %dma_wait3A_364] : memref<294912x128xf32, #tpu.memory_space<hbm>> -> memref<294912x128xf32, #tpu.memory_space<hbm>>
    tpu.wait_indirect_dma semaphore(%arg22 : memref<!tpu.dma_semaphore, #tpu.memory_space<semaphore_mem>>) src(%dma_wait3A_365 : memref<294912x128xf32, #tpu.memory_space<hbm>>) dst(%dma_wait3A_360 : memref<128x128xf32, #tpu.memory_space<vmem>>)
    %dma_wait3A_366 = arith.constant 0 : i32
    %dma_wait3A_367 = arith.constant 0 : i32
    %dma_wait3A_368 = tpu.memref_slice %arg18[%dma_wait3A_366, %dma_wait3A_367] : memref<128x128xf32, #tpu.memory_space<vmem>> -> memref<128x128xf32, #tpu.memory_space<vmem>>
    %dma_wait3A_369 = arith.constant 768 : i32
    %dma_wait3A_370 = tpu.memref_slice %arg16[%dma_wait3A_369] : memref<1264xi32, #tpu.memory_space<vmem>> -> memref<128xi32, #tpu.memory_space<vmem>>
    %dma_wait3A_371 = arith.constant 0 : i32
    %dma_wait3A_372 = arith.constant 0 : i32
    %dma_wait3A_373 = tpu.memref_slice %arg3[%dma_wait3A_371, %dma_wait3A_372] : memref<294912x128xf32, #tpu.memory_space<hbm>> -> memref<294912x128xf32, #tpu.memory_space<hbm>>
    tpu.wait_indirect_dma semaphore(%arg22 : memref<!tpu.dma_semaphore, #tpu.memory_space<semaphore_mem>>) src(%dma_wait3A_373 : memref<294912x128xf32, #tpu.memory_space<hbm>>) dst(%dma_wait3A_368 : memref<128x128xf32, #tpu.memory_space<vmem>>)
    %parallel_loop3A_374 = arith.constant 0 : i32
    %parallel_loop3A_375 = arith.constant 128 : i32
    %parallel_loop3A_376 = arith.constant 1 : i32
    %parallel_loop3A_377:4 = scf.for %parallel_loop3A_605 = %parallel_loop3A_374 to %parallel_loop3A_375 step %parallel_loop3A_376 iter_args(%parallel_loop3A_606 = %parallel_loop3A_341#0, %parallel_loop3A_607 = %parallel_loop3A_341#1, %parallel_loop3A_608 = %parallel_loop3A_341#2, %parallel_loop3A_609 = %parallel_loop3A_341#3) -> (vector<16xf32>, vector<16xf32>, vector<16xf32>, vector<16xf32>)  : i32 {
      %parallel_loop3A_610 = arith.index_cast %parallel_loop3A_605 : i32 to index
      %parallel_loop3A_611 = arith.constant 0 : index
      %parallel_loop3A_612 = tpu.vector_load %arg17[%parallel_loop3A_610, %parallel_loop3A_611] {strides = array<i32>} : memref<128x128xf32, #tpu.memory_space<vmem>>, vector<1x16xf32>,
      %parallel_loop3A_613 = vector.shape_cast %parallel_loop3A_612 : vector<1x16xf32> to vector<16xf32>
      %parallel_loop3A_614 = arith.index_cast %parallel_loop3A_605 : i32 to index
      %parallel_loop3A_615 = arith.constant 0 : index
      %parallel_loop3A_616 = tpu.vector_load %arg18[%parallel_loop3A_614, %parallel_loop3A_615] {strides = array<i32>} : memref<128x128xf32, #tpu.memory_space<vmem>>, vector<1x16xf32>,
      %parallel_loop3A_617 = vector.shape_cast %parallel_loop3A_616 : vector<1x16xf32> to vector<16xf32>
      %parallel_loop3A_618 = arith.subf %parallel_loop3A_613, %parallel_loop3A_617 : vector<16xf32>
      %parallel_loop3A_619 = arith.mulf %parallel_loop3A_618, %parallel_loop3A_618 : vector<16xf32>
      %parallel_loop3A_620 = arith.constant 5.000000e-01 : f32
      %parallel_loop3A_621 = vector.broadcast %parallel_loop3A_620 : f32 to vector<16xf32>
      %parallel_loop3A_622 = arith.subf %parallel_loop3A_621, %parallel_loop3A_619 : vector<16xf32>
      %parallel_loop3A_623 = arith.maximumf %parallel_loop3A_622, %broadcast_in_dim3A_125 : vector<16xf32>
      %parallel_loop3A_624 = arith.addf %parallel_loop3A_606, %parallel_loop3A_623 : vector<16xf32>
      %parallel_loop3A_625 = arith.index_cast %parallel_loop3A_605 : i32 to index
      %parallel_loop3A_626 = arith.constant 16 : index
      %parallel_loop3A_627 = tpu.vector_load %arg17[%parallel_loop3A_625, %parallel_loop3A_626] {strides = array<i32>} : memref<128x128xf32, #tpu.memory_space<vmem>>, vector<1x16xf32>,
      %parallel_loop3A_628 = vector.shape_cast %parallel_loop3A_627 : vector<1x16xf32> to vector<16xf32>
      %parallel_loop3A_629 = arith.index_cast %parallel_loop3A_605 : i32 to index
      %parallel_loop3A_630 = arith.constant 16 : index
      %parallel_loop3A_631 = tpu.vector_load %arg18[%parallel_loop3A_629, %parallel_loop3A_630] {strides = array<i32>} : memref<128x128xf32, #tpu.memory_space<vmem>>, vector<1x16xf32>,
      %parallel_loop3A_632 = vector.shape_cast %parallel_loop3A_631 : vector<1x16xf32> to vector<16xf32>
      %parallel_loop3A_633 = arith.subf %parallel_loop3A_628, %parallel_loop3A_632 : vector<16xf32>
      %parallel_loop3A_634 = arith.mulf %parallel_loop3A_633, %parallel_loop3A_633 : vector<16xf32>
      %parallel_loop3A_635 = arith.constant 5.000000e-01 : f32
      %parallel_loop3A_636 = vector.broadcast %parallel_loop3A_635 : f32 to vector<16xf32>
      %parallel_loop3A_637 = arith.subf %parallel_loop3A_636, %parallel_loop3A_634 : vector<16xf32>
      %parallel_loop3A_638 = arith.maximumf %parallel_loop3A_637, %broadcast_in_dim3A_125 : vector<16xf32>
      %parallel_loop3A_639 = arith.addf %parallel_loop3A_607, %parallel_loop3A_638 : vector<16xf32>
      %parallel_loop3A_640 = arith.index_cast %parallel_loop3A_605 : i32 to index
      %parallel_loop3A_641 = arith.constant 32 : index
      %parallel_loop3A_642 = tpu.vector_load %arg17[%parallel_loop3A_640, %parallel_loop3A_641] {strides = array<i32>} : memref<128x128xf32, #tpu.memory_space<vmem>>, vector<1x16xf32>,
      %parallel_loop3A_643 = vector.shape_cast %parallel_loop3A_642 : vector<1x16xf32> to vector<16xf32>
      %parallel_loop3A_644 = arith.index_cast %parallel_loop3A_605 : i32 to index
      %parallel_loop3A_645 = arith.constant 32 : index
      %parallel_loop3A_646 = tpu.vector_load %arg18[%parallel_loop3A_644, %parallel_loop3A_645] {strides = array<i32>} : memref<128x128xf32, #tpu.memory_space<vmem>>, vector<1x16xf32>,
      %parallel_loop3A_647 = vector.shape_cast %parallel_loop3A_646 : vector<1x16xf32> to vector<16xf32>
      %parallel_loop3A_648 = arith.subf %parallel_loop3A_643, %parallel_loop3A_647 : vector<16xf32>
      %parallel_loop3A_649 = arith.mulf %parallel_loop3A_648, %parallel_loop3A_648 : vector<16xf32>
      %parallel_loop3A_650 = arith.constant 5.000000e-01 : f32
      %parallel_loop3A_651 = vector.broadcast %parallel_loop3A_650 : f32 to vector<16xf32>
      %parallel_loop3A_652 = arith.subf %parallel_loop3A_651, %parallel_loop3A_649 : vector<16xf32>
      %parallel_loop3A_653 = arith.maximumf %parallel_loop3A_652, %broadcast_in_dim3A_125 : vector<16xf32>
      %parallel_loop3A_654 = arith.addf %parallel_loop3A_608, %parallel_loop3A_653 : vector<16xf32>
      %parallel_loop3A_655 = arith.index_cast %parallel_loop3A_605 : i32 to index
      %parallel_loop3A_656 = arith.constant 48 : index
      %parallel_loop3A_657 = tpu.vector_load %arg17[%parallel_loop3A_655, %parallel_loop3A_656] {strides = array<i32>} : memref<128x128xf32, #tpu.memory_space<vmem>>, vector<1x16xf32>,
      %parallel_loop3A_658 = vector.shape_cast %parallel_loop3A_657 : vector<1x16xf32> to vector<16xf32>
      %parallel_loop3A_659 = arith.index_cast %parallel_loop3A_605 : i32 to index
      %parallel_loop3A_660 = arith.constant 48 : index
      %parallel_loop3A_661 = tpu.vector_load %arg18[%parallel_loop3A_659, %parallel_loop3A_660] {strides = array<i32>} : memref<128x128xf32, #tpu.memory_space<vmem>>, vector<1x16xf32>,
      %parallel_loop3A_662 = vector.shape_cast %parallel_loop3A_661 : vector<1x16xf32> to vector<16xf32>
      %parallel_loop3A_663 = arith.subf %parallel_loop3A_658, %parallel_loop3A_662 : vector<16xf32>
      %parallel_loop3A_664 = arith.mulf %parallel_loop3A_663, %parallel_loop3A_663 : vector<16xf32>
      %parallel_loop3A_665 = arith.constant 5.000000e-01 : f32
      %parallel_loop3A_666 = vector.broadcast %parallel_loop3A_665 : f32 to vector<16xf32>
      %parallel_loop3A_667 = arith.subf %parallel_loop3A_666, %parallel_loop3A_664 : vector<16xf32>
      %parallel_loop3A_668 = arith.maximumf %parallel_loop3A_667, %broadcast_in_dim3A_125 : vector<16xf32>
      %parallel_loop3A_669 = arith.addf %parallel_loop3A_609, %parallel_loop3A_668 : vector<16xf32>
      %parallel_loop3A_670 = arith.index_cast %parallel_loop3A_605 : i32 to index
      %parallel_loop3A_671 = arith.constant 64 : index
      %parallel_loop3A_672 = tpu.vector_load %arg17[%parallel_loop3A_670, %parallel_loop3A_671] {strides = array<i32>} : memref<128x128xf32, #tpu.memory_space<vmem>>, vector<1x16xf32>,
      %parallel_loop3A_673 = vector.shape_cast %parallel_loop3A_672 : vector<1x16xf32> to vector<16xf32>
      %parallel_loop3A_674 = arith.index_cast %parallel_loop3A_605 : i32 to index
      %parallel_loop3A_675 = arith.constant 64 : index
      %parallel_loop3A_676 = tpu.vector_load %arg18[%parallel_loop3A_674, %parallel_loop3A_675] {strides = array<i32>} : memref<128x128xf32, #tpu.memory_space<vmem>>, vector<1x16xf32>,
      %parallel_loop3A_677 = vector.shape_cast %parallel_loop3A_676 : vector<1x16xf32> to vector<16xf32>
      %parallel_loop3A_678 = arith.subf %parallel_loop3A_673, %parallel_loop3A_677 : vector<16xf32>
      %parallel_loop3A_679 = arith.mulf %parallel_loop3A_678, %parallel_loop3A_678 : vector<16xf32>
      %parallel_loop3A_680 = arith.constant 5.000000e-01 : f32
      %parallel_loop3A_681 = vector.broadcast %parallel_loop3A_680 : f32 to vector<16xf32>
      %parallel_loop3A_682 = arith.subf %parallel_loop3A_681, %parallel_loop3A_679 : vector<16xf32>
      %parallel_loop3A_683 = arith.maximumf %parallel_loop3A_682, %broadcast_in_dim3A_125 : vector<16xf32>
      %parallel_loop3A_684 = arith.addf %parallel_loop3A_624, %parallel_loop3A_683 : vector<16xf32>
      %parallel_loop3A_685 = arith.index_cast %parallel_loop3A_605 : i32 to index
      %parallel_loop3A_686 = arith.constant 80 : index
      %parallel_loop3A_687 = tpu.vector_load %arg17[%parallel_loop3A_685, %parallel_loop3A_686] {strides = array<i32>} : memref<128x128xf32, #tpu.memory_space<vmem>>, vector<1x16xf32>,
      %parallel_loop3A_688 = vector.shape_cast %parallel_loop3A_687 : vector<1x16xf32> to vector<16xf32>
      %parallel_loop3A_689 = arith.index_cast %parallel_loop3A_605 : i32 to index
      %parallel_loop3A_690 = arith.constant 80 : index
      %parallel_loop3A_691 = tpu.vector_load %arg18[%parallel_loop3A_689, %parallel_loop3A_690] {strides = array<i32>} : memref<128x128xf32, #tpu.memory_space<vmem>>, vector<1x16xf32>,
      %parallel_loop3A_692 = vector.shape_cast %parallel_loop3A_691 : vector<1x16xf32> to vector<16xf32>
      %parallel_loop3A_693 = arith.subf %parallel_loop3A_688, %parallel_loop3A_692 : vector<16xf32>
      %parallel_loop3A_694 = arith.mulf %parallel_loop3A_693, %parallel_loop3A_693 : vector<16xf32>
      %parallel_loop3A_695 = arith.constant 5.000000e-01 : f32
      %parallel_loop3A_696 = vector.broadcast %parallel_loop3A_695 : f32 to vector<16xf32>
      %parallel_loop3A_697 = arith.subf %parallel_loop3A_696, %parallel_loop3A_694 : vector<16xf32>
      %parallel_loop3A_698 = arith.maximumf %parallel_loop3A_697, %broadcast_in_dim3A_125 : vector<16xf32>
      %parallel_loop3A_699 = arith.addf %parallel_loop3A_639, %parallel_loop3A_698 : vector<16xf32>
      %parallel_loop3A_700 = arith.index_cast %parallel_loop3A_605 : i32 to index
      %parallel_loop3A_701 = arith.constant 96 : index
      %parallel_loop3A_702 = tpu.vector_load %arg17[%parallel_loop3A_700, %parallel_loop3A_701] {strides = array<i32>} : memref<128x128xf32, #tpu.memory_space<vmem>>, vector<1x16xf32>,
      %parallel_loop3A_703 = vector.shape_cast %parallel_loop3A_702 : vector<1x16xf32> to vector<16xf32>
      %parallel_loop3A_704 = arith.index_cast %parallel_loop3A_605 : i32 to index
      %parallel_loop3A_705 = arith.constant 96 : index
      %parallel_loop3A_706 = tpu.vector_load %arg18[%parallel_loop3A_704, %parallel_loop3A_705] {strides = array<i32>} : memref<128x128xf32, #tpu.memory_space<vmem>>, vector<1x16xf32>,
      %parallel_loop3A_707 = vector.shape_cast %parallel_loop3A_706 : vector<1x16xf32> to vector<16xf32>
      %parallel_loop3A_708 = arith.subf %parallel_loop3A_703, %parallel_loop3A_707 : vector<16xf32>
      %parallel_loop3A_709 = arith.mulf %parallel_loop3A_708, %parallel_loop3A_708 : vector<16xf32>
      %parallel_loop3A_710 = arith.constant 5.000000e-01 : f32
      %parallel_loop3A_711 = vector.broadcast %parallel_loop3A_710 : f32 to vector<16xf32>
      %parallel_loop3A_712 = arith.subf %parallel_loop3A_711, %parallel_loop3A_709 : vector<16xf32>
      %parallel_loop3A_713 = arith.maximumf %parallel_loop3A_712, %broadcast_in_dim3A_125 : vector<16xf32>
      %parallel_loop3A_714 = arith.addf %parallel_loop3A_654, %parallel_loop3A_713 : vector<16xf32>
      %parallel_loop3A_715 = arith.index_cast %parallel_loop3A_605 : i32 to index
      %parallel_loop3A_716 = arith.constant 112 : index
      %parallel_loop3A_717 = tpu.vector_load %arg17[%parallel_loop3A_715, %parallel_loop3A_716] {strides = array<i32>} : memref<128x128xf32, #tpu.memory_space<vmem>>, vector<1x16xf32>,
      %parallel_loop3A_718 = vector.shape_cast %parallel_loop3A_717 : vector<1x16xf32> to vector<16xf32>
      %parallel_loop3A_719 = arith.index_cast %parallel_loop3A_605 : i32 to index
      %parallel_loop3A_720 = arith.constant 112 : index
      %parallel_loop3A_721 = tpu.vector_load %arg18[%parallel_loop3A_719, %parallel_loop3A_720] {strides = array<i32>} : memref<128x128xf32, #tpu.memory_space<vmem>>, vector<1x16xf32>,
      %parallel_loop3A_722 = vector.shape_cast %parallel_loop3A_721 : vector<1x16xf32> to vector<16xf32>
      %parallel_loop3A_723 = arith.subf %parallel_loop3A_718, %parallel_loop3A_722 : vector<16xf32>
      %parallel_loop3A_724 = arith.mulf %parallel_loop3A_723, %parallel_loop3A_723 : vector<16xf32>
      %parallel_loop3A_725 = arith.constant 5.000000e-01 : f32
      %parallel_loop3A_726 = vector.broadcast %parallel_loop3A_725 : f32 to vector<16xf32>
      %parallel_loop3A_727 = arith.subf %parallel_loop3A_726, %parallel_loop3A_724 : vector<16xf32>
      %parallel_loop3A_728 = arith.maximumf %parallel_loop3A_727, %broadcast_in_dim3A_125 : vector<16xf32>
      %parallel_loop3A_729 = arith.addf %parallel_loop3A_669, %parallel_loop3A_728 : vector<16xf32>
      scf.yield %parallel_loop3A_684, %parallel_loop3A_699, %parallel_loop3A_714, %parallel_loop3A_729 : vector<16xf32>, vector<16xf32>, vector<16xf32>, vector<16xf32>
    } {sc.loop_unroll_factor = 2 : i64, sc.parallel_access}
    %dma_start3A_378 = arith.constant 0 : i32
    %dma_start3A_379 = arith.constant 0 : i32
    %dma_start3A_380 = tpu.memref_slice %arg17[%dma_start3A_378, %dma_start3A_379] : memref<128x128xf32, #tpu.memory_space<vmem>> -> memref<128x128xf32, #tpu.memory_space<vmem>>
    %dma_start3A_381 = arith.constant 1024 : i32
    %dma_start3A_382 = tpu.memref_slice %arg15[%dma_start3A_381] : memref<1264xi32, #tpu.memory_space<vmem>> -> memref<128xi32, #tpu.memory_space<vmem>>
    %dma_start3A_383 = arith.constant 0 : i32
    %dma_start3A_384 = arith.constant 0 : i32
    %dma_start3A_385 = tpu.memref_slice %arg2[%dma_start3A_383, %dma_start3A_384] : memref<294912x128xf32, #tpu.memory_space<hbm>> -> memref<294912x128xf32, #tpu.memory_space<hbm>>
    tpu.enqueue_indirect_dma source(%dma_start3A_385 : memref<294912x128xf32, #tpu.memory_space<hbm>>) target(%dma_start3A_380 : memref<128x128xf32, #tpu.memory_space<vmem>>) offsets(%dma_start3A_382 : memref<128xi32, #tpu.memory_space<vmem>>) semaphore(%arg22 : memref<!tpu.dma_semaphore, #tpu.memory_space<semaphore_mem>>)
    %dma_start3A_386 = arith.constant 0 : i32
    %dma_start3A_387 = arith.constant 0 : i32
    %dma_start3A_388 = tpu.memref_slice %arg18[%dma_start3A_386, %dma_start3A_387] : memref<128x128xf32, #tpu.memory_space<vmem>> -> memref<128x128xf32, #tpu.memory_space<vmem>>
    %dma_start3A_389 = arith.constant 1024 : i32
    %dma_start3A_390 = tpu.memref_slice %arg16[%dma_start3A_389] : memref<1264xi32, #tpu.memory_space<vmem>> -> memref<128xi32, #tpu.memory_space<vmem>>
    %dma_start3A_391 = arith.constant 0 : i32
    %dma_start3A_392 = arith.constant 0 : i32
    %dma_start3A_393 = tpu.memref_slice %arg3[%dma_start3A_391, %dma_start3A_392] : memref<294912x128xf32, #tpu.memory_space<hbm>> -> memref<294912x128xf32, #tpu.memory_space<hbm>>
    tpu.enqueue_indirect_dma source(%dma_start3A_393 : memref<294912x128xf32, #tpu.memory_space<hbm>>) target(%dma_start3A_388 : memref<128x128xf32, #tpu.memory_space<vmem>>) offsets(%dma_start3A_390 : memref<128xi32, #tpu.memory_space<vmem>>) semaphore(%arg22 : memref<!tpu.dma_semaphore, #tpu.memory_space<semaphore_mem>>)
    %dma_wait3A_394 = arith.constant 0 : i32
    %dma_wait3A_395 = arith.constant 0 : i32
    %dma_wait3A_396 = tpu.memref_slice %arg19[%dma_wait3A_394, %dma_wait3A_395] : memref<128x128xf32, #tpu.memory_space<vmem>> -> memref<128x128xf32, #tpu.memory_space<vmem>>
    %dma_wait3A_397 = arith.constant 896 : i32
    %dma_wait3A_398 = tpu.memref_slice %arg15[%dma_wait3A_397] : memref<1264xi32, #tpu.memory_space<vmem>> -> memref<128xi32, #tpu.memory_space<vmem>>
    %dma_wait3A_399 = arith.constant 0 : i32
    %dma_wait3A_400 = arith.constant 0 : i32
    %dma_wait3A_401 = tpu.memref_slice %arg2[%dma_wait3A_399, %dma_wait3A_400] : memref<294912x128xf32, #tpu.memory_space<hbm>> -> memref<294912x128xf32, #tpu.memory_space<hbm>>
    tpu.wait_indirect_dma semaphore(%arg23 : memref<!tpu.dma_semaphore, #tpu.memory_space<semaphore_mem>>) src(%dma_wait3A_401 : memref<294912x128xf32, #tpu.memory_space<hbm>>) dst(%dma_wait3A_396 : memref<128x128xf32, #tpu.memory_space<vmem>>)
    %dma_wait3A_402 = arith.constant 0 : i32
    %dma_wait3A_403 = arith.constant 0 : i32
    %dma_wait3A_404 = tpu.memref_slice %arg20[%dma_wait3A_402, %dma_wait3A_403] : memref<128x128xf32, #tpu.memory_space<vmem>> -> memref<128x128xf32, #tpu.memory_space<vmem>>
    %dma_wait3A_405 = arith.constant 896 : i32
    %dma_wait3A_406 = tpu.memref_slice %arg16[%dma_wait3A_405] : memref<1264xi32, #tpu.memory_space<vmem>> -> memref<128xi32, #tpu.memory_space<vmem>>
    %dma_wait3A_407 = arith.constant 0 : i32
    %dma_wait3A_408 = arith.constant 0 : i32
    %dma_wait3A_409 = tpu.memref_slice %arg3[%dma_wait3A_407, %dma_wait3A_408] : memref<294912x128xf32, #tpu.memory_space<hbm>> -> memref<294912x128xf32, #tpu.memory_space<hbm>>
    tpu.wait_indirect_dma semaphore(%arg23 : memref<!tpu.dma_semaphore, #tpu.memory_space<semaphore_mem>>) src(%dma_wait3A_409 : memref<294912x128xf32, #tpu.memory_space<hbm>>) dst(%dma_wait3A_404 : memref<128x128xf32, #tpu.memory_space<vmem>>)
    %parallel_loop3A_410 = arith.constant 0 : i32
    %parallel_loop3A_411 = arith.constant 128 : i32
    %parallel_loop3A_412 = arith.constant 1 : i32
    %parallel_loop3A_413:4 = scf.for %parallel_loop3A_605 = %parallel_loop3A_410 to %parallel_loop3A_411 step %parallel_loop3A_412 iter_args(%parallel_loop3A_606 = %parallel_loop3A_377#0, %parallel_loop3A_607 = %parallel_loop3A_377#1, %parallel_loop3A_608 = %parallel_loop3A_377#2, %parallel_loop3A_609 = %parallel_loop3A_377#3) -> (vector<16xf32>, vector<16xf32>, vector<16xf32>, vector<16xf32>)  : i32 {
      %parallel_loop3A_610 = arith.index_cast %parallel_loop3A_605 : i32 to index
      %parallel_loop3A_611 = arith.constant 0 : index
      %parallel_loop3A_612 = tpu.vector_load %arg19[%parallel_loop3A_610, %parallel_loop3A_611] {strides = array<i32>} : memref<128x128xf32, #tpu.memory_space<vmem>>, vector<1x16xf32>,
      %parallel_loop3A_613 = vector.shape_cast %parallel_loop3A_612 : vector<1x16xf32> to vector<16xf32>
      %parallel_loop3A_614 = arith.index_cast %parallel_loop3A_605 : i32 to index
      %parallel_loop3A_615 = arith.constant 0 : index
      %parallel_loop3A_616 = tpu.vector_load %arg20[%parallel_loop3A_614, %parallel_loop3A_615] {strides = array<i32>} : memref<128x128xf32, #tpu.memory_space<vmem>>, vector<1x16xf32>,
      %parallel_loop3A_617 = vector.shape_cast %parallel_loop3A_616 : vector<1x16xf32> to vector<16xf32>
      %parallel_loop3A_618 = arith.subf %parallel_loop3A_613, %parallel_loop3A_617 : vector<16xf32>
      %parallel_loop3A_619 = arith.mulf %parallel_loop3A_618, %parallel_loop3A_618 : vector<16xf32>
      %parallel_loop3A_620 = arith.constant 5.000000e-01 : f32
      %parallel_loop3A_621 = vector.broadcast %parallel_loop3A_620 : f32 to vector<16xf32>
      %parallel_loop3A_622 = arith.subf %parallel_loop3A_621, %parallel_loop3A_619 : vector<16xf32>
      %parallel_loop3A_623 = arith.maximumf %parallel_loop3A_622, %broadcast_in_dim3A_125 : vector<16xf32>
      %parallel_loop3A_624 = arith.addf %parallel_loop3A_606, %parallel_loop3A_623 : vector<16xf32>
      %parallel_loop3A_625 = arith.index_cast %parallel_loop3A_605 : i32 to index
      %parallel_loop3A_626 = arith.constant 16 : index
      %parallel_loop3A_627 = tpu.vector_load %arg19[%parallel_loop3A_625, %parallel_loop3A_626] {strides = array<i32>} : memref<128x128xf32, #tpu.memory_space<vmem>>, vector<1x16xf32>,
      %parallel_loop3A_628 = vector.shape_cast %parallel_loop3A_627 : vector<1x16xf32> to vector<16xf32>
      %parallel_loop3A_629 = arith.index_cast %parallel_loop3A_605 : i32 to index
      %parallel_loop3A_630 = arith.constant 16 : index
      %parallel_loop3A_631 = tpu.vector_load %arg20[%parallel_loop3A_629, %parallel_loop3A_630] {strides = array<i32>} : memref<128x128xf32, #tpu.memory_space<vmem>>, vector<1x16xf32>,
      %parallel_loop3A_632 = vector.shape_cast %parallel_loop3A_631 : vector<1x16xf32> to vector<16xf32>
      %parallel_loop3A_633 = arith.subf %parallel_loop3A_628, %parallel_loop3A_632 : vector<16xf32>
      %parallel_loop3A_634 = arith.mulf %parallel_loop3A_633, %parallel_loop3A_633 : vector<16xf32>
      %parallel_loop3A_635 = arith.constant 5.000000e-01 : f32
      %parallel_loop3A_636 = vector.broadcast %parallel_loop3A_635 : f32 to vector<16xf32>
      %parallel_loop3A_637 = arith.subf %parallel_loop3A_636, %parallel_loop3A_634 : vector<16xf32>
      %parallel_loop3A_638 = arith.maximumf %parallel_loop3A_637, %broadcast_in_dim3A_125 : vector<16xf32>
      %parallel_loop3A_639 = arith.addf %parallel_loop3A_607, %parallel_loop3A_638 : vector<16xf32>
      %parallel_loop3A_640 = arith.index_cast %parallel_loop3A_605 : i32 to index
      %parallel_loop3A_641 = arith.constant 32 : index
      %parallel_loop3A_642 = tpu.vector_load %arg19[%parallel_loop3A_640, %parallel_loop3A_641] {strides = array<i32>} : memref<128x128xf32, #tpu.memory_space<vmem>>, vector<1x16xf32>,
      %parallel_loop3A_643 = vector.shape_cast %parallel_loop3A_642 : vector<1x16xf32> to vector<16xf32>
      %parallel_loop3A_644 = arith.index_cast %parallel_loop3A_605 : i32 to index
      %parallel_loop3A_645 = arith.constant 32 : index
      %parallel_loop3A_646 = tpu.vector_load %arg20[%parallel_loop3A_644, %parallel_loop3A_645] {strides = array<i32>} : memref<128x128xf32, #tpu.memory_space<vmem>>, vector<1x16xf32>,
      %parallel_loop3A_647 = vector.shape_cast %parallel_loop3A_646 : vector<1x16xf32> to vector<16xf32>
      %parallel_loop3A_648 = arith.subf %parallel_loop3A_643, %parallel_loop3A_647 : vector<16xf32>
      %parallel_loop3A_649 = arith.mulf %parallel_loop3A_648, %parallel_loop3A_648 : vector<16xf32>
      %parallel_loop3A_650 = arith.constant 5.000000e-01 : f32
      %parallel_loop3A_651 = vector.broadcast %parallel_loop3A_650 : f32 to vector<16xf32>
      %parallel_loop3A_652 = arith.subf %parallel_loop3A_651, %parallel_loop3A_649 : vector<16xf32>
      %parallel_loop3A_653 = arith.maximumf %parallel_loop3A_652, %broadcast_in_dim3A_125 : vector<16xf32>
      %parallel_loop3A_654 = arith.addf %parallel_loop3A_608, %parallel_loop3A_653 : vector<16xf32>
      %parallel_loop3A_655 = arith.index_cast %parallel_loop3A_605 : i32 to index
      %parallel_loop3A_656 = arith.constant 48 : index
      %parallel_loop3A_657 = tpu.vector_load %arg19[%parallel_loop3A_655, %parallel_loop3A_656] {strides = array<i32>} : memref<128x128xf32, #tpu.memory_space<vmem>>, vector<1x16xf32>,
      %parallel_loop3A_658 = vector.shape_cast %parallel_loop3A_657 : vector<1x16xf32> to vector<16xf32>
      %parallel_loop3A_659 = arith.index_cast %parallel_loop3A_605 : i32 to index
      %parallel_loop3A_660 = arith.constant 48 : index
      %parallel_loop3A_661 = tpu.vector_load %arg20[%parallel_loop3A_659, %parallel_loop3A_660] {strides = array<i32>} : memref<128x128xf32, #tpu.memory_space<vmem>>, vector<1x16xf32>,
      %parallel_loop3A_662 = vector.shape_cast %parallel_loop3A_661 : vector<1x16xf32> to vector<16xf32>
      %parallel_loop3A_663 = arith.subf %parallel_loop3A_658, %parallel_loop3A_662 : vector<16xf32>
      %parallel_loop3A_664 = arith.mulf %parallel_loop3A_663, %parallel_loop3A_663 : vector<16xf32>
      %parallel_loop3A_665 = arith.constant 5.000000e-01 : f32
      %parallel_loop3A_666 = vector.broadcast %parallel_loop3A_665 : f32 to vector<16xf32>
      %parallel_loop3A_667 = arith.subf %parallel_loop3A_666, %parallel_loop3A_664 : vector<16xf32>
      %parallel_loop3A_668 = arith.maximumf %parallel_loop3A_667, %broadcast_in_dim3A_125 : vector<16xf32>
      %parallel_loop3A_669 = arith.addf %parallel_loop3A_609, %parallel_loop3A_668 : vector<16xf32>
      %parallel_loop3A_670 = arith.index_cast %parallel_loop3A_605 : i32 to index
      %parallel_loop3A_671 = arith.constant 64 : index
      %parallel_loop3A_672 = tpu.vector_load %arg19[%parallel_loop3A_670, %parallel_loop3A_671] {strides = array<i32>} : memref<128x128xf32, #tpu.memory_space<vmem>>, vector<1x16xf32>,
      %parallel_loop3A_673 = vector.shape_cast %parallel_loop3A_672 : vector<1x16xf32> to vector<16xf32>
      %parallel_loop3A_674 = arith.index_cast %parallel_loop3A_605 : i32 to index
      %parallel_loop3A_675 = arith.constant 64 : index
      %parallel_loop3A_676 = tpu.vector_load %arg20[%parallel_loop3A_674, %parallel_loop3A_675] {strides = array<i32>} : memref<128x128xf32, #tpu.memory_space<vmem>>, vector<1x16xf32>,
      %parallel_loop3A_677 = vector.shape_cast %parallel_loop3A_676 : vector<1x16xf32> to vector<16xf32>
      %parallel_loop3A_678 = arith.subf %parallel_loop3A_673, %parallel_loop3A_677 : vector<16xf32>
      %parallel_loop3A_679 = arith.mulf %parallel_loop3A_678, %parallel_loop3A_678 : vector<16xf32>
      %parallel_loop3A_680 = arith.constant 5.000000e-01 : f32
      %parallel_loop3A_681 = vector.broadcast %parallel_loop3A_680 : f32 to vector<16xf32>
      %parallel_loop3A_682 = arith.subf %parallel_loop3A_681, %parallel_loop3A_679 : vector<16xf32>
      %parallel_loop3A_683 = arith.maximumf %parallel_loop3A_682, %broadcast_in_dim3A_125 : vector<16xf32>
      %parallel_loop3A_684 = arith.addf %parallel_loop3A_624, %parallel_loop3A_683 : vector<16xf32>
      %parallel_loop3A_685 = arith.index_cast %parallel_loop3A_605 : i32 to index
      %parallel_loop3A_686 = arith.constant 80 : index
      %parallel_loop3A_687 = tpu.vector_load %arg19[%parallel_loop3A_685, %parallel_loop3A_686] {strides = array<i32>} : memref<128x128xf32, #tpu.memory_space<vmem>>, vector<1x16xf32>,
      %parallel_loop3A_688 = vector.shape_cast %parallel_loop3A_687 : vector<1x16xf32> to vector<16xf32>
      %parallel_loop3A_689 = arith.index_cast %parallel_loop3A_605 : i32 to index
      %parallel_loop3A_690 = arith.constant 80 : index
      %parallel_loop3A_691 = tpu.vector_load %arg20[%parallel_loop3A_689, %parallel_loop3A_690] {strides = array<i32>} : memref<128x128xf32, #tpu.memory_space<vmem>>, vector<1x16xf32>,
      %parallel_loop3A_692 = vector.shape_cast %parallel_loop3A_691 : vector<1x16xf32> to vector<16xf32>
      %parallel_loop3A_693 = arith.subf %parallel_loop3A_688, %parallel_loop3A_692 : vector<16xf32>
      %parallel_loop3A_694 = arith.mulf %parallel_loop3A_693, %parallel_loop3A_693 : vector<16xf32>
      %parallel_loop3A_695 = arith.constant 5.000000e-01 : f32
      %parallel_loop3A_696 = vector.broadcast %parallel_loop3A_695 : f32 to vector<16xf32>
      %parallel_loop3A_697 = arith.subf %parallel_loop3A_696, %parallel_loop3A_694 : vector<16xf32>
      %parallel_loop3A_698 = arith.maximumf %parallel_loop3A_697, %broadcast_in_dim3A_125 : vector<16xf32>
      %parallel_loop3A_699 = arith.addf %parallel_loop3A_639, %parallel_loop3A_698 : vector<16xf32>
      %parallel_loop3A_700 = arith.index_cast %parallel_loop3A_605 : i32 to index
      %parallel_loop3A_701 = arith.constant 96 : index
      %parallel_loop3A_702 = tpu.vector_load %arg19[%parallel_loop3A_700, %parallel_loop3A_701] {strides = array<i32>} : memref<128x128xf32, #tpu.memory_space<vmem>>, vector<1x16xf32>,
      %parallel_loop3A_703 = vector.shape_cast %parallel_loop3A_702 : vector<1x16xf32> to vector<16xf32>
      %parallel_loop3A_704 = arith.index_cast %parallel_loop3A_605 : i32 to index
      %parallel_loop3A_705 = arith.constant 96 : index
      %parallel_loop3A_706 = tpu.vector_load %arg20[%parallel_loop3A_704, %parallel_loop3A_705] {strides = array<i32>} : memref<128x128xf32, #tpu.memory_space<vmem>>, vector<1x16xf32>,
      %parallel_loop3A_707 = vector.shape_cast %parallel_loop3A_706 : vector<1x16xf32> to vector<16xf32>
      %parallel_loop3A_708 = arith.subf %parallel_loop3A_703, %parallel_loop3A_707 : vector<16xf32>
      %parallel_loop3A_709 = arith.mulf %parallel_loop3A_708, %parallel_loop3A_708 : vector<16xf32>
      %parallel_loop3A_710 = arith.constant 5.000000e-01 : f32
      %parallel_loop3A_711 = vector.broadcast %parallel_loop3A_710 : f32 to vector<16xf32>
      %parallel_loop3A_712 = arith.subf %parallel_loop3A_711, %parallel_loop3A_709 : vector<16xf32>
      %parallel_loop3A_713 = arith.maximumf %parallel_loop3A_712, %broadcast_in_dim3A_125 : vector<16xf32>
      %parallel_loop3A_714 = arith.addf %parallel_loop3A_654, %parallel_loop3A_713 : vector<16xf32>
      %parallel_loop3A_715 = arith.index_cast %parallel_loop3A_605 : i32 to index
      %parallel_loop3A_716 = arith.constant 112 : index
      %parallel_loop3A_717 = tpu.vector_load %arg19[%parallel_loop3A_715, %parallel_loop3A_716] {strides = array<i32>} : memref<128x128xf32, #tpu.memory_space<vmem>>, vector<1x16xf32>,
      %parallel_loop3A_718 = vector.shape_cast %parallel_loop3A_717 : vector<1x16xf32> to vector<16xf32>
      %parallel_loop3A_719 = arith.index_cast %parallel_loop3A_605 : i32 to index
      %parallel_loop3A_720 = arith.constant 112 : index
      %parallel_loop3A_721 = tpu.vector_load %arg20[%parallel_loop3A_719, %parallel_loop3A_720] {strides = array<i32>} : memref<128x128xf32, #tpu.memory_space<vmem>>, vector<1x16xf32>,
      %parallel_loop3A_722 = vector.shape_cast %parallel_loop3A_721 : vector<1x16xf32> to vector<16xf32>
      %parallel_loop3A_723 = arith.subf %parallel_loop3A_718, %parallel_loop3A_722 : vector<16xf32>
      %parallel_loop3A_724 = arith.mulf %parallel_loop3A_723, %parallel_loop3A_723 : vector<16xf32>
      %parallel_loop3A_725 = arith.constant 5.000000e-01 : f32
      %parallel_loop3A_726 = vector.broadcast %parallel_loop3A_725 : f32 to vector<16xf32>
      %parallel_loop3A_727 = arith.subf %parallel_loop3A_726, %parallel_loop3A_724 : vector<16xf32>
      %parallel_loop3A_728 = arith.maximumf %parallel_loop3A_727, %broadcast_in_dim3A_125 : vector<16xf32>
      %parallel_loop3A_729 = arith.addf %parallel_loop3A_669, %parallel_loop3A_728 : vector<16xf32>
      scf.yield %parallel_loop3A_684, %parallel_loop3A_699, %parallel_loop3A_714, %parallel_loop3A_729 : vector<16xf32>, vector<16xf32>, vector<16xf32>, vector<16xf32>
    } {sc.loop_unroll_factor = 2 : i64, sc.parallel_access}
    %dma_start3A_414 = arith.constant 0 : i32
    %dma_start3A_415 = arith.constant 0 : i32
    %dma_start3A_416 = tpu.memref_slice %arg19[%dma_start3A_414, %dma_start3A_415] : memref<128x128xf32, #tpu.memory_space<vmem>> -> memref<98x128xf32, #tpu.memory_space<vmem>>
    %dma_start3A_417 = arith.constant 1152 : i32
    %dma_start3A_418 = tpu.memref_slice %arg15[%dma_start3A_417] : memref<1264xi32, #tpu.memory_space<vmem>> -> memref<98xi32, #tpu.memory_space<vmem>>
    %dma_start3A_419 = arith.constant 0 : i32
    %dma_start3A_420 = arith.constant 0 : i32
    %dma_start3A_421 = tpu.memref_slice %arg2[%dma_start3A_419, %dma_start3A_420] : memref<294912x128xf32, #tpu.memory_space<hbm>> -> memref<294912x128xf32, #tpu.memory_space<hbm>>
    tpu.enqueue_indirect_dma source(%dma_start3A_421 : memref<294912x128xf32, #tpu.memory_space<hbm>>) target(%dma_start3A_416 : memref<98x128xf32, #tpu.memory_space<vmem>>) offsets(%dma_start3A_418 : memref<98xi32, #tpu.memory_space<vmem>>) semaphore(%arg23 : memref<!tpu.dma_semaphore, #tpu.memory_space<semaphore_mem>>)
    %dma_start3A_422 = arith.constant 0 : i32
    %dma_start3A_423 = arith.constant 0 : i32
    %dma_start3A_424 = tpu.memref_slice %arg20[%dma_start3A_422, %dma_start3A_423] : memref<128x128xf32, #tpu.memory_space<vmem>> -> memref<98x128xf32, #tpu.memory_space<vmem>>
    %dma_start3A_425 = arith.constant 1152 : i32
    %dma_start3A_426 = tpu.memref_slice %arg16[%dma_start3A_425] : memref<1264xi32, #tpu.memory_space<vmem>> -> memref<98xi32, #tpu.memory_space<vmem>>
    %dma_start3A_427 = arith.constant 0 : i32
    %dma_start3A_428 = arith.constant 0 : i32
    %dma_start3A_429 = tpu.memref_slice %arg3[%dma_start3A_427, %dma_start3A_428] : memref<294912x128xf32, #tpu.memory_space<hbm>> -> memref<294912x128xf32, #tpu.memory_space<hbm>>
    tpu.enqueue_indirect_dma source(%dma_start3A_429 : memref<294912x128xf32, #tpu.memory_space<hbm>>) target(%dma_start3A_424 : memref<98x128xf32, #tpu.memory_space<vmem>>) offsets(%dma_start3A_426 : memref<98xi32, #tpu.memory_space<vmem>>) semaphore(%arg23 : memref<!tpu.dma_semaphore, #tpu.memory_space<semaphore_mem>>)
    %dma_wait3A_430 = arith.constant 0 : i32
    %dma_wait3A_431 = arith.constant 0 : i32
    %dma_wait3A_432 = tpu.memref_slice %arg17[%dma_wait3A_430, %dma_wait3A_431] : memref<128x128xf32, #tpu.memory_space<vmem>> -> memref<128x128xf32, #tpu.memory_space<vmem>>
    %dma_wait3A_433 = arith.constant 1024 : i32
    %dma_wait3A_434 = tpu.memref_slice %arg15[%dma_wait3A_433] : memref<1264xi32, #tpu.memory_space<vmem>> -> memref<128xi32, #tpu.memory_space<vmem>>
    %dma_wait3A_435 = arith.constant 0 : i32
    %dma_wait3A_436 = arith.constant 0 : i32
    %dma_wait3A_437 = tpu.memref_slice %arg2[%dma_wait3A_435, %dma_wait3A_436] : memref<294912x128xf32, #tpu.memory_space<hbm>> -> memref<294912x128xf32, #tpu.memory_space<hbm>>
    tpu.wait_indirect_dma semaphore(%arg22 : memref<!tpu.dma_semaphore, #tpu.memory_space<semaphore_mem>>) src(%dma_wait3A_437 : memref<294912x128xf32, #tpu.memory_space<hbm>>) dst(%dma_wait3A_432 : memref<128x128xf32, #tpu.memory_space<vmem>>)
    %dma_wait3A_438 = arith.constant 0 : i32
    %dma_wait3A_439 = arith.constant 0 : i32
    %dma_wait3A_440 = tpu.memref_slice %arg18[%dma_wait3A_438, %dma_wait3A_439] : memref<128x128xf32, #tpu.memory_space<vmem>> -> memref<128x128xf32, #tpu.memory_space<vmem>>
    %dma_wait3A_441 = arith.constant 1024 : i32
    %dma_wait3A_442 = tpu.memref_slice %arg16[%dma_wait3A_441] : memref<1264xi32, #tpu.memory_space<vmem>> -> memref<128xi32, #tpu.memory_space<vmem>>
    %dma_wait3A_443 = arith.constant 0 : i32
    %dma_wait3A_444 = arith.constant 0 : i32
    %dma_wait3A_445 = tpu.memref_slice %arg3[%dma_wait3A_443, %dma_wait3A_444] : memref<294912x128xf32, #tpu.memory_space<hbm>> -> memref<294912x128xf32, #tpu.memory_space<hbm>>
    tpu.wait_indirect_dma semaphore(%arg22 : memref<!tpu.dma_semaphore, #tpu.memory_space<semaphore_mem>>) src(%dma_wait3A_445 : memref<294912x128xf32, #tpu.memory_space<hbm>>) dst(%dma_wait3A_440 : memref<128x128xf32, #tpu.memory_space<vmem>>)
    %parallel_loop3A_446 = arith.constant 0 : i32
    %parallel_loop3A_447 = arith.constant 128 : i32
    %parallel_loop3A_448 = arith.constant 1 : i32
    %parallel_loop3A_449:4 = scf.for %parallel_loop3A_605 = %parallel_loop3A_446 to %parallel_loop3A_447 step %parallel_loop3A_448 iter_args(%parallel_loop3A_606 = %parallel_loop3A_413#0, %parallel_loop3A_607 = %parallel_loop3A_413#1, %parallel_loop3A_608 = %parallel_loop3A_413#2, %parallel_loop3A_609 = %parallel_loop3A_413#3) -> (vector<16xf32>, vector<16xf32>, vector<16xf32>, vector<16xf32>)  : i32 {
      %parallel_loop3A_610 = arith.index_cast %parallel_loop3A_605 : i32 to index
      %parallel_loop3A_611 = arith.constant 0 : index
      %parallel_loop3A_612 = tpu.vector_load %arg17[%parallel_loop3A_610, %parallel_loop3A_611] {strides = array<i32>} : memref<128x128xf32, #tpu.memory_space<vmem>>, vector<1x16xf32>,
      %parallel_loop3A_613 = vector.shape_cast %parallel_loop3A_612 : vector<1x16xf32> to vector<16xf32>
      %parallel_loop3A_614 = arith.index_cast %parallel_loop3A_605 : i32 to index
      %parallel_loop3A_615 = arith.constant 0 : index
      %parallel_loop3A_616 = tpu.vector_load %arg18[%parallel_loop3A_614, %parallel_loop3A_615] {strides = array<i32>} : memref<128x128xf32, #tpu.memory_space<vmem>>, vector<1x16xf32>,
      %parallel_loop3A_617 = vector.shape_cast %parallel_loop3A_616 : vector<1x16xf32> to vector<16xf32>
      %parallel_loop3A_618 = arith.subf %parallel_loop3A_613, %parallel_loop3A_617 : vector<16xf32>
      %parallel_loop3A_619 = arith.mulf %parallel_loop3A_618, %parallel_loop3A_618 : vector<16xf32>
      %parallel_loop3A_620 = arith.constant 5.000000e-01 : f32
      %parallel_loop3A_621 = vector.broadcast %parallel_loop3A_620 : f32 to vector<16xf32>
      %parallel_loop3A_622 = arith.subf %parallel_loop3A_621, %parallel_loop3A_619 : vector<16xf32>
      %parallel_loop3A_623 = arith.maximumf %parallel_loop3A_622, %broadcast_in_dim3A_125 : vector<16xf32>
      %parallel_loop3A_624 = arith.addf %parallel_loop3A_606, %parallel_loop3A_623 : vector<16xf32>
      %parallel_loop3A_625 = arith.index_cast %parallel_loop3A_605 : i32 to index
      %parallel_loop3A_626 = arith.constant 16 : index
      %parallel_loop3A_627 = tpu.vector_load %arg17[%parallel_loop3A_625, %parallel_loop3A_626] {strides = array<i32>} : memref<128x128xf32, #tpu.memory_space<vmem>>, vector<1x16xf32>,
      %parallel_loop3A_628 = vector.shape_cast %parallel_loop3A_627 : vector<1x16xf32> to vector<16xf32>
      %parallel_loop3A_629 = arith.index_cast %parallel_loop3A_605 : i32 to index
      %parallel_loop3A_630 = arith.constant 16 : index
      %parallel_loop3A_631 = tpu.vector_load %arg18[%parallel_loop3A_629, %parallel_loop3A_630] {strides = array<i32>} : memref<128x128xf32, #tpu.memory_space<vmem>>, vector<1x16xf32>,
      %parallel_loop3A_632 = vector.shape_cast %parallel_loop3A_631 : vector<1x16xf32> to vector<16xf32>
      %parallel_loop3A_633 = arith.subf %parallel_loop3A_628, %parallel_loop3A_632 : vector<16xf32>
      %parallel_loop3A_634 = arith.mulf %parallel_loop3A_633, %parallel_loop3A_633 : vector<16xf32>
      %parallel_loop3A_635 = arith.constant 5.000000e-01 : f32
      %parallel_loop3A_636 = vector.broadcast %parallel_loop3A_635 : f32 to vector<16xf32>
      %parallel_loop3A_637 = arith.subf %parallel_loop3A_636, %parallel_loop3A_634 : vector<16xf32>
      %parallel_loop3A_638 = arith.maximumf %parallel_loop3A_637, %broadcast_in_dim3A_125 : vector<16xf32>
      %parallel_loop3A_639 = arith.addf %parallel_loop3A_607, %parallel_loop3A_638 : vector<16xf32>
      %parallel_loop3A_640 = arith.index_cast %parallel_loop3A_605 : i32 to index
      %parallel_loop3A_641 = arith.constant 32 : index
      %parallel_loop3A_642 = tpu.vector_load %arg17[%parallel_loop3A_640, %parallel_loop3A_641] {strides = array<i32>} : memref<128x128xf32, #tpu.memory_space<vmem>>, vector<1x16xf32>,
      %parallel_loop3A_643 = vector.shape_cast %parallel_loop3A_642 : vector<1x16xf32> to vector<16xf32>
      %parallel_loop3A_644 = arith.index_cast %parallel_loop3A_605 : i32 to index
      %parallel_loop3A_645 = arith.constant 32 : index
      %parallel_loop3A_646 = tpu.vector_load %arg18[%parallel_loop3A_644, %parallel_loop3A_645] {strides = array<i32>} : memref<128x128xf32, #tpu.memory_space<vmem>>, vector<1x16xf32>,
      %parallel_loop3A_647 = vector.shape_cast %parallel_loop3A_646 : vector<1x16xf32> to vector<16xf32>
      %parallel_loop3A_648 = arith.subf %parallel_loop3A_643, %parallel_loop3A_647 : vector<16xf32>
      %parallel_loop3A_649 = arith.mulf %parallel_loop3A_648, %parallel_loop3A_648 : vector<16xf32>
      %parallel_loop3A_650 = arith.constant 5.000000e-01 : f32
      %parallel_loop3A_651 = vector.broadcast %parallel_loop3A_650 : f32 to vector<16xf32>
      %parallel_loop3A_652 = arith.subf %parallel_loop3A_651, %parallel_loop3A_649 : vector<16xf32>
      %parallel_loop3A_653 = arith.maximumf %parallel_loop3A_652, %broadcast_in_dim3A_125 : vector<16xf32>
      %parallel_loop3A_654 = arith.addf %parallel_loop3A_608, %parallel_loop3A_653 : vector<16xf32>
      %parallel_loop3A_655 = arith.index_cast %parallel_loop3A_605 : i32 to index
      %parallel_loop3A_656 = arith.constant 48 : index
      %parallel_loop3A_657 = tpu.vector_load %arg17[%parallel_loop3A_655, %parallel_loop3A_656] {strides = array<i32>} : memref<128x128xf32, #tpu.memory_space<vmem>>, vector<1x16xf32>,
      %parallel_loop3A_658 = vector.shape_cast %parallel_loop3A_657 : vector<1x16xf32> to vector<16xf32>
      %parallel_loop3A_659 = arith.index_cast %parallel_loop3A_605 : i32 to index
      %parallel_loop3A_660 = arith.constant 48 : index
      %parallel_loop3A_661 = tpu.vector_load %arg18[%parallel_loop3A_659, %parallel_loop3A_660] {strides = array<i32>} : memref<128x128xf32, #tpu.memory_space<vmem>>, vector<1x16xf32>,
      %parallel_loop3A_662 = vector.shape_cast %parallel_loop3A_661 : vector<1x16xf32> to vector<16xf32>
      %parallel_loop3A_663 = arith.subf %parallel_loop3A_658, %parallel_loop3A_662 : vector<16xf32>
      %parallel_loop3A_664 = arith.mulf %parallel_loop3A_663, %parallel_loop3A_663 : vector<16xf32>
      %parallel_loop3A_665 = arith.constant 5.000000e-01 : f32
      %parallel_loop3A_666 = vector.broadcast %parallel_loop3A_665 : f32 to vector<16xf32>
      %parallel_loop3A_667 = arith.subf %parallel_loop3A_666, %parallel_loop3A_664 : vector<16xf32>
      %parallel_loop3A_668 = arith.maximumf %parallel_loop3A_667, %broadcast_in_dim3A_125 : vector<16xf32>
      %parallel_loop3A_669 = arith.addf %parallel_loop3A_609, %parallel_loop3A_668 : vector<16xf32>
      %parallel_loop3A_670 = arith.index_cast %parallel_loop3A_605 : i32 to index
      %parallel_loop3A_671 = arith.constant 64 : index
      %parallel_loop3A_672 = tpu.vector_load %arg17[%parallel_loop3A_670, %parallel_loop3A_671] {strides = array<i32>} : memref<128x128xf32, #tpu.memory_space<vmem>>, vector<1x16xf32>,
      %parallel_loop3A_673 = vector.shape_cast %parallel_loop3A_672 : vector<1x16xf32> to vector<16xf32>
      %parallel_loop3A_674 = arith.index_cast %parallel_loop3A_605 : i32 to index
      %parallel_loop3A_675 = arith.constant 64 : index
      %parallel_loop3A_676 = tpu.vector_load %arg18[%parallel_loop3A_674, %parallel_loop3A_675] {strides = array<i32>} : memref<128x128xf32, #tpu.memory_space<vmem>>, vector<1x16xf32>,
      %parallel_loop3A_677 = vector.shape_cast %parallel_loop3A_676 : vector<1x16xf32> to vector<16xf32>
      %parallel_loop3A_678 = arith.subf %parallel_loop3A_673, %parallel_loop3A_677 : vector<16xf32>
      %parallel_loop3A_679 = arith.mulf %parallel_loop3A_678, %parallel_loop3A_678 : vector<16xf32>
      %parallel_loop3A_680 = arith.constant 5.000000e-01 : f32
      %parallel_loop3A_681 = vector.broadcast %parallel_loop3A_680 : f32 to vector<16xf32>
      %parallel_loop3A_682 = arith.subf %parallel_loop3A_681, %parallel_loop3A_679 : vector<16xf32>
      %parallel_loop3A_683 = arith.maximumf %parallel_loop3A_682, %broadcast_in_dim3A_125 : vector<16xf32>
      %parallel_loop3A_684 = arith.addf %parallel_loop3A_624, %parallel_loop3A_683 : vector<16xf32>
      %parallel_loop3A_685 = arith.index_cast %parallel_loop3A_605 : i32 to index
      %parallel_loop3A_686 = arith.constant 80 : index
      %parallel_loop3A_687 = tpu.vector_load %arg17[%parallel_loop3A_685, %parallel_loop3A_686] {strides = array<i32>} : memref<128x128xf32, #tpu.memory_space<vmem>>, vector<1x16xf32>,
      %parallel_loop3A_688 = vector.shape_cast %parallel_loop3A_687 : vector<1x16xf32> to vector<16xf32>
      %parallel_loop3A_689 = arith.index_cast %parallel_loop3A_605 : i32 to index
      %parallel_loop3A_690 = arith.constant 80 : index
      %parallel_loop3A_691 = tpu.vector_load %arg18[%parallel_loop3A_689, %parallel_loop3A_690] {strides = array<i32>} : memref<128x128xf32, #tpu.memory_space<vmem>>, vector<1x16xf32>,
      %parallel_loop3A_692 = vector.shape_cast %parallel_loop3A_691 : vector<1x16xf32> to vector<16xf32>
      %parallel_loop3A_693 = arith.subf %parallel_loop3A_688, %parallel_loop3A_692 : vector<16xf32>
      %parallel_loop3A_694 = arith.mulf %parallel_loop3A_693, %parallel_loop3A_693 : vector<16xf32>
      %parallel_loop3A_695 = arith.constant 5.000000e-01 : f32
      %parallel_loop3A_696 = vector.broadcast %parallel_loop3A_695 : f32 to vector<16xf32>
      %parallel_loop3A_697 = arith.subf %parallel_loop3A_696, %parallel_loop3A_694 : vector<16xf32>
      %parallel_loop3A_698 = arith.maximumf %parallel_loop3A_697, %broadcast_in_dim3A_125 : vector<16xf32>
      %parallel_loop3A_699 = arith.addf %parallel_loop3A_639, %parallel_loop3A_698 : vector<16xf32>
      %parallel_loop3A_700 = arith.index_cast %parallel_loop3A_605 : i32 to index
      %parallel_loop3A_701 = arith.constant 96 : index
      %parallel_loop3A_702 = tpu.vector_load %arg17[%parallel_loop3A_700, %parallel_loop3A_701] {strides = array<i32>} : memref<128x128xf32, #tpu.memory_space<vmem>>, vector<1x16xf32>,
      %parallel_loop3A_703 = vector.shape_cast %parallel_loop3A_702 : vector<1x16xf32> to vector<16xf32>
      %parallel_loop3A_704 = arith.index_cast %parallel_loop3A_605 : i32 to index
      %parallel_loop3A_705 = arith.constant 96 : index
      %parallel_loop3A_706 = tpu.vector_load %arg18[%parallel_loop3A_704, %parallel_loop3A_705] {strides = array<i32>} : memref<128x128xf32, #tpu.memory_space<vmem>>, vector<1x16xf32>,
      %parallel_loop3A_707 = vector.shape_cast %parallel_loop3A_706 : vector<1x16xf32> to vector<16xf32>
      %parallel_loop3A_708 = arith.subf %parallel_loop3A_703, %parallel_loop3A_707 : vector<16xf32>
      %parallel_loop3A_709 = arith.mulf %parallel_loop3A_708, %parallel_loop3A_708 : vector<16xf32>
      %parallel_loop3A_710 = arith.constant 5.000000e-01 : f32
      %parallel_loop3A_711 = vector.broadcast %parallel_loop3A_710 : f32 to vector<16xf32>
      %parallel_loop3A_712 = arith.subf %parallel_loop3A_711, %parallel_loop3A_709 : vector<16xf32>
      %parallel_loop3A_713 = arith.maximumf %parallel_loop3A_712, %broadcast_in_dim3A_125 : vector<16xf32>
      %parallel_loop3A_714 = arith.addf %parallel_loop3A_654, %parallel_loop3A_713 : vector<16xf32>
      %parallel_loop3A_715 = arith.index_cast %parallel_loop3A_605 : i32 to index
      %parallel_loop3A_716 = arith.constant 112 : index
      %parallel_loop3A_717 = tpu.vector_load %arg17[%parallel_loop3A_715, %parallel_loop3A_716] {strides = array<i32>} : memref<128x128xf32, #tpu.memory_space<vmem>>, vector<1x16xf32>,
      %parallel_loop3A_718 = vector.shape_cast %parallel_loop3A_717 : vector<1x16xf32> to vector<16xf32>
      %parallel_loop3A_719 = arith.index_cast %parallel_loop3A_605 : i32 to index
      %parallel_loop3A_720 = arith.constant 112 : index
      %parallel_loop3A_721 = tpu.vector_load %arg18[%parallel_loop3A_719, %parallel_loop3A_720] {strides = array<i32>} : memref<128x128xf32, #tpu.memory_space<vmem>>, vector<1x16xf32>,
      %parallel_loop3A_722 = vector.shape_cast %parallel_loop3A_721 : vector<1x16xf32> to vector<16xf32>
      %parallel_loop3A_723 = arith.subf %parallel_loop3A_718, %parallel_loop3A_722 : vector<16xf32>
      %parallel_loop3A_724 = arith.mulf %parallel_loop3A_723, %parallel_loop3A_723 : vector<16xf32>
      %parallel_loop3A_725 = arith.constant 5.000000e-01 : f32
      %parallel_loop3A_726 = vector.broadcast %parallel_loop3A_725 : f32 to vector<16xf32>
      %parallel_loop3A_727 = arith.subf %parallel_loop3A_726, %parallel_loop3A_724 : vector<16xf32>
      %parallel_loop3A_728 = arith.maximumf %parallel_loop3A_727, %broadcast_in_dim3A_125 : vector<16xf32>
      %parallel_loop3A_729 = arith.addf %parallel_loop3A_669, %parallel_loop3A_728 : vector<16xf32>
      scf.yield %parallel_loop3A_684, %parallel_loop3A_699, %parallel_loop3A_714, %parallel_loop3A_729 : vector<16xf32>, vector<16xf32>, vector<16xf32>, vector<16xf32>
    } {sc.loop_unroll_factor = 2 : i64, sc.parallel_access}
    %dma_start3A_450 = arith.constant 0 : i32
    %dma_start3A_451 = arith.constant 0 : i32
    %dma_start3A_452 = tpu.memref_slice %arg17[%dma_start3A_450, %dma_start3A_451] : memref<128x128xf32, #tpu.memory_space<vmem>> -> memref<128x128xf32, #tpu.memory_space<vmem>>
    %dma_start3A_453 = arith.constant 0 : i32
    %dma_start3A_454 = tpu.memref_slice %arg13[%dma_start3A_453] : memref<320xi32, #tpu.memory_space<vmem>> -> memref<128xi32, #tpu.memory_space<vmem>>
    %dma_start3A_455 = arith.constant 0 : i32
    %dma_start3A_456 = arith.constant 0 : i32
    %dma_start3A_457 = tpu.memref_slice %arg2[%dma_start3A_455, %dma_start3A_456] : memref<294912x128xf32, #tpu.memory_space<hbm>> -> memref<294912x128xf32, #tpu.memory_space<hbm>>
    tpu.enqueue_indirect_dma source(%dma_start3A_457 : memref<294912x128xf32, #tpu.memory_space<hbm>>) target(%dma_start3A_452 : memref<128x128xf32, #tpu.memory_space<vmem>>) offsets(%dma_start3A_454 : memref<128xi32, #tpu.memory_space<vmem>>) semaphore(%arg22 : memref<!tpu.dma_semaphore, #tpu.memory_space<semaphore_mem>>)
    %dma_start3A_458 = arith.constant 0 : i32
    %dma_start3A_459 = arith.constant 0 : i32
    %dma_start3A_460 = tpu.memref_slice %arg18[%dma_start3A_458, %dma_start3A_459] : memref<128x128xf32, #tpu.memory_space<vmem>> -> memref<128x128xf32, #tpu.memory_space<vmem>>
    %dma_start3A_461 = arith.constant 0 : i32
    %dma_start3A_462 = tpu.memref_slice %arg14[%dma_start3A_461] : memref<320xi32, #tpu.memory_space<vmem>> -> memref<128xi32, #tpu.memory_space<vmem>>
    %dma_start3A_463 = arith.constant 0 : i32
    %dma_start3A_464 = arith.constant 0 : i32
    %dma_start3A_465 = tpu.memref_slice %arg3[%dma_start3A_463, %dma_start3A_464] : memref<294912x128xf32, #tpu.memory_space<hbm>> -> memref<294912x128xf32, #tpu.memory_space<hbm>>
    tpu.enqueue_indirect_dma source(%dma_start3A_465 : memref<294912x128xf32, #tpu.memory_space<hbm>>) target(%dma_start3A_460 : memref<128x128xf32, #tpu.memory_space<vmem>>) offsets(%dma_start3A_462 : memref<128xi32, #tpu.memory_space<vmem>>) semaphore(%arg22 : memref<!tpu.dma_semaphore, #tpu.memory_space<semaphore_mem>>)
    %dma_wait3A_466 = arith.constant 0 : i32
    %dma_wait3A_467 = arith.constant 0 : i32
    %dma_wait3A_468 = tpu.memref_slice %arg19[%dma_wait3A_466, %dma_wait3A_467] : memref<128x128xf32, #tpu.memory_space<vmem>> -> memref<98x128xf32, #tpu.memory_space<vmem>>
    %dma_wait3A_469 = arith.constant 1152 : i32
    %dma_wait3A_470 = tpu.memref_slice %arg15[%dma_wait3A_469] : memref<1264xi32, #tpu.memory_space<vmem>> -> memref<98xi32, #tpu.memory_space<vmem>>
    %dma_wait3A_471 = arith.constant 0 : i32
    %dma_wait3A_472 = arith.constant 0 : i32
    %dma_wait3A_473 = tpu.memref_slice %arg2[%dma_wait3A_471, %dma_wait3A_472] : memref<294912x128xf32, #tpu.memory_space<hbm>> -> memref<294912x128xf32, #tpu.memory_space<hbm>>
    tpu.wait_indirect_dma semaphore(%arg23 : memref<!tpu.dma_semaphore, #tpu.memory_space<semaphore_mem>>) src(%dma_wait3A_473 : memref<294912x128xf32, #tpu.memory_space<hbm>>) dst(%dma_wait3A_468 : memref<98x128xf32, #tpu.memory_space<vmem>>)
    %dma_wait3A_474 = arith.constant 0 : i32
    %dma_wait3A_475 = arith.constant 0 : i32
    %dma_wait3A_476 = tpu.memref_slice %arg20[%dma_wait3A_474, %dma_wait3A_475] : memref<128x128xf32, #tpu.memory_space<vmem>> -> memref<98x128xf32, #tpu.memory_space<vmem>>
    %dma_wait3A_477 = arith.constant 1152 : i32
    %dma_wait3A_478 = tpu.memref_slice %arg16[%dma_wait3A_477] : memref<1264xi32, #tpu.memory_space<vmem>> -> memref<98xi32, #tpu.memory_space<vmem>>
    %dma_wait3A_479 = arith.constant 0 : i32
    %dma_wait3A_480 = arith.constant 0 : i32
    %dma_wait3A_481 = tpu.memref_slice %arg3[%dma_wait3A_479, %dma_wait3A_480] : memref<294912x128xf32, #tpu.memory_space<hbm>> -> memref<294912x128xf32, #tpu.memory_space<hbm>>
    tpu.wait_indirect_dma semaphore(%arg23 : memref<!tpu.dma_semaphore, #tpu.memory_space<semaphore_mem>>) src(%dma_wait3A_481 : memref<294912x128xf32, #tpu.memory_space<hbm>>) dst(%dma_wait3A_476 : memref<98x128xf32, #tpu.memory_space<vmem>>)
    %parallel_loop3A_482 = arith.constant 0 : i32
    %parallel_loop3A_483 = arith.constant 98 : i32
    %parallel_loop3A_484 = arith.constant 1 : i32
    %parallel_loop3A_485:4 = scf.for %parallel_loop3A_605 = %parallel_loop3A_482 to %parallel_loop3A_483 step %parallel_loop3A_484 iter_args(%parallel_loop3A_606 = %parallel_loop3A_449#0, %parallel_loop3A_607 = %parallel_loop3A_449#1, %parallel_loop3A_608 = %parallel_loop3A_449#2, %parallel_loop3A_609 = %parallel_loop3A_449#3) -> (vector<16xf32>, vector<16xf32>, vector<16xf32>, vector<16xf32>)  : i32 {
      %parallel_loop3A_610 = arith.index_cast %parallel_loop3A_605 : i32 to index
      %parallel_loop3A_611 = arith.constant 0 : index
      %parallel_loop3A_612 = tpu.vector_load %arg19[%parallel_loop3A_610, %parallel_loop3A_611] {strides = array<i32>} : memref<128x128xf32, #tpu.memory_space<vmem>>, vector<1x16xf32>,
      %parallel_loop3A_613 = vector.shape_cast %parallel_loop3A_612 : vector<1x16xf32> to vector<16xf32>
      %parallel_loop3A_614 = arith.index_cast %parallel_loop3A_605 : i32 to index
      %parallel_loop3A_615 = arith.constant 0 : index
      %parallel_loop3A_616 = tpu.vector_load %arg20[%parallel_loop3A_614, %parallel_loop3A_615] {strides = array<i32>} : memref<128x128xf32, #tpu.memory_space<vmem>>, vector<1x16xf32>,
      %parallel_loop3A_617 = vector.shape_cast %parallel_loop3A_616 : vector<1x16xf32> to vector<16xf32>
      %parallel_loop3A_618 = arith.subf %parallel_loop3A_613, %parallel_loop3A_617 : vector<16xf32>
      %parallel_loop3A_619 = arith.mulf %parallel_loop3A_618, %parallel_loop3A_618 : vector<16xf32>
      %parallel_loop3A_620 = arith.constant 5.000000e-01 : f32
      %parallel_loop3A_621 = vector.broadcast %parallel_loop3A_620 : f32 to vector<16xf32>
      %parallel_loop3A_622 = arith.subf %parallel_loop3A_621, %parallel_loop3A_619 : vector<16xf32>
      %parallel_loop3A_623 = arith.maximumf %parallel_loop3A_622, %broadcast_in_dim3A_125 : vector<16xf32>
      %parallel_loop3A_624 = arith.addf %parallel_loop3A_606, %parallel_loop3A_623 : vector<16xf32>
      %parallel_loop3A_625 = arith.index_cast %parallel_loop3A_605 : i32 to index
      %parallel_loop3A_626 = arith.constant 16 : index
      %parallel_loop3A_627 = tpu.vector_load %arg19[%parallel_loop3A_625, %parallel_loop3A_626] {strides = array<i32>} : memref<128x128xf32, #tpu.memory_space<vmem>>, vector<1x16xf32>,
      %parallel_loop3A_628 = vector.shape_cast %parallel_loop3A_627 : vector<1x16xf32> to vector<16xf32>
      %parallel_loop3A_629 = arith.index_cast %parallel_loop3A_605 : i32 to index
      %parallel_loop3A_630 = arith.constant 16 : index
      %parallel_loop3A_631 = tpu.vector_load %arg20[%parallel_loop3A_629, %parallel_loop3A_630] {strides = array<i32>} : memref<128x128xf32, #tpu.memory_space<vmem>>, vector<1x16xf32>,
      %parallel_loop3A_632 = vector.shape_cast %parallel_loop3A_631 : vector<1x16xf32> to vector<16xf32>
      %parallel_loop3A_633 = arith.subf %parallel_loop3A_628, %parallel_loop3A_632 : vector<16xf32>
      %parallel_loop3A_634 = arith.mulf %parallel_loop3A_633, %parallel_loop3A_633 : vector<16xf32>
      %parallel_loop3A_635 = arith.constant 5.000000e-01 : f32
      %parallel_loop3A_636 = vector.broadcast %parallel_loop3A_635 : f32 to vector<16xf32>
      %parallel_loop3A_637 = arith.subf %parallel_loop3A_636, %parallel_loop3A_634 : vector<16xf32>
      %parallel_loop3A_638 = arith.maximumf %parallel_loop3A_637, %broadcast_in_dim3A_125 : vector<16xf32>
      %parallel_loop3A_639 = arith.addf %parallel_loop3A_607, %parallel_loop3A_638 : vector<16xf32>
      %parallel_loop3A_640 = arith.index_cast %parallel_loop3A_605 : i32 to index
      %parallel_loop3A_641 = arith.constant 32 : index
      %parallel_loop3A_642 = tpu.vector_load %arg19[%parallel_loop3A_640, %parallel_loop3A_641] {strides = array<i32>} : memref<128x128xf32, #tpu.memory_space<vmem>>, vector<1x16xf32>,
      %parallel_loop3A_643 = vector.shape_cast %parallel_loop3A_642 : vector<1x16xf32> to vector<16xf32>
      %parallel_loop3A_644 = arith.index_cast %parallel_loop3A_605 : i32 to index
      %parallel_loop3A_645 = arith.constant 32 : index
      %parallel_loop3A_646 = tpu.vector_load %arg20[%parallel_loop3A_644, %parallel_loop3A_645] {strides = array<i32>} : memref<128x128xf32, #tpu.memory_space<vmem>>, vector<1x16xf32>,
      %parallel_loop3A_647 = vector.shape_cast %parallel_loop3A_646 : vector<1x16xf32> to vector<16xf32>
      %parallel_loop3A_648 = arith.subf %parallel_loop3A_643, %parallel_loop3A_647 : vector<16xf32>
      %parallel_loop3A_649 = arith.mulf %parallel_loop3A_648, %parallel_loop3A_648 : vector<16xf32>
      %parallel_loop3A_650 = arith.constant 5.000000e-01 : f32
      %parallel_loop3A_651 = vector.broadcast %parallel_loop3A_650 : f32 to vector<16xf32>
      %parallel_loop3A_652 = arith.subf %parallel_loop3A_651, %parallel_loop3A_649 : vector<16xf32>
      %parallel_loop3A_653 = arith.maximumf %parallel_loop3A_652, %broadcast_in_dim3A_125 : vector<16xf32>
      %parallel_loop3A_654 = arith.addf %parallel_loop3A_608, %parallel_loop3A_653 : vector<16xf32>
      %parallel_loop3A_655 = arith.index_cast %parallel_loop3A_605 : i32 to index
      %parallel_loop3A_656 = arith.constant 48 : index
      %parallel_loop3A_657 = tpu.vector_load %arg19[%parallel_loop3A_655, %parallel_loop3A_656] {strides = array<i32>} : memref<128x128xf32, #tpu.memory_space<vmem>>, vector<1x16xf32>,
      %parallel_loop3A_658 = vector.shape_cast %parallel_loop3A_657 : vector<1x16xf32> to vector<16xf32>
      %parallel_loop3A_659 = arith.index_cast %parallel_loop3A_605 : i32 to index
      %parallel_loop3A_660 = arith.constant 48 : index
      %parallel_loop3A_661 = tpu.vector_load %arg20[%parallel_loop3A_659, %parallel_loop3A_660] {strides = array<i32>} : memref<128x128xf32, #tpu.memory_space<vmem>>, vector<1x16xf32>,
      %parallel_loop3A_662 = vector.shape_cast %parallel_loop3A_661 : vector<1x16xf32> to vector<16xf32>
      %parallel_loop3A_663 = arith.subf %parallel_loop3A_658, %parallel_loop3A_662 : vector<16xf32>
      %parallel_loop3A_664 = arith.mulf %parallel_loop3A_663, %parallel_loop3A_663 : vector<16xf32>
      %parallel_loop3A_665 = arith.constant 5.000000e-01 : f32
      %parallel_loop3A_666 = vector.broadcast %parallel_loop3A_665 : f32 to vector<16xf32>
      %parallel_loop3A_667 = arith.subf %parallel_loop3A_666, %parallel_loop3A_664 : vector<16xf32>
      %parallel_loop3A_668 = arith.maximumf %parallel_loop3A_667, %broadcast_in_dim3A_125 : vector<16xf32>
      %parallel_loop3A_669 = arith.addf %parallel_loop3A_609, %parallel_loop3A_668 : vector<16xf32>
      %parallel_loop3A_670 = arith.index_cast %parallel_loop3A_605 : i32 to index
      %parallel_loop3A_671 = arith.constant 64 : index
      %parallel_loop3A_672 = tpu.vector_load %arg19[%parallel_loop3A_670, %parallel_loop3A_671] {strides = array<i32>} : memref<128x128xf32, #tpu.memory_space<vmem>>, vector<1x16xf32>,
      %parallel_loop3A_673 = vector.shape_cast %parallel_loop3A_672 : vector<1x16xf32> to vector<16xf32>
      %parallel_loop3A_674 = arith.index_cast %parallel_loop3A_605 : i32 to index
      %parallel_loop3A_675 = arith.constant 64 : index
      %parallel_loop3A_676 = tpu.vector_load %arg20[%parallel_loop3A_674, %parallel_loop3A_675] {strides = array<i32>} : memref<128x128xf32, #tpu.memory_space<vmem>>, vector<1x16xf32>,
      %parallel_loop3A_677 = vector.shape_cast %parallel_loop3A_676 : vector<1x16xf32> to vector<16xf32>
      %parallel_loop3A_678 = arith.subf %parallel_loop3A_673, %parallel_loop3A_677 : vector<16xf32>
      %parallel_loop3A_679 = arith.mulf %parallel_loop3A_678, %parallel_loop3A_678 : vector<16xf32>
      %parallel_loop3A_680 = arith.constant 5.000000e-01 : f32
      %parallel_loop3A_681 = vector.broadcast %parallel_loop3A_680 : f32 to vector<16xf32>
      %parallel_loop3A_682 = arith.subf %parallel_loop3A_681, %parallel_loop3A_679 : vector<16xf32>
      %parallel_loop3A_683 = arith.maximumf %parallel_loop3A_682, %broadcast_in_dim3A_125 : vector<16xf32>
      %parallel_loop3A_684 = arith.addf %parallel_loop3A_624, %parallel_loop3A_683 : vector<16xf32>
      %parallel_loop3A_685 = arith.index_cast %parallel_loop3A_605 : i32 to index
      %parallel_loop3A_686 = arith.constant 80 : index
      %parallel_loop3A_687 = tpu.vector_load %arg19[%parallel_loop3A_685, %parallel_loop3A_686] {strides = array<i32>} : memref<128x128xf32, #tpu.memory_space<vmem>>, vector<1x16xf32>,
      %parallel_loop3A_688 = vector.shape_cast %parallel_loop3A_687 : vector<1x16xf32> to vector<16xf32>
      %parallel_loop3A_689 = arith.index_cast %parallel_loop3A_605 : i32 to index
      %parallel_loop3A_690 = arith.constant 80 : index
      %parallel_loop3A_691 = tpu.vector_load %arg20[%parallel_loop3A_689, %parallel_loop3A_690] {strides = array<i32>} : memref<128x128xf32, #tpu.memory_space<vmem>>, vector<1x16xf32>,
      %parallel_loop3A_692 = vector.shape_cast %parallel_loop3A_691 : vector<1x16xf32> to vector<16xf32>
      %parallel_loop3A_693 = arith.subf %parallel_loop3A_688, %parallel_loop3A_692 : vector<16xf32>
      %parallel_loop3A_694 = arith.mulf %parallel_loop3A_693, %parallel_loop3A_693 : vector<16xf32>
      %parallel_loop3A_695 = arith.constant 5.000000e-01 : f32
      %parallel_loop3A_696 = vector.broadcast %parallel_loop3A_695 : f32 to vector<16xf32>
      %parallel_loop3A_697 = arith.subf %parallel_loop3A_696, %parallel_loop3A_694 : vector<16xf32>
      %parallel_loop3A_698 = arith.maximumf %parallel_loop3A_697, %broadcast_in_dim3A_125 : vector<16xf32>
      %parallel_loop3A_699 = arith.addf %parallel_loop3A_639, %parallel_loop3A_698 : vector<16xf32>
      %parallel_loop3A_700 = arith.index_cast %parallel_loop3A_605 : i32 to index
      %parallel_loop3A_701 = arith.constant 96 : index
      %parallel_loop3A_702 = tpu.vector_load %arg19[%parallel_loop3A_700, %parallel_loop3A_701] {strides = array<i32>} : memref<128x128xf32, #tpu.memory_space<vmem>>, vector<1x16xf32>,
      %parallel_loop3A_703 = vector.shape_cast %parallel_loop3A_702 : vector<1x16xf32> to vector<16xf32>
      %parallel_loop3A_704 = arith.index_cast %parallel_loop3A_605 : i32 to index
      %parallel_loop3A_705 = arith.constant 96 : index
      %parallel_loop3A_706 = tpu.vector_load %arg20[%parallel_loop3A_704, %parallel_loop3A_705] {strides = array<i32>} : memref<128x128xf32, #tpu.memory_space<vmem>>, vector<1x16xf32>,
      %parallel_loop3A_707 = vector.shape_cast %parallel_loop3A_706 : vector<1x16xf32> to vector<16xf32>
      %parallel_loop3A_708 = arith.subf %parallel_loop3A_703, %parallel_loop3A_707 : vector<16xf32>
      %parallel_loop3A_709 = arith.mulf %parallel_loop3A_708, %parallel_loop3A_708 : vector<16xf32>
      %parallel_loop3A_710 = arith.constant 5.000000e-01 : f32
      %parallel_loop3A_711 = vector.broadcast %parallel_loop3A_710 : f32 to vector<16xf32>
      %parallel_loop3A_712 = arith.subf %parallel_loop3A_711, %parallel_loop3A_709 : vector<16xf32>
      %parallel_loop3A_713 = arith.maximumf %parallel_loop3A_712, %broadcast_in_dim3A_125 : vector<16xf32>
      %parallel_loop3A_714 = arith.addf %parallel_loop3A_654, %parallel_loop3A_713 : vector<16xf32>
      %parallel_loop3A_715 = arith.index_cast %parallel_loop3A_605 : i32 to index
      %parallel_loop3A_716 = arith.constant 112 : index
      %parallel_loop3A_717 = tpu.vector_load %arg19[%parallel_loop3A_715, %parallel_loop3A_716] {strides = array<i32>} : memref<128x128xf32, #tpu.memory_space<vmem>>, vector<1x16xf32>,
      %parallel_loop3A_718 = vector.shape_cast %parallel_loop3A_717 : vector<1x16xf32> to vector<16xf32>
      %parallel_loop3A_719 = arith.index_cast %parallel_loop3A_605 : i32 to index
      %parallel_loop3A_720 = arith.constant 112 : index
      %parallel_loop3A_721 = tpu.vector_load %arg20[%parallel_loop3A_719, %parallel_loop3A_720] {strides = array<i32>} : memref<128x128xf32, #tpu.memory_space<vmem>>, vector<1x16xf32>,
      %parallel_loop3A_722 = vector.shape_cast %parallel_loop3A_721 : vector<1x16xf32> to vector<16xf32>
      %parallel_loop3A_723 = arith.subf %parallel_loop3A_718, %parallel_loop3A_722 : vector<16xf32>
      %parallel_loop3A_724 = arith.mulf %parallel_loop3A_723, %parallel_loop3A_723 : vector<16xf32>
      %parallel_loop3A_725 = arith.constant 5.000000e-01 : f32
      %parallel_loop3A_726 = vector.broadcast %parallel_loop3A_725 : f32 to vector<16xf32>
      %parallel_loop3A_727 = arith.subf %parallel_loop3A_726, %parallel_loop3A_724 : vector<16xf32>
      %parallel_loop3A_728 = arith.maximumf %parallel_loop3A_727, %broadcast_in_dim3A_125 : vector<16xf32>
      %parallel_loop3A_729 = arith.addf %parallel_loop3A_669, %parallel_loop3A_728 : vector<16xf32>
      scf.yield %parallel_loop3A_684, %parallel_loop3A_699, %parallel_loop3A_714, %parallel_loop3A_729 : vector<16xf32>, vector<16xf32>, vector<16xf32>, vector<16xf32>
    } {sc.loop_unroll_factor = 2 : i64, sc.parallel_access}
    %dma_start3A_486 = arith.constant 0 : i32
    %dma_start3A_487 = arith.constant 0 : i32
    %dma_start3A_488 = tpu.memref_slice %arg19[%dma_start3A_486, %dma_start3A_487] : memref<128x128xf32, #tpu.memory_space<vmem>> -> memref<128x128xf32, #tpu.memory_space<vmem>>
    %dma_start3A_489 = arith.constant 128 : i32
    %dma_start3A_490 = tpu.memref_slice %arg13[%dma_start3A_489] : memref<320xi32, #tpu.memory_space<vmem>> -> memref<128xi32, #tpu.memory_space<vmem>>
    %dma_start3A_491 = arith.constant 0 : i32
    %dma_start3A_492 = arith.constant 0 : i32
    %dma_start3A_493 = tpu.memref_slice %arg2[%dma_start3A_491, %dma_start3A_492] : memref<294912x128xf32, #tpu.memory_space<hbm>> -> memref<294912x128xf32, #tpu.memory_space<hbm>>
    tpu.enqueue_indirect_dma source(%dma_start3A_493 : memref<294912x128xf32, #tpu.memory_space<hbm>>) target(%dma_start3A_488 : memref<128x128xf32, #tpu.memory_space<vmem>>) offsets(%dma_start3A_490 : memref<128xi32, #tpu.memory_space<vmem>>) semaphore(%arg23 : memref<!tpu.dma_semaphore, #tpu.memory_space<semaphore_mem>>)
    %dma_start3A_494 = arith.constant 0 : i32
    %dma_start3A_495 = arith.constant 0 : i32
    %dma_start3A_496 = tpu.memref_slice %arg20[%dma_start3A_494, %dma_start3A_495] : memref<128x128xf32, #tpu.memory_space<vmem>> -> memref<128x128xf32, #tpu.memory_space<vmem>>
    %dma_start3A_497 = arith.constant 128 : i32
    %dma_start3A_498 = tpu.memref_slice %arg14[%dma_start3A_497] : memref<320xi32, #tpu.memory_space<vmem>> -> memref<128xi32, #tpu.memory_space<vmem>>
    %dma_start3A_499 = arith.constant 0 : i32
    %dma_start3A_500 = arith.constant 0 : i32
    %dma_start3A_501 = tpu.memref_slice %arg3[%dma_start3A_499, %dma_start3A_500] : memref<294912x128xf32, #tpu.memory_space<hbm>> -> memref<294912x128xf32, #tpu.memory_space<hbm>>
    tpu.enqueue_indirect_dma source(%dma_start3A_501 : memref<294912x128xf32, #tpu.memory_space<hbm>>) target(%dma_start3A_496 : memref<128x128xf32, #tpu.memory_space<vmem>>) offsets(%dma_start3A_498 : memref<128xi32, #tpu.memory_space<vmem>>) semaphore(%arg23 : memref<!tpu.dma_semaphore, #tpu.memory_space<semaphore_mem>>)
    %dma_wait3A_502 = arith.constant 0 : i32
    %dma_wait3A_503 = arith.constant 0 : i32
    %dma_wait3A_504 = tpu.memref_slice %arg17[%dma_wait3A_502, %dma_wait3A_503] : memref<128x128xf32, #tpu.memory_space<vmem>> -> memref<128x128xf32, #tpu.memory_space<vmem>>
    %dma_wait3A_505 = arith.constant 0 : i32
    %dma_wait3A_506 = tpu.memref_slice %arg13[%dma_wait3A_505] : memref<320xi32, #tpu.memory_space<vmem>> -> memref<128xi32, #tpu.memory_space<vmem>>
    %dma_wait3A_507 = arith.constant 0 : i32
    %dma_wait3A_508 = arith.constant 0 : i32
    %dma_wait3A_509 = tpu.memref_slice %arg2[%dma_wait3A_507, %dma_wait3A_508] : memref<294912x128xf32, #tpu.memory_space<hbm>> -> memref<294912x128xf32, #tpu.memory_space<hbm>>
    tpu.wait_indirect_dma semaphore(%arg22 : memref<!tpu.dma_semaphore, #tpu.memory_space<semaphore_mem>>) src(%dma_wait3A_509 : memref<294912x128xf32, #tpu.memory_space<hbm>>) dst(%dma_wait3A_504 : memref<128x128xf32, #tpu.memory_space<vmem>>)
    %dma_wait3A_510 = arith.constant 0 : i32
    %dma_wait3A_511 = arith.constant 0 : i32
    %dma_wait3A_512 = tpu.memref_slice %arg18[%dma_wait3A_510, %dma_wait3A_511] : memref<128x128xf32, #tpu.memory_space<vmem>> -> memref<128x128xf32, #tpu.memory_space<vmem>>
    %dma_wait3A_513 = arith.constant 0 : i32
    %dma_wait3A_514 = tpu.memref_slice %arg14[%dma_wait3A_513] : memref<320xi32, #tpu.memory_space<vmem>> -> memref<128xi32, #tpu.memory_space<vmem>>
    %dma_wait3A_515 = arith.constant 0 : i32
    %dma_wait3A_516 = arith.constant 0 : i32
    %dma_wait3A_517 = tpu.memref_slice %arg3[%dma_wait3A_515, %dma_wait3A_516] : memref<294912x128xf32, #tpu.memory_space<hbm>> -> memref<294912x128xf32, #tpu.memory_space<hbm>>
    tpu.wait_indirect_dma semaphore(%arg22 : memref<!tpu.dma_semaphore, #tpu.memory_space<semaphore_mem>>) src(%dma_wait3A_517 : memref<294912x128xf32, #tpu.memory_space<hbm>>) dst(%dma_wait3A_512 : memref<128x128xf32, #tpu.memory_space<vmem>>)
    %sub3A_518 = arith.constant 0 : i32
    %sub3A_519 = arith.subi %min3A_103, %sub3A_518 : i32
    %jit3A_520 = arith.constant 0 : i32
    %jit3A_521 = arith.constant 128 : i32
    %max3A = arith.maxsi %jit3A_520, %sub3A_519 : i32
    %min3A_522 = arith.minsi %jit3A_521, %max3A : i32
    %parallel_loop3A_523 = arith.constant 0 : i32
    %parallel_loop3A_524 = arith.constant 1 : i32
    %parallel_loop3A_525:4 = scf.for %parallel_loop3A_605 = %parallel_loop3A_523 to %min3A_522 step %parallel_loop3A_524 iter_args(%parallel_loop3A_606 = %broadcast_in_dim3A_125, %parallel_loop3A_607 = %broadcast_in_dim3A_125, %parallel_loop3A_608 = %broadcast_in_dim3A_125, %parallel_loop3A_609 = %broadcast_in_dim3A_125) -> (vector<16xf32>, vector<16xf32>, vector<16xf32>, vector<16xf32>)  : i32 {
      %parallel_loop3A_610 = arith.index_cast %parallel_loop3A_605 : i32 to index
      %parallel_loop3A_611 = arith.constant 0 : index
      %parallel_loop3A_612 = tpu.vector_load %arg17[%parallel_loop3A_610, %parallel_loop3A_611] {strides = array<i32>} : memref<128x128xf32, #tpu.memory_space<vmem>>, vector<1x16xf32>,
      %parallel_loop3A_613 = vector.shape_cast %parallel_loop3A_612 : vector<1x16xf32> to vector<16xf32>
      %parallel_loop3A_614 = arith.index_cast %parallel_loop3A_605 : i32 to index
      %parallel_loop3A_615 = arith.constant 0 : index
      %parallel_loop3A_616 = tpu.vector_load %arg18[%parallel_loop3A_614, %parallel_loop3A_615] {strides = array<i32>} : memref<128x128xf32, #tpu.memory_space<vmem>>, vector<1x16xf32>,
      %parallel_loop3A_617 = vector.shape_cast %parallel_loop3A_616 : vector<1x16xf32> to vector<16xf32>
      %parallel_loop3A_618 = arith.subf %parallel_loop3A_613, %parallel_loop3A_617 : vector<16xf32>
      %parallel_loop3A_619 = arith.mulf %parallel_loop3A_618, %parallel_loop3A_618 : vector<16xf32>
      %parallel_loop3A_620 = arith.addf %parallel_loop3A_606, %parallel_loop3A_619 : vector<16xf32>
      %parallel_loop3A_621 = arith.index_cast %parallel_loop3A_605 : i32 to index
      %parallel_loop3A_622 = arith.constant 16 : index
      %parallel_loop3A_623 = tpu.vector_load %arg17[%parallel_loop3A_621, %parallel_loop3A_622] {strides = array<i32>} : memref<128x128xf32, #tpu.memory_space<vmem>>, vector<1x16xf32>,
      %parallel_loop3A_624 = vector.shape_cast %parallel_loop3A_623 : vector<1x16xf32> to vector<16xf32>
      %parallel_loop3A_625 = arith.index_cast %parallel_loop3A_605 : i32 to index
      %parallel_loop3A_626 = arith.constant 16 : index
      %parallel_loop3A_627 = tpu.vector_load %arg18[%parallel_loop3A_625, %parallel_loop3A_626] {strides = array<i32>} : memref<128x128xf32, #tpu.memory_space<vmem>>, vector<1x16xf32>,
      %parallel_loop3A_628 = vector.shape_cast %parallel_loop3A_627 : vector<1x16xf32> to vector<16xf32>
      %parallel_loop3A_629 = arith.subf %parallel_loop3A_624, %parallel_loop3A_628 : vector<16xf32>
      %parallel_loop3A_630 = arith.mulf %parallel_loop3A_629, %parallel_loop3A_629 : vector<16xf32>
      %parallel_loop3A_631 = arith.addf %parallel_loop3A_607, %parallel_loop3A_630 : vector<16xf32>
      %parallel_loop3A_632 = arith.index_cast %parallel_loop3A_605 : i32 to index
      %parallel_loop3A_633 = arith.constant 32 : index
      %parallel_loop3A_634 = tpu.vector_load %arg17[%parallel_loop3A_632, %parallel_loop3A_633] {strides = array<i32>} : memref<128x128xf32, #tpu.memory_space<vmem>>, vector<1x16xf32>,
      %parallel_loop3A_635 = vector.shape_cast %parallel_loop3A_634 : vector<1x16xf32> to vector<16xf32>
      %parallel_loop3A_636 = arith.index_cast %parallel_loop3A_605 : i32 to index
      %parallel_loop3A_637 = arith.constant 32 : index
      %parallel_loop3A_638 = tpu.vector_load %arg18[%parallel_loop3A_636, %parallel_loop3A_637] {strides = array<i32>} : memref<128x128xf32, #tpu.memory_space<vmem>>, vector<1x16xf32>,
      %parallel_loop3A_639 = vector.shape_cast %parallel_loop3A_638 : vector<1x16xf32> to vector<16xf32>
      %parallel_loop3A_640 = arith.subf %parallel_loop3A_635, %parallel_loop3A_639 : vector<16xf32>
      %parallel_loop3A_641 = arith.mulf %parallel_loop3A_640, %parallel_loop3A_640 : vector<16xf32>
      %parallel_loop3A_642 = arith.addf %parallel_loop3A_608, %parallel_loop3A_641 : vector<16xf32>
      %parallel_loop3A_643 = arith.index_cast %parallel_loop3A_605 : i32 to index
      %parallel_loop3A_644 = arith.constant 48 : index
      %parallel_loop3A_645 = tpu.vector_load %arg17[%parallel_loop3A_643, %parallel_loop3A_644] {strides = array<i32>} : memref<128x128xf32, #tpu.memory_space<vmem>>, vector<1x16xf32>,
      %parallel_loop3A_646 = vector.shape_cast %parallel_loop3A_645 : vector<1x16xf32> to vector<16xf32>
      %parallel_loop3A_647 = arith.index_cast %parallel_loop3A_605 : i32 to index
      %parallel_loop3A_648 = arith.constant 48 : index
      %parallel_loop3A_649 = tpu.vector_load %arg18[%parallel_loop3A_647, %parallel_loop3A_648] {strides = array<i32>} : memref<128x128xf32, #tpu.memory_space<vmem>>, vector<1x16xf32>,
      %parallel_loop3A_650 = vector.shape_cast %parallel_loop3A_649 : vector<1x16xf32> to vector<16xf32>
      %parallel_loop3A_651 = arith.subf %parallel_loop3A_646, %parallel_loop3A_650 : vector<16xf32>
      %parallel_loop3A_652 = arith.mulf %parallel_loop3A_651, %parallel_loop3A_651 : vector<16xf32>
      %parallel_loop3A_653 = arith.addf %parallel_loop3A_609, %parallel_loop3A_652 : vector<16xf32>
      %parallel_loop3A_654 = arith.index_cast %parallel_loop3A_605 : i32 to index
      %parallel_loop3A_655 = arith.constant 64 : index
      %parallel_loop3A_656 = tpu.vector_load %arg17[%parallel_loop3A_654, %parallel_loop3A_655] {strides = array<i32>} : memref<128x128xf32, #tpu.memory_space<vmem>>, vector<1x16xf32>,
      %parallel_loop3A_657 = vector.shape_cast %parallel_loop3A_656 : vector<1x16xf32> to vector<16xf32>
      %parallel_loop3A_658 = arith.index_cast %parallel_loop3A_605 : i32 to index
      %parallel_loop3A_659 = arith.constant 64 : index
      %parallel_loop3A_660 = tpu.vector_load %arg18[%parallel_loop3A_658, %parallel_loop3A_659] {strides = array<i32>} : memref<128x128xf32, #tpu.memory_space<vmem>>, vector<1x16xf32>,
      %parallel_loop3A_661 = vector.shape_cast %parallel_loop3A_660 : vector<1x16xf32> to vector<16xf32>
      %parallel_loop3A_662 = arith.subf %parallel_loop3A_657, %parallel_loop3A_661 : vector<16xf32>
      %parallel_loop3A_663 = arith.mulf %parallel_loop3A_662, %parallel_loop3A_662 : vector<16xf32>
      %parallel_loop3A_664 = arith.addf %parallel_loop3A_620, %parallel_loop3A_663 : vector<16xf32>
      %parallel_loop3A_665 = arith.index_cast %parallel_loop3A_605 : i32 to index
      %parallel_loop3A_666 = arith.constant 80 : index
      %parallel_loop3A_667 = tpu.vector_load %arg17[%parallel_loop3A_665, %parallel_loop3A_666] {strides = array<i32>} : memref<128x128xf32, #tpu.memory_space<vmem>>, vector<1x16xf32>,
      %parallel_loop3A_668 = vector.shape_cast %parallel_loop3A_667 : vector<1x16xf32> to vector<16xf32>
      %parallel_loop3A_669 = arith.index_cast %parallel_loop3A_605 : i32 to index
      %parallel_loop3A_670 = arith.constant 80 : index
      %parallel_loop3A_671 = tpu.vector_load %arg18[%parallel_loop3A_669, %parallel_loop3A_670] {strides = array<i32>} : memref<128x128xf32, #tpu.memory_space<vmem>>, vector<1x16xf32>,
      %parallel_loop3A_672 = vector.shape_cast %parallel_loop3A_671 : vector<1x16xf32> to vector<16xf32>
      %parallel_loop3A_673 = arith.subf %parallel_loop3A_668, %parallel_loop3A_672 : vector<16xf32>
      %parallel_loop3A_674 = arith.mulf %parallel_loop3A_673, %parallel_loop3A_673 : vector<16xf32>
      %parallel_loop3A_675 = arith.addf %parallel_loop3A_631, %parallel_loop3A_674 : vector<16xf32>
      %parallel_loop3A_676 = arith.index_cast %parallel_loop3A_605 : i32 to index
      %parallel_loop3A_677 = arith.constant 96 : index
      %parallel_loop3A_678 = tpu.vector_load %arg17[%parallel_loop3A_676, %parallel_loop3A_677] {strides = array<i32>} : memref<128x128xf32, #tpu.memory_space<vmem>>, vector<1x16xf32>,
      %parallel_loop3A_679 = vector.shape_cast %parallel_loop3A_678 : vector<1x16xf32> to vector<16xf32>
      %parallel_loop3A_680 = arith.index_cast %parallel_loop3A_605 : i32 to index
      %parallel_loop3A_681 = arith.constant 96 : index
      %parallel_loop3A_682 = tpu.vector_load %arg18[%parallel_loop3A_680, %parallel_loop3A_681] {strides = array<i32>} : memref<128x128xf32, #tpu.memory_space<vmem>>, vector<1x16xf32>,
      %parallel_loop3A_683 = vector.shape_cast %parallel_loop3A_682 : vector<1x16xf32> to vector<16xf32>
      %parallel_loop3A_684 = arith.subf %parallel_loop3A_679, %parallel_loop3A_683 : vector<16xf32>
      %parallel_loop3A_685 = arith.mulf %parallel_loop3A_684, %parallel_loop3A_684 : vector<16xf32>
      %parallel_loop3A_686 = arith.addf %parallel_loop3A_642, %parallel_loop3A_685 : vector<16xf32>
      %parallel_loop3A_687 = arith.index_cast %parallel_loop3A_605 : i32 to index
      %parallel_loop3A_688 = arith.constant 112 : index
      %parallel_loop3A_689 = tpu.vector_load %arg17[%parallel_loop3A_687, %parallel_loop3A_688] {strides = array<i32>} : memref<128x128xf32, #tpu.memory_space<vmem>>, vector<1x16xf32>,
      %parallel_loop3A_690 = vector.shape_cast %parallel_loop3A_689 : vector<1x16xf32> to vector<16xf32>
      %parallel_loop3A_691 = arith.index_cast %parallel_loop3A_605 : i32 to index
      %parallel_loop3A_692 = arith.constant 112 : index
      %parallel_loop3A_693 = tpu.vector_load %arg18[%parallel_loop3A_691, %parallel_loop3A_692] {strides = array<i32>} : memref<128x128xf32, #tpu.memory_space<vmem>>, vector<1x16xf32>,
      %parallel_loop3A_694 = vector.shape_cast %parallel_loop3A_693 : vector<1x16xf32> to vector<16xf32>
      %parallel_loop3A_695 = arith.subf %parallel_loop3A_690, %parallel_loop3A_694 : vector<16xf32>
      %parallel_loop3A_696 = arith.mulf %parallel_loop3A_695, %parallel_loop3A_695 : vector<16xf32>
      %parallel_loop3A_697 = arith.addf %parallel_loop3A_653, %parallel_loop3A_696 : vector<16xf32>
      scf.yield %parallel_loop3A_664, %parallel_loop3A_675, %parallel_loop3A_686, %parallel_loop3A_697 : vector<16xf32>, vector<16xf32>, vector<16xf32>, vector<16xf32>
    } {sc.loop_unroll_factor = 2 : i64, sc.parallel_access}
    %dma_start3A_526 = arith.constant 0 : i32
    %dma_start3A_527 = arith.constant 0 : i32
    %dma_start3A_528 = tpu.memref_slice %arg17[%dma_start3A_526, %dma_start3A_527] : memref<128x128xf32, #tpu.memory_space<vmem>> -> memref<57x128xf32, #tpu.memory_space<vmem>>
    %dma_start3A_529 = arith.constant 256 : i32
    %dma_start3A_530 = tpu.memref_slice %arg13[%dma_start3A_529] : memref<320xi32, #tpu.memory_space<vmem>> -> memref<57xi32, #tpu.memory_space<vmem>>
    %dma_start3A_531 = arith.constant 0 : i32
    %dma_start3A_532 = arith.constant 0 : i32
    %dma_start3A_533 = tpu.memref_slice %arg2[%dma_start3A_531, %dma_start3A_532] : memref<294912x128xf32, #tpu.memory_space<hbm>> -> memref<294912x128xf32, #tpu.memory_space<hbm>>
    tpu.enqueue_indirect_dma source(%dma_start3A_533 : memref<294912x128xf32, #tpu.memory_space<hbm>>) target(%dma_start3A_528 : memref<57x128xf32, #tpu.memory_space<vmem>>) offsets(%dma_start3A_530 : memref<57xi32, #tpu.memory_space<vmem>>) semaphore(%arg22 : memref<!tpu.dma_semaphore, #tpu.memory_space<semaphore_mem>>)
    %dma_start3A_534 = arith.constant 0 : i32
    %dma_start3A_535 = arith.constant 0 : i32
    %dma_start3A_536 = tpu.memref_slice %arg18[%dma_start3A_534, %dma_start3A_535] : memref<128x128xf32, #tpu.memory_space<vmem>> -> memref<57x128xf32, #tpu.memory_space<vmem>>
    %dma_start3A_537 = arith.constant 256 : i32
    %dma_start3A_538 = tpu.memref_slice %arg14[%dma_start3A_537] : memref<320xi32, #tpu.memory_space<vmem>> -> memref<57xi32, #tpu.memory_space<vmem>>
    %dma_start3A_539 = arith.constant 0 : i32
    %dma_start3A_540 = arith.constant 0 : i32
    %dma_start3A_541 = tpu.memref_slice %arg3[%dma_start3A_539, %dma_start3A_540] : memref<294912x128xf32, #tpu.memory_space<hbm>> -> memref<294912x128xf32, #tpu.memory_space<hbm>>
    tpu.enqueue_indirect_dma source(%dma_start3A_541 : memref<294912x128xf32, #tpu.memory_space<hbm>>) target(%dma_start3A_536 : memref<57x128xf32, #tpu.memory_space<vmem>>) offsets(%dma_start3A_538 : memref<57xi32, #tpu.memory_space<vmem>>) semaphore(%arg22 : memref<!tpu.dma_semaphore, #tpu.memory_space<semaphore_mem>>)
    %dma_wait3A_542 = arith.constant 0 : i32
    %dma_wait3A_543 = arith.constant 0 : i32
    %dma_wait3A_544 = tpu.memref_slice %arg19[%dma_wait3A_542, %dma_wait3A_543] : memref<128x128xf32, #tpu.memory_space<vmem>> -> memref<128x128xf32, #tpu.memory_space<vmem>>
    %dma_wait3A_545 = arith.constant 128 : i32
    %dma_wait3A_546 = tpu.memref_slice %arg13[%dma_wait3A_545] : memref<320xi32, #tpu.memory_space<vmem>> -> memref<128xi32, #tpu.memory_space<vmem>>
    %dma_wait3A_547 = arith.constant 0 : i32
    %dma_wait3A_548 = arith.constant 0 : i32
    %dma_wait3A_549 = tpu.memref_slice %arg2[%dma_wait3A_547, %dma_wait3A_548] : memref<294912x128xf32, #tpu.memory_space<hbm>> -> memref<294912x128xf32, #tpu.memory_space<hbm>>
    tpu.wait_indirect_dma semaphore(%arg23 : memref<!tpu.dma_semaphore, #tpu.memory_space<semaphore_mem>>) src(%dma_wait3A_549 : memref<294912x128xf32, #tpu.memory_space<hbm>>) dst(%dma_wait3A_544 : memref<128x128xf32, #tpu.memory_space<vmem>>)
    %dma_wait3A_550 = arith.constant 0 : i32
    %dma_wait3A_551 = arith.constant 0 : i32
    %dma_wait3A_552 = tpu.memref_slice %arg20[%dma_wait3A_550, %dma_wait3A_551] : memref<128x128xf32, #tpu.memory_space<vmem>> -> memref<128x128xf32, #tpu.memory_space<vmem>>
    %dma_wait3A_553 = arith.constant 128 : i32
    %dma_wait3A_554 = tpu.memref_slice %arg14[%dma_wait3A_553] : memref<320xi32, #tpu.memory_space<vmem>> -> memref<128xi32, #tpu.memory_space<vmem>>
    %dma_wait3A_555 = arith.constant 0 : i32
    %dma_wait3A_556 = arith.constant 0 : i32
    %dma_wait3A_557 = tpu.memref_slice %arg3[%dma_wait3A_555, %dma_wait3A_556] : memref<294912x128xf32, #tpu.memory_space<hbm>> -> memref<294912x128xf32, #tpu.memory_space<hbm>>
    tpu.wait_indirect_dma semaphore(%arg23 : memref<!tpu.dma_semaphore, #tpu.memory_space<semaphore_mem>>) src(%dma_wait3A_557 : memref<294912x128xf32, #tpu.memory_space<hbm>>) dst(%dma_wait3A_552 : memref<128x128xf32, #tpu.memory_space<vmem>>)
    %sub3A_558 = arith.constant 128 : i32
    %sub3A_559 = arith.subi %min3A_103, %sub3A_558 : i32
    %jit3A_560 = arith.constant 0 : i32
    %jit3A_561 = arith.constant 128 : i32
    %max3A_562 = arith.maxsi %jit3A_560, %sub3A_559 : i32
    %min3A_563 = arith.minsi %jit3A_561, %max3A_562 : i32
    %parallel_loop3A_564 = arith.constant 0 : i32
    %parallel_loop3A_565 = arith.constant 1 : i32
    %parallel_loop3A_566:4 = scf.for %parallel_loop3A_605 = %parallel_loop3A_564 to %min3A_563 step %parallel_loop3A_565 iter_args(%parallel_loop3A_606 = %parallel_loop3A_525#0, %parallel_loop3A_607 = %parallel_loop3A_525#1, %parallel_loop3A_608 = %parallel_loop3A_525#2, %parallel_loop3A_609 = %parallel_loop3A_525#3) -> (vector<16xf32>, vector<16xf32>, vector<16xf32>, vector<16xf32>)  : i32 {
      %parallel_loop3A_610 = arith.index_cast %parallel_loop3A_605 : i32 to index
      %parallel_loop3A_611 = arith.constant 0 : index
      %parallel_loop3A_612 = tpu.vector_load %arg19[%parallel_loop3A_610, %parallel_loop3A_611] {strides = array<i32>} : memref<128x128xf32, #tpu.memory_space<vmem>>, vector<1x16xf32>,
      %parallel_loop3A_613 = vector.shape_cast %parallel_loop3A_612 : vector<1x16xf32> to vector<16xf32>
      %parallel_loop3A_614 = arith.index_cast %parallel_loop3A_605 : i32 to index
      %parallel_loop3A_615 = arith.constant 0 : index
      %parallel_loop3A_616 = tpu.vector_load %arg20[%parallel_loop3A_614, %parallel_loop3A_615] {strides = array<i32>} : memref<128x128xf32, #tpu.memory_space<vmem>>, vector<1x16xf32>,
      %parallel_loop3A_617 = vector.shape_cast %parallel_loop3A_616 : vector<1x16xf32> to vector<16xf32>
      %parallel_loop3A_618 = arith.subf %parallel_loop3A_613, %parallel_loop3A_617 : vector<16xf32>
      %parallel_loop3A_619 = arith.mulf %parallel_loop3A_618, %parallel_loop3A_618 : vector<16xf32>
      %parallel_loop3A_620 = arith.addf %parallel_loop3A_606, %parallel_loop3A_619 : vector<16xf32>
      %parallel_loop3A_621 = arith.index_cast %parallel_loop3A_605 : i32 to index
      %parallel_loop3A_622 = arith.constant 16 : index
      %parallel_loop3A_623 = tpu.vector_load %arg19[%parallel_loop3A_621, %parallel_loop3A_622] {strides = array<i32>} : memref<128x128xf32, #tpu.memory_space<vmem>>, vector<1x16xf32>,
      %parallel_loop3A_624 = vector.shape_cast %parallel_loop3A_623 : vector<1x16xf32> to vector<16xf32>
      %parallel_loop3A_625 = arith.index_cast %parallel_loop3A_605 : i32 to index
      %parallel_loop3A_626 = arith.constant 16 : index
      %parallel_loop3A_627 = tpu.vector_load %arg20[%parallel_loop3A_625, %parallel_loop3A_626] {strides = array<i32>} : memref<128x128xf32, #tpu.memory_space<vmem>>, vector<1x16xf32>,
      %parallel_loop3A_628 = vector.shape_cast %parallel_loop3A_627 : vector<1x16xf32> to vector<16xf32>
      %parallel_loop3A_629 = arith.subf %parallel_loop3A_624, %parallel_loop3A_628 : vector<16xf32>
      %parallel_loop3A_630 = arith.mulf %parallel_loop3A_629, %parallel_loop3A_629 : vector<16xf32>
      %parallel_loop3A_631 = arith.addf %parallel_loop3A_607, %parallel_loop3A_630 : vector<16xf32>
      %parallel_loop3A_632 = arith.index_cast %parallel_loop3A_605 : i32 to index
      %parallel_loop3A_633 = arith.constant 32 : index
      %parallel_loop3A_634 = tpu.vector_load %arg19[%parallel_loop3A_632, %parallel_loop3A_633] {strides = array<i32>} : memref<128x128xf32, #tpu.memory_space<vmem>>, vector<1x16xf32>,
      %parallel_loop3A_635 = vector.shape_cast %parallel_loop3A_634 : vector<1x16xf32> to vector<16xf32>
      %parallel_loop3A_636 = arith.index_cast %parallel_loop3A_605 : i32 to index
      %parallel_loop3A_637 = arith.constant 32 : index
      %parallel_loop3A_638 = tpu.vector_load %arg20[%parallel_loop3A_636, %parallel_loop3A_637] {strides = array<i32>} : memref<128x128xf32, #tpu.memory_space<vmem>>, vector<1x16xf32>,
      %parallel_loop3A_639 = vector.shape_cast %parallel_loop3A_638 : vector<1x16xf32> to vector<16xf32>
      %parallel_loop3A_640 = arith.subf %parallel_loop3A_635, %parallel_loop3A_639 : vector<16xf32>
      %parallel_loop3A_641 = arith.mulf %parallel_loop3A_640, %parallel_loop3A_640 : vector<16xf32>
      %parallel_loop3A_642 = arith.addf %parallel_loop3A_608, %parallel_loop3A_641 : vector<16xf32>
      %parallel_loop3A_643 = arith.index_cast %parallel_loop3A_605 : i32 to index
      %parallel_loop3A_644 = arith.constant 48 : index
      %parallel_loop3A_645 = tpu.vector_load %arg19[%parallel_loop3A_643, %parallel_loop3A_644] {strides = array<i32>} : memref<128x128xf32, #tpu.memory_space<vmem>>, vector<1x16xf32>,
      %parallel_loop3A_646 = vector.shape_cast %parallel_loop3A_645 : vector<1x16xf32> to vector<16xf32>
      %parallel_loop3A_647 = arith.index_cast %parallel_loop3A_605 : i32 to index
      %parallel_loop3A_648 = arith.constant 48 : index
      %parallel_loop3A_649 = tpu.vector_load %arg20[%parallel_loop3A_647, %parallel_loop3A_648] {strides = array<i32>} : memref<128x128xf32, #tpu.memory_space<vmem>>, vector<1x16xf32>,
      %parallel_loop3A_650 = vector.shape_cast %parallel_loop3A_649 : vector<1x16xf32> to vector<16xf32>
      %parallel_loop3A_651 = arith.subf %parallel_loop3A_646, %parallel_loop3A_650 : vector<16xf32>
      %parallel_loop3A_652 = arith.mulf %parallel_loop3A_651, %parallel_loop3A_651 : vector<16xf32>
      %parallel_loop3A_653 = arith.addf %parallel_loop3A_609, %parallel_loop3A_652 : vector<16xf32>
      %parallel_loop3A_654 = arith.index_cast %parallel_loop3A_605 : i32 to index
      %parallel_loop3A_655 = arith.constant 64 : index
      %parallel_loop3A_656 = tpu.vector_load %arg19[%parallel_loop3A_654, %parallel_loop3A_655] {strides = array<i32>} : memref<128x128xf32, #tpu.memory_space<vmem>>, vector<1x16xf32>,
      %parallel_loop3A_657 = vector.shape_cast %parallel_loop3A_656 : vector<1x16xf32> to vector<16xf32>
      %parallel_loop3A_658 = arith.index_cast %parallel_loop3A_605 : i32 to index
      %parallel_loop3A_659 = arith.constant 64 : index
      %parallel_loop3A_660 = tpu.vector_load %arg20[%parallel_loop3A_658, %parallel_loop3A_659] {strides = array<i32>} : memref<128x128xf32, #tpu.memory_space<vmem>>, vector<1x16xf32>,
      %parallel_loop3A_661 = vector.shape_cast %parallel_loop3A_660 : vector<1x16xf32> to vector<16xf32>
      %parallel_loop3A_662 = arith.subf %parallel_loop3A_657, %parallel_loop3A_661 : vector<16xf32>
      %parallel_loop3A_663 = arith.mulf %parallel_loop3A_662, %parallel_loop3A_662 : vector<16xf32>
      %parallel_loop3A_664 = arith.addf %parallel_loop3A_620, %parallel_loop3A_663 : vector<16xf32>
      %parallel_loop3A_665 = arith.index_cast %parallel_loop3A_605 : i32 to index
      %parallel_loop3A_666 = arith.constant 80 : index
      %parallel_loop3A_667 = tpu.vector_load %arg19[%parallel_loop3A_665, %parallel_loop3A_666] {strides = array<i32>} : memref<128x128xf32, #tpu.memory_space<vmem>>, vector<1x16xf32>,
      %parallel_loop3A_668 = vector.shape_cast %parallel_loop3A_667 : vector<1x16xf32> to vector<16xf32>
      %parallel_loop3A_669 = arith.index_cast %parallel_loop3A_605 : i32 to index
      %parallel_loop3A_670 = arith.constant 80 : index
      %parallel_loop3A_671 = tpu.vector_load %arg20[%parallel_loop3A_669, %parallel_loop3A_670] {strides = array<i32>} : memref<128x128xf32, #tpu.memory_space<vmem>>, vector<1x16xf32>,
      %parallel_loop3A_672 = vector.shape_cast %parallel_loop3A_671 : vector<1x16xf32> to vector<16xf32>
      %parallel_loop3A_673 = arith.subf %parallel_loop3A_668, %parallel_loop3A_672 : vector<16xf32>
      %parallel_loop3A_674 = arith.mulf %parallel_loop3A_673, %parallel_loop3A_673 : vector<16xf32>
      %parallel_loop3A_675 = arith.addf %parallel_loop3A_631, %parallel_loop3A_674 : vector<16xf32>
      %parallel_loop3A_676 = arith.index_cast %parallel_loop3A_605 : i32 to index
      %parallel_loop3A_677 = arith.constant 96 : index
      %parallel_loop3A_678 = tpu.vector_load %arg19[%parallel_loop3A_676, %parallel_loop3A_677] {strides = array<i32>} : memref<128x128xf32, #tpu.memory_space<vmem>>, vector<1x16xf32>,
      %parallel_loop3A_679 = vector.shape_cast %parallel_loop3A_678 : vector<1x16xf32> to vector<16xf32>
      %parallel_loop3A_680 = arith.index_cast %parallel_loop3A_605 : i32 to index
      %parallel_loop3A_681 = arith.constant 96 : index
      %parallel_loop3A_682 = tpu.vector_load %arg20[%parallel_loop3A_680, %parallel_loop3A_681] {strides = array<i32>} : memref<128x128xf32, #tpu.memory_space<vmem>>, vector<1x16xf32>,
      %parallel_loop3A_683 = vector.shape_cast %parallel_loop3A_682 : vector<1x16xf32> to vector<16xf32>
      %parallel_loop3A_684 = arith.subf %parallel_loop3A_679, %parallel_loop3A_683 : vector<16xf32>
      %parallel_loop3A_685 = arith.mulf %parallel_loop3A_684, %parallel_loop3A_684 : vector<16xf32>
      %parallel_loop3A_686 = arith.addf %parallel_loop3A_642, %parallel_loop3A_685 : vector<16xf32>
      %parallel_loop3A_687 = arith.index_cast %parallel_loop3A_605 : i32 to index
      %parallel_loop3A_688 = arith.constant 112 : index
      %parallel_loop3A_689 = tpu.vector_load %arg19[%parallel_loop3A_687, %parallel_loop3A_688] {strides = array<i32>} : memref<128x128xf32, #tpu.memory_space<vmem>>, vector<1x16xf32>,
      %parallel_loop3A_690 = vector.shape_cast %parallel_loop3A_689 : vector<1x16xf32> to vector<16xf32>
      %parallel_loop3A_691 = arith.index_cast %parallel_loop3A_605 : i32 to index
      %parallel_loop3A_692 = arith.constant 112 : index
      %parallel_loop3A_693 = tpu.vector_load %arg20[%parallel_loop3A_691, %parallel_loop3A_692] {strides = array<i32>} : memref<128x128xf32, #tpu.memory_space<vmem>>, vector<1x16xf32>,
      %parallel_loop3A_694 = vector.shape_cast %parallel_loop3A_693 : vector<1x16xf32> to vector<16xf32>
      %parallel_loop3A_695 = arith.subf %parallel_loop3A_690, %parallel_loop3A_694 : vector<16xf32>
      %parallel_loop3A_696 = arith.mulf %parallel_loop3A_695, %parallel_loop3A_695 : vector<16xf32>
      %parallel_loop3A_697 = arith.addf %parallel_loop3A_653, %parallel_loop3A_696 : vector<16xf32>
      scf.yield %parallel_loop3A_664, %parallel_loop3A_675, %parallel_loop3A_686, %parallel_loop3A_697 : vector<16xf32>, vector<16xf32>, vector<16xf32>, vector<16xf32>
    } {sc.loop_unroll_factor = 2 : i64, sc.parallel_access}
    %dma_wait3A_567 = arith.constant 0 : i32
    %dma_wait3A_568 = arith.constant 0 : i32
    %dma_wait3A_569 = tpu.memref_slice %arg17[%dma_wait3A_567, %dma_wait3A_568] : memref<128x128xf32, #tpu.memory_space<vmem>> -> memref<57x128xf32, #tpu.memory_space<vmem>>
    %dma_wait3A_570 = arith.constant 256 : i32
    %dma_wait3A_571 = tpu.memref_slice %arg13[%dma_wait3A_570] : memref<320xi32, #tpu.memory_space<vmem>> -> memref<57xi32, #tpu.memory_space<vmem>>
    %dma_wait3A_572 = arith.constant 0 : i32
    %dma_wait3A_573 = arith.constant 0 : i32
    %dma_wait3A_574 = tpu.memref_slice %arg2[%dma_wait3A_572, %dma_wait3A_573] : memref<294912x128xf32, #tpu.memory_space<hbm>> -> memref<294912x128xf32, #tpu.memory_space<hbm>>
    tpu.wait_indirect_dma semaphore(%arg22 : memref<!tpu.dma_semaphore, #tpu.memory_space<semaphore_mem>>) src(%dma_wait3A_574 : memref<294912x128xf32, #tpu.memory_space<hbm>>) dst(%dma_wait3A_569 : memref<57x128xf32, #tpu.memory_space<vmem>>)
    %dma_wait3A_575 = arith.constant 0 : i32
    %dma_wait3A_576 = arith.constant 0 : i32
    %dma_wait3A_577 = tpu.memref_slice %arg18[%dma_wait3A_575, %dma_wait3A_576] : memref<128x128xf32, #tpu.memory_space<vmem>> -> memref<57x128xf32, #tpu.memory_space<vmem>>
    %dma_wait3A_578 = arith.constant 256 : i32
    %dma_wait3A_579 = tpu.memref_slice %arg14[%dma_wait3A_578] : memref<320xi32, #tpu.memory_space<vmem>> -> memref<57xi32, #tpu.memory_space<vmem>>
    %dma_wait3A_580 = arith.constant 0 : i32
    %dma_wait3A_581 = arith.constant 0 : i32
    %dma_wait3A_582 = tpu.memref_slice %arg3[%dma_wait3A_580, %dma_wait3A_581] : memref<294912x128xf32, #tpu.memory_space<hbm>> -> memref<294912x128xf32, #tpu.memory_space<hbm>>
    tpu.wait_indirect_dma semaphore(%arg22 : memref<!tpu.dma_semaphore, #tpu.memory_space<semaphore_mem>>) src(%dma_wait3A_582 : memref<294912x128xf32, #tpu.memory_space<hbm>>) dst(%dma_wait3A_577 : memref<57x128xf32, #tpu.memory_space<vmem>>)
    %sub3A_583 = arith.constant 256 : i32
    %sub3A_584 = arith.subi %min3A_103, %sub3A_583 : i32
    %jit3A_585 = arith.constant 0 : i32
    %jit3A_586 = arith.constant 57 : i32
    %max3A_587 = arith.maxsi %jit3A_585, %sub3A_584 : i32
    %min3A_588 = arith.minsi %jit3A_586, %max3A_587 : i32
    %parallel_loop3A_589 = arith.constant 0 : i32
    %parallel_loop3A_590 = arith.constant 1 : i32
    %parallel_loop3A_591:4 = scf.for %parallel_loop3A_605 = %parallel_loop3A_589 to %min3A_588 step %parallel_loop3A_590 iter_args(%parallel_loop3A_606 = %parallel_loop3A_566#0, %parallel_loop3A_607 = %parallel_loop3A_566#1, %parallel_loop3A_608 = %parallel_loop3A_566#2, %parallel_loop3A_609 = %parallel_loop3A_566#3) -> (vector<16xf32>, vector<16xf32>, vector<16xf32>, vector<16xf32>)  : i32 {
      %parallel_loop3A_610 = arith.index_cast %parallel_loop3A_605 : i32 to index
      %parallel_loop3A_611 = arith.constant 0 : index
      %parallel_loop3A_612 = tpu.vector_load %arg17[%parallel_loop3A_610, %parallel_loop3A_611] {strides = array<i32>} : memref<128x128xf32, #tpu.memory_space<vmem>>, vector<1x16xf32>,
      %parallel_loop3A_613 = vector.shape_cast %parallel_loop3A_612 : vector<1x16xf32> to vector<16xf32>
      %parallel_loop3A_614 = arith.index_cast %parallel_loop3A_605 : i32 to index
      %parallel_loop3A_615 = arith.constant 0 : index
      %parallel_loop3A_616 = tpu.vector_load %arg18[%parallel_loop3A_614, %parallel_loop3A_615] {strides = array<i32>} : memref<128x128xf32, #tpu.memory_space<vmem>>, vector<1x16xf32>,
      %parallel_loop3A_617 = vector.shape_cast %parallel_loop3A_616 : vector<1x16xf32> to vector<16xf32>
      %parallel_loop3A_618 = arith.subf %parallel_loop3A_613, %parallel_loop3A_617 : vector<16xf32>
      %parallel_loop3A_619 = arith.mulf %parallel_loop3A_618, %parallel_loop3A_618 : vector<16xf32>
      %parallel_loop3A_620 = arith.addf %parallel_loop3A_606, %parallel_loop3A_619 : vector<16xf32>
      %parallel_loop3A_621 = arith.index_cast %parallel_loop3A_605 : i32 to index
      %parallel_loop3A_622 = arith.constant 16 : index
      %parallel_loop3A_623 = tpu.vector_load %arg17[%parallel_loop3A_621, %parallel_loop3A_622] {strides = array<i32>} : memref<128x128xf32, #tpu.memory_space<vmem>>, vector<1x16xf32>,
      %parallel_loop3A_624 = vector.shape_cast %parallel_loop3A_623 : vector<1x16xf32> to vector<16xf32>
      %parallel_loop3A_625 = arith.index_cast %parallel_loop3A_605 : i32 to index
      %parallel_loop3A_626 = arith.constant 16 : index
      %parallel_loop3A_627 = tpu.vector_load %arg18[%parallel_loop3A_625, %parallel_loop3A_626] {strides = array<i32>} : memref<128x128xf32, #tpu.memory_space<vmem>>, vector<1x16xf32>,
      %parallel_loop3A_628 = vector.shape_cast %parallel_loop3A_627 : vector<1x16xf32> to vector<16xf32>
      %parallel_loop3A_629 = arith.subf %parallel_loop3A_624, %parallel_loop3A_628 : vector<16xf32>
      %parallel_loop3A_630 = arith.mulf %parallel_loop3A_629, %parallel_loop3A_629 : vector<16xf32>
      %parallel_loop3A_631 = arith.addf %parallel_loop3A_607, %parallel_loop3A_630 : vector<16xf32>
      %parallel_loop3A_632 = arith.index_cast %parallel_loop3A_605 : i32 to index
      %parallel_loop3A_633 = arith.constant 32 : index
      %parallel_loop3A_634 = tpu.vector_load %arg17[%parallel_loop3A_632, %parallel_loop3A_633] {strides = array<i32>} : memref<128x128xf32, #tpu.memory_space<vmem>>, vector<1x16xf32>,
      %parallel_loop3A_635 = vector.shape_cast %parallel_loop3A_634 : vector<1x16xf32> to vector<16xf32>
      %parallel_loop3A_636 = arith.index_cast %parallel_loop3A_605 : i32 to index
      %parallel_loop3A_637 = arith.constant 32 : index
      %parallel_loop3A_638 = tpu.vector_load %arg18[%parallel_loop3A_636, %parallel_loop3A_637] {strides = array<i32>} : memref<128x128xf32, #tpu.memory_space<vmem>>, vector<1x16xf32>,
      %parallel_loop3A_639 = vector.shape_cast %parallel_loop3A_638 : vector<1x16xf32> to vector<16xf32>
      %parallel_loop3A_640 = arith.subf %parallel_loop3A_635, %parallel_loop3A_639 : vector<16xf32>
      %parallel_loop3A_641 = arith.mulf %parallel_loop3A_640, %parallel_loop3A_640 : vector<16xf32>
      %parallel_loop3A_642 = arith.addf %parallel_loop3A_608, %parallel_loop3A_641 : vector<16xf32>
      %parallel_loop3A_643 = arith.index_cast %parallel_loop3A_605 : i32 to index
      %parallel_loop3A_644 = arith.constant 48 : index
      %parallel_loop3A_645 = tpu.vector_load %arg17[%parallel_loop3A_643, %parallel_loop3A_644] {strides = array<i32>} : memref<128x128xf32, #tpu.memory_space<vmem>>, vector<1x16xf32>,
      %parallel_loop3A_646 = vector.shape_cast %parallel_loop3A_645 : vector<1x16xf32> to vector<16xf32>
      %parallel_loop3A_647 = arith.index_cast %parallel_loop3A_605 : i32 to index
      %parallel_loop3A_648 = arith.constant 48 : index
      %parallel_loop3A_649 = tpu.vector_load %arg18[%parallel_loop3A_647, %parallel_loop3A_648] {strides = array<i32>} : memref<128x128xf32, #tpu.memory_space<vmem>>, vector<1x16xf32>,
      %parallel_loop3A_650 = vector.shape_cast %parallel_loop3A_649 : vector<1x16xf32> to vector<16xf32>
      %parallel_loop3A_651 = arith.subf %parallel_loop3A_646, %parallel_loop3A_650 : vector<16xf32>
      %parallel_loop3A_652 = arith.mulf %parallel_loop3A_651, %parallel_loop3A_651 : vector<16xf32>
      %parallel_loop3A_653 = arith.addf %parallel_loop3A_609, %parallel_loop3A_652 : vector<16xf32>
      %parallel_loop3A_654 = arith.index_cast %parallel_loop3A_605 : i32 to index
      %parallel_loop3A_655 = arith.constant 64 : index
      %parallel_loop3A_656 = tpu.vector_load %arg17[%parallel_loop3A_654, %parallel_loop3A_655] {strides = array<i32>} : memref<128x128xf32, #tpu.memory_space<vmem>>, vector<1x16xf32>,
      %parallel_loop3A_657 = vector.shape_cast %parallel_loop3A_656 : vector<1x16xf32> to vector<16xf32>
      %parallel_loop3A_658 = arith.index_cast %parallel_loop3A_605 : i32 to index
      %parallel_loop3A_659 = arith.constant 64 : index
      %parallel_loop3A_660 = tpu.vector_load %arg18[%parallel_loop3A_658, %parallel_loop3A_659] {strides = array<i32>} : memref<128x128xf32, #tpu.memory_space<vmem>>, vector<1x16xf32>,
      %parallel_loop3A_661 = vector.shape_cast %parallel_loop3A_660 : vector<1x16xf32> to vector<16xf32>
      %parallel_loop3A_662 = arith.subf %parallel_loop3A_657, %parallel_loop3A_661 : vector<16xf32>
      %parallel_loop3A_663 = arith.mulf %parallel_loop3A_662, %parallel_loop3A_662 : vector<16xf32>
      %parallel_loop3A_664 = arith.addf %parallel_loop3A_620, %parallel_loop3A_663 : vector<16xf32>
      %parallel_loop3A_665 = arith.index_cast %parallel_loop3A_605 : i32 to index
      %parallel_loop3A_666 = arith.constant 80 : index
      %parallel_loop3A_667 = tpu.vector_load %arg17[%parallel_loop3A_665, %parallel_loop3A_666] {strides = array<i32>} : memref<128x128xf32, #tpu.memory_space<vmem>>, vector<1x16xf32>,
      %parallel_loop3A_668 = vector.shape_cast %parallel_loop3A_667 : vector<1x16xf32> to vector<16xf32>
      %parallel_loop3A_669 = arith.index_cast %parallel_loop3A_605 : i32 to index
      %parallel_loop3A_670 = arith.constant 80 : index
      %parallel_loop3A_671 = tpu.vector_load %arg18[%parallel_loop3A_669, %parallel_loop3A_670] {strides = array<i32>} : memref<128x128xf32, #tpu.memory_space<vmem>>, vector<1x16xf32>,
      %parallel_loop3A_672 = vector.shape_cast %parallel_loop3A_671 : vector<1x16xf32> to vector<16xf32>
      %parallel_loop3A_673 = arith.subf %parallel_loop3A_668, %parallel_loop3A_672 : vector<16xf32>
      %parallel_loop3A_674 = arith.mulf %parallel_loop3A_673, %parallel_loop3A_673 : vector<16xf32>
      %parallel_loop3A_675 = arith.addf %parallel_loop3A_631, %parallel_loop3A_674 : vector<16xf32>
      %parallel_loop3A_676 = arith.index_cast %parallel_loop3A_605 : i32 to index
      %parallel_loop3A_677 = arith.constant 96 : index
      %parallel_loop3A_678 = tpu.vector_load %arg17[%parallel_loop3A_676, %parallel_loop3A_677] {strides = array<i32>} : memref<128x128xf32, #tpu.memory_space<vmem>>, vector<1x16xf32>,
      %parallel_loop3A_679 = vector.shape_cast %parallel_loop3A_678 : vector<1x16xf32> to vector<16xf32>
      %parallel_loop3A_680 = arith.index_cast %parallel_loop3A_605 : i32 to index
      %parallel_loop3A_681 = arith.constant 96 : index
      %parallel_loop3A_682 = tpu.vector_load %arg18[%parallel_loop3A_680, %parallel_loop3A_681] {strides = array<i32>} : memref<128x128xf32, #tpu.memory_space<vmem>>, vector<1x16xf32>,
      %parallel_loop3A_683 = vector.shape_cast %parallel_loop3A_682 : vector<1x16xf32> to vector<16xf32>
      %parallel_loop3A_684 = arith.subf %parallel_loop3A_679, %parallel_loop3A_683 : vector<16xf32>
      %parallel_loop3A_685 = arith.mulf %parallel_loop3A_684, %parallel_loop3A_684 : vector<16xf32>
      %parallel_loop3A_686 = arith.addf %parallel_loop3A_642, %parallel_loop3A_685 : vector<16xf32>
      %parallel_loop3A_687 = arith.index_cast %parallel_loop3A_605 : i32 to index
      %parallel_loop3A_688 = arith.constant 112 : index
      %parallel_loop3A_689 = tpu.vector_load %arg17[%parallel_loop3A_687, %parallel_loop3A_688] {strides = array<i32>} : memref<128x128xf32, #tpu.memory_space<vmem>>, vector<1x16xf32>,
      %parallel_loop3A_690 = vector.shape_cast %parallel_loop3A_689 : vector<1x16xf32> to vector<16xf32>
      %parallel_loop3A_691 = arith.index_cast %parallel_loop3A_605 : i32 to index
      %parallel_loop3A_692 = arith.constant 112 : index
      %parallel_loop3A_693 = tpu.vector_load %arg18[%parallel_loop3A_691, %parallel_loop3A_692] {strides = array<i32>} : memref<128x128xf32, #tpu.memory_space<vmem>>, vector<1x16xf32>,
      %parallel_loop3A_694 = vector.shape_cast %parallel_loop3A_693 : vector<1x16xf32> to vector<16xf32>
      %parallel_loop3A_695 = arith.subf %parallel_loop3A_690, %parallel_loop3A_694 : vector<16xf32>
      %parallel_loop3A_696 = arith.mulf %parallel_loop3A_695, %parallel_loop3A_695 : vector<16xf32>
      %parallel_loop3A_697 = arith.addf %parallel_loop3A_653, %parallel_loop3A_696 : vector<16xf32>
      scf.yield %parallel_loop3A_664, %parallel_loop3A_675, %parallel_loop3A_686, %parallel_loop3A_697 : vector<16xf32>, vector<16xf32>, vector<16xf32>, vector<16xf32>
    } {sc.loop_unroll_factor = 2 : i64, sc.parallel_access}
    %add3A_592 = arith.addf %parallel_loop3A_591#0, %parallel_loop3A_591#1 : vector<16xf32>
    %add3A_593 = arith.addf %parallel_loop3A_591#2, %parallel_loop3A_591#3 : vector<16xf32>
    %add3A_594 = arith.addf %add3A_592, %add3A_593 : vector<16xf32>
    %swap3A = arith.constant 0 : index
    %swap3A_595 = tpu.vector_load %arg21[%swap3A] {strides = array<i32>} : memref<32xf32, #tpu.memory_space<vmem>>, vector<16xf32>,
    %swap3A_596 = vector.shape_cast %swap3A_595 : vector<16xf32> to vector<16xf32>
    %swap3A_597 = vector.shape_cast %add3A_594 : vector<16xf32> to vector<16xf32>
    tpu.vector_store %arg21[%swap3A], %swap3A_597 {strides = array<i32>} : memref<32xf32, #tpu.memory_space<vmem>>, vector<16xf32>,
    %add3A_598 = arith.addf %parallel_loop3A_485#0, %parallel_loop3A_485#1 : vector<16xf32>
    %add3A_599 = arith.addf %parallel_loop3A_485#2, %parallel_loop3A_485#3 : vector<16xf32>
    %add3A_600 = arith.addf %add3A_598, %add3A_599 : vector<16xf32>
    %swap3A_601 = arith.constant 16 : index
    %swap3A_602 = tpu.vector_load %arg21[%swap3A_601] {strides = array<i32>} : memref<32xf32, #tpu.memory_space<vmem>>, vector<16xf32>,
    %swap3A_603 = vector.shape_cast %swap3A_602 : vector<16xf32> to vector<16xf32>
    %swap3A_604 = vector.shape_cast %add3A_600 : vector<16xf32> to vector<16xf32>
    tpu.vector_store %arg21[%swap3A_601], %swap3A_604 {strides = array<i32>} : memref<32xf32, #tpu.memory_space<vmem>>, vector<16xf32>,
    "tpu.region"() ({
      %run_scoped3A = tpu.sem_alloc : memref<!tpu.dma_semaphore, #tpu.memory_space<semaphore_mem>>
      %dma_start3A_605 = arith.constant 0 : i32
      %dma_start3A_606 = tpu.memref_slice %arg8[%add3A, %dma_start3A_605] : memref<32x32xf32, #tpu.memory_space<hbm>> -> memref<1x32xf32, #tpu.memory_space<hbm>>
      %dma_start3A_607 = tpu.memref_squeeze %dma_start3A_606 : memref<1x32xf32, #tpu.memory_space<hbm>> -> memref<32xf32, #tpu.memory_space<hbm>>
      %dma_start3A_608 = arith.constant 0 : i32
      %dma_start3A_609 = tpu.memref_slice %arg8[%add3A, %dma_start3A_608] : memref<32x32xf32, #tpu.memory_space<hbm>> -> memref<1x32xf32, #tpu.memory_space<hbm>>
      %dma_start3A_610 = tpu.memref_squeeze %dma_start3A_609 : memref<1x32xf32, #tpu.memory_space<hbm>> -> memref<32xf32, #tpu.memory_space<hbm>>
      tpu.enqueue_dma source(%arg21 : memref<32xf32, #tpu.memory_space<vmem>>) target(%dma_start3A_610 : memref<32xf32, #tpu.memory_space<hbm>>) target_semaphore(%run_scoped3A : memref<!tpu.dma_semaphore, #tpu.memory_space<semaphore_mem>>)
      %dma_wait3A_611 = arith.constant 0 : i32
      %dma_wait3A_612 = tpu.memref_slice %arg8[%add3A, %dma_wait3A_611] : memref<32x32xf32, #tpu.memory_space<hbm>> -> memref<1x32xf32, #tpu.memory_space<hbm>>
      %dma_wait3A_613 = tpu.memref_squeeze %dma_wait3A_612 : memref<1x32xf32, #tpu.memory_space<hbm>> -> memref<32xf32, #tpu.memory_space<hbm>>
      %dma_wait3A_614 = arith.constant 0 : i32
      %dma_wait3A_615 = tpu.memref_slice %arg8[%add3A, %dma_wait3A_614] : memref<32x32xf32, #tpu.memory_space<hbm>> -> memref<1x32xf32, #tpu.memory_space<hbm>>
      %dma_wait3A_616 = tpu.memref_squeeze %dma_wait3A_615 : memref<1x32xf32, #tpu.memory_space<hbm>> -> memref<32xf32, #tpu.memory_space<hbm>>
      tpu.wait_dma2 semaphore(%run_scoped3A : memref<!tpu.dma_semaphore, #tpu.memory_space<semaphore_mem>>) src(%arg21 : memref<32xf32, #tpu.memory_space<vmem>>) dst(%dma_wait3A_616 : memref<32xf32, #tpu.memory_space<hbm>>)
      tpu.yield
    }) : () -> ()
    return
  }
}

</mosaic_0001>

<sc_bundles>
// kernel: kernel.3.cloned.1.call-start
scs
__scs_entry_jumppad:
0x0: {  	(pc) =	sbr.rel $0x88, $3  }
0x1: {  	(tag) =	ssettag $0x0;
	lr =	simm.s32 $0x1  }
0x2: {  	[smem:$0x3F9B] =	sst lr;
	_ =	strace $0xD0000000  }
0x3: {  	_ = 	snop  }
0x4: {  	_ = 	snop  }
0x5: {  	_ = 	snop  }
0x6: {  	_ = 	snop  }
0x7: {  	_ = 	snop  }
__scs_overlays_trampoline_lowered:
0x8: {  	[smem:$0x3FAA] =	sst s0  }
0x9: {  	[smem:$0x3FAB] =	sst s1  }
0xa: {  	[smem:$0x3FAC] =	sst s2  }
0xb: {  	[smem:$0x3FAD] =	sst s3  }
0xc: {  	[smem:$0x3FAE] =	sst s4  }
0xd: {  	[smem:$0x3FAF] =	sst s5  }
0xe: {  	[smem:$0x3FB0] =	sst s6  }
0xf: {  	[smem:$0x3FB1] =	sst s7  }
0x10: {  	[smem:$0x3FB2] =	sst s8  }
0x11: {  	[smem:$0x3FB3] =	sst s9;
	s0 =	simm.s32 @!p0 $0x0  }
0x12: {  	s1 =	sld [smem:$0x3F99];
	s0 =	simm.s32 @p0 $0x1  }
0x13: {  	[smem:$0x3FB4] =	sst s0;
	s0 =	simm.s32 @!p1 $0x0  }
0x14: {  	s2 =	sld [smem:$0x3F98];
	s0 =	simm.s32 @p1 $0x1  }
0x15: {  	[smem:$0x3FB5] =	sst s0;
	s0 =	simm.s32 @!p2 $0x0  }
0x16: {  	s3 =	sld [smem:$0x3FDB];
	s0 =	simm.s32 @p2 $0x1  }
0x17: {  	s4 =	simm.s32 $0x1BF5;
	[smem:$0x3FB7] =	sst s0  }
0x18: {  	s0 =	sld [smem:$0x3F9A];
	_ =	swait.ge [sflag:s4], $0x0  }
0x19: {  	s7 =	sld [smem:$0x3F9B]  }
0x1a: {  	s8 =	sadd.s32 $0xFFFFE003, lr  }
0x1b: {  	s9 =	sadd.s32 $0xFFFFFEF7, lr;
	s5 =	simm.s32 $0xFFFFFFFF;
	p2 =	slt.u32 s8, $0xFFFFF086  }
0x1c: {  	p1 =	slt.u32 s9, $0xF7A;
	s5 =	simm.s32 @!p2 $0x0  }
0x1d: {  	s5 =	simm.s32 @p1 $0x1;
	p0 =	seq.s32 s7, s2  }
0x1e: {  	s7 =	smul.u32 @!p0 $0xF7A, s2;
	p2 =	seq.s32 @!p0 s5, $0x0  }
0x1f: {  	s9 =	smul.u32 $0xF7A, s1;
	s8 =	simm.s32 @!p0 $0x1BF5;
	p2 =	por !p2, p0  }
0x20: {  	[sflag:s8] =	ssyncset.s32 @!p0 $0xFFFFF086;
	s6 =	sadd.s32 @!p0 s3, s7;
	s7 =	simm.s32 @!p0 $0x108  }
0x21: {  	s3 =	sadd.s32 s3, s9;
	s6 =	sadd.s32 @!p0 $0x88, s6;
	s7 =	simm.s32 @p2 $0x1082  }
0x22: {  	[simem:s7], [sflag:s8] =	dma.local @!p0 [hbm:s6], $0xF7A  }
0x23: {  	s9 =	sor.u32 $0xD0000000, s2;
	s6 =	simm.s32 $0x108;
	_ =	swait.ge @!p0 [sflag:s8], $0x0  }
0x24: {  	s3 =	sadd.s32 $0x88, s3;
	s6 =	simm.s32 @!p1 $0x1082;
	[sflag:s4] =	ssyncset.s32 $0xFFFFF086  }
0x25: {  	[simem:s6], [sflag:s4] =	dma.local [hbm:s3], $0xF7A  }
0x26: {  	[smem:$0x3F9B] =	sst s1;
	(tag) =	ssettag s2;
	_ =	strace s9  }
0x27: {  	s1 =	sld [smem:$0x3FAB]  }
0x28: {  	s2 =	sld [smem:$0x3FAC]  }
0x29: {  	s4 =	sld [smem:$0x3FAE]  }
0x2a: {  	p0 =	seq.s32 s5, $0x0;
	s5 =	sld [smem:$0x3FAF]  }
0x2b: {  	s6 =	sld [smem:$0x3FB0]  }
0x2c: {  	s7 =	sld [smem:$0x3FB1]  }
0x2d: {  	s3 =	simm.s32 $0x108;
	s8 =	sld [smem:$0x3FB2]  }
0x2e: {  	s3 =	simm.s32 @!p0 $0x1082;
	s9 =	sld [smem:$0x3FB3]  }
0x2f: {  	lr =	sadd.s32 s0, s3;
	s0 =	sld [smem:$0x3FAA]  }
0x30: {  	s3 =	sld [smem:$0x3FAD]  }
0x31: {  	[smem:$0x3FB6] =	sst s10  }
0x32: {  	s10 =	sld [smem:$0x3FB4];
	_ =	sdelay $0x3  }
0x33: {  	p0 =	seq.s32 s10, $0x1;
	s10 =	sld [smem:$0x3FB6];
	_ =	sdelay $0x3  }
0x34: {  	[smem:$0x3FB6] =	sst s10  }
0x35: {  	s10 =	sld [smem:$0x3FB5];
	_ =	sdelay $0x3  }
0x36: {  	p1 =	seq.s32 s10, $0x1;
	s10 =	sld [smem:$0x3FB6];
	_ =	sdelay $0x3  }
0x37: {  	[smem:$0x3FB6] =	sst s10  }
0x38: {  	s10 =	sld [smem:$0x3FB7]  }
0x39: {  	_ = 	snop;
	(pc) =	sbr.ind lr, $3  }
0x3a: {  	_ = 	snop  }
0x3b: {  	_ = 	snop  }
0x3c: {  	p2 =	seq.s32 s10, $0x1;
	s10 =	sld [smem:$0x3FB6]  }
0x3d: {  	_ =	shalt  }
0x3e: {  	_ =	shalt  }
0x3f: {  	_ =	shalt  }
0x40: {  	_ =	shalt  }
0x41: {  	_ =	shalt  }
0x42: {  	_ =	shalt  }
0x43: {  	_ =	shalt  }
0x44: {  	_ =	shalt  }
0x45: {  	_ =	shalt  }
0x46: {  	_ =	shalt  }
0x47: {  	_ =	shalt  }
0x48: {  	_ =	shalt  }
0x49: {  	_ =	shalt  }
0x4a: {  	_ =	shalt  }
0x4b: {  	_ =	shalt  }
0x4c: {  	_ =	shalt  }
0x4d: {  	_ =	shalt  }
0x4e: {  	_ =	shalt  }
0x4f: {  	_ =	shalt  }
0x50: {  	_ =	shalt  }
0x51: {  	_ =	shalt  }
0x52: {  	_ =	shalt  }
0x53: {  	_ =	shalt  }
0x54: {  	_ =	shalt  }
0x55: {  	_ =	shalt  }
0x56: {  	_ =	shalt  }
0x57: {  	_ =	shalt  }
0x58: {  	_ =	shalt  }
0x59: {  	_ =	shalt  }
0x5a: {  	_ =	shalt  }
0x5b: {  	_ =	shalt  }
0x5c: {  	_ =	shalt  }
0x5d: {  	_ =	shalt  }
0x5e: {  	_ =	shalt  }
0x5f: {  	_ =	shalt  }
0x60: {  	_ =	shalt  }
0x61: {  	_ =	shalt  }
0x62: {  	_ =	shalt  }
0x63: {  	_ =	shalt  }
0x64: {  	_ =	shalt  }
0x65: {  	_ =	shalt  }
0x66: {  	_ =	shalt  }
0x67: {  	_ =	shalt  }
0x68: {  	_ =	shalt  }
0x69: {  	_ =	shalt  }
0x6a: {  	_ =	shalt  }
0x6b: {  	_ =	shalt  }
0x6c: {  	_ =	shalt  }
0x6d: {  	_ =	shalt  }
0x6e: {  	_ =	shalt  }
0x6f: {  	_ =	shalt  }
0x70: {  	_ =	shalt  }
0x71: {  	_ =	shalt  }
0x72: {  	_ =	shalt  }
0x73: {  	_ =	shalt  }
0x74: {  	_ =	shalt  }
0x75: {  	_ =	shalt  }
0x76: {  	_ =	shalt  }
0x77: {  	_ =	shalt  }
0x78: {  	_ =	shalt  }
0x79: {  	_ =	shalt  }
0x7a: {  	_ =	shalt  }
0x7b: {  	_ =	shalt  }
0x7c: {  	_ =	shalt  }
0x7d: {  	_ =	shalt  }
0x7e: {  	_ =	shalt  }
0x7f: {  	_ =	shalt  }
0x80: {  	_ =	shalt  }
0x81: {  	_ =	shalt  }
0x82: {  	_ =	shalt  }
0x83: {  	_ =	shalt  }
0x84: {  	_ =	shalt  }
0x85: {  	_ =	shalt  }
0x86: {  	_ =	shalt  }
0x87: {  	_ =	shalt  }
.Lfunc_end0:
.L_simem_size_0:
called_computation_lowered:
.L_overlay_start_0:
0x88: {  	s2 =	sld [smem:$0x3FD9]  }
0x89: {  	s3 =	sld [smem:$0x3FFE];
	_ =	sdelay $0x1  }
0x8a: {  	s1 =	srdreg.scid  }
0x8b: {  	s0 =	sand.u32 $0x1, s1  }
0x8c: {  	s17 =	sshll.u32 s0, $0xA;
	s2 =	sadd.s32 s3, s2  }
0x8d: {  	s2 =	sadd.s32 s2, s17  }
0x8e: {  	[smem:$0x3FC2] =	sst s2  }
0x8f: {  	_ = 	snop  }
0x90: {  	s2 =	sld [smem:$0x3FC9]  }
0x91: {  	s18 =	sld [smem:$0x3FC8];
	(tm) =	ssettm $0x1  }
0x92: {  	s4 =	sld [smem:$0x3FFB];
	_ =	sdelay $0x3  }
0x93: {  	_ =	strace s4  }
0x94: {  	s4 =	sld [smem:$0x3FFC];
	_ =	sdelay $0x3  }
0x95: {  	_ =	strace s4  }
0x96: {  	s4 =	sld [smem:$0x3FFD];
	_ =	sdelay $0x3  }
0x97: {  	_ =	strace s4  }
0x98: {  	_ =	strace $0x8FFFFFFF  }
0x99: {  	s19 =	sld [smem:$0x3FDB];
	_ =	sdelay $0x1  }
0x9a: {  	s5 =	simm.s32 $_scs_section_size  }
0x9b: {  	s6 =	simm.s32 $_size__tile_overlayer_lowered;
	s7 =	simm.s32 $_tile_overlayer_lowered  }
0x9c: {  	s22 =	simm.s32 $0x1BFF;
	s21 =	sshll.u32 s7, $0x1;
	s4 =	sadd.s32 s5, s19  }
0x9d: {  	s8 =	simm.s32 $0x0;
	s20 =	sshll.u32 s6, $0x1;
	s6 =	sadd.s32 s21, s4  }
0x9e: {  	[timem:s8], [sflag:s22] =	dma.local [hbm:s6], s20  }
0x9f: {  	_ =	swait.ge [sflag:s22], s20  }
0xa0: {  	s5 =	ssub.s32 $0x0, s20;
	[sflag:s22] =	ssyncset.done $0x0  }
0xa1: {  	[sflag:s22] =	ssyncadd.s32 s5;
	_ =	sdelay $0x1  }
0xa2: {  	s23 =	simm.s32 $0x1B8B  }
0xa3: {  	_ =	swait.ge [sflag:s23], $0x1  }
0xa4: {  	[sflag:s23] =	ssyncset.done $0x0  }
0xa5: {  	s25 =	simm.s32 $0x1B8E;
	s24 =	sld [smem:$0x3FFE];
	[sflag:s23] =	ssyncadd.s32 $0xFFFFFFFF  }
0xa6: {  	s26 =	simm.s32 $execute0_lowered;
	[smem:$0x3FD2] =	sst s25  }
0xa7: {  	s6 =	sshll.u32 s26, $0x1;
	_ =	strace $0x80000046;
	[dreg:$0x1] =	wrdreg $0xFFFFFFFF  }
0xa8: {  	s28 =	simm.s32 $_size_execute0_lowered;
	s4 =	sadd.s32 s4, s6;
	[dreg:$0x0] =	wrdreg $0x0  }
0xa9: {  	s6 =	sshll.u32 s28, $0x1;
	[dreg:$0x2] =	wrdreg s4  }
0xaa: {  	[dreg:$0x3] =	wrdreg s6  }
0xab: {  	[dreg:$0x4] =	wrdreg $0xC0  }
0xac: {  	_ =	task [dreg:s8], $0x5FFFF  }
0xad: {  	[dreg:$0x1] =	wrdreg $0xFFFFFFFF  }
0xae: {  	[dreg:$0x0] =	wrdreg $0x60  }
0xaf: {  	[dreg:$0x2] =	wrdreg s2  }
0xb0: {  	[dreg:$0x3] =	wrdreg s18  }
0xb1: {  	[dreg:$0x4] =	wrdreg s24  }
0xb2: {  	[dreg:$0x5] =	wrdreg $0x9  }
0xb3: {  	_ =	task.clear_ibuf [dreg:s8], $0x6FFFF;
	_ =	strace $0x90000046  }
0xb4: {  	s29 =	simm.s32 $0x9;
	_ =	strace $0x80000048  }
0xb5: {  	_ =	swait.ge [sflag:s29], $0x1  }
0xb6: {  	[sflag:s29] =	ssyncadd.s32 $0xFFFFFFFF  }
0xb7: {  	_ =	strace $0x90000048  }
0xb8: {  	_ =	sfence  }
0xb9: {  	s30 =	sld [smem:$0x0];
	_ =	sdelay $0x2  }
0xba: {  	s31 =	sshll.u32 s1, $0xD;
	s1 =	sshrl.u32 s1, $0x2  }
0xbb: {  	s3 =	sand.u32 $0x4000, s31;
	s1 =	sadd.s32 s1, s30  }
0xbc: {  	s0 =	sor.u32 s3, s0;
	s1 =	sshll.u32 s1, $0x11  }
0xbd: {  	s0 =	sor.u32 s1, s0  }
0xbe: {  	s0 =	sadd.s32 $0x8F2B, s0  }
0xbf: {  	[sflag:s0] =	ssyncadd.remote.s32 $0x1  }
0xc0: {  	_ =	sfence.sel $0xFFFF  }
0xc1: {  	[dreg:$0x0] =	wrdreg $0xFFFFFFFF;
	(pc) =	sbr.abs _section_cstart, $3  }
0xc2: {  	[dreg:$0x1] =	wrdreg $0xFFFFFFFF  }
0xc3: {  	_ =	task.clear_ibuf [dreg:s8], $0x2FFFF;
	_ =	strace $0x9FFFFFFF  }
0xc4: {  	(tm) =	ssettm $0x7FFFFFFF  }
0xc5: {  	_ =	shalt  }
tec
execute0_lowered:
.L_overlay_start_1:
0x0: {  	(tag) =	ssettag $0x1  }
0x1: {  	s2 =	rddreg [dreg:$0x0]  }
0x2: {  	s0 =	srdreg.scid;
	s3 =	rddreg [dreg:$0x1]  }
0x3: {  	s13 =	stileid.u32;
	s6 =	rddreg [dreg:$0x2]  }
0x4: {  	s4 =	simm.s32 $0x0;
	s17 =	simm.s32 $0x3;
	s18 =	simm.s32 $0x80  }
0x5: {  	s20 =	simm.s32 $0x1A00;
	s22 =	simm.s32 $0x5A00;
	s10 =	smul.u32 $0x9C4, s13  }
0x6: {  	s0 =	sand.u32 $0x1, s0;
	s1 =	sshll.u32 s13, $0x1;
	s13 =	smul.u32 $0x272, s13  }
0x7: {  	s28 =	simm.s32 $0x1;
	[smem:$0x7FF] =	sst s4;
	s11 =	smul.u32 $0x4E2, s0  }
0x8: {  	s1 =	sor.u32 s0, s1;
	s7 =	ssub.s32 $0x2, s0;
	s0 =	smul.u32 $0x139, s0  }
0x9: {  	s31 =	simm.s32 $0x2;
	_ =	strace $0x80000047;
	s5 =	smul.u32 $0x4E2, s1  }
0xa: {  	s9 =	smul.u32 $0x139, s1;
	s1 =	sshll.u32 s1, $0x4;
	s12 =	sshrl.u32 s7, $0x1  }
0xb: {  	s1 =	sadd.s32 s1, s6;
	s14 =	ssub.s32 s7, s12;
	s5 =	sand.u32 $0xFFF8, s5  }
0xc: {  	s24 =	sand.u32 $0x3FF8, s9;
	s9 =	ssub.s32 $0x2710, s9;
	s12 =	sadd.s32 $0x3400, s1  }
0xd: {  	s5 =	smin.u32 s5, $0x9750;
	s25 =	smin.u32 s9, $0x139;
	s9 =	sadd.s32 s11, s10  }
0xe: {  	s10 =	sadd.s32 s0, s13;
	s5 =	sshrl.u32 s5, $0x3;
	s11 =	sadd.s32 $0xFFFFFF00, s25  }
0xf: {  	s26 =	sand.u32 $0x1FFF8, s9;
	s13 =	sand.u32 $0x7FF8, s10;
	s25 =	simm.s32 $0x39  }
0x10: {  	s8 =	sadd.s32 s5, s6;
	s0 =	smin.u32 s26, $0x9750;
	s29 =	smin.u32 s13, $0x25D0  }
0x11: {  	s5 =	smin.u32 s24, $0x25D0;
	s0 =	ssub.s32 s9, s0;
	s1 =	ssub.s32 s10, s29  }
0x12: {  	v1 =	vlaneseq.u32;
	s13 =	smax.u32 s14, $0x1;
	s15 =	sadd.s32 $0x800, s0;
	s16 =	sadd.s32 $0x180, s1  }
0x13: {  	v6 =	vmul.u32 $0xFFFFFFFF, v1;
	s24 =	simm.s32 $0x9A00;
	s26 =	simm.s32 $0xDA00;
	s14 =	simm.s32 $0x4;
	v1 =	vmov s15;
	v3 =	vmov s16  }
0x14: {  	s5 =	sshrl.u32 s5, $0x3;
	s7 =	sadd.s32 $0xC00, s8;
	s8 =	sadd.s32 $0x2000, s8  }
0x15: {  	v5 =	vimm.s32 $0x0;
	v4 =	vadd.s32 $0x4E1F, v6;
	s5 =	sadd.s32 s6, s5;
	s30 =	sadd.s32 $0x300, s0;
	s0 =	simm.s32 $0x62  }
0x16: {  	v6 =	vadd.s32 $0x1387, v6;
	v2 =	vmov s1;
	s1 =	simm.s32 $0x11A00;
	s6 =	sadd.s32 $0x600, s5;
	v0 =	vmov s30;
	s15 =	simm.s32 $0x0  }
.LBB2_1:
0x17: {  	[tilespmem:s4], [sflag:$0x3] =	stream.linear.gather [hbm4b:s5+s4], $0x140, $0x38;
	[tilespmem:$0x11A80] =	vst v63  }
0x18: {  	s16 =	simm.s32 $0x180  }
0x19: {  	[tilespmem:s16], [sflag:$0x3] =	stream.linear.gather [hbm4b:s6+s4], $0x140, $0x38;
	[tilespmem:$0x11A80] =	vst v63  }
0x1a: {  	s23 =	simm.s32 $0x300  }
0x1b: {  	[tilespmem:s23], [sflag:$0x3] =	stream.linear.gather [hbm4b:s7+s4], $0x4F0, $0x38;
	[tilespmem:$0x11A80] =	vst v63  }
0x1c: {  	s30 =	simm.s32 $0x800  }
0x1d: {  	[tilespmem:s30], [sflag:$0x3] =	stream.linear.gather [hbm4b:s8+s4], $0x4F0, $0x38;
	[tilespmem:$0x11A80] =	vst v63  }
0x1e: {  	_ =	swait.ge [sflag:s17], $0x140  }
0x1f: {  	[sflag:s17] =	ssyncset.done $0x0  }
0x20: {  	[sflag:s17] =	ssyncadd.s32 $0xFFFFFEC0  }
0x21: {  	_ =	swait.ge [sflag:s17], $0x140  }
0x22: {  	[sflag:s17] =	ssyncset.done $0x0  }
0x23: {  	[sflag:s17] =	ssyncadd.s32 $0xFFFFFEC0  }
0x24: {  	_ =	swait.ge [sflag:s17], $0x4F0  }
0x25: {  	[sflag:s17] =	ssyncset.done $0x0  }
0x26: {  	[sflag:s17] =	ssyncadd.s32 $0xFFFFFB10  }
0x27: {  	_ =	swait.ge [sflag:s17], $0x4F0  }
0x28: {  	[sflag:s17] =	ssyncset.done $0x0  }
0x29: {  	s19 =	simm.s32 $0x0;
	[sflag:s17] =	ssyncadd.s32 $0xFFFFFB10  }
0x2a: {  	v7 =	vld.idx.msk [tilespmem:v1+s19+$0x0 ss:$0x1], $0xffff;
	_ =	sdelay $0x1  }
0x2b: {  	v9 =	vmov s9;
	s16 =	simm.s32 $0x10  }
0x2c: {  	s21 =	sadd.s32 $0x10, s9;
	vm0 =	vgt.u32 v9, v4;
	v8 =	vld.idx.msk [tilespmem:v1+s16+$0x0 ss:$0x1], $0xffff  }
0x2d: {  	v9 =	vmov s21;
	v10 =	vsel vm0, $0x24000, v5  }
0x2e: {  	vm0 =	vgt.u32 v9, v4;
	v9 =	vadd.s32 v10, v7  }
0x2f: {  	v7 =	vsel vm0, $0x24000, v5;
	vm0 =	vgt.s32 v9, $0x0  }
0x30: {  	v9 =	vnsel vm0, $0x0, v9  }
0x31: {  	s23 =	sadd.s32 $0x10, s21;
	v11 =	vld.idx.msk [tilespmem:v0+s19+$0x0 ss:$0x1], $0xffff;
	v8 =	vadd.s32 v7, v8;
	v9 =	vmin.u32 v9, $0x47FFF  }
0x32: {  	s21 =	simm.s32 $0x20;
	vm0 =	vgt.s32 v8, $0x0;
	[tilespmem:s19+$0x1500] =	vst v9;
	v9 =	vmov s23  }
0x33: {  	v8 =	vnsel vm0, $0x0, v8;
	vm0 =	vgt.u32 v9, v4;
	v9 =	vld.idx.msk [tilespmem:v1+s21+$0x0 ss:$0x1], $0xffff;
	_ =	sdelay $0x1  }
0x34: {  	v12 =	vmin.u32 v8, $0x47FFF  }
0x35: {  	s29 =	simm.s32 $0xC0;
	v10 =	vadd.s32 v10, v11;
	v8 =	vld.idx.msk [tilespmem:v0+s16+$0x0 ss:$0x1], $0xffff;
	[tilespmem:s16+$0x1500] =	vst v12  }
.LBB2_2:
0x36: {  	s30 =	sshra.s32 s29, $0x2;
	p0 =	sne.s32 s29, $0x1380;
	s29 =	sadd.s32 $0x40, s29;
	v11 =	vsel vm0, $0x24000, v5;
	vm0 =	vgt.s32 v10, $0x0  }
.Ltmp0:
0x37: {  	v12 =	vadd.s32 v11, v9;
	v9 =	vld.idx.msk [tilespmem:v1+s30+$0x0 ss:$0x1], $0xffff;
	v10 =	vnsel vm0, $0x0, v10;
	(pc) =	sbr.rel @p0 .LBB2_2-.Ltmp0, $4  }
0x38: {  	vm0 =	vgt.s32 v12, $0x0;
	v10 =	vmin.u32 v10, $0x47FFF  }
0x39: {  	s23 =	sadd.s32 $0x10, s23;
	v12 =	vnsel vm0, $0x0, v12;
	[tilespmem:s19+$0x1000] =	vst v10;
	s19 =	smov.u32 s16;
	s16 =	smov.u32 s21  }
0x3a: {  	v10 =	vmov s23;
	s21 =	smov.u32 s30;
	v12 =	vmin.u32 v12, $0x47FFF  }
0x3b: {  	vm0 =	vgt.u32 v10, v4;
	v10 =	vadd.s32 v7, v8;
	v7 =	vmov v11;
	[tilespmem:s16+$0x1500] =	vst v12;
	v8 =	vld.idx.msk [tilespmem:v0+s16+$0x0 ss:$0x1], $0xffff  }
0x3c: {  	_ =	sdelay $0x3  }
0x3d: {  	v11 =	vld.idx.msk [tilespmem:v0+s21+$0x0 ss:$0x1], $0xffff;
	_ =	sdelay $0x1  }
0x3e: {  	v12 =	vsel vm0, $0x24000, v5;
	vm0 =	vgt.s32 v10, $0x0  }
0x3f: {  	v9 =	vadd.s32 v12, v9;
	v10 =	vnsel vm0, $0x0, v10  }
0x40: {  	vm0 =	vgt.s32 v9, $0x0;
	v10 =	vmin.u32 v10, $0x47FFF;
	v7 =	vadd.s32 v7, v8  }
0x41: {  	v8 =	vnsel vm0, $0x0, v9;
	vm0 =	vgt.s32 v7, $0x0;
	v9 =	vadd.s32 v12, v11  }
0x42: {  	[tilespmem:s19+$0x1000] =	vst v10;
	v8 =	vmin.u32 v8, $0x47FFF;
	v7 =	vnsel vm0, $0x0, v7;
	vm0 =	vgt.s32 v9, $0x0  }
0x43: {  	[tilespmem:s21+$0x1500] =	vst v8;
	v7 =	vmin.u32 v7, $0x47FFF;
	v8 =	vnsel vm0, $0x0, v9  }
0x44: {  	[tilespmem:s16+$0x1000] =	vst v7;
	v7 =	vmin.u32 v8, $0x47FFF  }
0x45: {  	[tilespmem:s21+$0x1000] =	vst v7;
	s21 =	simm.s32 $0x1000  }
0x46: {  	[tilespmem:s20], [sflag:$0x1] =	stream.indirect.gather [hbm4b:s2+s18], $0x80, s21, s18, $0xb8;
	[tilespmem:$0x11A80] =	vst v63  }
0x47: {  	s23 =	simm.s32 $0x1500;
	s19 =	simm.s32 $0x0  }
0x48: {  	[tilespmem:s22], [sflag:$0x1] =	stream.indirect.gather [hbm4b:s3+s18], $0x80, s23, s18, $0xb8;
	[tilespmem:$0x11A80] =	vst v63  }
0x49: {  	v7 =	vld.idx.msk [tilespmem:v3+s19+$0x0 ss:$0x1], $0xffff;
	_ =	sdelay $0x1  }
0x4a: {  	v9 =	vmov s10;
	s16 =	simm.s32 $0x10  }
0x4b: {  	s30 =	sadd.s32 $0x10, s10;
	vm0 =	vgt.u32 v9, v6;
	v8 =	vld.idx.msk [tilespmem:v3+s16+$0x0 ss:$0x1], $0xffff  }
0x4c: {  	v9 =	vmov s30;
	v10 =	vsel vm0, $0x24000, v5  }
0x4d: {  	vm0 =	vgt.u32 v9, v6;
	v9 =	vadd.s32 v10, v7  }
0x4e: {  	v7 =	vsel vm0, $0x24000, v5;
	vm0 =	vgt.s32 v9, $0x0  }
0x4f: {  	v9 =	vnsel vm0, $0x0, v9  }
0x50: {  	s23 =	sadd.s32 $0x10, s30;
	v11 =	vld.idx.msk [tilespmem:v2+s19+$0x0 ss:$0x1], $0xffff;
	v8 =	vadd.s32 v7, v8;
	v9 =	vmin.u32 v9, $0x47FFF  }
0x51: {  	s21 =	simm.s32 $0x20;
	vm0 =	vgt.s32 v8, $0x0;
	[tilespmem:s19+$0xE80] =	vst v9;
	v9 =	vmov s23  }
0x52: {  	v8 =	vnsel vm0, $0x0, v8;
	vm0 =	vgt.u32 v9, v6;
	v9 =	vld.idx.msk [tilespmem:v3+s21+$0x0 ss:$0x1], $0xffff;
	_ =	sdelay $0x1  }
0x53: {  	v63 =	vmin.u32 v8, $0x47FFF  }
0x54: {  	s29 =	simm.s32 $0xC0;
	v10 =	vadd.s32 v10, v11;
	v8 =	vld.idx.msk [tilespmem:v2+s16+$0x0 ss:$0x1], $0xffff;
	[tilespmem:s16+$0xE80] =	vst v63  }
.LBB2_4:
0x55: {  	s30 =	sshra.s32 s29, $0x2;
	p0 =	sne.s32 s29, $0x4C0;
	s29 =	sadd.s32 $0x40, s29;
	v11 =	vsel vm0, $0x24000, v5;
	vm0 =	vgt.s32 v10, $0x0  }
.Ltmp1:
0x56: {  	v12 =	vadd.s32 v11, v9;
	v9 =	vld.idx.msk [tilespmem:v3+s30+$0x0 ss:$0x1], $0xffff;
	v10 =	vnsel vm0, $0x0, v10;
	(pc) =	sbr.rel @p0 .LBB2_4-.Ltmp1, $4  }
0x57: {  	vm0 =	vgt.s32 v12, $0x0;
	v10 =	vmin.u32 v10, $0x47FFF  }
0x58: {  	s23 =	sadd.s32 $0x10, s23;
	v12 =	vnsel vm0, $0x0, v12;
	[tilespmem:s19+$0xD00] =	vst v10;
	s19 =	smov.u32 s16;
	s16 =	smov.u32 s21  }
0x59: {  	v10 =	vmov s23;
	s21 =	smov.u32 s30;
	v12 =	vmin.u32 v12, $0x47FFF  }
0x5a: {  	vm0 =	vgt.u32 v10, v6;
	v10 =	vadd.s32 v7, v8;
	v7 =	vmov v11;
	[tilespmem:s16+$0xE80] =	vst v12;
	v8 =	vld.idx.msk [tilespmem:v2+s16+$0x0 ss:$0x1], $0xffff  }
0x5b: {  	_ =	sdelay $0x3  }
0x5c: {  	v11 =	vld.idx.msk [tilespmem:v2+s21+$0x0 ss:$0x1], $0xffff;
	_ =	sdelay $0x1  }
0x5d: {  	v12 =	vsel vm0, $0x24000, v5;
	vm12 =	vgt.s32 v10, $0x0  }
0x5e: {  	v9 =	vadd.s32 v12, v9;
	v10 =	vnsel vm12, $0x0, v10  }
0x5f: {  	vm13 =	vgt.s32 v9, $0x0;
	v10 =	vmin.u32 v10, $0x47FFF;
	v7 =	vadd.s32 v7, v8  }
0x60: {  	v8 =	vnsel vm13, $0x0, v9;
	vm14 =	vgt.s32 v7, $0x0;
	v9 =	vadd.s32 v12, v11  }
0x61: {  	[tilespmem:s19+$0xD00] =	vst v10;
	v8 =	vmin.u32 v8, $0x47FFF;
	v7 =	vnsel vm14, $0x0, v7;
	vm15 =	vgt.s32 v9, $0x0  }
0x62: {  	[tilespmem:s21+$0xE80] =	vst v8;
	v7 =	vmin.u32 v7, $0x47FFF;
	v8 =	vnsel vm15, $0x0, v9  }
0x63: {  	[tilespmem:s16+$0xD00] =	vst v7;
	v7 =	vmin.u32 v8, $0x47FFF  }
0x64: {  	s23 =	simm.s32 $0x1080;
	[tilespmem:s21+$0xD00] =	vst v7  }
0x65: {  	[tilespmem:s24], [sflag:$0x2] =	stream.indirect.gather [hbm4b:s2+s18], $0x80, s23, s18, $0xb8;
	[tilespmem:$0x11A80] =	vst v63  }
0x66: {  	s29 =	simm.s32 $0x1580  }
0x67: {  	[tilespmem:s26], [sflag:$0x2] =	stream.indirect.gather [hbm4b:s3+s18], $0x80, s29, s18, $0xb8;
	[tilespmem:$0x11A80] =	vst v63  }
0x68: {  	_ =	swait.ge [sflag:s28], $0x4000  }
0x69: {  	[sflag:s28] =	ssyncset.done $0x0  }
0x6a: {  	[sflag:s28] =	ssyncadd.s32 $0xFFFFC000  }
0x6b: {  	_ =	swait.ge [sflag:s28], $0x4000  }
0x6c: {  	[sflag:s28] =	ssyncset.done $0x0  }
0x6d: {  	s30 =	simm.s32 $0x0;
	[sflag:s28] =	ssyncadd.s32 $0xFFFFC000  }
0x6e: {  	v9 =	vld [tilespmem:s30+$0x5A40]  }
0x6f: {  	v10 =	vld [tilespmem:s30+$0x5A60]  }
0x70: {  	v7 =	vld [tilespmem:s30+$0x1A50]  }
0x71: {  	v11 =	vld [tilespmem:s30+$0x1A60]  }
0x72: {  	v12 =	vld [tilespmem:s30+$0x5A50]  }
0x73: {  	v8 =	vld [tilespmem:s30+$0x5A30]  }
0x74: {  	v13 =	vld [tilespmem:s30+$0x1A30]  }
0x75: {  	v14 =	vld [tilespmem:s30+$0x5A10]  }
0x76: {  	v15 =	vld [tilespmem:s30+$0x5A20]  }
0x77: {  	v16 =	vld [tilespmem:s30+$0x1A20]  }
0x78: {  	v17 =	vld [tilespmem:s30+$0x1A10]  }
0x79: {  	v18 =	vld [tilespmem:s30+$0x1A00]  }
0x7a: {  	v19 =	vld [tilespmem:s30+$0x1A40]  }
0x7b: {  	v20 =	vld [tilespmem:s30+$0x1A70]  }
0x7c: {  	v21 =	vld [tilespmem:s30+$0x5A00]  }
0x7d: {  	s16 =	simm.s32 $0x80;
	v22 =	vld [tilespmem:s30+$0x5A70]  }
0x7e: {  	v24 =	vld [tilespmem:s16+$0x1A50];
	v13 =	vsub.f32 v13, v8;
	v15 =	vsub.f32 v16, v15  }
0x7f: {  	v23 =	vimm.f32 $0.0e+00;
	v25 =	vld [tilespmem:s16+$0x5A50];
	v12 =	vsub.f32 v7, v12;
	v14 =	vsub.f32 v17, v14  }
0x80: {  	v11 =	vsub.f32 v11, v10;
	v9 =	vsub.f32 v19, v9;
	v17 =	vld [tilespmem:s16+$0x5A30];
	v13 =	vmul.f32 v13, v13  }
0x81: {  	v16 =	vsub.f32 v18, v21;
	v19 =	vld [tilespmem:s16+$0x1A30];
	v15 =	vmul.f32 v15, v15;
	v12 =	vmul.f32 v12, v12  }
0x82: {  	v8 =	vld [tilespmem:s16+$0x5A40];
	v22 =	vsub.f32 v20, v22;
	v14 =	vmul.f32 v14, v14;
	v11 =	vmul.f32 v11, v11  }
0x83: {  	v7 =	vld [tilespmem:s16+$0x5A60];
	v16 =	vmul.f32 v16, v16;
	v13 =	vsub.f32 $5.000000000e-01, v13;
	v15 =	vsub.f32 $5.000000000e-01, v15  }
0x84: {  	v10 =	vld [tilespmem:s16+$0x1A60];
	v9 =	vmul.f32 v9, v9;
	v12 =	vsub.f32 $5.000000000e-01, v12;
	v18 =	vsub.f32 $5.000000000e-01, v14  }
0x85: {  	v20 =	vld [tilespmem:s16+$0x1A20];
	v22 =	vmul.f32 v22, v22;
	v11 =	vsub.f32 $5.000000000e-01, v11;
	v21 =	vsub.f32 $5.000000000e-01, v16  }
0x86: {  	v16 =	vld [tilespmem:s16+$0x5A20];
	v9 =	vsub.f32 $5.000000000e-01, v9;
	v19 =	vsub.f32 v19, v17;
	v14 =	vmax.f32 v15, $0.0e+00  }
0x87: {  	v17 =	vld [tilespmem:s16+$0x1A40];
	v15 =	vmax.f32 v12, $0.0e+00;
	v18 =	vmax.f32 v18, $0.0e+00;
	v12 =	vadd.f32 v14, v23  }
0x88: {  	v27 =	vsub.f32 $5.000000000e-01, v22;
	v11 =	vmax.f32 v11, $0.0e+00;
	v14 =	vld [tilespmem:s16+$0x5A10];
	v26 =	vadd.f32 v18, v23  }
0x89: {  	v21 =	vmax.f32 v21, $0.0e+00;
	v13 =	vmax.f32 v13, $0.0e+00;
	v18 =	vld [tilespmem:s16+$0x1A10];
	v12 =	vadd.f32 v11, v12  }
0x8a: {  	v22 =	vmul.f32 v19, v19;
	v19 =	vld [tilespmem:s16+$0x5A00];
	v11 =	vadd.f32 v15, v26;
	v26 =	vadd.f32 v21, v23  }
0x8b: {  	v9 =	vmax.f32 v9, $0.0e+00;
	v15 =	vld [tilespmem:s16+$0x1A00];
	v21 =	vadd.f32 v13, v23  }
0x8c: {  	s19 =	simm.s32 $0x400;
	v13 =	vld [tilespmem:s16+$0x1A70];
	v23 =	vsub.f32 v24, v25;
	v24 =	vmax.f32 v27, $0.0e+00;
	v9 =	vadd.f32 v9, v26  }
.LBB2_6:
0x8d: {  	p0 =	sne.s32 s19, $0xFE00;
	v16 =	vsub.f32 v20, v16;
	v20 =	vld [tilespmem:s16+$0x5A70];
	s16 =	sshra.s32 s19, $0x2;
	s19 =	sadd.s32 $0x200, s19;
	v21 =	vadd.f32 v24, v21  }
0x8e: {  	v14 =	vsub.f32 v18, v14;
	v10 =	vsub.f32 v10, v7;
	v24 =	vld [tilespmem:s16+$0x5A40];
	v18 =	vmul.f32 v23, v23  }
0x8f: {  	v22 =	vsub.f32 $5.000000000e-01, v22;
	v7 =	vld [tilespmem:s16+$0x5A60];
	v16 =	vmul.f32 v16, v16;
	v8 =	vsub.f32 v17, v8  }
0x90: {  	v14 =	vmul.f32 v14, v14;
	v23 =	vld [tilespmem:s16+$0x1A50];
	v17 =	vsub.f32 $5.000000000e-01, v18;
	v18 =	vmul.f32 v10, v10  }
0x91: {  	v10 =	vld [tilespmem:s16+$0x1A60];
	v15 =	vsub.f32 v15, v19;
	v16 =	vsub.f32 $5.000000000e-01, v16;
	v27 =	vmul.f32 v8, v8  }
0x92: {  	v14 =	vsub.f32 $5.000000000e-01, v14;
	v25 =	vld [tilespmem:s16+$0x5A50];
	v17 =	vmax.f32 v17, $0.0e+00;
	v18 =	vsub.f32 $5.000000000e-01, v18  }
0x93: {  	v19 =	vld [tilespmem:s16+$0x5A30];
	v15 =	vmul.f32 v15, v15;
	v16 =	vmax.f32 v16, $0.0e+00;
	v26 =	vsub.f32 $5.000000000e-01, v27;
	v8 =	vmovc v24  }
0x94: {  	v27 =	vmax.f32 v14, $0.0e+00;
	v24 =	vld [tilespmem:s16+$0x1A30];
	v12 =	vadd.f32 v16, v12;
	v18 =	vmax.f32 v18, $0.0e+00  }
0x95: {  	v11 =	vadd.f32 v27, v11;
	v14 =	vld [tilespmem:s16+$0x5A10];
	v15 =	vsub.f32 $5.000000000e-01, v15;
	v26 =	vmax.f32 v26, $0.0e+00  }
0x96: {  	v22 =	vmax.f32 v22, $0.0e+00;
	v13 =	vsub.f32 v13, v20;
	v16 =	vld [tilespmem:s16+$0x5A20];
	v12 =	vadd.f32 v18, v12  }
0x97: {  	v11 =	vadd.f32 v17, v11;
	v20 =	vld [tilespmem:s16+$0x1A20];
	v15 =	vmax.f32 v15, $0.0e+00  }
.Ltmp2:
0x98: {  	v21 =	vadd.f32 v22, v21;
	v13 =	vmul.f32 v13, v13;
	v18 =	vld [tilespmem:s16+$0x1A10];
	v9 =	vadd.f32 v15, v9;
	(pc) =	sbr.rel @p0 .LBB2_6-.Ltmp2, $4  }
0x99: {  	v15 =	vld [tilespmem:s16+$0x1A00];
	v19 =	vsub.f32 v24, v19  }
0x9a: {  	v24 =	vsub.f32 $5.000000000e-01, v13;
	v17 =	vld [tilespmem:s16+$0x1A40];
	v9 =	vadd.f32 v26, v9  }
0x9b: {  	v22 =	vmul.f32 v19, v19;
	v13 =	vld [tilespmem:s16+$0x1A70]  }
0x9c: {  	v23 =	vsub.f32 v23, v25;
	v24 =	vmax.f32 v24, $0.0e+00;
	v19 =	vld [tilespmem:s16+$0x5A00]  }
0x9d: {  	s29 =	simm.s32 $0x1100  }
0x9e: {  	v25 =	vld [tilespmem:s16+$0x5A70];
	[tilespmem:s20], [sflag:$0x1] =	stream.indirect.gather [hbm4b:s2+s18], $0x80, s29, s18, $0xb8  }
0x9f: {  	s30 =	simm.s32 $0x1600  }
0xa0: {  	[tilespmem:s22], [sflag:$0x1] =	stream.indirect.gather [hbm4b:s3+s18], $0x80, s30, s18, $0xb8;
	[tilespmem:$0x11A80] =	vst v63  }
0xa1: {  	_ =	swait.ge [sflag:s31], $0x4000  }
0xa2: {  	[sflag:s31] =	ssyncset.done $0x0  }
0xa3: {  	[sflag:s31] =	ssyncadd.s32 $0xFFFFC000  }
0xa4: {  	_ =	swait.ge [sflag:s31], $0x4000  }
0xa5: {  	[sflag:s31] =	ssyncset.done $0x0  }
0xa6: {  	s19 =	simm.s32 $0x0;
	[sflag:s31] =	ssyncadd.s32 $0xFFFFC000  }
0xa7: {  	v16 =	vsub.f32 v20, v16;
	v26 =	vld [tilespmem:s19+$0xDA40]  }
0xa8: {  	v14 =	vsub.f32 v18, v14;
	v27 =	vld [tilespmem:s19+$0xDA60]  }
0xa9: {  	v21 =	vadd.f32 v24, v21;
	v7 =	vsub.f32 v10, v7;
	v16 =	vmul.f32 v16, v16;
	v20 =	vld [tilespmem:s19+$0x9A50]  }
0xaa: {  	v22 =	vsub.f32 $5.000000000e-01, v22;
	v23 =	vmul.f32 v23, v23;
	v14 =	vmul.f32 v14, v14;
	v28 =	vld [tilespmem:s19+$0x9A60]  }
0xab: {  	v8 =	vsub.f32 v17, v8;
	v7 =	vmul.f32 v7, v7;
	v16 =	vsub.f32 $5.000000000e-01, v16;
	v18 =	vld [tilespmem:s19+$0xDA50]  }
0xac: {  	v15 =	vsub.f32 v15, v19;
	v19 =	vsub.f32 $5.000000000e-01, v23;
	v10 =	vld [tilespmem:s19+$0xDA30]  }
0xad: {  	v14 =	vsub.f32 $5.000000000e-01, v14;
	v7 =	vsub.f32 $5.000000000e-01, v7;
	v24 =	vld [tilespmem:s19+$0x9A30]  }
0xae: {  	v8 =	vmul.f32 v8, v8;
	v16 =	vmax.f32 v16, $0.0e+00;
	v15 =	vmul.f32 v15, v15;
	v17 =	vld [tilespmem:s19+$0xDA10]  }
0xaf: {  	v13 =	vsub.f32 v13, v25;
	v14 =	vmax.f32 v14, $0.0e+00;
	v12 =	vadd.f32 v16, v12;
	v23 =	vld [tilespmem:s19+$0xDA20]  }
0xb0: {  	v7 =	vmax.f32 v7, $0.0e+00;
	v11 =	vadd.f32 v14, v11;
	v15 =	vsub.f32 $5.000000000e-01, v15;
	v16 =	vld [tilespmem:s19+$0x9A20]  }
0xb1: {  	v19 =	vmax.f32 v19, $0.0e+00;
	v12 =	vadd.f32 v7, v12;
	v7 =	vmul.f32 v13, v13;
	v25 =	vld [tilespmem:s19+$0x9A10]  }
0xb2: {  	v8 =	vsub.f32 $5.000000000e-01, v8;
	v11 =	vadd.f32 v19, v11;
	v13 =	vld [tilespmem:s19+$0x9A40];
	v15 =	vmax.f32 v15, $0.0e+00  }
0xb3: {  	v22 =	vmax.f32 v22, $0.0e+00;
	v19 =	vld [tilespmem:s19+$0x9A70];
	v9 =	vadd.f32 v15, v9;
	v7 =	vsub.f32 $5.000000000e-01, v7  }
0xb4: {  	v21 =	vadd.f32 v22, v21;
	v8 =	vmax.f32 v8, $0.0e+00;
	v22 =	vld [tilespmem:s19+$0xDA70]  }
0xb5: {  	v14 =	vld [tilespmem:s19+$0x9A00];
	v9 =	vadd.f32 v8, v9;
	v7 =	vmax.f32 v7, $0.0e+00  }
0xb6: {  	s16 =	simm.s32 $0x80;
	v15 =	vld [tilespmem:s19+$0xDA00];
	v21 =	vadd.f32 v7, v21;
	v10 =	vsub.f32 v24, v10  }
0xb7: {  	v8 =	vld [tilespmem:s16+$0xDA40];
	v16 =	vsub.f32 v16, v23;
	v18 =	vsub.f32 v20, v18  }
0xb8: {  	v7 =	vld [tilespmem:s16+$0xDA60];
	v17 =	vsub.f32 v25, v17;
	v13 =	vsub.f32 v13, v26  }
0xb9: {  	v26 =	vld [tilespmem:s16+$0xDA30];
	v19 =	vsub.f32 v19, v22;
	v10 =	vmul.f32 v10, v10;
	v16 =	vmul.f32 v16, v16  }
0xba: {  	v20 =	vsub.f32 v28, v27;
	v27 =	vld [tilespmem:s16+$0x9A30];
	v18 =	vmul.f32 v18, v18;
	v17 =	vmul.f32 v17, v17  }
0xbb: {  	v23 =	vld [tilespmem:s16+$0x9A50];
	v14 =	vsub.f32 v14, v15;
	v13 =	vmul.f32 v13, v13;
	v19 =	vmul.f32 v19, v19  }
0xbc: {  	v25 =	vld [tilespmem:s16+$0xDA50];
	v15 =	vsub.f32 $5.000000000e-01, v16;
	v16 =	vsub.f32 $5.000000000e-01, v18;
	v18 =	vmul.f32 v20, v20  }
0xbd: {  	v24 =	vsub.f32 $5.000000000e-01, v10;
	v10 =	vld [tilespmem:s16+$0x9A60];
	v17 =	vsub.f32 $5.000000000e-01, v17;
	v20 =	vmul.f32 v14, v14  }
0xbe: {  	v14 =	vmax.f32 v15, $0.0e+00;
	v15 =	vmax.f32 v16, $0.0e+00;
	v18 =	vsub.f32 $5.000000000e-01, v18;
	v16 =	vld [tilespmem:s16+$0xDA20]  }
0xbf: {  	v63 =	vsub.f32 $5.000000000e-01, v20;
	v20 =	vld [tilespmem:s16+$0x9A20];
	v22 =	vmax.f32 v24, $0.0e+00;
	v24 =	vsub.f32 v27, v26  }
0xc0: {  	v26 =	vsub.f32 $5.000000000e-01, v19;
	v19 =	vld [tilespmem:s16+$0xDA00];
	v12 =	vadd.f32 v14, v12  }
0xc1: {  	v13 =	vsub.f32 $5.000000000e-01, v13;
	v17 =	vmax.f32 v17, $0.0e+00;
	v14 =	vld [tilespmem:s16+$0xDA10];
	v18 =	vmax.f32 v18, $0.0e+00  }
0xc2: {  	v11 =	vadd.f32 v17, v11;
	v17 =	vmax.f32 v63, $0.0e+00;
	v12 =	vadd.f32 v18, v12;
	v18 =	vld [tilespmem:s16+$0x9A10]  }
0xc3: {  	v23 =	vsub.f32 v23, v25;
	v9 =	vadd.f32 v17, v9;
	v17 =	vld [tilespmem:s16+$0x9A40]  }
0xc4: {  	v13 =	vmax.f32 v13, $0.0e+00;
	v21 =	vadd.f32 v22, v21;
	v11 =	vadd.f32 v15, v11;
	v15 =	vld [tilespmem:s16+$0x9A00]  }
0xc5: {  	s19 =	simm.s32 $0x400;
	v22 =	vmul.f32 v24, v24;
	v24 =	vmax.f32 v26, $0.0e+00;
	v9 =	vadd.f32 v13, v9;
	v13 =	vld [tilespmem:s16+$0x9A70]  }
.LBB2_8:
0xc6: {  	p0 =	sne.s32 s19, $0xFE00;
	v16 =	vsub.f32 v20, v16;
	v20 =	vld [tilespmem:s16+$0xDA70];
	s16 =	sshra.s32 s19, $0x2;
	s19 =	sadd.s32 $0x200, s19;
	v21 =	vadd.f32 v24, v21  }
0xc7: {  	v14 =	vsub.f32 v18, v14;
	v10 =	vsub.f32 v10, v7;
	v24 =	vld [tilespmem:s16+$0xDA40];
	v18 =	vmul.f32 v23, v23  }
0xc8: {  	v22 =	vsub.f32 $5.000000000e-01, v22;
	v7 =	vld [tilespmem:s16+$0xDA60];
	v16 =	vmul.f32 v16, v16;
	v8 =	vsub.f32 v17, v8  }
0xc9: {  	v14 =	vmul.f32 v14, v14;
	v23 =	vld [tilespmem:s16+$0x9A50];
	v17 =	vsub.f32 $5.000000000e-01, v18;
	v18 =	vmul.f32 v10, v10  }
0xca: {  	v10 =	vld [tilespmem:s16+$0x9A60];
	v15 =	vsub.f32 v15, v19;
	v16 =	vsub.f32 $5.000000000e-01, v16;
	v27 =	vmul.f32 v8, v8  }
0xcb: {  	v14 =	vsub.f32 $5.000000000e-01, v14;
	v25 =	vld [tilespmem:s16+$0xDA50];
	v17 =	vmax.f32 v17, $0.0e+00;
	v18 =	vsub.f32 $5.000000000e-01, v18  }
0xcc: {  	v19 =	vld [tilespmem:s16+$0xDA30];
	v15 =	vmul.f32 v15, v15;
	v16 =	vmax.f32 v16, $0.0e+00;
	v26 =	vsub.f32 $5.000000000e-01, v27;
	v8 =	vmovc v24  }
0xcd: {  	v27 =	vmax.f32 v14, $0.0e+00;
	v24 =	vld [tilespmem:s16+$0x9A30];
	v12 =	vadd.f32 v16, v12;
	v18 =	vmax.f32 v18, $0.0e+00  }
0xce: {  	v11 =	vadd.f32 v27, v11;
	v14 =	vld [tilespmem:s16+$0xDA10];
	v15 =	vsub.f32 $5.000000000e-01, v15;
	v26 =	vmax.f32 v26, $0.0e+00  }
0xcf: {  	v22 =	vmax.f32 v22, $0.0e+00;
	v13 =	vsub.f32 v13, v20;
	v16 =	vld [tilespmem:s16+$0xDA20];
	v12 =	vadd.f32 v18, v12  }
0xd0: {  	v11 =	vadd.f32 v17, v11;
	v20 =	vld [tilespmem:s16+$0x9A20];
	v15 =	vmax.f32 v15, $0.0e+00  }
.Ltmp3:
0xd1: {  	v21 =	vadd.f32 v22, v21;
	v13 =	vmul.f32 v13, v13;
	v18 =	vld [tilespmem:s16+$0x9A10];
	v9 =	vadd.f32 v15, v9;
	(pc) =	sbr.rel @p0 .LBB2_8-.Ltmp3, $4  }
0xd2: {  	v15 =	vld [tilespmem:s16+$0x9A00];
	v19 =	vsub.f32 v24, v19  }
0xd3: {  	v24 =	vsub.f32 $5.000000000e-01, v13;
	v17 =	vld [tilespmem:s16+$0x9A40];
	v9 =	vadd.f32 v26, v9  }
0xd4: {  	v22 =	vmul.f32 v19, v19;
	v13 =	vld [tilespmem:s16+$0x9A70]  }
0xd5: {  	v23 =	vsub.f32 v23, v25;
	v24 =	vmax.f32 v24, $0.0e+00;
	v19 =	vld [tilespmem:s16+$0xDA00]  }
0xd6: {  	s29 =	simm.s32 $0x1180  }
0xd7: {  	v25 =	vld [tilespmem:s16+$0xDA70];
	[tilespmem:s24], [sflag:$0x2] =	stream.indirect.gather [hbm4b:s2+s18], $0x80, s29, s18, $0xb8  }
0xd8: {  	s30 =	simm.s32 $0x1680  }
0xd9: {  	[tilespmem:s26], [sflag:$0x2] =	stream.indirect.gather [hbm4b:s3+s18], $0x80, s30, s18, $0xb8;
	[tilespmem:$0x11A80] =	vst v63  }
0xda: {  	_ =	swait.ge [sflag:s28], $0x4000  }
0xdb: {  	[sflag:s28] =	ssyncset.done $0x0  }
0xdc: {  	[sflag:s28] =	ssyncadd.s32 $0xFFFFC000  }
0xdd: {  	_ =	swait.ge [sflag:s28], $0x4000  }
0xde: {  	[sflag:s28] =	ssyncset.done $0x0  }
0xdf: {  	s19 =	simm.s32 $0x0;
	[sflag:s28] =	ssyncadd.s32 $0xFFFFC000  }
0xe0: {  	v16 =	vsub.f32 v20, v16;
	v26 =	vld [tilespmem:s19+$0x5A40]  }
0xe1: {  	v14 =	vsub.f32 v18, v14;
	v27 =	vld [tilespmem:s19+$0x5A60]  }
0xe2: {  	v21 =	vadd.f32 v24, v21;
	v7 =	vsub.f32 v10, v7;
	v16 =	vmul.f32 v16, v16;
	v20 =	vld [tilespmem:s19+$0x1A50]  }
0xe3: {  	v22 =	vsub.f32 $5.000000000e-01, v22;
	v23 =	vmul.f32 v23, v23;
	v14 =	vmul.f32 v14, v14;
	v28 =	vld [tilespmem:s19+$0x1A60]  }
0xe4: {  	v8 =	vsub.f32 v17, v8;
	v7 =	vmul.f32 v7, v7;
	v16 =	vsub.f32 $5.000000000e-01, v16;
	v18 =	vld [tilespmem:s19+$0x5A50]  }
0xe5: {  	v15 =	vsub.f32 v15, v19;
	v19 =	vsub.f32 $5.000000000e-01, v23;
	v10 =	vld [tilespmem:s19+$0x5A30]  }
0xe6: {  	v14 =	vsub.f32 $5.000000000e-01, v14;
	v7 =	vsub.f32 $5.000000000e-01, v7;
	v24 =	vld [tilespmem:s19+$0x1A30]  }
0xe7: {  	v8 =	vmul.f32 v8, v8;
	v16 =	vmax.f32 v16, $0.0e+00;
	v15 =	vmul.f32 v15, v15;
	v17 =	vld [tilespmem:s19+$0x5A10]  }
0xe8: {  	v13 =	vsub.f32 v13, v25;
	v14 =	vmax.f32 v14, $0.0e+00;
	v12 =	vadd.f32 v16, v12;
	v23 =	vld [tilespmem:s19+$0x5A20]  }
0xe9: {  	v7 =	vmax.f32 v7, $0.0e+00;
	v11 =	vadd.f32 v14, v11;
	v15 =	vsub.f32 $5.000000000e-01, v15;
	v16 =	vld [tilespmem:s19+$0x1A20]  }
0xea: {  	v19 =	vmax.f32 v19, $0.0e+00;
	v12 =	vadd.f32 v7, v12;
	v7 =	vmul.f32 v13, v13;
	v25 =	vld [tilespmem:s19+$0x1A10]  }
0xeb: {  	v8 =	vsub.f32 $5.000000000e-01, v8;
	v11 =	vadd.f32 v19, v11;
	v13 =	vld [tilespmem:s19+$0x1A40];
	v15 =	vmax.f32 v15, $0.0e+00  }
0xec: {  	v22 =	vmax.f32 v22, $0.0e+00;
	v19 =	vld [tilespmem:s19+$0x1A70];
	v9 =	vadd.f32 v15, v9;
	v7 =	vsub.f32 $5.000000000e-01, v7  }
0xed: {  	v21 =	vadd.f32 v22, v21;
	v8 =	vmax.f32 v8, $0.0e+00;
	v22 =	vld [tilespmem:s19+$0x5A70]  }
0xee: {  	v14 =	vld [tilespmem:s19+$0x1A00];
	v9 =	vadd.f32 v8, v9;
	v7 =	vmax.f32 v7, $0.0e+00  }
0xef: {  	s16 =	simm.s32 $0x80;
	v15 =	vld [tilespmem:s19+$0x5A00];
	v21 =	vadd.f32 v7, v21;
	v10 =	vsub.f32 v24, v10  }
0xf0: {  	v8 =	vld [tilespmem:s16+$0x5A40];
	v16 =	vsub.f32 v16, v23;
	v18 =	vsub.f32 v20, v18  }
0xf1: {  	v7 =	vld [tilespmem:s16+$0x5A60];
	v17 =	vsub.f32 v25, v17;
	v13 =	vsub.f32 v13, v26  }
0xf2: {  	v26 =	vld [tilespmem:s16+$0x5A30];
	v19 =	vsub.f32 v19, v22;
	v10 =	vmul.f32 v10, v10;
	v16 =	vmul.f32 v16, v16  }
0xf3: {  	v20 =	vsub.f32 v28, v27;
	v27 =	vld [tilespmem:s16+$0x1A30];
	v18 =	vmul.f32 v18, v18;
	v17 =	vmul.f32 v17, v17  }
0xf4: {  	v23 =	vld [tilespmem:s16+$0x1A50];
	v14 =	vsub.f32 v14, v15;
	v13 =	vmul.f32 v13, v13;
	v19 =	vmul.f32 v19, v19  }
0xf5: {  	v25 =	vld [tilespmem:s16+$0x5A50];
	v15 =	vsub.f32 $5.000000000e-01, v16;
	v16 =	vsub.f32 $5.000000000e-01, v18;
	v18 =	vmul.f32 v20, v20  }
0xf6: {  	v24 =	vsub.f32 $5.000000000e-01, v10;
	v10 =	vld [tilespmem:s16+$0x1A60];
	v17 =	vsub.f32 $5.000000000e-01, v17;
	v20 =	vmul.f32 v14, v14  }
0xf7: {  	v14 =	vmax.f32 v15, $0.0e+00;
	v15 =	vmax.f32 v16, $0.0e+00;
	v18 =	vsub.f32 $5.000000000e-01, v18;
	v16 =	vld [tilespmem:s16+$0x5A20]  }
0xf8: {  	v63 =	vsub.f32 $5.000000000e-01, v20;
	v20 =	vld [tilespmem:s16+$0x1A20];
	v22 =	vmax.f32 v24, $0.0e+00;
	v24 =	vsub.f32 v27, v26  }
0xf9: {  	v26 =	vsub.f32 $5.000000000e-01, v19;
	v19 =	vld [tilespmem:s16+$0x5A00];
	v12 =	vadd.f32 v14, v12  }
0xfa: {  	v13 =	vsub.f32 $5.000000000e-01, v13;
	v17 =	vmax.f32 v17, $0.0e+00;
	v14 =	vld [tilespmem:s16+$0x5A10];
	v18 =	vmax.f32 v18, $0.0e+00  }
0xfb: {  	v11 =	vadd.f32 v17, v11;
	v17 =	vmax.f32 v63, $0.0e+00;
	v12 =	vadd.f32 v18, v12;
	v18 =	vld [tilespmem:s16+$0x1A10]  }
0xfc: {  	v23 =	vsub.f32 v23, v25;
	v9 =	vadd.f32 v17, v9;
	v17 =	vld [tilespmem:s16+$0x1A40]  }
0xfd: {  	v13 =	vmax.f32 v13, $0.0e+00;
	v21 =	vadd.f32 v22, v21;
	v11 =	vadd.f32 v15, v11;
	v15 =	vld [tilespmem:s16+$0x1A00]  }
0xfe: {  	s19 =	simm.s32 $0x400;
	v22 =	vmul.f32 v24, v24;
	v24 =	vmax.f32 v26, $0.0e+00;
	v9 =	vadd.f32 v13, v9;
	v13 =	vld [tilespmem:s16+$0x1A70]  }
.LBB2_10:
0xff: {  	p0 =	sne.s32 s19, $0xFE00;
	v16 =	vsub.f32 v20, v16;
	v20 =	vld [tilespmem:s16+$0x5A70];
	s16 =	sshra.s32 s19, $0x2;
	s19 =	sadd.s32 $0x200, s19;
	v21 =	vadd.f32 v24, v21  }
0x100: {  	v14 =	vsub.f32 v18, v14;
	v10 =	vsub.f32 v10, v7;
	v24 =	vld [tilespmem:s16+$0x5A40];
	v18 =	vmul.f32 v23, v23  }
0x101: {  	v22 =	vsub.f32 $5.000000000e-01, v22;
	v7 =	vld [tilespmem:s16+$0x5A60];
	v16 =	vmul.f32 v16, v16;
	v8 =	vsub.f32 v17, v8  }
0x102: {  	v14 =	vmul.f32 v14, v14;
	v23 =	vld [tilespmem:s16+$0x1A50];
	v17 =	vsub.f32 $5.000000000e-01, v18;
	v18 =	vmul.f32 v10, v10  }
0x103: {  	v10 =	vld [tilespmem:s16+$0x1A60];
	v15 =	vsub.f32 v15, v19;
	v16 =	vsub.f32 $5.000000000e-01, v16;
	v27 =	vmul.f32 v8, v8  }
0x104: {  	v14 =	vsub.f32 $5.000000000e-01, v14;
	v25 =	vld [tilespmem:s16+$0x5A50];
	v17 =	vmax.f32 v17, $0.0e+00;
	v18 =	vsub.f32 $5.000000000e-01, v18  }
0x105: {  	v19 =	vld [tilespmem:s16+$0x5A30];
	v15 =	vmul.f32 v15, v15;
	v16 =	vmax.f32 v16, $0.0e+00;
	v26 =	vsub.f32 $5.000000000e-01, v27;
	v8 =	vmovc v24  }
0x106: {  	v27 =	vmax.f32 v14, $0.0e+00;
	v24 =	vld [tilespmem:s16+$0x1A30];
	v12 =	vadd.f32 v16, v12;
	v18 =	vmax.f32 v18, $0.0e+00  }
0x107: {  	v11 =	vadd.f32 v27, v11;
	v14 =	vld [tilespmem:s16+$0x5A10];
	v15 =	vsub.f32 $5.000000000e-01, v15;
	v26 =	vmax.f32 v26, $0.0e+00  }
0x108: {  	v22 =	vmax.f32 v22, $0.0e+00;
	v13 =	vsub.f32 v13, v20;
	v16 =	vld [tilespmem:s16+$0x5A20];
	v12 =	vadd.f32 v18, v12  }
0x109: {  	v11 =	vadd.f32 v17, v11;
	v20 =	vld [tilespmem:s16+$0x1A20];
	v15 =	vmax.f32 v15, $0.0e+00  }
.Ltmp4:
0x10a: {  	v21 =	vadd.f32 v22, v21;
	v13 =	vmul.f32 v13, v13;
	v18 =	vld [tilespmem:s16+$0x1A10];
	v9 =	vadd.f32 v15, v9;
	(pc) =	sbr.rel @p0 .LBB2_10-.Ltmp4, $4  }
0x10b: {  	v15 =	vld [tilespmem:s16+$0x1A00];
	v19 =	vsub.f32 v24, v19  }
0x10c: {  	v24 =	vsub.f32 $5.000000000e-01, v13;
	v17 =	vld [tilespmem:s16+$0x1A40];
	v9 =	vadd.f32 v26, v9  }
0x10d: {  	v22 =	vmul.f32 v19, v19;
	v13 =	vld [tilespmem:s16+$0x1A70]  }
0x10e: {  	v23 =	vsub.f32 v23, v25;
	v24 =	vmax.f32 v24, $0.0e+00;
	v19 =	vld [tilespmem:s16+$0x5A00]  }
0x10f: {  	s29 =	simm.s32 $0x1200  }
0x110: {  	v25 =	vld [tilespmem:s16+$0x5A70];
	[tilespmem:s20], [sflag:$0x1] =	stream.indirect.gather [hbm4b:s2+s18], $0x80, s29, s18, $0xb8  }
0x111: {  	s30 =	simm.s32 $0x1700  }
0x112: {  	[tilespmem:s22], [sflag:$0x1] =	stream.indirect.gather [hbm4b:s3+s18], $0x80, s30, s18, $0xb8;
	[tilespmem:$0x11A80] =	vst v63  }
0x113: {  	_ =	swait.ge [sflag:s31], $0x4000  }
0x114: {  	[sflag:s31] =	ssyncset.done $0x0  }
0x115: {  	[sflag:s31] =	ssyncadd.s32 $0xFFFFC000  }
0x116: {  	_ =	swait.ge [sflag:s31], $0x4000  }
0x117: {  	[sflag:s31] =	ssyncset.done $0x0  }
0x118: {  	s19 =	simm.s32 $0x0;
	[sflag:s31] =	ssyncadd.s32 $0xFFFFC000  }
0x119: {  	v16 =	vsub.f32 v20, v16;
	v26 =	vld [tilespmem:s19+$0xDA40]  }
0x11a: {  	v14 =	vsub.f32 v18, v14;
	v27 =	vld [tilespmem:s19+$0xDA60]  }
0x11b: {  	v21 =	vadd.f32 v24, v21;
	v7 =	vsub.f32 v10, v7;
	v16 =	vmul.f32 v16, v16;
	v20 =	vld [tilespmem:s19+$0x9A50]  }
0x11c: {  	v22 =	vsub.f32 $5.000000000e-01, v22;
	v23 =	vmul.f32 v23, v23;
	v14 =	vmul.f32 v14, v14;
	v28 =	vld [tilespmem:s19+$0x9A60]  }
0x11d: {  	v8 =	vsub.f32 v17, v8;
	v7 =	vmul.f32 v7, v7;
	v16 =	vsub.f32 $5.000000000e-01, v16;
	v18 =	vld [tilespmem:s19+$0xDA50]  }
0x11e: {  	v15 =	vsub.f32 v15, v19;
	v19 =	vsub.f32 $5.000000000e-01, v23;
	v10 =	vld [tilespmem:s19+$0xDA30]  }
0x11f: {  	v14 =	vsub.f32 $5.000000000e-01, v14;
	v7 =	vsub.f32 $5.000000000e-01, v7;
	v24 =	vld [tilespmem:s19+$0x9A30]  }
0x120: {  	v8 =	vmul.f32 v8, v8;
	v16 =	vmax.f32 v16, $0.0e+00;
	v15 =	vmul.f32 v15, v15;
	v17 =	vld [tilespmem:s19+$0xDA10]  }
0x121: {  	v13 =	vsub.f32 v13, v25;
	v14 =	vmax.f32 v14, $0.0e+00;
	v12 =	vadd.f32 v16, v12;
	v23 =	vld [tilespmem:s19+$0xDA20]  }
0x122: {  	v7 =	vmax.f32 v7, $0.0e+00;
	v11 =	vadd.f32 v14, v11;
	v15 =	vsub.f32 $5.000000000e-01, v15;
	v16 =	vld [tilespmem:s19+$0x9A20]  }
0x123: {  	v19 =	vmax.f32 v19, $0.0e+00;
	v12 =	vadd.f32 v7, v12;
	v7 =	vmul.f32 v13, v13;
	v25 =	vld [tilespmem:s19+$0x9A10]  }
0x124: {  	v8 =	vsub.f32 $5.000000000e-01, v8;
	v11 =	vadd.f32 v19, v11;
	v13 =	vld [tilespmem:s19+$0x9A40];
	v15 =	vmax.f32 v15, $0.0e+00  }
0x125: {  	v22 =	vmax.f32 v22, $0.0e+00;
	v19 =	vld [tilespmem:s19+$0x9A70];
	v9 =	vadd.f32 v15, v9;
	v7 =	vsub.f32 $5.000000000e-01, v7  }
0x126: {  	v21 =	vadd.f32 v22, v21;
	v8 =	vmax.f32 v8, $0.0e+00;
	v22 =	vld [tilespmem:s19+$0xDA70]  }
0x127: {  	v14 =	vld [tilespmem:s19+$0x9A00];
	v9 =	vadd.f32 v8, v9;
	v7 =	vmax.f32 v7, $0.0e+00  }
0x128: {  	s16 =	simm.s32 $0x80;
	v15 =	vld [tilespmem:s19+$0xDA00];
	v21 =	vadd.f32 v7, v21;
	v10 =	vsub.f32 v24, v10  }
0x129: {  	v8 =	vld [tilespmem:s16+$0xDA40];
	v16 =	vsub.f32 v16, v23;
	v18 =	vsub.f32 v20, v18  }
0x12a: {  	v7 =	vld [tilespmem:s16+$0xDA60];
	v17 =	vsub.f32 v25, v17;
	v13 =	vsub.f32 v13, v26  }
0x12b: {  	v26 =	vld [tilespmem:s16+$0xDA30];
	v19 =	vsub.f32 v19, v22;
	v10 =	vmul.f32 v10, v10;
	v16 =	vmul.f32 v16, v16  }
0x12c: {  	v20 =	vsub.f32 v28, v27;
	v27 =	vld [tilespmem:s16+$0x9A30];
	v18 =	vmul.f32 v18, v18;
	v17 =	vmul.f32 v17, v17  }
0x12d: {  	v23 =	vld [tilespmem:s16+$0x9A50];
	v14 =	vsub.f32 v14, v15;
	v13 =	vmul.f32 v13, v13;
	v19 =	vmul.f32 v19, v19  }
0x12e: {  	v25 =	vld [tilespmem:s16+$0xDA50];
	v15 =	vsub.f32 $5.000000000e-01, v16;
	v16 =	vsub.f32 $5.000000000e-01, v18;
	v18 =	vmul.f32 v20, v20  }
0x12f: {  	v24 =	vsub.f32 $5.000000000e-01, v10;
	v10 =	vld [tilespmem:s16+$0x9A60];
	v17 =	vsub.f32 $5.000000000e-01, v17;
	v20 =	vmul.f32 v14, v14  }
0x130: {  	v14 =	vmax.f32 v15, $0.0e+00;
	v15 =	vmax.f32 v16, $0.0e+00;
	v18 =	vsub.f32 $5.000000000e-01, v18;
	v16 =	vld [tilespmem:s16+$0xDA20]  }
0x131: {  	v63 =	vsub.f32 $5.000000000e-01, v20;
	v20 =	vld [tilespmem:s16+$0x9A20];
	v22 =	vmax.f32 v24, $0.0e+00;
	v24 =	vsub.f32 v27, v26  }
0x132: {  	v26 =	vsub.f32 $5.000000000e-01, v19;
	v19 =	vld [tilespmem:s16+$0xDA00];
	v12 =	vadd.f32 v14, v12  }
0x133: {  	v13 =	vsub.f32 $5.000000000e-01, v13;
	v17 =	vmax.f32 v17, $0.0e+00;
	v14 =	vld [tilespmem:s16+$0xDA10];
	v18 =	vmax.f32 v18, $0.0e+00  }
0x134: {  	v11 =	vadd.f32 v17, v11;
	v17 =	vmax.f32 v63, $0.0e+00;
	v12 =	vadd.f32 v18, v12;
	v18 =	vld [tilespmem:s16+$0x9A10]  }
0x135: {  	v23 =	vsub.f32 v23, v25;
	v9 =	vadd.f32 v17, v9;
	v17 =	vld [tilespmem:s16+$0x9A40]  }
0x136: {  	v13 =	vmax.f32 v13, $0.0e+00;
	v21 =	vadd.f32 v22, v21;
	v11 =	vadd.f32 v15, v11;
	v15 =	vld [tilespmem:s16+$0x9A00]  }
0x137: {  	s19 =	simm.s32 $0x400;
	v22 =	vmul.f32 v24, v24;
	v24 =	vmax.f32 v26, $0.0e+00;
	v9 =	vadd.f32 v13, v9;
	v13 =	vld [tilespmem:s16+$0x9A70]  }
.LBB2_12:
0x138: {  	p0 =	sne.s32 s19, $0xFE00;
	v16 =	vsub.f32 v20, v16;
	v20 =	vld [tilespmem:s16+$0xDA70];
	s16 =	sshra.s32 s19, $0x2;
	s19 =	sadd.s32 $0x200, s19;
	v21 =	vadd.f32 v24, v21  }
0x139: {  	v14 =	vsub.f32 v18, v14;
	v10 =	vsub.f32 v10, v7;
	v24 =	vld [tilespmem:s16+$0xDA40];
	v18 =	vmul.f32 v23, v23  }
0x13a: {  	v22 =	vsub.f32 $5.000000000e-01, v22;
	v7 =	vld [tilespmem:s16+$0xDA60];
	v16 =	vmul.f32 v16, v16;
	v8 =	vsub.f32 v17, v8  }
0x13b: {  	v14 =	vmul.f32 v14, v14;
	v23 =	vld [tilespmem:s16+$0x9A50];
	v17 =	vsub.f32 $5.000000000e-01, v18;
	v18 =	vmul.f32 v10, v10  }
0x13c: {  	v10 =	vld [tilespmem:s16+$0x9A60];
	v15 =	vsub.f32 v15, v19;
	v16 =	vsub.f32 $5.000000000e-01, v16;
	v27 =	vmul.f32 v8, v8  }
0x13d: {  	v14 =	vsub.f32 $5.000000000e-01, v14;
	v25 =	vld [tilespmem:s16+$0xDA50];
	v17 =	vmax.f32 v17, $0.0e+00;
	v18 =	vsub.f32 $5.000000000e-01, v18  }
0x13e: {  	v19 =	vld [tilespmem:s16+$0xDA30];
	v15 =	vmul.f32 v15, v15;
	v16 =	vmax.f32 v16, $0.0e+00;
	v26 =	vsub.f32 $5.000000000e-01, v27;
	v8 =	vmovc v24  }
0x13f: {  	v27 =	vmax.f32 v14, $0.0e+00;
	v24 =	vld [tilespmem:s16+$0x9A30];
	v12 =	vadd.f32 v16, v12;
	v18 =	vmax.f32 v18, $0.0e+00  }
0x140: {  	v11 =	vadd.f32 v27, v11;
	v14 =	vld [tilespmem:s16+$0xDA10];
	v15 =	vsub.f32 $5.000000000e-01, v15;
	v26 =	vmax.f32 v26, $0.0e+00  }
0x141: {  	v22 =	vmax.f32 v22, $0.0e+00;
	v13 =	vsub.f32 v13, v20;
	v16 =	vld [tilespmem:s16+$0xDA20];
	v12 =	vadd.f32 v18, v12  }
0x142: {  	v11 =	vadd.f32 v17, v11;
	v20 =	vld [tilespmem:s16+$0x9A20];
	v15 =	vmax.f32 v15, $0.0e+00  }
.Ltmp5:
0x143: {  	v21 =	vadd.f32 v22, v21;
	v13 =	vmul.f32 v13, v13;
	v18 =	vld [tilespmem:s16+$0x9A10];
	v9 =	vadd.f32 v15, v9;
	(pc) =	sbr.rel @p0 .LBB2_12-.Ltmp5, $4  }
0x144: {  	v15 =	vld [tilespmem:s16+$0x9A00];
	v19 =	vsub.f32 v24, v19  }
0x145: {  	v24 =	vsub.f32 $5.000000000e-01, v13;
	v17 =	vld [tilespmem:s16+$0x9A40];
	v9 =	vadd.f32 v26, v9  }
0x146: {  	v22 =	vmul.f32 v19, v19;
	v13 =	vld [tilespmem:s16+$0x9A70]  }
0x147: {  	v23 =	vsub.f32 v23, v25;
	v24 =	vmax.f32 v24, $0.0e+00;
	v19 =	vld [tilespmem:s16+$0xDA00]  }
0x148: {  	s29 =	simm.s32 $0x1280  }
0x149: {  	v25 =	vld [tilespmem:s16+$0xDA70];
	[tilespmem:s24], [sflag:$0x2] =	stream.indirect.gather [hbm4b:s2+s18], $0x80, s29, s18, $0xb8  }
0x14a: {  	s30 =	simm.s32 $0x1780  }
0x14b: {  	[tilespmem:s26], [sflag:$0x2] =	stream.indirect.gather [hbm4b:s3+s18], $0x80, s30, s18, $0xb8;
	[tilespmem:$0x11A80] =	vst v63  }
0x14c: {  	_ =	swait.ge [sflag:s28], $0x4000  }
0x14d: {  	[sflag:s28] =	ssyncset.done $0x0  }
0x14e: {  	[sflag:s28] =	ssyncadd.s32 $0xFFFFC000  }
0x14f: {  	_ =	swait.ge [sflag:s28], $0x4000  }
0x150: {  	[sflag:s28] =	ssyncset.done $0x0  }
0x151: {  	s19 =	simm.s32 $0x0;
	[sflag:s28] =	ssyncadd.s32 $0xFFFFC000  }
0x152: {  	v16 =	vsub.f32 v20, v16;
	v26 =	vld [tilespmem:s19+$0x5A40]  }
0x153: {  	v14 =	vsub.f32 v18, v14;
	v27 =	vld [tilespmem:s19+$0x5A60]  }
0x154: {  	v21 =	vadd.f32 v24, v21;
	v7 =	vsub.f32 v10, v7;
	v16 =	vmul.f32 v16, v16;
	v20 =	vld [tilespmem:s19+$0x1A50]  }
0x155: {  	v22 =	vsub.f32 $5.000000000e-01, v22;
	v23 =	vmul.f32 v23, v23;
	v14 =	vmul.f32 v14, v14;
	v28 =	vld [tilespmem:s19+$0x1A60]  }
0x156: {  	v8 =	vsub.f32 v17, v8;
	v7 =	vmul.f32 v7, v7;
	v16 =	vsub.f32 $5.000000000e-01, v16;
	v18 =	vld [tilespmem:s19+$0x5A50]  }
0x157: {  	v15 =	vsub.f32 v15, v19;
	v19 =	vsub.f32 $5.000000000e-01, v23;
	v10 =	vld [tilespmem:s19+$0x5A30]  }
0x158: {  	v14 =	vsub.f32 $5.000000000e-01, v14;
	v7 =	vsub.f32 $5.000000000e-01, v7;
	v24 =	vld [tilespmem:s19+$0x1A30]  }
0x159: {  	v8 =	vmul.f32 v8, v8;
	v16 =	vmax.f32 v16, $0.0e+00;
	v15 =	vmul.f32 v15, v15;
	v17 =	vld [tilespmem:s19+$0x5A10]  }
0x15a: {  	v13 =	vsub.f32 v13, v25;
	v14 =	vmax.f32 v14, $0.0e+00;
	v12 =	vadd.f32 v16, v12;
	v23 =	vld [tilespmem:s19+$0x5A20]  }
0x15b: {  	v7 =	vmax.f32 v7, $0.0e+00;
	v11 =	vadd.f32 v14, v11;
	v15 =	vsub.f32 $5.000000000e-01, v15;
	v16 =	vld [tilespmem:s19+$0x1A20]  }
0x15c: {  	v19 =	vmax.f32 v19, $0.0e+00;
	v12 =	vadd.f32 v7, v12;
	v7 =	vmul.f32 v13, v13;
	v25 =	vld [tilespmem:s19+$0x1A10]  }
0x15d: {  	v8 =	vsub.f32 $5.000000000e-01, v8;
	v11 =	vadd.f32 v19, v11;
	v13 =	vld [tilespmem:s19+$0x1A40];
	v15 =	vmax.f32 v15, $0.0e+00  }
0x15e: {  	v22 =	vmax.f32 v22, $0.0e+00;
	v19 =	vld [tilespmem:s19+$0x1A70];
	v9 =	vadd.f32 v15, v9;
	v7 =	vsub.f32 $5.000000000e-01, v7  }
0x15f: {  	v21 =	vadd.f32 v22, v21;
	v8 =	vmax.f32 v8, $0.0e+00;
	v22 =	vld [tilespmem:s19+$0x5A70]  }
0x160: {  	v14 =	vld [tilespmem:s19+$0x1A00];
	v9 =	vadd.f32 v8, v9;
	v7 =	vmax.f32 v7, $0.0e+00  }
0x161: {  	s16 =	simm.s32 $0x80;
	v15 =	vld [tilespmem:s19+$0x5A00];
	v21 =	vadd.f32 v7, v21;
	v10 =	vsub.f32 v24, v10  }
0x162: {  	v8 =	vld [tilespmem:s16+$0x5A40];
	v16 =	vsub.f32 v16, v23;
	v18 =	vsub.f32 v20, v18  }
0x163: {  	v7 =	vld [tilespmem:s16+$0x5A60];
	v17 =	vsub.f32 v25, v17;
	v13 =	vsub.f32 v13, v26  }
0x164: {  	v26 =	vld [tilespmem:s16+$0x5A30];
	v19 =	vsub.f32 v19, v22;
	v10 =	vmul.f32 v10, v10;
	v16 =	vmul.f32 v16, v16  }
0x165: {  	v20 =	vsub.f32 v28, v27;
	v27 =	vld [tilespmem:s16+$0x1A30];
	v18 =	vmul.f32 v18, v18;
	v17 =	vmul.f32 v17, v17  }
0x166: {  	v23 =	vld [tilespmem:s16+$0x1A50];
	v14 =	vsub.f32 v14, v15;
	v13 =	vmul.f32 v13, v13;
	v19 =	vmul.f32 v19, v19  }
0x167: {  	v25 =	vld [tilespmem:s16+$0x5A50];
	v15 =	vsub.f32 $5.000000000e-01, v16;
	v16 =	vsub.f32 $5.000000000e-01, v18;
	v18 =	vmul.f32 v20, v20  }
0x168: {  	v24 =	vsub.f32 $5.000000000e-01, v10;
	v10 =	vld [tilespmem:s16+$0x1A60];
	v17 =	vsub.f32 $5.000000000e-01, v17;
	v20 =	vmul.f32 v14, v14  }
0x169: {  	v14 =	vmax.f32 v15, $0.0e+00;
	v15 =	vmax.f32 v16, $0.0e+00;
	v18 =	vsub.f32 $5.000000000e-01, v18;
	v16 =	vld [tilespmem:s16+$0x5A20]  }
0x16a: {  	v63 =	vsub.f32 $5.000000000e-01, v20;
	v20 =	vld [tilespmem:s16+$0x1A20];
	v22 =	vmax.f32 v24, $0.0e+00;
	v24 =	vsub.f32 v27, v26  }
0x16b: {  	v26 =	vsub.f32 $5.000000000e-01, v19;
	v19 =	vld [tilespmem:s16+$0x5A00];
	v12 =	vadd.f32 v14, v12  }
0x16c: {  	v13 =	vsub.f32 $5.000000000e-01, v13;
	v17 =	vmax.f32 v17, $0.0e+00;
	v14 =	vld [tilespmem:s16+$0x5A10];
	v18 =	vmax.f32 v18, $0.0e+00  }
0x16d: {  	v11 =	vadd.f32 v17, v11;
	v17 =	vmax.f32 v63, $0.0e+00;
	v12 =	vadd.f32 v18, v12;
	v18 =	vld [tilespmem:s16+$0x1A10]  }
0x16e: {  	v23 =	vsub.f32 v23, v25;
	v9 =	vadd.f32 v17, v9;
	v17 =	vld [tilespmem:s16+$0x1A40]  }
0x16f: {  	v13 =	vmax.f32 v13, $0.0e+00;
	v21 =	vadd.f32 v22, v21;
	v11 =	vadd.f32 v15, v11;
	v15 =	vld [tilespmem:s16+$0x1A00]  }
0x170: {  	s19 =	simm.s32 $0x400;
	v22 =	vmul.f32 v24, v24;
	v24 =	vmax.f32 v26, $0.0e+00;
	v9 =	vadd.f32 v13, v9;
	v13 =	vld [tilespmem:s16+$0x1A70]  }
.LBB2_14:
0x171: {  	p0 =	sne.s32 s19, $0xFE00;
	v16 =	vsub.f32 v20, v16;
	v20 =	vld [tilespmem:s16+$0x5A70];
	s16 =	sshra.s32 s19, $0x2;
	s19 =	sadd.s32 $0x200, s19;
	v21 =	vadd.f32 v24, v21  }
0x172: {  	v14 =	vsub.f32 v18, v14;
	v10 =	vsub.f32 v10, v7;
	v24 =	vld [tilespmem:s16+$0x5A40];
	v18 =	vmul.f32 v23, v23  }
0x173: {  	v22 =	vsub.f32 $5.000000000e-01, v22;
	v7 =	vld [tilespmem:s16+$0x5A60];
	v16 =	vmul.f32 v16, v16;
	v8 =	vsub.f32 v17, v8  }
0x174: {  	v14 =	vmul.f32 v14, v14;
	v23 =	vld [tilespmem:s16+$0x1A50];
	v17 =	vsub.f32 $5.000000000e-01, v18;
	v18 =	vmul.f32 v10, v10  }
0x175: {  	v10 =	vld [tilespmem:s16+$0x1A60];
	v15 =	vsub.f32 v15, v19;
	v16 =	vsub.f32 $5.000000000e-01, v16;
	v27 =	vmul.f32 v8, v8  }
0x176: {  	v14 =	vsub.f32 $5.000000000e-01, v14;
	v25 =	vld [tilespmem:s16+$0x5A50];
	v17 =	vmax.f32 v17, $0.0e+00;
	v18 =	vsub.f32 $5.000000000e-01, v18  }
0x177: {  	v19 =	vld [tilespmem:s16+$0x5A30];
	v15 =	vmul.f32 v15, v15;
	v16 =	vmax.f32 v16, $0.0e+00;
	v26 =	vsub.f32 $5.000000000e-01, v27;
	v8 =	vmovc v24  }
0x178: {  	v27 =	vmax.f32 v14, $0.0e+00;
	v24 =	vld [tilespmem:s16+$0x1A30];
	v12 =	vadd.f32 v16, v12;
	v18 =	vmax.f32 v18, $0.0e+00  }
0x179: {  	v11 =	vadd.f32 v27, v11;
	v14 =	vld [tilespmem:s16+$0x5A10];
	v15 =	vsub.f32 $5.000000000e-01, v15;
	v26 =	vmax.f32 v26, $0.0e+00  }
0x17a: {  	v22 =	vmax.f32 v22, $0.0e+00;
	v13 =	vsub.f32 v13, v20;
	v16 =	vld [tilespmem:s16+$0x5A20];
	v12 =	vadd.f32 v18, v12  }
0x17b: {  	v11 =	vadd.f32 v17, v11;
	v20 =	vld [tilespmem:s16+$0x1A20];
	v15 =	vmax.f32 v15, $0.0e+00  }
.Ltmp6:
0x17c: {  	v21 =	vadd.f32 v22, v21;
	v13 =	vmul.f32 v13, v13;
	v18 =	vld [tilespmem:s16+$0x1A10];
	v9 =	vadd.f32 v15, v9;
	(pc) =	sbr.rel @p0 .LBB2_14-.Ltmp6, $4  }
0x17d: {  	v15 =	vld [tilespmem:s16+$0x1A00];
	v19 =	vsub.f32 v24, v19  }
0x17e: {  	v24 =	vsub.f32 $5.000000000e-01, v13;
	v17 =	vld [tilespmem:s16+$0x1A40];
	v9 =	vadd.f32 v26, v9  }
0x17f: {  	v22 =	vmul.f32 v19, v19;
	v13 =	vld [tilespmem:s16+$0x1A70]  }
0x180: {  	v23 =	vsub.f32 v23, v25;
	v24 =	vmax.f32 v24, $0.0e+00;
	v19 =	vld [tilespmem:s16+$0x5A00]  }
0x181: {  	s29 =	simm.s32 $0x1300  }
0x182: {  	v25 =	vld [tilespmem:s16+$0x5A70];
	[tilespmem:s20], [sflag:$0x1] =	stream.indirect.gather [hbm4b:s2+s18], $0x80, s29, s18, $0xb8  }
0x183: {  	s30 =	simm.s32 $0x1800  }
0x184: {  	[tilespmem:s22], [sflag:$0x1] =	stream.indirect.gather [hbm4b:s3+s18], $0x80, s30, s18, $0xb8;
	[tilespmem:$0x11A80] =	vst v63  }
0x185: {  	_ =	swait.ge [sflag:s31], $0x4000  }
0x186: {  	[sflag:s31] =	ssyncset.done $0x0  }
0x187: {  	[sflag:s31] =	ssyncadd.s32 $0xFFFFC000  }
0x188: {  	_ =	swait.ge [sflag:s31], $0x4000  }
0x189: {  	[sflag:s31] =	ssyncset.done $0x0  }
0x18a: {  	s19 =	simm.s32 $0x0;
	[sflag:s31] =	ssyncadd.s32 $0xFFFFC000  }
0x18b: {  	v16 =	vsub.f32 v20, v16;
	v26 =	vld [tilespmem:s19+$0xDA40]  }
0x18c: {  	v14 =	vsub.f32 v18, v14;
	v27 =	vld [tilespmem:s19+$0xDA60]  }
0x18d: {  	v21 =	vadd.f32 v24, v21;
	v7 =	vsub.f32 v10, v7;
	v16 =	vmul.f32 v16, v16;
	v20 =	vld [tilespmem:s19+$0x9A50]  }
0x18e: {  	v22 =	vsub.f32 $5.000000000e-01, v22;
	v23 =	vmul.f32 v23, v23;
	v14 =	vmul.f32 v14, v14;
	v28 =	vld [tilespmem:s19+$0x9A60]  }
0x18f: {  	v8 =	vsub.f32 v17, v8;
	v7 =	vmul.f32 v7, v7;
	v16 =	vsub.f32 $5.000000000e-01, v16;
	v18 =	vld [tilespmem:s19+$0xDA50]  }
0x190: {  	v15 =	vsub.f32 v15, v19;
	v19 =	vsub.f32 $5.000000000e-01, v23;
	v10 =	vld [tilespmem:s19+$0xDA30]  }
0x191: {  	v14 =	vsub.f32 $5.000000000e-01, v14;
	v7 =	vsub.f32 $5.000000000e-01, v7;
	v24 =	vld [tilespmem:s19+$0x9A30]  }
0x192: {  	v8 =	vmul.f32 v8, v8;
	v16 =	vmax.f32 v16, $0.0e+00;
	v15 =	vmul.f32 v15, v15;
	v17 =	vld [tilespmem:s19+$0xDA10]  }
0x193: {  	v13 =	vsub.f32 v13, v25;
	v14 =	vmax.f32 v14, $0.0e+00;
	v12 =	vadd.f32 v16, v12;
	v23 =	vld [tilespmem:s19+$0xDA20]  }
0x194: {  	v7 =	vmax.f32 v7, $0.0e+00;
	v11 =	vadd.f32 v14, v11;
	v15 =	vsub.f32 $5.000000000e-01, v15;
	v16 =	vld [tilespmem:s19+$0x9A20]  }
0x195: {  	v19 =	vmax.f32 v19, $0.0e+00;
	v12 =	vadd.f32 v7, v12;
	v7 =	vmul.f32 v13, v13;
	v25 =	vld [tilespmem:s19+$0x9A10]  }
0x196: {  	v8 =	vsub.f32 $5.000000000e-01, v8;
	v11 =	vadd.f32 v19, v11;
	v13 =	vld [tilespmem:s19+$0x9A40];
	v15 =	vmax.f32 v15, $0.0e+00  }
0x197: {  	v22 =	vmax.f32 v22, $0.0e+00;
	v19 =	vld [tilespmem:s19+$0x9A70];
	v9 =	vadd.f32 v15, v9;
	v7 =	vsub.f32 $5.000000000e-01, v7  }
0x198: {  	v21 =	vadd.f32 v22, v21;
	v8 =	vmax.f32 v8, $0.0e+00;
	v22 =	vld [tilespmem:s19+$0xDA70]  }
0x199: {  	v14 =	vld [tilespmem:s19+$0x9A00];
	v9 =	vadd.f32 v8, v9;
	v7 =	vmax.f32 v7, $0.0e+00  }
0x19a: {  	s16 =	simm.s32 $0x80;
	v15 =	vld [tilespmem:s19+$0xDA00];
	v21 =	vadd.f32 v7, v21;
	v10 =	vsub.f32 v24, v10  }
0x19b: {  	v8 =	vld [tilespmem:s16+$0xDA40];
	v16 =	vsub.f32 v16, v23;
	v18 =	vsub.f32 v20, v18  }
0x19c: {  	v7 =	vld [tilespmem:s16+$0xDA60];
	v17 =	vsub.f32 v25, v17;
	v13 =	vsub.f32 v13, v26  }
0x19d: {  	v26 =	vld [tilespmem:s16+$0xDA30];
	v19 =	vsub.f32 v19, v22;
	v10 =	vmul.f32 v10, v10;
	v16 =	vmul.f32 v16, v16  }
0x19e: {  	v20 =	vsub.f32 v28, v27;
	v27 =	vld [tilespmem:s16+$0x9A30];
	v18 =	vmul.f32 v18, v18;
	v17 =	vmul.f32 v17, v17  }
0x19f: {  	v23 =	vld [tilespmem:s16+$0x9A50];
	v14 =	vsub.f32 v14, v15;
	v13 =	vmul.f32 v13, v13;
	v19 =	vmul.f32 v19, v19  }
0x1a0: {  	v25 =	vld [tilespmem:s16+$0xDA50];
	v15 =	vsub.f32 $5.000000000e-01, v16;
	v16 =	vsub.f32 $5.000000000e-01, v18;
	v18 =	vmul.f32 v20, v20  }
0x1a1: {  	v24 =	vsub.f32 $5.000000000e-01, v10;
	v10 =	vld [tilespmem:s16+$0x9A60];
	v17 =	vsub.f32 $5.000000000e-01, v17;
	v20 =	vmul.f32 v14, v14  }
0x1a2: {  	v14 =	vmax.f32 v15, $0.0e+00;
	v15 =	vmax.f32 v16, $0.0e+00;
	v18 =	vsub.f32 $5.000000000e-01, v18;
	v16 =	vld [tilespmem:s16+$0xDA20]  }
0x1a3: {  	v63 =	vsub.f32 $5.000000000e-01, v20;
	v20 =	vld [tilespmem:s16+$0x9A20];
	v22 =	vmax.f32 v24, $0.0e+00;
	v24 =	vsub.f32 v27, v26  }
0x1a4: {  	v26 =	vsub.f32 $5.000000000e-01, v19;
	v19 =	vld [tilespmem:s16+$0xDA00];
	v12 =	vadd.f32 v14, v12  }
0x1a5: {  	v13 =	vsub.f32 $5.000000000e-01, v13;
	v17 =	vmax.f32 v17, $0.0e+00;
	v14 =	vld [tilespmem:s16+$0xDA10];
	v18 =	vmax.f32 v18, $0.0e+00  }
0x1a6: {  	v11 =	vadd.f32 v17, v11;
	v17 =	vmax.f32 v63, $0.0e+00;
	v12 =	vadd.f32 v18, v12;
	v18 =	vld [tilespmem:s16+$0x9A10]  }
0x1a7: {  	v23 =	vsub.f32 v23, v25;
	v9 =	vadd.f32 v17, v9;
	v17 =	vld [tilespmem:s16+$0x9A40]  }
0x1a8: {  	v13 =	vmax.f32 v13, $0.0e+00;
	v21 =	vadd.f32 v22, v21;
	v11 =	vadd.f32 v15, v11;
	v15 =	vld [tilespmem:s16+$0x9A00]  }
0x1a9: {  	s19 =	simm.s32 $0x400;
	v22 =	vmul.f32 v24, v24;
	v24 =	vmax.f32 v26, $0.0e+00;
	v9 =	vadd.f32 v13, v9;
	v13 =	vld [tilespmem:s16+$0x9A70]  }
.LBB2_16:
0x1aa: {  	p0 =	sne.s32 s19, $0xFE00;
	v16 =	vsub.f32 v20, v16;
	v20 =	vld [tilespmem:s16+$0xDA70];
	s16 =	sshra.s32 s19, $0x2;
	s19 =	sadd.s32 $0x200, s19;
	v21 =	vadd.f32 v24, v21  }
0x1ab: {  	v14 =	vsub.f32 v18, v14;
	v10 =	vsub.f32 v10, v7;
	v24 =	vld [tilespmem:s16+$0xDA40];
	v18 =	vmul.f32 v23, v23  }
0x1ac: {  	v22 =	vsub.f32 $5.000000000e-01, v22;
	v7 =	vld [tilespmem:s16+$0xDA60];
	v16 =	vmul.f32 v16, v16;
	v8 =	vsub.f32 v17, v8  }
0x1ad: {  	v14 =	vmul.f32 v14, v14;
	v23 =	vld [tilespmem:s16+$0x9A50];
	v17 =	vsub.f32 $5.000000000e-01, v18;
	v18 =	vmul.f32 v10, v10  }
0x1ae: {  	v10 =	vld [tilespmem:s16+$0x9A60];
	v15 =	vsub.f32 v15, v19;
	v16 =	vsub.f32 $5.000000000e-01, v16;
	v27 =	vmul.f32 v8, v8  }
0x1af: {  	v14 =	vsub.f32 $5.000000000e-01, v14;
	v25 =	vld [tilespmem:s16+$0xDA50];
	v17 =	vmax.f32 v17, $0.0e+00;
	v18 =	vsub.f32 $5.000000000e-01, v18  }
0x1b0: {  	v19 =	vld [tilespmem:s16+$0xDA30];
	v15 =	vmul.f32 v15, v15;
	v16 =	vmax.f32 v16, $0.0e+00;
	v26 =	vsub.f32 $5.000000000e-01, v27;
	v8 =	vmovc v24  }
0x1b1: {  	v27 =	vmax.f32 v14, $0.0e+00;
	v24 =	vld [tilespmem:s16+$0x9A30];
	v12 =	vadd.f32 v16, v12;
	v18 =	vmax.f32 v18, $0.0e+00  }
0x1b2: {  	v11 =	vadd.f32 v27, v11;
	v14 =	vld [tilespmem:s16+$0xDA10];
	v15 =	vsub.f32 $5.000000000e-01, v15;
	v26 =	vmax.f32 v26, $0.0e+00  }
0x1b3: {  	v22 =	vmax.f32 v22, $0.0e+00;
	v13 =	vsub.f32 v13, v20;
	v16 =	vld [tilespmem:s16+$0xDA20];
	v12 =	vadd.f32 v18, v12  }
0x1b4: {  	v11 =	vadd.f32 v17, v11;
	v20 =	vld [tilespmem:s16+$0x9A20];
	v15 =	vmax.f32 v15, $0.0e+00  }
.Ltmp7:
0x1b5: {  	v21 =	vadd.f32 v22, v21;
	v13 =	vmul.f32 v13, v13;
	v18 =	vld [tilespmem:s16+$0x9A10];
	v9 =	vadd.f32 v15, v9;
	(pc) =	sbr.rel @p0 .LBB2_16-.Ltmp7, $4  }
0x1b6: {  	v15 =	vld [tilespmem:s16+$0x9A00];
	v19 =	vsub.f32 v24, v19  }
0x1b7: {  	v24 =	vsub.f32 $5.000000000e-01, v13;
	v17 =	vld [tilespmem:s16+$0x9A40];
	v9 =	vadd.f32 v26, v9  }
0x1b8: {  	v22 =	vmul.f32 v19, v19;
	v13 =	vld [tilespmem:s16+$0x9A70]  }
0x1b9: {  	v23 =	vsub.f32 v23, v25;
	v24 =	vmax.f32 v24, $0.0e+00;
	v19 =	vld [tilespmem:s16+$0xDA00]  }
0x1ba: {  	s29 =	simm.s32 $0x1380  }
0x1bb: {  	v25 =	vld [tilespmem:s16+$0xDA70];
	[tilespmem:s24], [sflag:$0x2] =	stream.indirect.gather [hbm4b:s2+s18], $0x80, s29, s18, $0xb8  }
0x1bc: {  	s30 =	simm.s32 $0x1880  }
0x1bd: {  	[tilespmem:s26], [sflag:$0x2] =	stream.indirect.gather [hbm4b:s3+s18], $0x80, s30, s18, $0xb8;
	[tilespmem:$0x11A80] =	vst v63  }
0x1be: {  	_ =	swait.ge [sflag:s28], $0x4000  }
0x1bf: {  	[sflag:s28] =	ssyncset.done $0x0  }
0x1c0: {  	[sflag:s28] =	ssyncadd.s32 $0xFFFFC000  }
0x1c1: {  	_ =	swait.ge [sflag:s28], $0x4000  }
0x1c2: {  	[sflag:s28] =	ssyncset.done $0x0  }
0x1c3: {  	s19 =	simm.s32 $0x0;
	[sflag:s28] =	ssyncadd.s32 $0xFFFFC000  }
0x1c4: {  	v16 =	vsub.f32 v20, v16;
	v26 =	vld [tilespmem:s19+$0x5A40]  }
0x1c5: {  	v14 =	vsub.f32 v18, v14;
	v27 =	vld [tilespmem:s19+$0x5A60]  }
0x1c6: {  	v21 =	vadd.f32 v24, v21;
	v7 =	vsub.f32 v10, v7;
	v16 =	vmul.f32 v16, v16;
	v20 =	vld [tilespmem:s19+$0x1A50]  }
0x1c7: {  	v22 =	vsub.f32 $5.000000000e-01, v22;
	v23 =	vmul.f32 v23, v23;
	v14 =	vmul.f32 v14, v14;
	v28 =	vld [tilespmem:s19+$0x1A60]  }
0x1c8: {  	v8 =	vsub.f32 v17, v8;
	v7 =	vmul.f32 v7, v7;
	v16 =	vsub.f32 $5.000000000e-01, v16;
	v18 =	vld [tilespmem:s19+$0x5A50]  }
0x1c9: {  	v15 =	vsub.f32 v15, v19;
	v19 =	vsub.f32 $5.000000000e-01, v23;
	v10 =	vld [tilespmem:s19+$0x5A30]  }
0x1ca: {  	v14 =	vsub.f32 $5.000000000e-01, v14;
	v7 =	vsub.f32 $5.000000000e-01, v7;
	v24 =	vld [tilespmem:s19+$0x1A30]  }
0x1cb: {  	v8 =	vmul.f32 v8, v8;
	v16 =	vmax.f32 v16, $0.0e+00;
	v15 =	vmul.f32 v15, v15;
	v17 =	vld [tilespmem:s19+$0x5A10]  }
0x1cc: {  	v13 =	vsub.f32 v13, v25;
	v14 =	vmax.f32 v14, $0.0e+00;
	v12 =	vadd.f32 v16, v12;
	v23 =	vld [tilespmem:s19+$0x5A20]  }
0x1cd: {  	v7 =	vmax.f32 v7, $0.0e+00;
	v11 =	vadd.f32 v14, v11;
	v15 =	vsub.f32 $5.000000000e-01, v15;
	v16 =	vld [tilespmem:s19+$0x1A20]  }
0x1ce: {  	v19 =	vmax.f32 v19, $0.0e+00;
	v12 =	vadd.f32 v7, v12;
	v7 =	vmul.f32 v13, v13;
	v25 =	vld [tilespmem:s19+$0x1A10]  }
0x1cf: {  	v8 =	vsub.f32 $5.000000000e-01, v8;
	v11 =	vadd.f32 v19, v11;
	v13 =	vld [tilespmem:s19+$0x1A40];
	v15 =	vmax.f32 v15, $0.0e+00  }
0x1d0: {  	v22 =	vmax.f32 v22, $0.0e+00;
	v19 =	vld [tilespmem:s19+$0x1A70];
	v9 =	vadd.f32 v15, v9;
	v7 =	vsub.f32 $5.000000000e-01, v7  }
0x1d1: {  	v21 =	vadd.f32 v22, v21;
	v8 =	vmax.f32 v8, $0.0e+00;
	v22 =	vld [tilespmem:s19+$0x5A70]  }
0x1d2: {  	v14 =	vld [tilespmem:s19+$0x1A00];
	v9 =	vadd.f32 v8, v9;
	v7 =	vmax.f32 v7, $0.0e+00  }
0x1d3: {  	s16 =	simm.s32 $0x80;
	v15 =	vld [tilespmem:s19+$0x5A00];
	v21 =	vadd.f32 v7, v21;
	v10 =	vsub.f32 v24, v10  }
0x1d4: {  	v8 =	vld [tilespmem:s16+$0x5A40];
	v16 =	vsub.f32 v16, v23;
	v18 =	vsub.f32 v20, v18  }
0x1d5: {  	v7 =	vld [tilespmem:s16+$0x5A60];
	v17 =	vsub.f32 v25, v17;
	v13 =	vsub.f32 v13, v26  }
0x1d6: {  	v26 =	vld [tilespmem:s16+$0x5A30];
	v19 =	vsub.f32 v19, v22;
	v10 =	vmul.f32 v10, v10;
	v16 =	vmul.f32 v16, v16  }
0x1d7: {  	v20 =	vsub.f32 v28, v27;
	v27 =	vld [tilespmem:s16+$0x1A30];
	v18 =	vmul.f32 v18, v18;
	v17 =	vmul.f32 v17, v17  }
0x1d8: {  	v23 =	vld [tilespmem:s16+$0x1A50];
	v14 =	vsub.f32 v14, v15;
	v13 =	vmul.f32 v13, v13;
	v19 =	vmul.f32 v19, v19  }
0x1d9: {  	v25 =	vld [tilespmem:s16+$0x5A50];
	v15 =	vsub.f32 $5.000000000e-01, v16;
	v16 =	vsub.f32 $5.000000000e-01, v18;
	v18 =	vmul.f32 v20, v20  }
0x1da: {  	v24 =	vsub.f32 $5.000000000e-01, v10;
	v10 =	vld [tilespmem:s16+$0x1A60];
	v17 =	vsub.f32 $5.000000000e-01, v17;
	v20 =	vmul.f32 v14, v14  }
0x1db: {  	v14 =	vmax.f32 v15, $0.0e+00;
	v15 =	vmax.f32 v16, $0.0e+00;
	v18 =	vsub.f32 $5.000000000e-01, v18;
	v16 =	vld [tilespmem:s16+$0x5A20]  }
0x1dc: {  	v63 =	vsub.f32 $5.000000000e-01, v20;
	v20 =	vld [tilespmem:s16+$0x1A20];
	v22 =	vmax.f32 v24, $0.0e+00;
	v24 =	vsub.f32 v27, v26  }
0x1dd: {  	v26 =	vsub.f32 $5.000000000e-01, v19;
	v19 =	vld [tilespmem:s16+$0x5A00];
	v12 =	vadd.f32 v14, v12  }
0x1de: {  	v13 =	vsub.f32 $5.000000000e-01, v13;
	v17 =	vmax.f32 v17, $0.0e+00;
	v14 =	vld [tilespmem:s16+$0x5A10];
	v18 =	vmax.f32 v18, $0.0e+00  }
0x1df: {  	v11 =	vadd.f32 v17, v11;
	v17 =	vmax.f32 v63, $0.0e+00;
	v12 =	vadd.f32 v18, v12;
	v18 =	vld [tilespmem:s16+$0x1A10]  }
0x1e0: {  	v23 =	vsub.f32 v23, v25;
	v9 =	vadd.f32 v17, v9;
	v17 =	vld [tilespmem:s16+$0x1A40]  }
0x1e1: {  	v13 =	vmax.f32 v13, $0.0e+00;
	v21 =	vadd.f32 v22, v21;
	v11 =	vadd.f32 v15, v11;
	v15 =	vld [tilespmem:s16+$0x1A00]  }
0x1e2: {  	s19 =	simm.s32 $0x400;
	v22 =	vmul.f32 v24, v24;
	v24 =	vmax.f32 v26, $0.0e+00;
	v9 =	vadd.f32 v13, v9;
	v13 =	vld [tilespmem:s16+$0x1A70]  }
.LBB2_18:
0x1e3: {  	p0 =	sne.s32 s19, $0xFE00;
	v16 =	vsub.f32 v20, v16;
	v20 =	vld [tilespmem:s16+$0x5A70];
	s16 =	sshra.s32 s19, $0x2;
	s19 =	sadd.s32 $0x200, s19;
	v21 =	vadd.f32 v24, v21  }
0x1e4: {  	v14 =	vsub.f32 v18, v14;
	v10 =	vsub.f32 v10, v7;
	v24 =	vld [tilespmem:s16+$0x5A40];
	v18 =	vmul.f32 v23, v23  }
0x1e5: {  	v22 =	vsub.f32 $5.000000000e-01, v22;
	v7 =	vld [tilespmem:s16+$0x5A60];
	v16 =	vmul.f32 v16, v16;
	v8 =	vsub.f32 v17, v8  }
0x1e6: {  	v14 =	vmul.f32 v14, v14;
	v23 =	vld [tilespmem:s16+$0x1A50];
	v17 =	vsub.f32 $5.000000000e-01, v18;
	v18 =	vmul.f32 v10, v10  }
0x1e7: {  	v10 =	vld [tilespmem:s16+$0x1A60];
	v15 =	vsub.f32 v15, v19;
	v16 =	vsub.f32 $5.000000000e-01, v16;
	v27 =	vmul.f32 v8, v8  }
0x1e8: {  	v14 =	vsub.f32 $5.000000000e-01, v14;
	v25 =	vld [tilespmem:s16+$0x5A50];
	v17 =	vmax.f32 v17, $0.0e+00;
	v18 =	vsub.f32 $5.000000000e-01, v18  }
0x1e9: {  	v19 =	vld [tilespmem:s16+$0x5A30];
	v15 =	vmul.f32 v15, v15;
	v16 =	vmax.f32 v16, $0.0e+00;
	v26 =	vsub.f32 $5.000000000e-01, v27;
	v8 =	vmovc v24  }
0x1ea: {  	v27 =	vmax.f32 v14, $0.0e+00;
	v24 =	vld [tilespmem:s16+$0x1A30];
	v12 =	vadd.f32 v16, v12;
	v18 =	vmax.f32 v18, $0.0e+00  }
0x1eb: {  	v11 =	vadd.f32 v27, v11;
	v14 =	vld [tilespmem:s16+$0x5A10];
	v15 =	vsub.f32 $5.000000000e-01, v15;
	v26 =	vmax.f32 v26, $0.0e+00  }
0x1ec: {  	v22 =	vmax.f32 v22, $0.0e+00;
	v13 =	vsub.f32 v13, v20;
	v16 =	vld [tilespmem:s16+$0x5A20];
	v12 =	vadd.f32 v18, v12  }
0x1ed: {  	v11 =	vadd.f32 v17, v11;
	v20 =	vld [tilespmem:s16+$0x1A20];
	v15 =	vmax.f32 v15, $0.0e+00  }
.Ltmp8:
0x1ee: {  	v21 =	vadd.f32 v22, v21;
	v13 =	vmul.f32 v13, v13;
	v18 =	vld [tilespmem:s16+$0x1A10];
	v9 =	vadd.f32 v15, v9;
	(pc) =	sbr.rel @p0 .LBB2_18-.Ltmp8, $4  }
0x1ef: {  	v15 =	vld [tilespmem:s16+$0x1A00];
	v19 =	vsub.f32 v24, v19  }
0x1f0: {  	v24 =	vsub.f32 $5.000000000e-01, v13;
	v17 =	vld [tilespmem:s16+$0x1A40];
	v9 =	vadd.f32 v26, v9  }
0x1f1: {  	v22 =	vmul.f32 v19, v19;
	v13 =	vld [tilespmem:s16+$0x1A70]  }
0x1f2: {  	v23 =	vsub.f32 v23, v25;
	v24 =	vmax.f32 v24, $0.0e+00;
	v19 =	vld [tilespmem:s16+$0x5A00]  }
0x1f3: {  	s29 =	simm.s32 $0x1400  }
0x1f4: {  	v25 =	vld [tilespmem:s16+$0x5A70];
	[tilespmem:s20], [sflag:$0x1] =	stream.indirect.gather [hbm4b:s2+s18], $0x80, s29, s18, $0xb8  }
0x1f5: {  	s30 =	simm.s32 $0x1900  }
0x1f6: {  	[tilespmem:s22], [sflag:$0x1] =	stream.indirect.gather [hbm4b:s3+s18], $0x80, s30, s18, $0xb8;
	[tilespmem:$0x11A80] =	vst v63  }
0x1f7: {  	_ =	swait.ge [sflag:s31], $0x4000  }
0x1f8: {  	[sflag:s31] =	ssyncset.done $0x0  }
0x1f9: {  	[sflag:s31] =	ssyncadd.s32 $0xFFFFC000  }
0x1fa: {  	_ =	swait.ge [sflag:s31], $0x4000  }
0x1fb: {  	[sflag:s31] =	ssyncset.done $0x0  }
0x1fc: {  	s19 =	simm.s32 $0x0;
	[sflag:s31] =	ssyncadd.s32 $0xFFFFC000  }
0x1fd: {  	v16 =	vsub.f32 v20, v16;
	v26 =	vld [tilespmem:s19+$0xDA40]  }
0x1fe: {  	v14 =	vsub.f32 v18, v14;
	v27 =	vld [tilespmem:s19+$0xDA60]  }
0x1ff: {  	v21 =	vadd.f32 v24, v21;
	v7 =	vsub.f32 v10, v7;
	v16 =	vmul.f32 v16, v16;
	v20 =	vld [tilespmem:s19+$0x9A50]  }
0x200: {  	v22 =	vsub.f32 $5.000000000e-01, v22;
	v23 =	vmul.f32 v23, v23;
	v14 =	vmul.f32 v14, v14;
	v28 =	vld [tilespmem:s19+$0x9A60]  }
0x201: {  	v8 =	vsub.f32 v17, v8;
	v7 =	vmul.f32 v7, v7;
	v16 =	vsub.f32 $5.000000000e-01, v16;
	v18 =	vld [tilespmem:s19+$0xDA50]  }
0x202: {  	v15 =	vsub.f32 v15, v19;
	v19 =	vsub.f32 $5.000000000e-01, v23;
	v10 =	vld [tilespmem:s19+$0xDA30]  }
0x203: {  	v14 =	vsub.f32 $5.000000000e-01, v14;
	v7 =	vsub.f32 $5.000000000e-01, v7;
	v24 =	vld [tilespmem:s19+$0x9A30]  }
0x204: {  	v8 =	vmul.f32 v8, v8;
	v16 =	vmax.f32 v16, $0.0e+00;
	v15 =	vmul.f32 v15, v15;
	v17 =	vld [tilespmem:s19+$0xDA10]  }
0x205: {  	v13 =	vsub.f32 v13, v25;
	v14 =	vmax.f32 v14, $0.0e+00;
	v12 =	vadd.f32 v16, v12;
	v23 =	vld [tilespmem:s19+$0xDA20]  }
0x206: {  	v7 =	vmax.f32 v7, $0.0e+00;
	v11 =	vadd.f32 v14, v11;
	v15 =	vsub.f32 $5.000000000e-01, v15;
	v16 =	vld [tilespmem:s19+$0x9A20]  }
0x207: {  	v19 =	vmax.f32 v19, $0.0e+00;
	v12 =	vadd.f32 v7, v12;
	v7 =	vmul.f32 v13, v13;
	v25 =	vld [tilespmem:s19+$0x9A10]  }
0x208: {  	v8 =	vsub.f32 $5.000000000e-01, v8;
	v11 =	vadd.f32 v19, v11;
	v13 =	vld [tilespmem:s19+$0x9A40];
	v15 =	vmax.f32 v15, $0.0e+00  }
0x209: {  	v22 =	vmax.f32 v22, $0.0e+00;
	v19 =	vld [tilespmem:s19+$0x9A70];
	v9 =	vadd.f32 v15, v9;
	v7 =	vsub.f32 $5.000000000e-01, v7  }
0x20a: {  	v21 =	vadd.f32 v22, v21;
	v8 =	vmax.f32 v8, $0.0e+00;
	v22 =	vld [tilespmem:s19+$0xDA70]  }
0x20b: {  	v14 =	vld [tilespmem:s19+$0x9A00];
	v9 =	vadd.f32 v8, v9;
	v7 =	vmax.f32 v7, $0.0e+00  }
0x20c: {  	s16 =	simm.s32 $0x80;
	v15 =	vld [tilespmem:s19+$0xDA00];
	v21 =	vadd.f32 v7, v21;
	v10 =	vsub.f32 v24, v10  }
0x20d: {  	v8 =	vld [tilespmem:s16+$0xDA40];
	v16 =	vsub.f32 v16, v23;
	v18 =	vsub.f32 v20, v18  }
0x20e: {  	v7 =	vld [tilespmem:s16+$0xDA60];
	v17 =	vsub.f32 v25, v17;
	v13 =	vsub.f32 v13, v26  }
0x20f: {  	v26 =	vld [tilespmem:s16+$0xDA30];
	v19 =	vsub.f32 v19, v22;
	v10 =	vmul.f32 v10, v10;
	v16 =	vmul.f32 v16, v16  }
0x210: {  	v20 =	vsub.f32 v28, v27;
	v27 =	vld [tilespmem:s16+$0x9A30];
	v18 =	vmul.f32 v18, v18;
	v17 =	vmul.f32 v17, v17  }
0x211: {  	v23 =	vld [tilespmem:s16+$0x9A50];
	v14 =	vsub.f32 v14, v15;
	v13 =	vmul.f32 v13, v13;
	v19 =	vmul.f32 v19, v19  }
0x212: {  	v25 =	vld [tilespmem:s16+$0xDA50];
	v15 =	vsub.f32 $5.000000000e-01, v16;
	v16 =	vsub.f32 $5.000000000e-01, v18;
	v18 =	vmul.f32 v20, v20  }
0x213: {  	v24 =	vsub.f32 $5.000000000e-01, v10;
	v10 =	vld [tilespmem:s16+$0x9A60];
	v17 =	vsub.f32 $5.000000000e-01, v17;
	v20 =	vmul.f32 v14, v14  }
0x214: {  	v14 =	vmax.f32 v15, $0.0e+00;
	v15 =	vmax.f32 v16, $0.0e+00;
	v18 =	vsub.f32 $5.000000000e-01, v18;
	v16 =	vld [tilespmem:s16+$0xDA20]  }
0x215: {  	v63 =	vsub.f32 $5.000000000e-01, v20;
	v20 =	vld [tilespmem:s16+$0x9A20];
	v22 =	vmax.f32 v24, $0.0e+00;
	v24 =	vsub.f32 v27, v26  }
0x216: {  	v26 =	vsub.f32 $5.000000000e-01, v19;
	v19 =	vld [tilespmem:s16+$0xDA00];
	v12 =	vadd.f32 v14, v12  }
0x217: {  	v13 =	vsub.f32 $5.000000000e-01, v13;
	v17 =	vmax.f32 v17, $0.0e+00;
	v14 =	vld [tilespmem:s16+$0xDA10];
	v18 =	vmax.f32 v18, $0.0e+00  }
0x218: {  	v11 =	vadd.f32 v17, v11;
	v17 =	vmax.f32 v63, $0.0e+00;
	v12 =	vadd.f32 v18, v12;
	v18 =	vld [tilespmem:s16+$0x9A10]  }
0x219: {  	v23 =	vsub.f32 v23, v25;
	v9 =	vadd.f32 v17, v9;
	v17 =	vld [tilespmem:s16+$0x9A40]  }
0x21a: {  	v13 =	vmax.f32 v13, $0.0e+00;
	v21 =	vadd.f32 v22, v21;
	v11 =	vadd.f32 v15, v11;
	v15 =	vld [tilespmem:s16+$0x9A00]  }
0x21b: {  	s19 =	simm.s32 $0x400;
	v22 =	vmul.f32 v24, v24;
	v24 =	vmax.f32 v26, $0.0e+00;
	v9 =	vadd.f32 v13, v9;
	v13 =	vld [tilespmem:s16+$0x9A70]  }
.LBB2_20:
0x21c: {  	p0 =	sne.s32 s19, $0xFE00;
	v16 =	vsub.f32 v20, v16;
	v20 =	vld [tilespmem:s16+$0xDA70];
	s16 =	sshra.s32 s19, $0x2;
	s19 =	sadd.s32 $0x200, s19;
	v21 =	vadd.f32 v24, v21  }
0x21d: {  	v14 =	vsub.f32 v18, v14;
	v10 =	vsub.f32 v10, v7;
	v24 =	vld [tilespmem:s16+$0xDA40];
	v18 =	vmul.f32 v23, v23  }
0x21e: {  	v22 =	vsub.f32 $5.000000000e-01, v22;
	v7 =	vld [tilespmem:s16+$0xDA60];
	v16 =	vmul.f32 v16, v16;
	v8 =	vsub.f32 v17, v8  }
0x21f: {  	v14 =	vmul.f32 v14, v14;
	v23 =	vld [tilespmem:s16+$0x9A50];
	v17 =	vsub.f32 $5.000000000e-01, v18;
	v18 =	vmul.f32 v10, v10  }
0x220: {  	v10 =	vld [tilespmem:s16+$0x9A60];
	v15 =	vsub.f32 v15, v19;
	v16 =	vsub.f32 $5.000000000e-01, v16;
	v27 =	vmul.f32 v8, v8  }
0x221: {  	v14 =	vsub.f32 $5.000000000e-01, v14;
	v25 =	vld [tilespmem:s16+$0xDA50];
	v17 =	vmax.f32 v17, $0.0e+00;
	v18 =	vsub.f32 $5.000000000e-01, v18  }
0x222: {  	v19 =	vld [tilespmem:s16+$0xDA30];
	v15 =	vmul.f32 v15, v15;
	v16 =	vmax.f32 v16, $0.0e+00;
	v26 =	vsub.f32 $5.000000000e-01, v27;
	v8 =	vmovc v24  }
0x223: {  	v27 =	vmax.f32 v14, $0.0e+00;
	v24 =	vld [tilespmem:s16+$0x9A30];
	v12 =	vadd.f32 v16, v12;
	v18 =	vmax.f32 v18, $0.0e+00  }
0x224: {  	v11 =	vadd.f32 v27, v11;
	v14 =	vld [tilespmem:s16+$0xDA10];
	v15 =	vsub.f32 $5.000000000e-01, v15;
	v26 =	vmax.f32 v26, $0.0e+00  }
0x225: {  	v22 =	vmax.f32 v22, $0.0e+00;
	v13 =	vsub.f32 v13, v20;
	v16 =	vld [tilespmem:s16+$0xDA20];
	v12 =	vadd.f32 v18, v12  }
0x226: {  	v11 =	vadd.f32 v17, v11;
	v20 =	vld [tilespmem:s16+$0x9A20];
	v15 =	vmax.f32 v15, $0.0e+00  }
.Ltmp9:
0x227: {  	v21 =	vadd.f32 v22, v21;
	v13 =	vmul.f32 v13, v13;
	v18 =	vld [tilespmem:s16+$0x9A10];
	v9 =	vadd.f32 v15, v9;
	(pc) =	sbr.rel @p0 .LBB2_20-.Ltmp9, $4  }
0x228: {  	v15 =	vld [tilespmem:s16+$0x9A00];
	v19 =	vsub.f32 v24, v19  }
0x229: {  	v24 =	vsub.f32 $5.000000000e-01, v13;
	v17 =	vld [tilespmem:s16+$0x9A40];
	v9 =	vadd.f32 v26, v9  }
0x22a: {  	v22 =	vmul.f32 v19, v19;
	v13 =	vld [tilespmem:s16+$0x9A70]  }
0x22b: {  	v23 =	vsub.f32 v23, v25;
	v24 =	vmax.f32 v24, $0.0e+00;
	v19 =	vld [tilespmem:s16+$0xDA00]  }
0x22c: {  	s29 =	simm.s32 $0x1480  }
0x22d: {  	v25 =	vld [tilespmem:s16+$0xDA70];
	[tilespmem:s24], [sflag:$0x2] =	stream.indirect.gather [hbm4b:s2+s0], $0x80, s29, s0, $0xb8  }
0x22e: {  	s30 =	simm.s32 $0x1980  }
0x22f: {  	[tilespmem:s26], [sflag:$0x2] =	stream.indirect.gather [hbm4b:s3+s0], $0x80, s30, s0, $0xb8;
	[tilespmem:$0x11A80] =	vst v63  }
0x230: {  	_ =	swait.ge [sflag:s28], $0x4000  }
0x231: {  	[sflag:s28] =	ssyncset.done $0x0  }
0x232: {  	[sflag:s28] =	ssyncadd.s32 $0xFFFFC000  }
0x233: {  	_ =	swait.ge [sflag:s28], $0x4000  }
0x234: {  	[sflag:s28] =	ssyncset.done $0x0  }
0x235: {  	s19 =	simm.s32 $0x0;
	[sflag:s28] =	ssyncadd.s32 $0xFFFFC000  }
0x236: {  	v16 =	vsub.f32 v20, v16;
	v26 =	vld [tilespmem:s19+$0x5A40]  }
0x237: {  	v14 =	vsub.f32 v18, v14;
	v27 =	vld [tilespmem:s19+$0x5A60]  }
0x238: {  	v21 =	vadd.f32 v24, v21;
	v7 =	vsub.f32 v10, v7;
	v16 =	vmul.f32 v16, v16;
	v20 =	vld [tilespmem:s19+$0x1A50]  }
0x239: {  	v22 =	vsub.f32 $5.000000000e-01, v22;
	v23 =	vmul.f32 v23, v23;
	v14 =	vmul.f32 v14, v14;
	v28 =	vld [tilespmem:s19+$0x1A60]  }
0x23a: {  	v8 =	vsub.f32 v17, v8;
	v7 =	vmul.f32 v7, v7;
	v16 =	vsub.f32 $5.000000000e-01, v16;
	v18 =	vld [tilespmem:s19+$0x5A50]  }
0x23b: {  	v15 =	vsub.f32 v15, v19;
	v19 =	vsub.f32 $5.000000000e-01, v23;
	v10 =	vld [tilespmem:s19+$0x5A30]  }
0x23c: {  	v14 =	vsub.f32 $5.000000000e-01, v14;
	v7 =	vsub.f32 $5.000000000e-01, v7;
	v24 =	vld [tilespmem:s19+$0x1A30]  }
0x23d: {  	v8 =	vmul.f32 v8, v8;
	v16 =	vmax.f32 v16, $0.0e+00;
	v15 =	vmul.f32 v15, v15;
	v17 =	vld [tilespmem:s19+$0x5A10]  }
0x23e: {  	v13 =	vsub.f32 v13, v25;
	v14 =	vmax.f32 v14, $0.0e+00;
	v12 =	vadd.f32 v16, v12;
	v23 =	vld [tilespmem:s19+$0x5A20]  }
0x23f: {  	v7 =	vmax.f32 v7, $0.0e+00;
	v11 =	vadd.f32 v14, v11;
	v15 =	vsub.f32 $5.000000000e-01, v15;
	v16 =	vld [tilespmem:s19+$0x1A20]  }
0x240: {  	v19 =	vmax.f32 v19, $0.0e+00;
	v12 =	vadd.f32 v7, v12;
	v7 =	vmul.f32 v13, v13;
	v25 =	vld [tilespmem:s19+$0x1A10]  }
0x241: {  	v8 =	vsub.f32 $5.000000000e-01, v8;
	v11 =	vadd.f32 v19, v11;
	v13 =	vld [tilespmem:s19+$0x1A40];
	v15 =	vmax.f32 v15, $0.0e+00  }
0x242: {  	v22 =	vmax.f32 v22, $0.0e+00;
	v19 =	vld [tilespmem:s19+$0x1A70];
	v9 =	vadd.f32 v15, v9;
	v7 =	vsub.f32 $5.000000000e-01, v7  }
0x243: {  	v21 =	vadd.f32 v22, v21;
	v8 =	vmax.f32 v8, $0.0e+00;
	v22 =	vld [tilespmem:s19+$0x5A70]  }
0x244: {  	v14 =	vld [tilespmem:s19+$0x1A00];
	v9 =	vadd.f32 v8, v9;
	v7 =	vmax.f32 v7, $0.0e+00  }
0x245: {  	s16 =	simm.s32 $0x80;
	v15 =	vld [tilespmem:s19+$0x5A00];
	v21 =	vadd.f32 v7, v21;
	v10 =	vsub.f32 v24, v10  }
0x246: {  	v8 =	vld [tilespmem:s16+$0x5A40];
	v16 =	vsub.f32 v16, v23;
	v18 =	vsub.f32 v20, v18  }
0x247: {  	v7 =	vld [tilespmem:s16+$0x5A60];
	v17 =	vsub.f32 v25, v17;
	v13 =	vsub.f32 v13, v26  }
0x248: {  	v26 =	vld [tilespmem:s16+$0x5A30];
	v19 =	vsub.f32 v19, v22;
	v10 =	vmul.f32 v10, v10;
	v16 =	vmul.f32 v16, v16  }
0x249: {  	v20 =	vsub.f32 v28, v27;
	v27 =	vld [tilespmem:s16+$0x1A30];
	v18 =	vmul.f32 v18, v18;
	v17 =	vmul.f32 v17, v17  }
0x24a: {  	v23 =	vld [tilespmem:s16+$0x1A50];
	v14 =	vsub.f32 v14, v15;
	v13 =	vmul.f32 v13, v13;
	v19 =	vmul.f32 v19, v19  }
0x24b: {  	v25 =	vld [tilespmem:s16+$0x5A50];
	v15 =	vsub.f32 $5.000000000e-01, v16;
	v16 =	vsub.f32 $5.000000000e-01, v18;
	v18 =	vmul.f32 v20, v20  }
0x24c: {  	v24 =	vsub.f32 $5.000000000e-01, v10;
	v10 =	vld [tilespmem:s16+$0x1A60];
	v17 =	vsub.f32 $5.000000000e-01, v17;
	v20 =	vmul.f32 v14, v14  }
0x24d: {  	v14 =	vmax.f32 v15, $0.0e+00;
	v15 =	vmax.f32 v16, $0.0e+00;
	v18 =	vsub.f32 $5.000000000e-01, v18;
	v16 =	vld [tilespmem:s16+$0x5A20]  }
0x24e: {  	v63 =	vsub.f32 $5.000000000e-01, v20;
	v20 =	vld [tilespmem:s16+$0x1A20];
	v22 =	vmax.f32 v24, $0.0e+00;
	v24 =	vsub.f32 v27, v26  }
0x24f: {  	v26 =	vsub.f32 $5.000000000e-01, v19;
	v19 =	vld [tilespmem:s16+$0x5A00];
	v12 =	vadd.f32 v14, v12  }
0x250: {  	v13 =	vsub.f32 $5.000000000e-01, v13;
	v17 =	vmax.f32 v17, $0.0e+00;
	v14 =	vld [tilespmem:s16+$0x5A10];
	v18 =	vmax.f32 v18, $0.0e+00  }
0x251: {  	v11 =	vadd.f32 v17, v11;
	v17 =	vmax.f32 v63, $0.0e+00;
	v12 =	vadd.f32 v18, v12;
	v18 =	vld [tilespmem:s16+$0x1A10]  }
0x252: {  	v23 =	vsub.f32 v23, v25;
	v9 =	vadd.f32 v17, v9;
	v17 =	vld [tilespmem:s16+$0x1A40]  }
0x253: {  	v13 =	vmax.f32 v13, $0.0e+00;
	v21 =	vadd.f32 v22, v21;
	v11 =	vadd.f32 v15, v11;
	v15 =	vld [tilespmem:s16+$0x1A00]  }
0x254: {  	s19 =	simm.s32 $0x400;
	v22 =	vmul.f32 v24, v24;
	v24 =	vmax.f32 v26, $0.0e+00;
	v9 =	vadd.f32 v13, v9;
	v13 =	vld [tilespmem:s16+$0x1A70]  }
.LBB2_22:
0x255: {  	p0 =	sne.s32 s19, $0xFE00;
	v16 =	vsub.f32 v20, v16;
	v20 =	vld [tilespmem:s16+$0x5A70];
	s16 =	sshra.s32 s19, $0x2;
	s19 =	sadd.s32 $0x200, s19;
	v21 =	vadd.f32 v24, v21  }
0x256: {  	v14 =	vsub.f32 v18, v14;
	v10 =	vsub.f32 v10, v7;
	v24 =	vld [tilespmem:s16+$0x5A40];
	v18 =	vmul.f32 v23, v23  }
0x257: {  	v22 =	vsub.f32 $5.000000000e-01, v22;
	v7 =	vld [tilespmem:s16+$0x5A60];
	v16 =	vmul.f32 v16, v16;
	v8 =	vsub.f32 v17, v8  }
0x258: {  	v14 =	vmul.f32 v14, v14;
	v23 =	vld [tilespmem:s16+$0x1A50];
	v17 =	vsub.f32 $5.000000000e-01, v18;
	v18 =	vmul.f32 v10, v10  }
0x259: {  	v10 =	vld [tilespmem:s16+$0x1A60];
	v15 =	vsub.f32 v15, v19;
	v16 =	vsub.f32 $5.000000000e-01, v16;
	v27 =	vmul.f32 v8, v8  }
0x25a: {  	v14 =	vsub.f32 $5.000000000e-01, v14;
	v25 =	vld [tilespmem:s16+$0x5A50];
	v17 =	vmax.f32 v17, $0.0e+00;
	v18 =	vsub.f32 $5.000000000e-01, v18  }
0x25b: {  	v19 =	vld [tilespmem:s16+$0x5A30];
	v15 =	vmul.f32 v15, v15;
	v16 =	vmax.f32 v16, $0.0e+00;
	v26 =	vsub.f32 $5.000000000e-01, v27;
	v8 =	vmovc v24  }
0x25c: {  	v27 =	vmax.f32 v14, $0.0e+00;
	v24 =	vld [tilespmem:s16+$0x1A30];
	v12 =	vadd.f32 v16, v12;
	v18 =	vmax.f32 v18, $0.0e+00  }
0x25d: {  	v11 =	vadd.f32 v27, v11;
	v14 =	vld [tilespmem:s16+$0x5A10];
	v15 =	vsub.f32 $5.000000000e-01, v15;
	v26 =	vmax.f32 v26, $0.0e+00  }
0x25e: {  	v22 =	vmax.f32 v22, $0.0e+00;
	v13 =	vsub.f32 v13, v20;
	v16 =	vld [tilespmem:s16+$0x5A20];
	v12 =	vadd.f32 v18, v12  }
0x25f: {  	v11 =	vadd.f32 v17, v11;
	v20 =	vld [tilespmem:s16+$0x1A20];
	v15 =	vmax.f32 v15, $0.0e+00  }
.Ltmp10:
0x260: {  	v21 =	vadd.f32 v22, v21;
	v13 =	vmul.f32 v13, v13;
	v18 =	vld [tilespmem:s16+$0x1A10];
	v9 =	vadd.f32 v15, v9;
	(pc) =	sbr.rel @p0 .LBB2_22-.Ltmp10, $4  }
0x261: {  	v15 =	vld [tilespmem:s16+$0x1A00];
	v19 =	vsub.f32 v24, v19  }
0x262: {  	v24 =	vsub.f32 $5.000000000e-01, v13;
	v17 =	vld [tilespmem:s16+$0x1A40];
	v9 =	vadd.f32 v26, v9  }
0x263: {  	v22 =	vmul.f32 v19, v19;
	v13 =	vld [tilespmem:s16+$0x1A70]  }
0x264: {  	v23 =	vsub.f32 v23, v25;
	v24 =	vmax.f32 v24, $0.0e+00;
	v19 =	vld [tilespmem:s16+$0x5A00]  }
0x265: {  	s29 =	simm.s32 $0xD00  }
0x266: {  	v25 =	vld [tilespmem:s16+$0x5A70];
	[tilespmem:s20], [sflag:$0x1] =	stream.indirect.gather [hbm4b:s2+s18], $0x80, s29, s18, $0xb8  }
0x267: {  	s30 =	simm.s32 $0xE80  }
0x268: {  	[tilespmem:s22], [sflag:$0x1] =	stream.indirect.gather [hbm4b:s3+s18], $0x80, s30, s18, $0xb8;
	[tilespmem:$0x11A80] =	vst v63  }
0x269: {  	_ =	swait.ge [sflag:s31], $0x3100  }
0x26a: {  	[sflag:s31] =	ssyncset.done $0x0  }
0x26b: {  	[sflag:s31] =	ssyncadd.s32 $0xFFFFCF00  }
0x26c: {  	_ =	swait.ge [sflag:s31], $0x3100  }
0x26d: {  	[sflag:s31] =	ssyncset.done $0x0  }
0x26e: {  	s19 =	simm.s32 $0x0;
	[sflag:s31] =	ssyncadd.s32 $0xFFFFCF00  }
0x26f: {  	v16 =	vsub.f32 v20, v16;
	v26 =	vld [tilespmem:s19+$0xDA40]  }
0x270: {  	v14 =	vsub.f32 v18, v14;
	v27 =	vld [tilespmem:s19+$0xDA60]  }
0x271: {  	v21 =	vadd.f32 v24, v21;
	v7 =	vsub.f32 v10, v7;
	v16 =	vmul.f32 v16, v16;
	v20 =	vld [tilespmem:s19+$0x9A50]  }
0x272: {  	v22 =	vsub.f32 $5.000000000e-01, v22;
	v23 =	vmul.f32 v23, v23;
	v14 =	vmul.f32 v14, v14;
	v18 =	vld [tilespmem:s19+$0xDA50]  }
0x273: {  	v8 =	vsub.f32 v17, v8;
	v7 =	vmul.f32 v7, v7;
	v16 =	vsub.f32 $5.000000000e-01, v16;
	v10 =	vld [tilespmem:s19+$0xDA30]  }
0x274: {  	v15 =	vsub.f32 v15, v19;
	v19 =	vsub.f32 $5.000000000e-01, v23;
	v24 =	vld [tilespmem:s19+$0x9A30]  }
0x275: {  	v14 =	vsub.f32 $5.000000000e-01, v14;
	v7 =	vsub.f32 $5.000000000e-01, v7;
	v17 =	vld [tilespmem:s19+$0xDA10]  }
0x276: {  	v8 =	vmul.f32 v8, v8;
	v13 =	vsub.f32 v13, v25;
	v16 =	vmax.f32 v16, $0.0e+00;
	v23 =	vld [tilespmem:s19+$0xDA20]  }
0x277: {  	v15 =	vmul.f32 v15, v15;
	v14 =	vmax.f32 v14, $0.0e+00;
	v12 =	vadd.f32 v16, v12;
	v16 =	vld [tilespmem:s19+$0x9A20]  }
0x278: {  	v7 =	vmax.f32 v7, $0.0e+00;
	v19 =	vmax.f32 v19, $0.0e+00;
	v11 =	vadd.f32 v14, v11;
	v25 =	vld [tilespmem:s19+$0x9A10]  }
0x279: {  	v15 =	vsub.f32 $5.000000000e-01, v15;
	v29 =	vadd.f32 v7, v12;
	v7 =	vmul.f32 v13, v13;
	v14 =	vld [tilespmem:s19+$0x9A00]  }
0x27a: {  	v8 =	vsub.f32 $5.000000000e-01, v8;
	v11 =	vadd.f32 v19, v11;
	v12 =	vld [tilespmem:s19+$0x9A40]  }
0x27b: {  	v19 =	vmax.f32 v22, $0.0e+00;
	v13 =	vmax.f32 v15, $0.0e+00;
	v15 =	vld [tilespmem:s19+$0x9A70];
	v7 =	vsub.f32 $5.000000000e-01, v7  }
0x27c: {  	v19 =	vadd.f32 v19, v21;
	v21 =	vld [tilespmem:s19+$0xDA70];
	v9 =	vadd.f32 v13, v9  }
0x27d: {  	v8 =	vmax.f32 v8, $0.0e+00;
	v13 =	vld [tilespmem:s19+$0xDA00];
	v7 =	vmax.f32 v7, $0.0e+00  }
0x27e: {  	s16 =	simm.s32 $0x80;
	v28 =	vld [tilespmem:s19+$0x9A60];
	v22 =	vadd.f32 v8, v9;
	v19 =	vadd.f32 v7, v19  }
0x27f: {  	v8 =	vld [tilespmem:s16+$0xDA40];
	v10 =	vsub.f32 v24, v10;
	v9 =	vsub.f32 v16, v23  }
0x280: {  	v7 =	vld [tilespmem:s16+$0xDA60];
	v16 =	vsub.f32 v20, v18;
	v17 =	vsub.f32 v25, v17  }
0x281: {  	v20 =	vsub.f32 v12, v26;
	v25 =	vld [tilespmem:s16+$0xDA30];
	v21 =	vsub.f32 v15, v21  }
0x282: {  	v26 =	vld [tilespmem:s16+$0x9A30];
	v13 =	vsub.f32 v14, v13;
	v10 =	vmul.f32 v10, v10;
	v9 =	vmul.f32 v9, v9  }
0x283: {  	v18 =	vsub.f32 v28, v27;
	v23 =	vld [tilespmem:s16+$0x9A50];
	v16 =	vmul.f32 v16, v16;
	v17 =	vmul.f32 v17, v17  }
0x284: {  	v12 =	vld [tilespmem:s16+$0x9A60];
	v21 =	vmul.f32 v21, v21;
	v13 =	vmul.f32 v13, v13;
	v10 =	vsub.f32 $5.000000000e-01, v10  }
0x285: {  	v24 =	vld [tilespmem:s16+$0xDA50];
	v9 =	vsub.f32 $5.000000000e-01, v9;
	v14 =	vsub.f32 $5.000000000e-01, v16;
	v16 =	vmul.f32 v18, v18  }
0x286: {  	v15 =	vld [tilespmem:s16+$0xDA20];
	v18 =	vmul.f32 v20, v20;
	v17 =	vsub.f32 $5.000000000e-01, v17;
	v13 =	vsub.f32 $5.000000000e-01, v13  }
0x287: {  	v20 =	vld [tilespmem:s16+$0x9A20];
	v25 =	vsub.f32 v26, v25;
	v26 =	vsub.f32 $5.000000000e-01, v21;
	v9 =	vmax.f32 v9, $0.0e+00  }
0x288: {  	v27 =	vmax.f32 v14, $0.0e+00;
	v14 =	vld [tilespmem:s16+$0xDA10];
	v17 =	vmax.f32 v17, $0.0e+00;
	v18 =	vsub.f32 $5.000000000e-01, v18  }
0x289: {  	v16 =	vsub.f32 $5.000000000e-01, v16;
	v10 =	vmax.f32 v10, $0.0e+00;
	v11 =	vadd.f32 v17, v11;
	v17 =	vld [tilespmem:s16+$0x9A10]  }
0x28a: {  	v9 =	vadd.f32 v9, v29;
	v13 =	vmax.f32 v13, $0.0e+00;
	v63 =	vmax.f32 v18, $0.0e+00;
	v18 =	vld [tilespmem:s16+$0x9A40]  }
0x28b: {  	v16 =	vmax.f32 v16, $0.0e+00;
	v13 =	vadd.f32 v13, v22;
	v22 =	vadd.f32 v10, v19;
	v19 =	vld [tilespmem:s16+$0xDA00]  }
0x28c: {  	v23 =	vsub.f32 v23, v24;
	v21 =	vmul.f32 v25, v25;
	v9 =	vadd.f32 v16, v9;
	v16 =	vld [tilespmem:s16+$0x9A00]  }
0x28d: {  	s19 =	simm.s32 $0x400;
	v24 =	vmax.f32 v26, $0.0e+00;
	v11 =	vadd.f32 v27, v11;
	v10 =	vadd.f32 v63, v13;
	v13 =	vld [tilespmem:s16+$0x9A70]  }
.LBB2_24:
0x28e: {  	p0 =	sne.s32 s19, $0xC200;
	v15 =	vsub.f32 v20, v15;
	v20 =	vld [tilespmem:s16+$0xDA70];
	s16 =	sshra.s32 s19, $0x2;
	s19 =	sadd.s32 $0x200, s19;
	v22 =	vadd.f32 v24, v22  }
0x28f: {  	v14 =	vsub.f32 v17, v14;
	v12 =	vsub.f32 v12, v7;
	v24 =	vld [tilespmem:s16+$0xDA40];
	v17 =	vmul.f32 v23, v23  }
0x290: {  	v21 =	vsub.f32 $5.000000000e-01, v21;
	v7 =	vld [tilespmem:s16+$0xDA60];
	v15 =	vmul.f32 v15, v15;
	v8 =	vsub.f32 v18, v8  }
0x291: {  	v14 =	vmul.f32 v14, v14;
	v18 =	vmul.f32 v12, v12;
	v23 =	vld [tilespmem:s16+$0x9A50];
	v17 =	vsub.f32 $5.000000000e-01, v17  }
0x292: {  	v12 =	vld [tilespmem:s16+$0x9A60];
	v16 =	vsub.f32 v16, v19;
	v15 =	vsub.f32 $5.000000000e-01, v15;
	v27 =	vmul.f32 v8, v8  }
0x293: {  	v14 =	vsub.f32 $5.000000000e-01, v14;
	v18 =	vsub.f32 $5.000000000e-01, v18;
	v25 =	vld [tilespmem:s16+$0xDA50];
	v17 =	vmax.f32 v17, $0.0e+00  }
0x294: {  	v19 =	vld [tilespmem:s16+$0xDA30];
	v16 =	vmul.f32 v16, v16;
	v15 =	vmax.f32 v15, $0.0e+00;
	v26 =	vsub.f32 $5.000000000e-01, v27;
	v8 =	vmovc v24  }
0x295: {  	v27 =	vmax.f32 v14, $0.0e+00;
	v18 =	vmax.f32 v18, $0.0e+00;
	v24 =	vld [tilespmem:s16+$0x9A30];
	v9 =	vadd.f32 v15, v9  }
0x296: {  	v11 =	vadd.f32 v27, v11;
	v14 =	vld [tilespmem:s16+$0xDA10];
	v16 =	vsub.f32 $5.000000000e-01, v16;
	v26 =	vmax.f32 v26, $0.0e+00  }
0x297: {  	v21 =	vmax.f32 v21, $0.0e+00;
	v13 =	vsub.f32 v13, v20;
	v15 =	vld [tilespmem:s16+$0xDA20];
	v9 =	vadd.f32 v18, v9  }
0x298: {  	v11 =	vadd.f32 v17, v11;
	v20 =	vld [tilespmem:s16+$0x9A20];
	v16 =	vmax.f32 v16, $0.0e+00  }
.Ltmp11:
0x299: {  	v22 =	vadd.f32 v21, v22;
	v13 =	vmul.f32 v13, v13;
	v17 =	vld [tilespmem:s16+$0x9A10];
	v10 =	vadd.f32 v16, v10;
	(pc) =	sbr.rel @p0 .LBB2_24-.Ltmp11, $4  }
0x29a: {  	v16 =	vld [tilespmem:s16+$0x9A00];
	v19 =	vsub.f32 v24, v19  }
0x29b: {  	v24 =	vsub.f32 $5.000000000e-01, v13;
	v18 =	vld [tilespmem:s16+$0x9A40];
	v10 =	vadd.f32 v26, v10  }
0x29c: {  	v21 =	vmul.f32 v19, v19;
	v13 =	vld [tilespmem:s16+$0x9A70]  }
0x29d: {  	v23 =	vsub.f32 v23, v25;
	v24 =	vmax.f32 v24, $0.0e+00;
	v19 =	vld [tilespmem:s16+$0xDA00]  }
0x29e: {  	s29 =	simm.s32 $0xD80  }
0x29f: {  	v25 =	vld [tilespmem:s16+$0xDA70];
	[tilespmem:s24], [sflag:$0x2] =	stream.indirect.gather [hbm4b:s2+s18], $0x80, s29, s18, $0xb8  }
0x2a0: {  	s30 =	simm.s32 $0xF00  }
0x2a1: {  	[tilespmem:s26], [sflag:$0x2] =	stream.indirect.gather [hbm4b:s3+s18], $0x80, s30, s18, $0xb8;
	[tilespmem:$0x11A80] =	vst v63  }
0x2a2: {  	_ =	swait.ge [sflag:s28], $0x4000  }
0x2a3: {  	[sflag:s28] =	ssyncset.done $0x0  }
0x2a4: {  	[sflag:s28] =	ssyncadd.s32 $0xFFFFC000  }
0x2a5: {  	_ =	swait.ge [sflag:s28], $0x4000  }
0x2a6: {  	v15 =	vsub.f32 v20, v15;
	[sflag:s28] =	ssyncset.done $0x0  }
0x2a7: {  	v22 =	vadd.f32 v24, v22;
	v14 =	vsub.f32 v17, v14;
	s16 =	simm.s32 $0x0;
	[sflag:s28] =	ssyncadd.s32 $0xFFFFC000  }
0x2a8: {  	v7 =	vsub.f32 v12, v7;
	v21 =	vsub.f32 $5.000000000e-01, v21;
	v17 =	vmul.f32 v23, v23;
	v12 =	vld [tilespmem:s16+$0x1A40]  }
0x2a9: {  	v20 =	vmul.f32 v15, v15;
	v8 =	vsub.f32 v18, v8;
	v18 =	vmul.f32 v14, v14;
	v15 =	vld [tilespmem:s16+$0x5A40]  }
0x2aa: {  	v7 =	vmul.f32 v7, v7;
	v17 =	vsub.f32 $5.000000000e-01, v17;
	v16 =	vsub.f32 v16, v19;
	v14 =	vld [tilespmem:s16+$0x1A50]  }
0x2ab: {  	v19 =	vsub.f32 $5.000000000e-01, v20;
	v8 =	vmul.f32 v8, v8;
	v23 =	vsub.f32 $5.000000000e-01, v18;
	v20 =	vld [tilespmem:s16+$0x5A50]  }
0x2ac: {  	v21 =	vmax.f32 v21, $0.0e+00;
	v7 =	vsub.f32 $5.000000000e-01, v7;
	v24 =	vsub.f32 v13, v25;
	v13 =	vld [tilespmem:s16+$0x1A60]  }
0x2ad: {  	v16 =	vmul.f32 v16, v16;
	v19 =	vmax.f32 v19, $0.0e+00;
	v8 =	vsub.f32 $5.000000000e-01, v8;
	v18 =	vld [tilespmem:s16+$0x5A60]  }
0x2ae: {  	v23 =	vmax.f32 v23, $0.0e+00;
	v24 =	vmul.f32 v24, v24;
	v9 =	vadd.f32 v19, v9;
	v25 =	vld [tilespmem:s16+$0x1A00]  }
0x2af: {  	v17 =	vmax.f32 v17, $0.0e+00;
	v19 =	vadd.f32 v23, v11;
	v16 =	vsub.f32 $5.000000000e-01, v16;
	v11 =	vld [tilespmem:s16+$0x5A00]  }
0x2b0: {  	v7 =	vmax.f32 v7, $0.0e+00;
	v23 =	vsub.f32 $5.000000000e-01, v24;
	v24 =	vmax.f32 v8, $0.0e+00;
	v26 =	vld [tilespmem:s16+$0x1A10]  }
0x2b1: {  	v7 =	vadd.f32 v7, v9;
	v8 =	vadd.f32 v17, v19;
	v16 =	vmax.f32 v16, $0.0e+00;
	v27 =	vld [tilespmem:s16+$0x5A10]  }
0x2b2: {  	v28 =	vld [tilespmem:s16+$0x1A20];
	v10 =	vadd.f32 v16, v10;
	v16 =	vadd.f32 v21, v22;
	v9 =	vmax.f32 v23, $0.0e+00  }
0x2b3: {  	v30 =	vld [tilespmem:s16+$0x5A20];
	v23 =	vimm.f32 $0.0e+00;
	v22 =	vimm.f32 $0.0e+00;
	v21 =	vimm.f32 $0.0e+00  }
0x2b4: {  	s19 =	simm.s32 $0x200;
	v29 =	vld [tilespmem:s16+$0x1A30];
	v10 =	vadd.f32 v24, v10;
	v9 =	vadd.f32 v9, v16;
	v24 =	vimm.f32 $0.0e+00  }
.LBB2_26:
0x2b5: {  	p0 =	sne.s32 s19, $0xFE00;
	v16 =	vld [tilespmem:s16+$0x5A30]  }
0x2b6: {  	v17 =	vld [tilespmem:s16+$0x1A70]  }
0x2b7: {  	v19 =	vsub.f32 v12, v15;
	v31 =	vld [tilespmem:s16+$0x5A70];
	s16 =	sshra.s32 s19, $0x2  }
0x2b8: {  	v11 =	vsub.f32 v25, v11;
	v20 =	vsub.f32 v14, v20;
	v12 =	vld [tilespmem:s16+$0x1A40]  }
0x2b9: {  	v25 =	vsub.f32 v26, v27;
	v26 =	vsub.f32 v28, v30;
	v15 =	vld [tilespmem:s16+$0x5A40]  }
0x2ba: {  	v19 =	vmul.f32 v19, v19;
	v27 =	vmul.f32 v20, v20;
	v14 =	vld [tilespmem:s16+$0x1A50];
	v16 =	vsub.f32 v29, v16  }
0x2bb: {  	v11 =	vmul.f32 v11, v11;
	v25 =	vmul.f32 v25, v25;
	v28 =	vsub.f32 v13, v18;
	v20 =	vld [tilespmem:s16+$0x5A50]  }
0x2bc: {  	v26 =	vmul.f32 v26, v26;
	v13 =	vld [tilespmem:s16+$0x1A60];
	v16 =	vmul.f32 v16, v16;
	v17 =	vsub.f32 v17, v31  }
0x2bd: {  	v23 =	vadd.f32 v11, v23;
	v24 =	vadd.f32 v25, v24;
	v28 =	vmul.f32 v28, v28;
	v18 =	vld [tilespmem:s16+$0x5A60]  }
0x2be: {  	v22 =	vadd.f32 v26, v22;
	v25 =	vld [tilespmem:s16+$0x1A00];
	v16 =	vadd.f32 v16, v21;
	v17 =	vmul.f32 v17, v17  }
0x2bf: {  	v23 =	vadd.f32 v19, v23;
	v24 =	vadd.f32 v27, v24;
	v11 =	vld [tilespmem:s16+$0x5A00]  }
.Ltmp12:
0x2c0: {  	v22 =	vadd.f32 v28, v22;
	v26 =	vld [tilespmem:s16+$0x1A10];
	v21 =	vadd.f32 v17, v16;
	(pc) =	sbr.rel @p0 .LBB2_26-.Ltmp12, $4  }
0x2c1: {  	v27 =	vld [tilespmem:s16+$0x5A10]  }
0x2c2: {  	v28 =	vld [tilespmem:s16+$0x1A20]  }
0x2c3: {  	v30 =	vld [tilespmem:s16+$0x5A20]  }
0x2c4: {  	s19 =	sadd.s32 $0x200, s19;
	v29 =	vld [tilespmem:s16+$0x1A30]  }
0x2c5: {  	v31 =	vld [tilespmem:s16+$0x5A30]  }
0x2c6: {  	v32 =	vld [tilespmem:s16+$0x1A70];
	s29 =	simm.s32 $0xE00  }
0x2c7: {  	v33 =	vld [tilespmem:s16+$0x5A70];
	[tilespmem:s20], [sflag:$0x1] =	stream.indirect.gather [hbm4b:s2+s25], $0x80, s29, s25, $0xb8  }
0x2c8: {  	s30 =	simm.s32 $0xF80  }
0x2c9: {  	[tilespmem:s22], [sflag:$0x1] =	stream.indirect.gather [hbm4b:s3+s25], $0x80, s30, s25, $0xb8;
	[tilespmem:$0x11A80] =	vst v63  }
0x2ca: {  	_ =	swait.ge [sflag:s31], $0x4000  }
0x2cb: {  	[sflag:s31] =	ssyncset.done $0x0  }
0x2cc: {  	[sflag:s31] =	ssyncadd.s32 $0xFFFFC000  }
0x2cd: {  	_ =	swait.ge [sflag:s31], $0x4000  }
0x2ce: {  	[sflag:s31] =	ssyncset.done $0x0  }
0x2cf: {  	s16 =	simm.s32 $0x0;
	[sflag:s31] =	ssyncadd.s32 $0xFFFFC000  }
0x2d0: {  	v16 =	vld [tilespmem:s16+$0x9A40]  }
0x2d1: {  	v19 =	vld [tilespmem:s16+$0xDA40]  }
0x2d2: {  	v17 =	vld [tilespmem:s16+$0x9A50]  }
0x2d3: {  	v12 =	vsub.f32 v12, v15;
	v15 =	vld [tilespmem:s16+$0xDA50]  }
0x2d4: {  	v25 =	vsub.f32 v25, v11;
	v20 =	vsub.f32 v14, v20;
	v11 =	vld [tilespmem:s16+$0x9A60]  }
0x2d5: {  	v26 =	vsub.f32 v26, v27;
	v27 =	vsub.f32 v28, v30;
	v14 =	vld [tilespmem:s16+$0xDA60]  }
0x2d6: {  	v12 =	vmul.f32 v12, v12;
	v28 =	vsub.f32 v29, v31;
	v29 =	vmul.f32 v25, v25;
	v25 =	vld [tilespmem:s16+$0x9A00]  }
0x2d7: {  	v13 =	vsub.f32 v13, v18;
	v30 =	vmul.f32 v26, v26;
	v18 =	vmul.f32 v27, v27;
	v26 =	vld [tilespmem:s16+$0xDA00]  }
0x2d8: {  	v31 =	vsub.f32 v32, v33;
	v23 =	vadd.f32 v29, v23;
	v29 =	vmul.f32 v28, v28;
	v27 =	vld [tilespmem:s16+$0x9A10]  }
0x2d9: {  	v20 =	vmul.f32 v20, v20;
	v13 =	vmul.f32 v13, v13;
	v30 =	vadd.f32 v30, v24;
	v28 =	vld [tilespmem:s16+$0xDA10]  }
0x2da: {  	v18 =	vadd.f32 v18, v22;
	v32 =	vmul.f32 v31, v31;
	v22 =	vadd.f32 v29, v21;
	v29 =	vld [tilespmem:s16+$0x9A20]  }
0x2db: {  	v24 =	vadd.f32 v12, v23;
	v23 =	vadd.f32 v20, v30;
	v31 =	vld [tilespmem:s16+$0xDA20]  }
0x2dc: {  	s19 =	simm.s32 $0x200;
	v21 =	vadd.f32 v13, v18;
	v30 =	vld [tilespmem:s16+$0x9A30];
	v20 =	vadd.f32 v32, v22  }
.LBB2_28:
0x2dd: {  	p0 =	sne.s32 s19, $0xFE00;
	v12 =	vld [tilespmem:s16+$0xDA30]  }
0x2de: {  	v13 =	vld [tilespmem:s16+$0x9A70]  }
0x2df: {  	v18 =	vsub.f32 v16, v19;
	v22 =	vld [tilespmem:s16+$0xDA70];
	s16 =	sshra.s32 s19, $0x2  }
0x2e0: {  	v25 =	vsub.f32 v25, v26;
	v15 =	vsub.f32 v17, v15;
	v16 =	vld [tilespmem:s16+$0x9A40]  }
0x2e1: {  	v26 =	vsub.f32 v27, v28;
	v27 =	vsub.f32 v29, v31;
	v19 =	vld [tilespmem:s16+$0xDA40]  }
0x2e2: {  	v18 =	vmul.f32 v18, v18;
	v28 =	vmul.f32 v15, v15;
	v17 =	vld [tilespmem:s16+$0x9A50];
	v12 =	vsub.f32 v30, v12  }
0x2e3: {  	v25 =	vmul.f32 v25, v25;
	v26 =	vmul.f32 v26, v26;
	v29 =	vsub.f32 v11, v14;
	v15 =	vld [tilespmem:s16+$0xDA50]  }
0x2e4: {  	v27 =	vmul.f32 v27, v27;
	v11 =	vld [tilespmem:s16+$0x9A60];
	v12 =	vmul.f32 v12, v12;
	v13 =	vsub.f32 v13, v22  }
0x2e5: {  	v23 =	vadd.f32 v26, v23;
	v29 =	vmul.f32 v29, v29;
	v22 =	vadd.f32 v25, v24;
	v14 =	vld [tilespmem:s16+$0xDA60]  }
0x2e6: {  	v21 =	vadd.f32 v27, v21;
	v25 =	vld [tilespmem:s16+$0x9A00];
	v12 =	vadd.f32 v12, v20;
	v13 =	vmul.f32 v13, v13  }
0x2e7: {  	v23 =	vadd.f32 v28, v23;
	v24 =	vadd.f32 v18, v22;
	v26 =	vld [tilespmem:s16+$0xDA00]  }
.Ltmp13:
0x2e8: {  	v21 =	vadd.f32 v29, v21;
	v27 =	vld [tilespmem:s16+$0x9A10];
	v20 =	vadd.f32 v13, v12;
	(pc) =	sbr.rel @p0 .LBB2_28-.Ltmp13, $4  }
0x2e9: {  	v28 =	vld [tilespmem:s16+$0xDA10]  }
0x2ea: {  	v29 =	vld [tilespmem:s16+$0x9A20]  }
0x2eb: {  	v31 =	vld [tilespmem:s16+$0xDA20]  }
0x2ec: {  	s19 =	sadd.s32 $0x200, s19;
	v30 =	vld [tilespmem:s16+$0x9A30]  }
0x2ed: {  	v32 =	vld [tilespmem:s16+$0xDA30]  }
0x2ee: {  	v33 =	vld [tilespmem:s16+$0x9A70]  }
0x2ef: {  	v34 =	vld [tilespmem:s16+$0xDA70];
	_ =	swait.ge [sflag:s28], $0x1C80  }
0x2f0: {  	[sflag:s28] =	ssyncset.done $0x0  }
0x2f1: {  	[sflag:s28] =	ssyncadd.s32 $0xFFFFE380  }
0x2f2: {  	_ =	swait.ge [sflag:s28], $0x1C80  }
0x2f3: {  	[sflag:s28] =	ssyncset.done $0x0  }
0x2f4: {  	s19 =	simm.s32 $0x1A40;
	[sflag:s28] =	ssyncadd.s32 $0xFFFFE380  }
0x2f5: {  	s16 =	simm.s32 $0x5A40;
	v35 =	vld [tilespmem:s19+$0x0]  }
0x2f6: {  	v36 =	vld [tilespmem:s16+$0x0]  }
0x2f7: {  	v18 =	vld [tilespmem:s19+$0x10]  }
0x2f8: {  	v22 =	vld [tilespmem:s16+$0x10]  }
0x2f9: {  	v12 =	vld [tilespmem:s19+$0x20]  }
0x2fa: {  	v13 =	vld [tilespmem:s16+$0x20]  }
0x2fb: {  	v26 =	vsub.f32 v25, v26;
	v25 =	vld [tilespmem:s19+$0xFFFFFFC0]  }
0x2fc: {  	v16 =	vsub.f32 v16, v19;
	v27 =	vsub.f32 v27, v28;
	v19 =	vld [tilespmem:s16+$0xFFFFFFC0]  }
0x2fd: {  	v15 =	vsub.f32 v17, v15;
	v28 =	vsub.f32 v29, v31;
	v29 =	vmul.f32 v26, v26;
	v17 =	vld [tilespmem:s19+$0xFFFFFFD0]  }
0x2fe: {  	v11 =	vsub.f32 v11, v14;
	v27 =	vmul.f32 v27, v27;
	v30 =	vsub.f32 v30, v32;
	v26 =	vld [tilespmem:s16+$0xFFFFFFD0]  }
0x2ff: {  	p0 =	sgt.u32 s11, $0x1;
	v16 =	vmul.f32 v16, v16;
	v28 =	vmul.f32 v28, v28;
	v29 =	vadd.f32 v29, v24;
	v24 =	vld [tilespmem:s19+$0xFFFFFFE0]  }
.Ltmp14:
0x300: {  	v14 =	vsub.f32 v33, v34;
	v27 =	vadd.f32 v27, v23;
	v23 =	vld [tilespmem:s16+$0xFFFFFFE0];
	v30 =	vmul.f32 v30, v30;
	(pc) =	sbr.rel @!p0 .LBB2_31-.Ltmp14, $4  }
0x301: {  	v15 =	vmul.f32 v15, v15;
	v11 =	vmul.f32 v11, v11;
	v31 =	vadd.f32 v28, v21;
	v21 =	vld [tilespmem:s19+$0xFFFFFFF0]  }
0x302: {  	v63 =	vmul.f32 v14, v14;
	v14 =	vadd.f32 v16, v29;
	v28 =	vld [tilespmem:s16+$0xFFFFFFF0];
	v30 =	vadd.f32 v30, v20  }
0x303: {  	v15 =	vadd.f32 v15, v27;
	v27 =	vld [tilespmem:s16+$0x30];
	v11 =	vadd.f32 v11, v31  }
0x304: {  	s21 =	simm.s32 $0x1AC0;
	v20 =	vld [tilespmem:s19+$0x30];
	s19 =	simm.s32 $0x1;
	v16 =	vadd.f32 v63, v30;
	v29 =	vsub.f32 v35, v36  }
.LBB2_30:
0x305: {  	v30 =	vld [tilespmem:s21+$0x0];
	v19 =	vsub.f32 v25, v19;
	v22 =	vsub.f32 v18, v22;
	s16 =	sadd.s32 $0x80, s16  }
0x306: {  	v17 =	vsub.f32 v17, v26;
	v23 =	vsub.f32 v24, v23;
	v31 =	vld [tilespmem:s16+$0x0]  }
0x307: {  	v24 =	vmul.f32 v29, v29;
	v18 =	vld [tilespmem:s21+$0x10];
	v21 =	vsub.f32 v21, v28;
	v26 =	vmul.f32 v22, v22  }
0x308: {  	v25 =	vsub.f32 v12, v13;
	v19 =	vmul.f32 v19, v19;
	v17 =	vmul.f32 v17, v17;
	v22 =	vld [tilespmem:s16+$0x10]  }
0x309: {  	v23 =	vmul.f32 v23, v23;
	v12 =	vld [tilespmem:s21+$0x20];
	v21 =	vmul.f32 v21, v21;
	v20 =	vsub.f32 v20, v27  }
0x30a: {  	v14 =	vadd.f32 v19, v14;
	v15 =	vadd.f32 v17, v15;
	v27 =	vmul.f32 v25, v25;
	v13 =	vld [tilespmem:s16+$0x20]  }
0x30b: {  	v11 =	vadd.f32 v23, v11;
	v25 =	vld [tilespmem:s21+$0xFFFFFFC0];
	v16 =	vadd.f32 v21, v16;
	v20 =	vmul.f32 v20, v20  }
0x30c: {  	v14 =	vadd.f32 v24, v14;
	v15 =	vadd.f32 v26, v15;
	v19 =	vld [tilespmem:s16+$0xFFFFFFC0]  }
0x30d: {  	v11 =	vadd.f32 v27, v11;
	v17 =	vld [tilespmem:s21+$0xFFFFFFD0];
	v16 =	vadd.f32 v20, v16  }
0x30e: {  	s19 =	sadd.s32 $0x1, s19;
	v26 =	vld [tilespmem:s16+$0xFFFFFFD0]  }
0x30f: {  	p0 =	slt.u32 s19, s11;
	v24 =	vld [tilespmem:s21+$0xFFFFFFE0]  }
.Ltmp15:
0x310: {  	v23 =	vld [tilespmem:s16+$0xFFFFFFE0];
	(pc) =	sbr.rel @p0 .LBB2_30-.Ltmp15, $4  }
0x311: {  	v21 =	vld [tilespmem:s21+$0xFFFFFFF0]  }
0x312: {  	v28 =	vld [tilespmem:s16+$0xFFFFFFF0]  }
0x313: {  	v20 =	vld [tilespmem:s21+$0x30]  }
0x314: {  	v29 =	vsub.f32 v30, v31;
	s21 =	sadd.s32 $0x80, s21;
	v27 =	vld [tilespmem:s16+$0x30]  }
.LBB2_31:
0x315: {  	v19 =	vsub.f32 v25, v19;
	v18 =	vsub.f32 v18, v22  }
0x316: {  	v17 =	vsub.f32 v17, v26;
	v56 =	vsub.f32 v24, v23  }
0x317: {  	v57 =	vmul.f32 v29, v29;
	v21 =	vsub.f32 v21, v28;
	v18 =	vmul.f32 v18, v18  }
0x318: {  	v12 =	vsub.f32 v12, v13;
	v19 =	vmul.f32 v19, v19;
	v17 =	vmul.f32 v17, v17  }
0x319: {  	v58 =	vmul.f32 v56, v56;
	v21 =	vmul.f32 v21, v21;
	v20 =	vsub.f32 v20, v27  }
0x31a: {  	v12 =	vmul.f32 v12, v12;
	v14 =	vadd.f32 v19, v14;
	v15 =	vadd.f32 v17, v15  }
0x31b: {  	v11 =	vadd.f32 v58, v11;
	v59 =	vadd.f32 v21, v16;
	v60 =	vmul.f32 v20, v20  }
0x31c: {  	v14 =	vadd.f32 v57, v14;
	v15 =	vadd.f32 v18, v15  }
0x31d: {  	v11 =	vadd.f32 v12, v11;
	v61 =	vadd.f32 v60, v59  }
0x31e: {  	v8 =	vadd.f32 v8, v10;
	v7 =	vadd.f32 v9, v7  }
0x31f: {  	v62 =	vadd.f32 v15, v14;
	v11 =	vadd.f32 v61, v11  }
0x320: {  	v7 =	vadd.f32 v7, v8  }
0x321: {  	s15 =	sadd.s32 $0x1, s15;
	v63 =	vadd.f32 v11, v62  }
0x322: {  	p0 =	sne.s32 s15, s13;
	[tilespmem:$0x11A10] =	vst v7  }
.Ltmp16:
0x323: {  	[tilespmem:$0x11A00] =	vst v63;
	(pc) =	sbr.rel @p0 .LBB2_1-.Ltmp16, $4  }
0x324: {  	[hbm4b:s12+s4] =	stream.linear.scatter [tilespmem:s1], [sflag:$0x4], $0x80, $0x38;
	[tilespmem:$0x11A80] =	vst v63  }
0x325: {  	_ =	swait.ge [sflag:s14], $0x80  }
0x326: {  	[sflag:s14] =	ssyncset.done $0x0  }
0x327: {  	[sflag:s14] =	ssyncadd.s32 $0xFFFFFF80  }
0x328: {  	_ =	sfence.sel $0x180000  }
0x329: {  	[bflag:$0x0] =	sbarrier.arrive $0xFFFF  }
0x32a: {  	_ =	strace $0x90000047  }
0x32b: {  	s0 =	stileid.u32;
	[bflag:$0x2] =	sbarrier.arrive $0xFFFF  }
0x32c: {  	p0 =	sne.s32 s0, $0x0;
	s0 =	rddreg [dreg:$0x3]  }
0x32d: {  	s0 =	sadd.s32 @!p0 $0x100000, s0  }
0x32e: {  	[sflag:s0] =	ssyncadd.tile.s32 @!p0 $0x1;
	_ =	shalt  }
.Lfunc_end2:
_tile_overlayer_lowered:
.L_overlay_start_2:
0x32f: {  	(tag) =	ssettag $0x2  }
0x330: {  	s0 =	rddreg [dreg:$0x0];
	s2 =	stileid.u32  }
0x331: {  	s1 =	rddreg [dreg:$0x1];
	p0 =	sne.s32 s2, $0x0  }
0x332: {  	s3 =	rddreg [dreg:$0x2];
	[bflag:$0x3] =	sbarrier.arrive $0xFFFF;
	s2 =	simm.s32 @!p0 $0x1C04  }
0x333: {  	[timem:s3], [sflag:s2] =	dma.local @!p0 [hbm:s0], s1  }
0x334: {  	s0 =	simm.s32 @!p0 $0x4  }
0x335: {  	_ =	swait.ge @!p0 [sflag:s0], s1  }
0x336: {  	s1 =	ssub.s32 @!p0 $0x0, s1;
	[sflag:s0] =	ssyncset.done @!p0 $0x0  }
0x337: {  	[sflag:s0] =	ssyncadd.s32 @!p0 s1  }
0x338: {  	[bflag:$0x3] =	sbarrier.arrive $0xFFFF  }
0x339: {  	_ =	shalt  }

</sc_bundles>
